<compile_context>
chip_gen: v7x
topology: tpu7x:2x2x1
jax: 0.10.2.dev20260603
libtpu: 0.0.44.dev20260713+nightly
codegen_flags: <defaults>
</compile_context>

<pallas_src>
import jax
import jax.numpy as jnp
from jax import lax
from jax.experimental import pallas as pl
from jax.experimental.pallas import tpu as pltpu
from jax.experimental.pallas import tpu_sc as plsc

_TOPK = 25
_BLK = 2048
_NSEL_PAD = 256
_NTILES = 32
_SEL_PER_TILE = _NSEL_PAD // _NTILES


def _score_kernel(v_ref, nf_ref, e_ref, et_ref):
    v = v_ref[...]
    qn = v / jnp.maximum(jnp.sqrt(jnp.sum(v * v, axis=1, keepdims=True)), 1e-12)
    k = nf_ref[...]
    kn = k / jnp.maximum(jnp.sqrt(jnp.sum(k * k, axis=1, keepdims=True)), 1e-12)
    s = jax.lax.dot_general(qn, kn, (((1,), (1,)), ((), ())),
                            preferred_element_type=jnp.float32)
    e_ref[...] = jnp.exp(jnp.clip(s, 0.0, 1.0))
    st = jax.lax.dot_general(kn, qn, (((1,), (1,)), ((), ())),
                             preferred_element_type=jnp.float32)
    et_ref[...] = jnp.exp(jnp.clip(st, 0.0, 1.0))


def _topk_kernel(e_ref, tv_ref, idx_ref, sc_ref, work_ref):
    work_ref[...] = e_ref[...]
    nb, n = work_ref.shape
    gate = 2.0 * jax.nn.sigmoid(tv_ref[0])
    den = jnp.sum(e_ref[...], axis=1, keepdims=True)
    sc_ref[...] = gate / den
    iota = jax.lax.broadcasted_iota(jnp.int32, (nb, n), 1)

    for t in range(_TOPK):
        x = work_ref[...]
        m = jnp.max(x, axis=1, keepdims=True)
        am = jnp.min(jnp.where(x == m, iota, n), axis=1, keepdims=True)
        idx_ref[:, t:t + 1] = am
        work_ref[...] = jnp.where(iota == am, -1.0, x)


def _prep_kernel(idx_ref, et16_ref, dr_ref, w_ref, seen_ref, wr_ref, sem):
    nb, ksel = idx_ref.shape
    nsel = nb * ksel
    nslots = dr_ref.shape[0]
    n_zero_row = seen_ref.shape[0] * 32
    wr_ref[...] = jnp.zeros_like(wr_ref)

    def clear_body(i, carry):
        seen_ref[i] = 0
        return carry

    jax.lax.fori_loop(0, seen_ref.shape[0], clear_body, 0)

    def body(j, carry):
        jb = jnp.minimum(j, nsel - 1)
        b = jb // ksel
        t = jb - b * ksel
        d = idx_ref[b, t]
        word = d // 32
        bit = d - word * 32
        seen = seen_ref[word]
        dup = (seen >> bit) & 1
        pad = j >= nsel
        skip = jnp.logical_or(dup == 1, pad)
        seen_ref[word] = jnp.where(pad, seen, seen | (1 << bit))
        dw = jnp.where(skip, n_zero_row, d)
        dr_ref[j] = jnp.where(skip, 0, d)
        pltpu.make_async_copy(et16_ref.at[pl.ds(dw, 1), :],
                              wr_ref.at[pl.ds(j, 1), :], sem).start()
        return carry

    jax.lax.fori_loop(0, nslots, body, 0)

    def wait_body(j, carry):
        pltpu.make_async_copy(et16_ref.at[pl.ds(0, 1), :],
                              wr_ref.at[pl.ds(0, 1), :], sem).wait()
        return carry

    jax.lax.fori_loop(0, nslots, wait_body, 0)

    lane = jax.lax.broadcasted_iota(jnp.int32, (16, 128), 1)
    row = jax.lax.broadcasted_iota(jnp.int32, (16, 128), 0)
    sel = jnp.where(lane // 16 == row, 1.0, 0.0).astype(jnp.float32)
    w_ref[...] = jnp.dot(wr_ref[...], sel,
                         preferred_element_type=jnp.float32)


def _sc_gather_kernel(dr_ref, w_ref, na_ref, out_ref, idr_v, w_v, rows_v,
                      acc_v, sem):
    wid = lax.axis_index("s") * 2 + lax.axis_index("c")
    base = wid * _SEL_PER_TILE
    d_o = rows_v.shape[1]
    nch = d_o // 16
    zero = jnp.zeros((16,), jnp.float32)

    pltpu.sync_copy(dr_ref.at[pl.ds(base, _SEL_PER_TILE)], idr_v)
    pltpu.sync_copy(w_ref.at[pl.ds(base, _SEL_PER_TILE), :], w_v)
    cr = pltpu.make_async_copy(na_ref.at[idr_v], rows_v, sem)
    cr.start()

    def zbody(b, carry):
        for c in range(nch):
            acc_v[b, pl.ds(c * 16, 16)] = zero
        return carry

    jax.lax.fori_loop(0, 8, zbody, 0)
    cr.wait()

    def jbody(j, carry):
        for b in range(8):
            wb = w_v[j, pl.ds(b * 16, 16)]
            for c in range(nch):
                sl = pl.ds(c * 16, 16)
                acc_v[b, sl] = acc_v[b, sl] + wb * rows_v[j, sl]
        return carry

    jax.lax.fori_loop(0, _SEL_PER_TILE, jbody, 0)
    pltpu.sync_copy(acc_v, out_ref.at[wid])


def _final_kernel(parts_ref, sv_ref, o0_ref, o1_ref, o2_ref, out_ref):
    oia = jnp.sum(parts_ref[...], axis=0) * sv_ref[...]
    out_ref[:, 0:1] = jnp.sum(o0_ref[...] * oia, axis=1, keepdims=True)
    out_ref[:, 1:2] = jnp.sum(o1_ref[...] * oia, axis=1, keepdims=True)
    out_ref[:, 2:3] = jnp.sum(o2_ref[...] * oia, axis=1, keepdims=True)


def kernel(v, n_feats, aud, n_auds, ocr, n_ocrs, o, n_answ, temp_vid,
           temp_aud, temp_ocr):
    del aud, n_auds, ocr, n_ocrs, temp_aud, temp_ocr
    bq, d = v.shape
    n = n_feats.shape[0]

    e, et = pl.pallas_call(
        _score_kernel,
        grid=(n // _BLK,),
        in_specs=[pl.BlockSpec((bq, d), lambda i: (0, 0)),
                  pl.BlockSpec((_BLK, d), lambda i: (i, 0))],
        out_specs=(pl.BlockSpec((bq, _BLK), lambda i: (0, i)),
                   pl.BlockSpec((_BLK, bq), lambda i: (i, 0))),
        out_shape=(jax.ShapeDtypeStruct((bq, n), jnp.float32),
                   jax.ShapeDtypeStruct((n, bq), jnp.float32)),
    )(v, n_feats)

    idx, sv = pl.pallas_call(
        _topk_kernel,
        in_specs=[pl.BlockSpec(memory_space=pltpu.VMEM),
                  pl.BlockSpec(memory_space=pltpu.SMEM)],
        out_shape=(jax.ShapeDtypeStruct((bq, _TOPK), jnp.int32),
                   jax.ShapeDtypeStruct((bq, 1), jnp.float32)),
        scratch_shapes=[pltpu.VMEM((bq, n), jnp.float32)],
    )(e, temp_vid)

    et16 = jnp.pad(et, ((0, 1), (0, 16 - bq)))
    d_o = n_answ.shape[1]

    dr, w = pl.pallas_call(
        _prep_kernel,
        in_specs=[pl.BlockSpec(memory_space=pltpu.SMEM),
                  pl.BlockSpec(memory_space=pl.ANY)],
        out_specs=(pl.BlockSpec(memory_space=pltpu.SMEM),
                   pl.BlockSpec(memory_space=pltpu.VMEM)),
        out_shape=(jax.ShapeDtypeStruct((_NSEL_PAD,), jnp.int32),
                   jax.ShapeDtypeStruct((_NSEL_PAD, 128), jnp.float32)),
        scratch_shapes=[pltpu.SMEM((n // 32,), jnp.int32),
                        pltpu.VMEM((_NSEL_PAD, 16), jnp.float32),
                        pltpu.SemaphoreType.DMA],
    )(idx, et16)

    mesh = plsc.VectorSubcoreMesh(core_axis_name="c", subcore_axis_name="s")
    sc_call = pl.kernel(
        _sc_gather_kernel, mesh=mesh,
        out_type=jax.ShapeDtypeStruct((_NTILES, bq, d_o), jnp.float32),
        scratch_types=[
            pltpu.VMEM((_SEL_PER_TILE,), jnp.int32),
            pltpu.VMEM((_SEL_PER_TILE, 128), jnp.float32),
            pltpu.VMEM((_SEL_PER_TILE, d_o), jnp.float32),
            pltpu.VMEM((bq, d_o), jnp.float32),
            pltpu.SemaphoreType.DMA,
        ],
    )
    oia = sc_call(dr, w, n_answ)

    o0, o1, o2 = o[:, 0, :], o[:, 1, :], o[:, 2, :]
    scores = pl.pallas_call(
        _final_kernel,
        out_shape=jax.ShapeDtypeStruct((bq, 3), jnp.float32),
    )(oia, sv, o0, o1, o2)
    return scores

# --- scband reference (transcript-rebuilt; emitter-appended) ---
"""Pipeline reference for scband-multi-retrieval-augmented-embedding-v4-74783970558240 (READ-ONLY COPY).

The authoritative reference and input builder live on the scoring server;
editing this copy changes nothing except your own understanding.
"""

import jax, jax.numpy as jnp
import numpy as np

TOP_K = 25

def _l2norm(x, eps=1e-12):
    n = jnp.sqrt(jnp.sum(x * x, axis=-1, keepdims=True))
    return x / jnp.maximum(n, eps)

def _cos_scores(q, k, eps=1e-8):
    # cosine similarity of q[B,d] against every row of k[N,d] -> [B,N]
    qn = _l2norm(q, eps)
    kn = _l2norm(k, eps)
    return qn @ kn.T

def setup_inputs(seed: int = 0) -> dict:
    key = jax.random.key(seed)
    ks = jax.random.split(key, 8)
    B, N = 8, 32768
    inp = {
        'v': jax.random.normal(ks[0], (B, 768), dtype=jnp.float32),
        'n_feats': jax.random.normal(ks[1], (N, 768), dtype=jnp.float32),
        'aud': jax.random.normal(ks[2], (B, 384), dtype=jnp.float32),
        'n_auds': jax.random.normal(ks[3], (N, 384), dtype=jnp.float32),
        'ocr': jax.random.uniform(ks[4], (B, 768), dtype=jnp.float32),  # positive so ocr.sum() > 0 branch taken
        'n_ocrs': jax.random.normal(ks[5], (N, 768), dtype=jnp.float32),
        'o': jax.random.normal(ks[6], (B, 3, 384), dtype=jnp.float32),
        'n_answ': jax.random.normal(ks[7], (N, 384), dtype=jnp.float32),
        # learned scalar temperature parameters (init zeros, as in torch module)
        'temp_vid': jnp.zeros((1,), dtype=jnp.float32),
        'temp_aud': jnp.zeros((1,), dtype=jnp.float32),
        'temp_ocr': jnp.zeros((1,), dtype=jnp.float32),
    }
    return inp

def reference(v, n_feats, aud, n_auds, ocr, n_ocrs, o, n_answ, temp_vid, temp_aud, temp_ocr):
    # eval mode: Dropout1d and Identity blocks are no-ops
    vid_gate = jax.nn.sigmoid(temp_vid) * 2.0
    aud_gate = jax.nn.sigmoid(temp_aud) * 0.0
    ocr_gate = jax.nn.sigmoid(temp_ocr) * 0.0
    q1 = _l2norm(v); k1 = _l2norm(n_feats)
    q2 = _l2norm(aud); k2 = _l2norm(n_auds)
    q3 = _l2norm(ocr); k3 = _l2norm(n_ocrs)
    s1 = jnp.clip(_cos_scores(q1, k1), 0.0, 1.0)
    s2 = jnp.clip(_cos_scores(q2, k2), 0.0, 1.0)
    s3 = jnp.clip(_cos_scores(q3, k3), 0.0, 1.0)
    a1 = jax.nn.softmax(s1, axis=-1)
    a2 = jax.nn.softmax(s2, axis=-1)
    a3 = jax.nn.softmax(s3, axis=-1)
    attention = a1 * vid_gate + a2 * aud_gate + a3 * ocr_gate  # [B, N]
    # TopKGroup (skip_self=False): union-over-batch top-k mask
    N = attention.shape[-1]
    k = min(TOP_K, N)
    _, top_idx = jax.lax.top_k(attention, k)  # [B, k]
    mask = jnp.zeros((N,), dtype=attention.dtype).at[top_idx.reshape(-1)].set(1.0)
    attention = attention * mask[None, :]
    # weighted sum over candidate answer bank
    oia = attention @ n_answ  # [B, d_o] == (attn[:,:,None] * n_answ[None]).sum(1)
    s0 = jnp.sum(oia * o[:, 0, :], axis=1)[:, None]
    s1_ = jnp.sum(oia * o[:, 1, :], axis=1)[:, None]
    s2_ = jnp.sum(oia * o[:, 2, :], axis=1)[:, None]
    scores = jnp.concatenate([s0, s1_, s2_], axis=1)  # [B, 3]
    return scores

if __name__ == "__main__":
    import jax
    _d = setup_inputs()
    print(jax.jit(kernel)(*tuple(_d.values())))

</pallas_src>

<mosaic_0001>
#map = affine_map<(d0, d1) -> (0)>
#map1 = affine_map<(d0, d1) -> (0, 0)>
#map2 = affine_map<(d0, d1) -> (0, 0, 0)>
module attributes {stable_mosaic.version = 14 : i64} {
  func.func @_sc_gather_kernel(%arg0: i32, %arg1: i32, %arg2: memref<256xi32, #tpu.memory_space<hbm>>, %arg3: memref<256x128xf32, #tpu.memory_space<hbm>>, %arg4: memref<32768x384xf32, #tpu.memory_space<hbm>>, %arg5: memref<32x8x384xf32, #tpu.memory_space<hbm>>, %arg6: memref<8xi32, #tpu.memory_space<vmem>>, %arg7: memref<8x128xf32, #tpu.memory_space<vmem>>, %arg8: memref<8x384xf32, #tpu.memory_space<vmem>>, %arg9: memref<8x384xf32, #tpu.memory_space<vmem>>, %arg10: memref<!tpu.dma_semaphore, #tpu.memory_space<semaphore_mem>>) attributes {dimension_semantics = [#tpu.dimension_semantics<core_parallel>, #tpu.dimension_semantics<subcore_parallel>], iteration_bounds = array<i64: 2, 16>, scalar_prefetch = 0 : i64, scratch_operands = 5 : i64, tpu.core_type = #tpu.core_type<sc_vector_subcore>, window_params = [{transform_indices = #map}, {transform_indices = #map1}, {transform_indices = #map1}, {transform_indices = #map2}]} {
    %mul3A = arith.constant 2 : i32
    %mul3A_0 = arith.muli %arg1, %mul3A : i32
    %add3A = arith.addi %mul3A_0, %arg0 : i32
    %mul3A_1 = arith.constant 8 : i32
    %mul3A_2 = arith.muli %add3A, %mul3A_1 : i32
    %broadcast_in_dim3A = arith.constant 0.000000e+00 : f32
    %broadcast_in_dim3A_3 = vector.broadcast %broadcast_in_dim3A : f32 to vector<16xf32>
    "tpu.region"() ({
      %run_scoped3A = tpu.sem_alloc : memref<!tpu.dma_semaphore, #tpu.memory_space<semaphore_mem>>
      %dma_start3A_19 = tpu.memref_slice %arg2[%mul3A_2] : memref<256xi32, #tpu.memory_space<hbm>> -> memref<8xi32, #tpu.memory_space<hbm>>
      %dma_start3A_20 = tpu.memref_slice %arg2[%mul3A_2] : memref<256xi32, #tpu.memory_space<hbm>> -> memref<8xi32, #tpu.memory_space<hbm>>
      tpu.enqueue_dma source(%dma_start3A_20 : memref<8xi32, #tpu.memory_space<hbm>>) target(%arg6 : memref<8xi32, #tpu.memory_space<vmem>>) target_semaphore(%run_scoped3A : memref<!tpu.dma_semaphore, #tpu.memory_space<semaphore_mem>>)
      %dma_wait3A_21 = tpu.memref_slice %arg2[%mul3A_2] : memref<256xi32, #tpu.memory_space<hbm>> -> memref<8xi32, #tpu.memory_space<hbm>>
      %dma_wait3A_22 = tpu.memref_slice %arg2[%mul3A_2] : memref<256xi32, #tpu.memory_space<hbm>> -> memref<8xi32, #tpu.memory_space<hbm>>
      tpu.wait_dma2 semaphore(%run_scoped3A : memref<!tpu.dma_semaphore, #tpu.memory_space<semaphore_mem>>) src(%dma_wait3A_22 : memref<8xi32, #tpu.memory_space<hbm>>) dst(%arg6 : memref<8xi32, #tpu.memory_space<vmem>>)
      tpu.yield
    }) : () -> ()
    "tpu.region"() ({
      %run_scoped3A = tpu.sem_alloc : memref<!tpu.dma_semaphore, #tpu.memory_space<semaphore_mem>>
      %dma_start3A_19 = arith.constant 0 : i32
      %dma_start3A_20 = tpu.memref_slice %arg3[%mul3A_2, %dma_start3A_19] : memref<256x128xf32, #tpu.memory_space<hbm>> -> memref<8x128xf32, #tpu.memory_space<hbm>>
      %dma_start3A_21 = arith.constant 0 : i32
      %dma_start3A_22 = tpu.memref_slice %arg3[%mul3A_2, %dma_start3A_21] : memref<256x128xf32, #tpu.memory_space<hbm>> -> memref<8x128xf32, #tpu.memory_space<hbm>>
      tpu.enqueue_dma source(%dma_start3A_22 : memref<8x128xf32, #tpu.memory_space<hbm>>) target(%arg7 : memref<8x128xf32, #tpu.memory_space<vmem>>) target_semaphore(%run_scoped3A : memref<!tpu.dma_semaphore, #tpu.memory_space<semaphore_mem>>)
      %dma_wait3A_23 = arith.constant 0 : i32
      %dma_wait3A_24 = tpu.memref_slice %arg3[%mul3A_2, %dma_wait3A_23] : memref<256x128xf32, #tpu.memory_space<hbm>> -> memref<8x128xf32, #tpu.memory_space<hbm>>
      %dma_wait3A_25 = arith.constant 0 : i32
      %dma_wait3A_26 = tpu.memref_slice %arg3[%mul3A_2, %dma_wait3A_25] : memref<256x128xf32, #tpu.memory_space<hbm>> -> memref<8x128xf32, #tpu.memory_space<hbm>>
      tpu.wait_dma2 semaphore(%run_scoped3A : memref<!tpu.dma_semaphore, #tpu.memory_space<semaphore_mem>>) src(%dma_wait3A_26 : memref<8x128xf32, #tpu.memory_space<hbm>>) dst(%arg7 : memref<8x128xf32, #tpu.memory_space<vmem>>)
      tpu.yield
    }) : () -> ()
    %dma_start3A = arith.constant 0 : i32
    %dma_start3A_4 = arith.constant 0 : i32
    %dma_start3A_5 = tpu.memref_slice %arg4[%dma_start3A, %dma_start3A_4] : memref<32768x384xf32, #tpu.memory_space<hbm>> -> memref<32768x384xf32, #tpu.memory_space<hbm>>
    tpu.enqueue_indirect_dma source(%dma_start3A_5 : memref<32768x384xf32, #tpu.memory_space<hbm>>) target(%arg8 : memref<8x384xf32, #tpu.memory_space<vmem>>) offsets(%arg6 : memref<8xi32, #tpu.memory_space<vmem>>) semaphore(%arg10 : memref<!tpu.dma_semaphore, #tpu.memory_space<semaphore_mem>>)
    %scan3A = arith.constant 0 : i32
    %scan3A_6 = arith.constant 0 : i32
    %scan3A_7 = arith.constant 8 : i32
    %scan3A_8 = arith.addi %scan3A_6, %scan3A_7 : i32
    %scan3A_9 = arith.constant 1 : i32
    scf.for %scan3A_19 = %scan3A_6 to %scan3A_8 step %scan3A_9  : i32 {
      %swap3A = arith.index_cast %scan3A_19 : i32 to index
      %swap3A_20 = arith.constant 0 : index
      %swap3A_21 = tpu.vector_load %arg9[%swap3A, %swap3A_20] {strides = array<i32>} : memref<8x384xf32, #tpu.memory_space<vmem>>, vector<1x16xf32>,
      %swap3A_22 = vector.shape_cast %swap3A_21 : vector<1x16xf32> to vector<16xf32>
      %swap3A_23 = vector.shape_cast %broadcast_in_dim3A_3 : vector<16xf32> to vector<1x16xf32>
      tpu.vector_store %arg9[%swap3A, %swap3A_20], %swap3A_23 {strides = array<i32>} : memref<8x384xf32, #tpu.memory_space<vmem>>, vector<1x16xf32>,
      %swap3A_24 = arith.index_cast %scan3A_19 : i32 to index
      %swap3A_25 = arith.constant 16 : index
      %swap3A_26 = tpu.vector_load %arg9[%swap3A_24, %swap3A_25] {strides = array<i32>} : memref<8x384xf32, #tpu.memory_space<vmem>>, vector<1x16xf32>,
      %swap3A_27 = vector.shape_cast %swap3A_26 : vector<1x16xf32> to vector<16xf32>
      %swap3A_28 = vector.shape_cast %broadcast_in_dim3A_3 : vector<16xf32> to vector<1x16xf32>
      tpu.vector_store %arg9[%swap3A_24, %swap3A_25], %swap3A_28 {strides = array<i32>} : memref<8x384xf32, #tpu.memory_space<vmem>>, vector<1x16xf32>,
      %swap3A_29 = arith.index_cast %scan3A_19 : i32 to index
      %swap3A_30 = arith.constant 32 : index
      %swap3A_31 = tpu.vector_load %arg9[%swap3A_29, %swap3A_30] {strides = array<i32>} : memref<8x384xf32, #tpu.memory_space<vmem>>, vector<1x16xf32>,
      %swap3A_32 = vector.shape_cast %swap3A_31 : vector<1x16xf32> to vector<16xf32>
      %swap3A_33 = vector.shape_cast %broadcast_in_dim3A_3 : vector<16xf32> to vector<1x16xf32>
      tpu.vector_store %arg9[%swap3A_29, %swap3A_30], %swap3A_33 {strides = array<i32>} : memref<8x384xf32, #tpu.memory_space<vmem>>, vector<1x16xf32>,
      %swap3A_34 = arith.index_cast %scan3A_19 : i32 to index
      %swap3A_35 = arith.constant 48 : index
      %swap3A_36 = tpu.vector_load %arg9[%swap3A_34, %swap3A_35] {strides = array<i32>} : memref<8x384xf32, #tpu.memory_space<vmem>>, vector<1x16xf32>,
      %swap3A_37 = vector.shape_cast %swap3A_36 : vector<1x16xf32> to vector<16xf32>
      %swap3A_38 = vector.shape_cast %broadcast_in_dim3A_3 : vector<16xf32> to vector<1x16xf32>
      tpu.vector_store %arg9[%swap3A_34, %swap3A_35], %swap3A_38 {strides = array<i32>} : memref<8x384xf32, #tpu.memory_space<vmem>>, vector<1x16xf32>,
      %swap3A_39 = arith.index_cast %scan3A_19 : i32 to index
      %swap3A_40 = arith.constant 64 : index
      %swap3A_41 = tpu.vector_load %arg9[%swap3A_39, %swap3A_40] {strides = array<i32>} : memref<8x384xf32, #tpu.memory_space<vmem>>, vector<1x16xf32>,
      %swap3A_42 = vector.shape_cast %swap3A_41 : vector<1x16xf32> to vector<16xf32>
      %swap3A_43 = vector.shape_cast %broadcast_in_dim3A_3 : vector<16xf32> to vector<1x16xf32>
      tpu.vector_store %arg9[%swap3A_39, %swap3A_40], %swap3A_43 {strides = array<i32>} : memref<8x384xf32, #tpu.memory_space<vmem>>, vector<1x16xf32>,
      %swap3A_44 = arith.index_cast %scan3A_19 : i32 to index
      %swap3A_45 = arith.constant 80 : index
      %swap3A_46 = tpu.vector_load %arg9[%swap3A_44, %swap3A_45] {strides = array<i32>} : memref<8x384xf32, #tpu.memory_space<vmem>>, vector<1x16xf32>,
      %swap3A_47 = vector.shape_cast %swap3A_46 : vector<1x16xf32> to vector<16xf32>
      %swap3A_48 = vector.shape_cast %broadcast_in_dim3A_3 : vector<16xf32> to vector<1x16xf32>
      tpu.vector_store %arg9[%swap3A_44, %swap3A_45], %swap3A_48 {strides = array<i32>} : memref<8x384xf32, #tpu.memory_space<vmem>>, vector<1x16xf32>,
      %swap3A_49 = arith.index_cast %scan3A_19 : i32 to index
      %swap3A_50 = arith.constant 96 : index
      %swap3A_51 = tpu.vector_load %arg9[%swap3A_49, %swap3A_50] {strides = array<i32>} : memref<8x384xf32, #tpu.memory_space<vmem>>, vector<1x16xf32>,
      %swap3A_52 = vector.shape_cast %swap3A_51 : vector<1x16xf32> to vector<16xf32>
      %swap3A_53 = vector.shape_cast %broadcast_in_dim3A_3 : vector<16xf32> to vector<1x16xf32>
      tpu.vector_store %arg9[%swap3A_49, %swap3A_50], %swap3A_53 {strides = array<i32>} : memref<8x384xf32, #tpu.memory_space<vmem>>, vector<1x16xf32>,
      %swap3A_54 = arith.index_cast %scan3A_19 : i32 to index
      %swap3A_55 = arith.constant 112 : index
      %swap3A_56 = tpu.vector_load %arg9[%swap3A_54, %swap3A_55] {strides = array<i32>} : memref<8x384xf32, #tpu.memory_space<vmem>>, vector<1x16xf32>,
      %swap3A_57 = vector.shape_cast %swap3A_56 : vector<1x16xf32> to vector<16xf32>
      %swap3A_58 = vector.shape_cast %broadcast_in_dim3A_3 : vector<16xf32> to vector<1x16xf32>
      tpu.vector_store %arg9[%swap3A_54, %swap3A_55], %swap3A_58 {strides = array<i32>} : memref<8x384xf32, #tpu.memory_space<vmem>>, vector<1x16xf32>,
      %swap3A_59 = arith.index_cast %scan3A_19 : i32 to index
      %swap3A_60 = arith.constant 128 : index
      %swap3A_61 = tpu.vector_load %arg9[%swap3A_59, %swap3A_60] {strides = array<i32>} : memref<8x384xf32, #tpu.memory_space<vmem>>, vector<1x16xf32>,
      %swap3A_62 = vector.shape_cast %swap3A_61 : vector<1x16xf32> to vector<16xf32>
      %swap3A_63 = vector.shape_cast %broadcast_in_dim3A_3 : vector<16xf32> to vector<1x16xf32>
      tpu.vector_store %arg9[%swap3A_59, %swap3A_60], %swap3A_63 {strides = array<i32>} : memref<8x384xf32, #tpu.memory_space<vmem>>, vector<1x16xf32>,
      %swap3A_64 = arith.index_cast %scan3A_19 : i32 to index
      %swap3A_65 = arith.constant 144 : index
      %swap3A_66 = tpu.vector_load %arg9[%swap3A_64, %swap3A_65] {strides = array<i32>} : memref<8x384xf32, #tpu.memory_space<vmem>>, vector<1x16xf32>,
      %swap3A_67 = vector.shape_cast %swap3A_66 : vector<1x16xf32> to vector<16xf32>
      %swap3A_68 = vector.shape_cast %broadcast_in_dim3A_3 : vector<16xf32> to vector<1x16xf32>
      tpu.vector_store %arg9[%swap3A_64, %swap3A_65], %swap3A_68 {strides = array<i32>} : memref<8x384xf32, #tpu.memory_space<vmem>>, vector<1x16xf32>,
      %swap3A_69 = arith.index_cast %scan3A_19 : i32 to index
      %swap3A_70 = arith.constant 160 : index
      %swap3A_71 = tpu.vector_load %arg9[%swap3A_69, %swap3A_70] {strides = array<i32>} : memref<8x384xf32, #tpu.memory_space<vmem>>, vector<1x16xf32>,
      %swap3A_72 = vector.shape_cast %swap3A_71 : vector<1x16xf32> to vector<16xf32>
      %swap3A_73 = vector.shape_cast %broadcast_in_dim3A_3 : vector<16xf32> to vector<1x16xf32>
      tpu.vector_store %arg9[%swap3A_69, %swap3A_70], %swap3A_73 {strides = array<i32>} : memref<8x384xf32, #tpu.memory_space<vmem>>, vector<1x16xf32>,
      %swap3A_74 = arith.index_cast %scan3A_19 : i32 to index
      %swap3A_75 = arith.constant 176 : index
      %swap3A_76 = tpu.vector_load %arg9[%swap3A_74, %swap3A_75] {strides = array<i32>} : memref<8x384xf32, #tpu.memory_space<vmem>>, vector<1x16xf32>,
      %swap3A_77 = vector.shape_cast %swap3A_76 : vector<1x16xf32> to vector<16xf32>
      %swap3A_78 = vector.shape_cast %broadcast_in_dim3A_3 : vector<16xf32> to vector<1x16xf32>
      tpu.vector_store %arg9[%swap3A_74, %swap3A_75], %swap3A_78 {strides = array<i32>} : memref<8x384xf32, #tpu.memory_space<vmem>>, vector<1x16xf32>,
      %swap3A_79 = arith.index_cast %scan3A_19 : i32 to index
      %swap3A_80 = arith.constant 192 : index
      %swap3A_81 = tpu.vector_load %arg9[%swap3A_79, %swap3A_80] {strides = array<i32>} : memref<8x384xf32, #tpu.memory_space<vmem>>, vector<1x16xf32>,
      %swap3A_82 = vector.shape_cast %swap3A_81 : vector<1x16xf32> to vector<16xf32>
      %swap3A_83 = vector.shape_cast %broadcast_in_dim3A_3 : vector<16xf32> to vector<1x16xf32>
      tpu.vector_store %arg9[%swap3A_79, %swap3A_80], %swap3A_83 {strides = array<i32>} : memref<8x384xf32, #tpu.memory_space<vmem>>, vector<1x16xf32>,
      %swap3A_84 = arith.index_cast %scan3A_19 : i32 to index
      %swap3A_85 = arith.constant 208 : index
      %swap3A_86 = tpu.vector_load %arg9[%swap3A_84, %swap3A_85] {strides = array<i32>} : memref<8x384xf32, #tpu.memory_space<vmem>>, vector<1x16xf32>,
      %swap3A_87 = vector.shape_cast %swap3A_86 : vector<1x16xf32> to vector<16xf32>
      %swap3A_88 = vector.shape_cast %broadcast_in_dim3A_3 : vector<16xf32> to vector<1x16xf32>
      tpu.vector_store %arg9[%swap3A_84, %swap3A_85], %swap3A_88 {strides = array<i32>} : memref<8x384xf32, #tpu.memory_space<vmem>>, vector<1x16xf32>,
      %swap3A_89 = arith.index_cast %scan3A_19 : i32 to index
      %swap3A_90 = arith.constant 224 : index
      %swap3A_91 = tpu.vector_load %arg9[%swap3A_89, %swap3A_90] {strides = array<i32>} : memref<8x384xf32, #tpu.memory_space<vmem>>, vector<1x16xf32>,
      %swap3A_92 = vector.shape_cast %swap3A_91 : vector<1x16xf32> to vector<16xf32>
      %swap3A_93 = vector.shape_cast %broadcast_in_dim3A_3 : vector<16xf32> to vector<1x16xf32>
      tpu.vector_store %arg9[%swap3A_89, %swap3A_90], %swap3A_93 {strides = array<i32>} : memref<8x384xf32, #tpu.memory_space<vmem>>, vector<1x16xf32>,
      %swap3A_94 = arith.index_cast %scan3A_19 : i32 to index
      %swap3A_95 = arith.constant 240 : index
      %swap3A_96 = tpu.vector_load %arg9[%swap3A_94, %swap3A_95] {strides = array<i32>} : memref<8x384xf32, #tpu.memory_space<vmem>>, vector<1x16xf32>,
      %swap3A_97 = vector.shape_cast %swap3A_96 : vector<1x16xf32> to vector<16xf32>
      %swap3A_98 = vector.shape_cast %broadcast_in_dim3A_3 : vector<16xf32> to vector<1x16xf32>
      tpu.vector_store %arg9[%swap3A_94, %swap3A_95], %swap3A_98 {strides = array<i32>} : memref<8x384xf32, #tpu.memory_space<vmem>>, vector<1x16xf32>,
      %swap3A_99 = arith.index_cast %scan3A_19 : i32 to index
      %swap3A_100 = arith.constant 256 : index
      %swap3A_101 = tpu.vector_load %arg9[%swap3A_99, %swap3A_100] {strides = array<i32>} : memref<8x384xf32, #tpu.memory_space<vmem>>, vector<1x16xf32>,
      %swap3A_102 = vector.shape_cast %swap3A_101 : vector<1x16xf32> to vector<16xf32>
      %swap3A_103 = vector.shape_cast %broadcast_in_dim3A_3 : vector<16xf32> to vector<1x16xf32>
      tpu.vector_store %arg9[%swap3A_99, %swap3A_100], %swap3A_103 {strides = array<i32>} : memref<8x384xf32, #tpu.memory_space<vmem>>, vector<1x16xf32>,
      %swap3A_104 = arith.index_cast %scan3A_19 : i32 to index
      %swap3A_105 = arith.constant 272 : index
      %swap3A_106 = tpu.vector_load %arg9[%swap3A_104, %swap3A_105] {strides = array<i32>} : memref<8x384xf32, #tpu.memory_space<vmem>>, vector<1x16xf32>,
      %swap3A_107 = vector.shape_cast %swap3A_106 : vector<1x16xf32> to vector<16xf32>
      %swap3A_108 = vector.shape_cast %broadcast_in_dim3A_3 : vector<16xf32> to vector<1x16xf32>
      tpu.vector_store %arg9[%swap3A_104, %swap3A_105], %swap3A_108 {strides = array<i32>} : memref<8x384xf32, #tpu.memory_space<vmem>>, vector<1x16xf32>,
      %swap3A_109 = arith.index_cast %scan3A_19 : i32 to index
      %swap3A_110 = arith.constant 288 : index
      %swap3A_111 = tpu.vector_load %arg9[%swap3A_109, %swap3A_110] {strides = array<i32>} : memref<8x384xf32, #tpu.memory_space<vmem>>, vector<1x16xf32>,
      %swap3A_112 = vector.shape_cast %swap3A_111 : vector<1x16xf32> to vector<16xf32>
      %swap3A_113 = vector.shape_cast %broadcast_in_dim3A_3 : vector<16xf32> to vector<1x16xf32>
      tpu.vector_store %arg9[%swap3A_109, %swap3A_110], %swap3A_113 {strides = array<i32>} : memref<8x384xf32, #tpu.memory_space<vmem>>, vector<1x16xf32>,
      %swap3A_114 = arith.index_cast %scan3A_19 : i32 to index
      %swap3A_115 = arith.constant 304 : index
      %swap3A_116 = tpu.vector_load %arg9[%swap3A_114, %swap3A_115] {strides = array<i32>} : memref<8x384xf32, #tpu.memory_space<vmem>>, vector<1x16xf32>,
      %swap3A_117 = vector.shape_cast %swap3A_116 : vector<1x16xf32> to vector<16xf32>
      %swap3A_118 = vector.shape_cast %broadcast_in_dim3A_3 : vector<16xf32> to vector<1x16xf32>
      tpu.vector_store %arg9[%swap3A_114, %swap3A_115], %swap3A_118 {strides = array<i32>} : memref<8x384xf32, #tpu.memory_space<vmem>>, vector<1x16xf32>,
      %swap3A_119 = arith.index_cast %scan3A_19 : i32 to index
      %swap3A_120 = arith.constant 320 : index
      %swap3A_121 = tpu.vector_load %arg9[%swap3A_119, %swap3A_120] {strides = array<i32>} : memref<8x384xf32, #tpu.memory_space<vmem>>, vector<1x16xf32>,
      %swap3A_122 = vector.shape_cast %swap3A_121 : vector<1x16xf32> to vector<16xf32>
      %swap3A_123 = vector.shape_cast %broadcast_in_dim3A_3 : vector<16xf32> to vector<1x16xf32>
      tpu.vector_store %arg9[%swap3A_119, %swap3A_120], %swap3A_123 {strides = array<i32>} : memref<8x384xf32, #tpu.memory_space<vmem>>, vector<1x16xf32>,
      %swap3A_124 = arith.index_cast %scan3A_19 : i32 to index
      %swap3A_125 = arith.constant 336 : index
      %swap3A_126 = tpu.vector_load %arg9[%swap3A_124, %swap3A_125] {strides = array<i32>} : memref<8x384xf32, #tpu.memory_space<vmem>>, vector<1x16xf32>,
      %swap3A_127 = vector.shape_cast %swap3A_126 : vector<1x16xf32> to vector<16xf32>
      %swap3A_128 = vector.shape_cast %broadcast_in_dim3A_3 : vector<16xf32> to vector<1x16xf32>
      tpu.vector_store %arg9[%swap3A_124, %swap3A_125], %swap3A_128 {strides = array<i32>} : memref<8x384xf32, #tpu.memory_space<vmem>>, vector<1x16xf32>,
      %swap3A_129 = arith.index_cast %scan3A_19 : i32 to index
      %swap3A_130 = arith.constant 352 : index
      %swap3A_131 = tpu.vector_load %arg9[%swap3A_129, %swap3A_130] {strides = array<i32>} : memref<8x384xf32, #tpu.memory_space<vmem>>, vector<1x16xf32>,
      %swap3A_132 = vector.shape_cast %swap3A_131 : vector<1x16xf32> to vector<16xf32>
      %swap3A_133 = vector.shape_cast %broadcast_in_dim3A_3 : vector<16xf32> to vector<1x16xf32>
      tpu.vector_store %arg9[%swap3A_129, %swap3A_130], %swap3A_133 {strides = array<i32>} : memref<8x384xf32, #tpu.memory_space<vmem>>, vector<1x16xf32>,
      %swap3A_134 = arith.index_cast %scan3A_19 : i32 to index
      %swap3A_135 = arith.constant 368 : index
      %swap3A_136 = tpu.vector_load %arg9[%swap3A_134, %swap3A_135] {strides = array<i32>} : memref<8x384xf32, #tpu.memory_space<vmem>>, vector<1x16xf32>,
      %swap3A_137 = vector.shape_cast %swap3A_136 : vector<1x16xf32> to vector<16xf32>
      %swap3A_138 = vector.shape_cast %broadcast_in_dim3A_3 : vector<16xf32> to vector<1x16xf32>
      tpu.vector_store %arg9[%swap3A_134, %swap3A_135], %swap3A_138 {strides = array<i32>} : memref<8x384xf32, #tpu.memory_space<vmem>>, vector<1x16xf32>,
    }
    %scan3A_10 = arith.constant 8 : i32
    %dma_wait3A = arith.constant 0 : i32
    %dma_wait3A_11 = arith.constant 0 : i32
    %dma_wait3A_12 = tpu.memref_slice %arg4[%dma_wait3A, %dma_wait3A_11] : memref<32768x384xf32, #tpu.memory_space<hbm>> -> memref<32768x384xf32, #tpu.memory_space<hbm>>
    tpu.wait_indirect_dma semaphore(%arg10 : memref<!tpu.dma_semaphore, #tpu.memory_space<semaphore_mem>>) src(%dma_wait3A_12 : memref<32768x384xf32, #tpu.memory_space<hbm>>) dst(%arg8 : memref<8x384xf32, #tpu.memory_space<vmem>>)
    %scan3A_13 = arith.constant 0 : i32
    %scan3A_14 = arith.constant 0 : i32
    %scan3A_15 = arith.constant 8 : i32
    %scan3A_16 = arith.addi %scan3A_14, %scan3A_15 : i32
    %scan3A_17 = arith.constant 1 : i32
    scf.for %scan3A_19 = %scan3A_14 to %scan3A_16 step %scan3A_17  : i32 {
      %get3A = arith.index_cast %scan3A_19 : i32 to index
      %get3A_20 = arith.constant 0 : index
      %get3A_21 = tpu.vector_load %arg7[%get3A, %get3A_20] {strides = array<i32>} : memref<8x128xf32, #tpu.memory_space<vmem>>, vector<1x16xf32>,
      %get3A_22 = vector.shape_cast %get3A_21 : vector<1x16xf32> to vector<16xf32>
      %get3A_23 = arith.constant 0 : i32
      %get3A_24 = arith.index_cast %get3A_23 : i32 to index
      %get3A_25 = arith.constant 0 : index
      %get3A_26 = tpu.vector_load %arg9[%get3A_24, %get3A_25] {strides = array<i32>} : memref<8x384xf32, #tpu.memory_space<vmem>>, vector<1x16xf32>,
      %get3A_27 = vector.shape_cast %get3A_26 : vector<1x16xf32> to vector<16xf32>
      %get3A_28 = arith.index_cast %scan3A_19 : i32 to index
      %get3A_29 = arith.constant 0 : index
      %get3A_30 = tpu.vector_load %arg8[%get3A_28, %get3A_29] {strides = array<i32>} : memref<8x384xf32, #tpu.memory_space<vmem>>, vector<1x16xf32>,
      %get3A_31 = vector.shape_cast %get3A_30 : vector<1x16xf32> to vector<16xf32>
      %mul3A_32 = arith.mulf %get3A_22, %get3A_31 : vector<16xf32>
      %add3A_33 = arith.addf %get3A_27, %mul3A_32 : vector<16xf32>
      %swap3A = arith.constant 0 : i32
      %swap3A_34 = arith.index_cast %swap3A : i32 to index
      %swap3A_35 = arith.constant 0 : index
      %swap3A_36 = tpu.vector_load %arg9[%swap3A_34, %swap3A_35] {strides = array<i32>} : memref<8x384xf32, #tpu.memory_space<vmem>>, vector<1x16xf32>,
      %swap3A_37 = vector.shape_cast %swap3A_36 : vector<1x16xf32> to vector<16xf32>
      %swap3A_38 = vector.shape_cast %add3A_33 : vector<16xf32> to vector<1x16xf32>
      tpu.vector_store %arg9[%swap3A_34, %swap3A_35], %swap3A_38 {strides = array<i32>} : memref<8x384xf32, #tpu.memory_space<vmem>>, vector<1x16xf32>,
      %get3A_39 = arith.constant 0 : i32
      %get3A_40 = arith.index_cast %get3A_39 : i32 to index
      %get3A_41 = arith.constant 16 : index
      %get3A_42 = tpu.vector_load %arg9[%get3A_40, %get3A_41] {strides = array<i32>} : memref<8x384xf32, #tpu.memory_space<vmem>>, vector<1x16xf32>,
      %get3A_43 = vector.shape_cast %get3A_42 : vector<1x16xf32> to vector<16xf32>
      %get3A_44 = arith.index_cast %scan3A_19 : i32 to index
      %get3A_45 = arith.constant 16 : index
      %get3A_46 = tpu.vector_load %arg8[%get3A_44, %get3A_45] {strides = array<i32>} : memref<8x384xf32, #tpu.memory_space<vmem>>, vector<1x16xf32>,
      %get3A_47 = vector.shape_cast %get3A_46 : vector<1x16xf32> to vector<16xf32>
      %mul3A_48 = arith.mulf %get3A_22, %get3A_47 : vector<16xf32>
      %add3A_49 = arith.addf %get3A_43, %mul3A_48 : vector<16xf32>
      %swap3A_50 = arith.constant 0 : i32
      %swap3A_51 = arith.index_cast %swap3A_50 : i32 to index
      %swap3A_52 = arith.constant 16 : index
      %swap3A_53 = tpu.vector_load %arg9[%swap3A_51, %swap3A_52] {strides = array<i32>} : memref<8x384xf32, #tpu.memory_space<vmem>>, vector<1x16xf32>,
      %swap3A_54 = vector.shape_cast %swap3A_53 : vector<1x16xf32> to vector<16xf32>
      %swap3A_55 = vector.shape_cast %add3A_49 : vector<16xf32> to vector<1x16xf32>
      tpu.vector_store %arg9[%swap3A_51, %swap3A_52], %swap3A_55 {strides = array<i32>} : memref<8x384xf32, #tpu.memory_space<vmem>>, vector<1x16xf32>,
      %get3A_56 = arith.constant 0 : i32
      %get3A_57 = arith.index_cast %get3A_56 : i32 to index
      %get3A_58 = arith.constant 32 : index
      %get3A_59 = tpu.vector_load %arg9[%get3A_57, %get3A_58] {strides = array<i32>} : memref<8x384xf32, #tpu.memory_space<vmem>>, vector<1x16xf32>,
      %get3A_60 = vector.shape_cast %get3A_59 : vector<1x16xf32> to vector<16xf32>
      %get3A_61 = arith.index_cast %scan3A_19 : i32 to index
      %get3A_62 = arith.constant 32 : index
      %get3A_63 = tpu.vector_load %arg8[%get3A_61, %get3A_62] {strides = array<i32>} : memref<8x384xf32, #tpu.memory_space<vmem>>, vector<1x16xf32>,
      %get3A_64 = vector.shape_cast %get3A_63 : vector<1x16xf32> to vector<16xf32>
      %mul3A_65 = arith.mulf %get3A_22, %get3A_64 : vector<16xf32>
      %add3A_66 = arith.addf %get3A_60, %mul3A_65 : vector<16xf32>
      %swap3A_67 = arith.constant 0 : i32
      %swap3A_68 = arith.index_cast %swap3A_67 : i32 to index
      %swap3A_69 = arith.constant 32 : index
      %swap3A_70 = tpu.vector_load %arg9[%swap3A_68, %swap3A_69] {strides = array<i32>} : memref<8x384xf32, #tpu.memory_space<vmem>>, vector<1x16xf32>,
      %swap3A_71 = vector.shape_cast %swap3A_70 : vector<1x16xf32> to vector<16xf32>
      %swap3A_72 = vector.shape_cast %add3A_66 : vector<16xf32> to vector<1x16xf32>
      tpu.vector_store %arg9[%swap3A_68, %swap3A_69], %swap3A_72 {strides = array<i32>} : memref<8x384xf32, #tpu.memory_space<vmem>>, vector<1x16xf32>,
      %get3A_73 = arith.constant 0 : i32
      %get3A_74 = arith.index_cast %get3A_73 : i32 to index
      %get3A_75 = arith.constant 48 : index
      %get3A_76 = tpu.vector_load %arg9[%get3A_74, %get3A_75] {strides = array<i32>} : memref<8x384xf32, #tpu.memory_space<vmem>>, vector<1x16xf32>,
      %get3A_77 = vector.shape_cast %get3A_76 : vector<1x16xf32> to vector<16xf32>
      %get3A_78 = arith.index_cast %scan3A_19 : i32 to index
      %get3A_79 = arith.constant 48 : index
      %get3A_80 = tpu.vector_load %arg8[%get3A_78, %get3A_79] {strides = array<i32>} : memref<8x384xf32, #tpu.memory_space<vmem>>, vector<1x16xf32>,
      %get3A_81 = vector.shape_cast %get3A_80 : vector<1x16xf32> to vector<16xf32>
      %mul3A_82 = arith.mulf %get3A_22, %get3A_81 : vector<16xf32>
      %add3A_83 = arith.addf %get3A_77, %mul3A_82 : vector<16xf32>
      %swap3A_84 = arith.constant 0 : i32
      %swap3A_85 = arith.index_cast %swap3A_84 : i32 to index
      %swap3A_86 = arith.constant 48 : index
      %swap3A_87 = tpu.vector_load %arg9[%swap3A_85, %swap3A_86] {strides = array<i32>} : memref<8x384xf32, #tpu.memory_space<vmem>>, vector<1x16xf32>,
      %swap3A_88 = vector.shape_cast %swap3A_87 : vector<1x16xf32> to vector<16xf32>
      %swap3A_89 = vector.shape_cast %add3A_83 : vector<16xf32> to vector<1x16xf32>
      tpu.vector_store %arg9[%swap3A_85, %swap3A_86], %swap3A_89 {strides = array<i32>} : memref<8x384xf32, #tpu.memory_space<vmem>>, vector<1x16xf32>,
      %get3A_90 = arith.constant 0 : i32
      %get3A_91 = arith.index_cast %get3A_90 : i32 to index
      %get3A_92 = arith.constant 64 : index
      %get3A_93 = tpu.vector_load %arg9[%get3A_91, %get3A_92] {strides = array<i32>} : memref<8x384xf32, #tpu.memory_space<vmem>>, vector<1x16xf32>,
      %get3A_94 = vector.shape_cast %get3A_93 : vector<1x16xf32> to vector<16xf32>
      %get3A_95 = arith.index_cast %scan3A_19 : i32 to index
      %get3A_96 = arith.constant 64 : index
      %get3A_97 = tpu.vector_load %arg8[%get3A_95, %get3A_96] {strides = array<i32>} : memref<8x384xf32, #tpu.memory_space<vmem>>, vector<1x16xf32>,
      %get3A_98 = vector.shape_cast %get3A_97 : vector<1x16xf32> to vector<16xf32>
      %mul3A_99 = arith.mulf %get3A_22, %get3A_98 : vector<16xf32>
      %add3A_100 = arith.addf %get3A_94, %mul3A_99 : vector<16xf32>
      %swap3A_101 = arith.constant 0 : i32
      %swap3A_102 = arith.index_cast %swap3A_101 : i32 to index
      %swap3A_103 = arith.constant 64 : index
      %swap3A_104 = tpu.vector_load %arg9[%swap3A_102, %swap3A_103] {strides = array<i32>} : memref<8x384xf32, #tpu.memory_space<vmem>>, vector<1x16xf32>,
      %swap3A_105 = vector.shape_cast %swap3A_104 : vector<1x16xf32> to vector<16xf32>
      %swap3A_106 = vector.shape_cast %add3A_100 : vector<16xf32> to vector<1x16xf32>
      tpu.vector_store %arg9[%swap3A_102, %swap3A_103], %swap3A_106 {strides = array<i32>} : memref<8x384xf32, #tpu.memory_space<vmem>>, vector<1x16xf32>,
      %get3A_107 = arith.constant 0 : i32
      %get3A_108 = arith.index_cast %get3A_107 : i32 to index
      %get3A_109 = arith.constant 80 : index
      %get3A_110 = tpu.vector_load %arg9[%get3A_108, %get3A_109] {strides = array<i32>} : memref<8x384xf32, #tpu.memory_space<vmem>>, vector<1x16xf32>,
      %get3A_111 = vector.shape_cast %get3A_110 : vector<1x16xf32> to vector<16xf32>
      %get3A_112 = arith.index_cast %scan3A_19 : i32 to index
      %get3A_113 = arith.constant 80 : index
      %get3A_114 = tpu.vector_load %arg8[%get3A_112, %get3A_113] {strides = array<i32>} : memref<8x384xf32, #tpu.memory_space<vmem>>, vector<1x16xf32>,
      %get3A_115 = vector.shape_cast %get3A_114 : vector<1x16xf32> to vector<16xf32>
      %mul3A_116 = arith.mulf %get3A_22, %get3A_115 : vector<16xf32>
      %add3A_117 = arith.addf %get3A_111, %mul3A_116 : vector<16xf32>
      %swap3A_118 = arith.constant 0 : i32
      %swap3A_119 = arith.index_cast %swap3A_118 : i32 to index
      %swap3A_120 = arith.constant 80 : index
      %swap3A_121 = tpu.vector_load %arg9[%swap3A_119, %swap3A_120] {strides = array<i32>} : memref<8x384xf32, #tpu.memory_space<vmem>>, vector<1x16xf32>,
      %swap3A_122 = vector.shape_cast %swap3A_121 : vector<1x16xf32> to vector<16xf32>
      %swap3A_123 = vector.shape_cast %add3A_117 : vector<16xf32> to vector<1x16xf32>
      tpu.vector_store %arg9[%swap3A_119, %swap3A_120], %swap3A_123 {strides = array<i32>} : memref<8x384xf32, #tpu.memory_space<vmem>>, vector<1x16xf32>,
      %get3A_124 = arith.constant 0 : i32
      %get3A_125 = arith.index_cast %get3A_124 : i32 to index
      %get3A_126 = arith.constant 96 : index
      %get3A_127 = tpu.vector_load %arg9[%get3A_125, %get3A_126] {strides = array<i32>} : memref<8x384xf32, #tpu.memory_space<vmem>>, vector<1x16xf32>,
      %get3A_128 = vector.shape_cast %get3A_127 : vector<1x16xf32> to vector<16xf32>
      %get3A_129 = arith.index_cast %scan3A_19 : i32 to index
      %get3A_130 = arith.constant 96 : index
      %get3A_131 = tpu.vector_load %arg8[%get3A_129, %get3A_130] {strides = array<i32>} : memref<8x384xf32, #tpu.memory_space<vmem>>, vector<1x16xf32>,
      %get3A_132 = vector.shape_cast %get3A_131 : vector<1x16xf32> to vector<16xf32>
      %mul3A_133 = arith.mulf %get3A_22, %get3A_132 : vector<16xf32>
      %add3A_134 = arith.addf %get3A_128, %mul3A_133 : vector<16xf32>
      %swap3A_135 = arith.constant 0 : i32
      %swap3A_136 = arith.index_cast %swap3A_135 : i32 to index
      %swap3A_137 = arith.constant 96 : index
      %swap3A_138 = tpu.vector_load %arg9[%swap3A_136, %swap3A_137] {strides = array<i32>} : memref<8x384xf32, #tpu.memory_space<vmem>>, vector<1x16xf32>,
      %swap3A_139 = vector.shape_cast %swap3A_138 : vector<1x16xf32> to vector<16xf32>
      %swap3A_140 = vector.shape_cast %add3A_134 : vector<16xf32> to vector<1x16xf32>
      tpu.vector_store %arg9[%swap3A_136, %swap3A_137], %swap3A_140 {strides = array<i32>} : memref<8x384xf32, #tpu.memory_space<vmem>>, vector<1x16xf32>,
      %get3A_141 = arith.constant 0 : i32
      %get3A_142 = arith.index_cast %get3A_141 : i32 to index
      %get3A_143 = arith.constant 112 : index
      %get3A_144 = tpu.vector_load %arg9[%get3A_142, %get3A_143] {strides = array<i32>} : memref<8x384xf32, #tpu.memory_space<vmem>>, vector<1x16xf32>,
      %get3A_145 = vector.shape_cast %get3A_144 : vector<1x16xf32> to vector<16xf32>
      %get3A_146 = arith.index_cast %scan3A_19 : i32 to index
      %get3A_147 = arith.constant 112 : index
      %get3A_148 = tpu.vector_load %arg8[%get3A_146, %get3A_147] {strides = array<i32>} : memref<8x384xf32, #tpu.memory_space<vmem>>, vector<1x16xf32>,
      %get3A_149 = vector.shape_cast %get3A_148 : vector<1x16xf32> to vector<16xf32>
      %mul3A_150 = arith.mulf %get3A_22, %get3A_149 : vector<16xf32>
      %add3A_151 = arith.addf %get3A_145, %mul3A_150 : vector<16xf32>
      %swap3A_152 = arith.constant 0 : i32
      %swap3A_153 = arith.index_cast %swap3A_152 : i32 to index
      %swap3A_154 = arith.constant 112 : index
      %swap3A_155 = tpu.vector_load %arg9[%swap3A_153, %swap3A_154] {strides = array<i32>} : memref<8x384xf32, #tpu.memory_space<vmem>>, vector<1x16xf32>,
      %swap3A_156 = vector.shape_cast %swap3A_155 : vector<1x16xf32> to vector<16xf32>
      %swap3A_157 = vector.shape_cast %add3A_151 : vector<16xf32> to vector<1x16xf32>
      tpu.vector_store %arg9[%swap3A_153, %swap3A_154], %swap3A_157 {strides = array<i32>} : memref<8x384xf32, #tpu.memory_space<vmem>>, vector<1x16xf32>,
      %get3A_158 = arith.constant 0 : i32
      %get3A_159 = arith.index_cast %get3A_158 : i32 to index
      %get3A_160 = arith.constant 128 : index
      %get3A_161 = tpu.vector_load %arg9[%get3A_159, %get3A_160] {strides = array<i32>} : memref<8x384xf32, #tpu.memory_space<vmem>>, vector<1x16xf32>,
      %get3A_162 = vector.shape_cast %get3A_161 : vector<1x16xf32> to vector<16xf32>
      %get3A_163 = arith.index_cast %scan3A_19 : i32 to index
      %get3A_164 = arith.constant 128 : index
      %get3A_165 = tpu.vector_load %arg8[%get3A_163, %get3A_164] {strides = array<i32>} : memref<8x384xf32, #tpu.memory_space<vmem>>, vector<1x16xf32>,
      %get3A_166 = vector.shape_cast %get3A_165 : vector<1x16xf32> to vector<16xf32>
      %mul3A_167 = arith.mulf %get3A_22, %get3A_166 : vector<16xf32>
      %add3A_168 = arith.addf %get3A_162, %mul3A_167 : vector<16xf32>
      %swap3A_169 = arith.constant 0 : i32
      %swap3A_170 = arith.index_cast %swap3A_169 : i32 to index
      %swap3A_171 = arith.constant 128 : index
      %swap3A_172 = tpu.vector_load %arg9[%swap3A_170, %swap3A_171] {strides = array<i32>} : memref<8x384xf32, #tpu.memory_space<vmem>>, vector<1x16xf32>,
      %swap3A_173 = vector.shape_cast %swap3A_172 : vector<1x16xf32> to vector<16xf32>
      %swap3A_174 = vector.shape_cast %add3A_168 : vector<16xf32> to vector<1x16xf32>
      tpu.vector_store %arg9[%swap3A_170, %swap3A_171], %swap3A_174 {strides = array<i32>} : memref<8x384xf32, #tpu.memory_space<vmem>>, vector<1x16xf32>,
      %get3A_175 = arith.constant 0 : i32
      %get3A_176 = arith.index_cast %get3A_175 : i32 to index
      %get3A_177 = arith.constant 144 : index
      %get3A_178 = tpu.vector_load %arg9[%get3A_176, %get3A_177] {strides = array<i32>} : memref<8x384xf32, #tpu.memory_space<vmem>>, vector<1x16xf32>,
      %get3A_179 = vector.shape_cast %get3A_178 : vector<1x16xf32> to vector<16xf32>
      %get3A_180 = arith.index_cast %scan3A_19 : i32 to index
      %get3A_181 = arith.constant 144 : index
      %get3A_182 = tpu.vector_load %arg8[%get3A_180, %get3A_181] {strides = array<i32>} : memref<8x384xf32, #tpu.memory_space<vmem>>, vector<1x16xf32>,
      %get3A_183 = vector.shape_cast %get3A_182 : vector<1x16xf32> to vector<16xf32>
      %mul3A_184 = arith.mulf %get3A_22, %get3A_183 : vector<16xf32>
      %add3A_185 = arith.addf %get3A_179, %mul3A_184 : vector<16xf32>
      %swap3A_186 = arith.constant 0 : i32
      %swap3A_187 = arith.index_cast %swap3A_186 : i32 to index
      %swap3A_188 = arith.constant 144 : index
      %swap3A_189 = tpu.vector_load %arg9[%swap3A_187, %swap3A_188] {strides = array<i32>} : memref<8x384xf32, #tpu.memory_space<vmem>>, vector<1x16xf32>,
      %swap3A_190 = vector.shape_cast %swap3A_189 : vector<1x16xf32> to vector<16xf32>
      %swap3A_191 = vector.shape_cast %add3A_185 : vector<16xf32> to vector<1x16xf32>
      tpu.vector_store %arg9[%swap3A_187, %swap3A_188], %swap3A_191 {strides = array<i32>} : memref<8x384xf32, #tpu.memory_space<vmem>>, vector<1x16xf32>,
      %get3A_192 = arith.constant 0 : i32
      %get3A_193 = arith.index_cast %get3A_192 : i32 to index
      %get3A_194 = arith.constant 160 : index
      %get3A_195 = tpu.vector_load %arg9[%get3A_193, %get3A_194] {strides = array<i32>} : memref<8x384xf32, #tpu.memory_space<vmem>>, vector<1x16xf32>,
      %get3A_196 = vector.shape_cast %get3A_195 : vector<1x16xf32> to vector<16xf32>
      %get3A_197 = arith.index_cast %scan3A_19 : i32 to index
      %get3A_198 = arith.constant 160 : index
      %get3A_199 = tpu.vector_load %arg8[%get3A_197, %get3A_198] {strides = array<i32>} : memref<8x384xf32, #tpu.memory_space<vmem>>, vector<1x16xf32>,
      %get3A_200 = vector.shape_cast %get3A_199 : vector<1x16xf32> to vector<16xf32>
      %mul3A_201 = arith.mulf %get3A_22, %get3A_200 : vector<16xf32>
      %add3A_202 = arith.addf %get3A_196, %mul3A_201 : vector<16xf32>
      %swap3A_203 = arith.constant 0 : i32
      %swap3A_204 = arith.index_cast %swap3A_203 : i32 to index
      %swap3A_205 = arith.constant 160 : index
      %swap3A_206 = tpu.vector_load %arg9[%swap3A_204, %swap3A_205] {strides = array<i32>} : memref<8x384xf32, #tpu.memory_space<vmem>>, vector<1x16xf32>,
      %swap3A_207 = vector.shape_cast %swap3A_206 : vector<1x16xf32> to vector<16xf32>
      %swap3A_208 = vector.shape_cast %add3A_202 : vector<16xf32> to vector<1x16xf32>
      tpu.vector_store %arg9[%swap3A_204, %swap3A_205], %swap3A_208 {strides = array<i32>} : memref<8x384xf32, #tpu.memory_space<vmem>>, vector<1x16xf32>,
      %get3A_209 = arith.constant 0 : i32
      %get3A_210 = arith.index_cast %get3A_209 : i32 to index
      %get3A_211 = arith.constant 176 : index
      %get3A_212 = tpu.vector_load %arg9[%get3A_210, %get3A_211] {strides = array<i32>} : memref<8x384xf32, #tpu.memory_space<vmem>>, vector<1x16xf32>,
      %get3A_213 = vector.shape_cast %get3A_212 : vector<1x16xf32> to vector<16xf32>
      %get3A_214 = arith.index_cast %scan3A_19 : i32 to index
      %get3A_215 = arith.constant 176 : index
      %get3A_216 = tpu.vector_load %arg8[%get3A_214, %get3A_215] {strides = array<i32>} : memref<8x384xf32, #tpu.memory_space<vmem>>, vector<1x16xf32>,
      %get3A_217 = vector.shape_cast %get3A_216 : vector<1x16xf32> to vector<16xf32>
      %mul3A_218 = arith.mulf %get3A_22, %get3A_217 : vector<16xf32>
      %add3A_219 = arith.addf %get3A_213, %mul3A_218 : vector<16xf32>
      %swap3A_220 = arith.constant 0 : i32
      %swap3A_221 = arith.index_cast %swap3A_220 : i32 to index
      %swap3A_222 = arith.constant 176 : index
      %swap3A_223 = tpu.vector_load %arg9[%swap3A_221, %swap3A_222] {strides = array<i32>} : memref<8x384xf32, #tpu.memory_space<vmem>>, vector<1x16xf32>,
      %swap3A_224 = vector.shape_cast %swap3A_223 : vector<1x16xf32> to vector<16xf32>
      %swap3A_225 = vector.shape_cast %add3A_219 : vector<16xf32> to vector<1x16xf32>
      tpu.vector_store %arg9[%swap3A_221, %swap3A_222], %swap3A_225 {strides = array<i32>} : memref<8x384xf32, #tpu.memory_space<vmem>>, vector<1x16xf32>,
      %get3A_226 = arith.constant 0 : i32
      %get3A_227 = arith.index_cast %get3A_226 : i32 to index
      %get3A_228 = arith.constant 192 : index
      %get3A_229 = tpu.vector_load %arg9[%get3A_227, %get3A_228] {strides = array<i32>} : memref<8x384xf32, #tpu.memory_space<vmem>>, vector<1x16xf32>,
      %get3A_230 = vector.shape_cast %get3A_229 : vector<1x16xf32> to vector<16xf32>
      %get3A_231 = arith.index_cast %scan3A_19 : i32 to index
      %get3A_232 = arith.constant 192 : index
      %get3A_233 = tpu.vector_load %arg8[%get3A_231, %get3A_232] {strides = array<i32>} : memref<8x384xf32, #tpu.memory_space<vmem>>, vector<1x16xf32>,
      %get3A_234 = vector.shape_cast %get3A_233 : vector<1x16xf32> to vector<16xf32>
      %mul3A_235 = arith.mulf %get3A_22, %get3A_234 : vector<16xf32>
      %add3A_236 = arith.addf %get3A_230, %mul3A_235 : vector<16xf32>
      %swap3A_237 = arith.constant 0 : i32
      %swap3A_238 = arith.index_cast %swap3A_237 : i32 to index
      %swap3A_239 = arith.constant 192 : index
      %swap3A_240 = tpu.vector_load %arg9[%swap3A_238, %swap3A_239] {strides = array<i32>} : memref<8x384xf32, #tpu.memory_space<vmem>>, vector<1x16xf32>,
      %swap3A_241 = vector.shape_cast %swap3A_240 : vector<1x16xf32> to vector<16xf32>
      %swap3A_242 = vector.shape_cast %add3A_236 : vector<16xf32> to vector<1x16xf32>
      tpu.vector_store %arg9[%swap3A_238, %swap3A_239], %swap3A_242 {strides = array<i32>} : memref<8x384xf32, #tpu.memory_space<vmem>>, vector<1x16xf32>,
      %get3A_243 = arith.constant 0 : i32
      %get3A_244 = arith.index_cast %get3A_243 : i32 to index
      %get3A_245 = arith.constant 208 : index
      %get3A_246 = tpu.vector_load %arg9[%get3A_244, %get3A_245] {strides = array<i32>} : memref<8x384xf32, #tpu.memory_space<vmem>>, vector<1x16xf32>,
      %get3A_247 = vector.shape_cast %get3A_246 : vector<1x16xf32> to vector<16xf32>
      %get3A_248 = arith.index_cast %scan3A_19 : i32 to index
      %get3A_249 = arith.constant 208 : index
      %get3A_250 = tpu.vector_load %arg8[%get3A_248, %get3A_249] {strides = array<i32>} : memref<8x384xf32, #tpu.memory_space<vmem>>, vector<1x16xf32>,
      %get3A_251 = vector.shape_cast %get3A_250 : vector<1x16xf32> to vector<16xf32>
      %mul3A_252 = arith.mulf %get3A_22, %get3A_251 : vector<16xf32>
      %add3A_253 = arith.addf %get3A_247, %mul3A_252 : vector<16xf32>
      %swap3A_254 = arith.constant 0 : i32
      %swap3A_255 = arith.index_cast %swap3A_254 : i32 to index
      %swap3A_256 = arith.constant 208 : index
      %swap3A_257 = tpu.vector_load %arg9[%swap3A_255, %swap3A_256] {strides = array<i32>} : memref<8x384xf32, #tpu.memory_space<vmem>>, vector<1x16xf32>,
      %swap3A_258 = vector.shape_cast %swap3A_257 : vector<1x16xf32> to vector<16xf32>
      %swap3A_259 = vector.shape_cast %add3A_253 : vector<16xf32> to vector<1x16xf32>
      tpu.vector_store %arg9[%swap3A_255, %swap3A_256], %swap3A_259 {strides = array<i32>} : memref<8x384xf32, #tpu.memory_space<vmem>>, vector<1x16xf32>,
      %get3A_260 = arith.constant 0 : i32
      %get3A_261 = arith.index_cast %get3A_260 : i32 to index
      %get3A_262 = arith.constant 224 : index
      %get3A_263 = tpu.vector_load %arg9[%get3A_261, %get3A_262] {strides = array<i32>} : memref<8x384xf32, #tpu.memory_space<vmem>>, vector<1x16xf32>,
      %get3A_264 = vector.shape_cast %get3A_263 : vector<1x16xf32> to vector<16xf32>
      %get3A_265 = arith.index_cast %scan3A_19 : i32 to index
      %get3A_266 = arith.constant 224 : index
      %get3A_267 = tpu.vector_load %arg8[%get3A_265, %get3A_266] {strides = array<i32>} : memref<8x384xf32, #tpu.memory_space<vmem>>, vector<1x16xf32>,
      %get3A_268 = vector.shape_cast %get3A_267 : vector<1x16xf32> to vector<16xf32>
      %mul3A_269 = arith.mulf %get3A_22, %get3A_268 : vector<16xf32>
      %add3A_270 = arith.addf %get3A_264, %mul3A_269 : vector<16xf32>
      %swap3A_271 = arith.constant 0 : i32
      %swap3A_272 = arith.index_cast %swap3A_271 : i32 to index
      %swap3A_273 = arith.constant 224 : index
      %swap3A_274 = tpu.vector_load %arg9[%swap3A_272, %swap3A_273] {strides = array<i32>} : memref<8x384xf32, #tpu.memory_space<vmem>>, vector<1x16xf32>,
      %swap3A_275 = vector.shape_cast %swap3A_274 : vector<1x16xf32> to vector<16xf32>
      %swap3A_276 = vector.shape_cast %add3A_270 : vector<16xf32> to vector<1x16xf32>
      tpu.vector_store %arg9[%swap3A_272, %swap3A_273], %swap3A_276 {strides = array<i32>} : memref<8x384xf32, #tpu.memory_space<vmem>>, vector<1x16xf32>,
      %get3A_277 = arith.constant 0 : i32
      %get3A_278 = arith.index_cast %get3A_277 : i32 to index
      %get3A_279 = arith.constant 240 : index
      %get3A_280 = tpu.vector_load %arg9[%get3A_278, %get3A_279] {strides = array<i32>} : memref<8x384xf32, #tpu.memory_space<vmem>>, vector<1x16xf32>,
      %get3A_281 = vector.shape_cast %get3A_280 : vector<1x16xf32> to vector<16xf32>
      %get3A_282 = arith.index_cast %scan3A_19 : i32 to index
      %get3A_283 = arith.constant 240 : index
      %get3A_284 = tpu.vector_load %arg8[%get3A_282, %get3A_283] {strides = array<i32>} : memref<8x384xf32, #tpu.memory_space<vmem>>, vector<1x16xf32>,
      %get3A_285 = vector.shape_cast %get3A_284 : vector<1x16xf32> to vector<16xf32>
      %mul3A_286 = arith.mulf %get3A_22, %get3A_285 : vector<16xf32>
      %add3A_287 = arith.addf %get3A_281, %mul3A_286 : vector<16xf32>
      %swap3A_288 = arith.constant 0 : i32
      %swap3A_289 = arith.index_cast %swap3A_288 : i32 to index
      %swap3A_290 = arith.constant 240 : index
      %swap3A_291 = tpu.vector_load %arg9[%swap3A_289, %swap3A_290] {strides = array<i32>} : memref<8x384xf32, #tpu.memory_space<vmem>>, vector<1x16xf32>,
      %swap3A_292 = vector.shape_cast %swap3A_291 : vector<1x16xf32> to vector<16xf32>
      %swap3A_293 = vector.shape_cast %add3A_287 : vector<16xf32> to vector<1x16xf32>
      tpu.vector_store %arg9[%swap3A_289, %swap3A_290], %swap3A_293 {strides = array<i32>} : memref<8x384xf32, #tpu.memory_space<vmem>>, vector<1x16xf32>,
      %get3A_294 = arith.constant 0 : i32
      %get3A_295 = arith.index_cast %get3A_294 : i32 to index
      %get3A_296 = arith.constant 256 : index
      %get3A_297 = tpu.vector_load %arg9[%get3A_295, %get3A_296] {strides = array<i32>} : memref<8x384xf32, #tpu.memory_space<vmem>>, vector<1x16xf32>,
      %get3A_298 = vector.shape_cast %get3A_297 : vector<1x16xf32> to vector<16xf32>
      %get3A_299 = arith.index_cast %scan3A_19 : i32 to index
      %get3A_300 = arith.constant 256 : index
      %get3A_301 = tpu.vector_load %arg8[%get3A_299, %get3A_300] {strides = array<i32>} : memref<8x384xf32, #tpu.memory_space<vmem>>, vector<1x16xf32>,
      %get3A_302 = vector.shape_cast %get3A_301 : vector<1x16xf32> to vector<16xf32>
      %mul3A_303 = arith.mulf %get3A_22, %get3A_302 : vector<16xf32>
      %add3A_304 = arith.addf %get3A_298, %mul3A_303 : vector<16xf32>
      %swap3A_305 = arith.constant 0 : i32
      %swap3A_306 = arith.index_cast %swap3A_305 : i32 to index
      %swap3A_307 = arith.constant 256 : index
      %swap3A_308 = tpu.vector_load %arg9[%swap3A_306, %swap3A_307] {strides = array<i32>} : memref<8x384xf32, #tpu.memory_space<vmem>>, vector<1x16xf32>,
      %swap3A_309 = vector.shape_cast %swap3A_308 : vector<1x16xf32> to vector<16xf32>
      %swap3A_310 = vector.shape_cast %add3A_304 : vector<16xf32> to vector<1x16xf32>
      tpu.vector_store %arg9[%swap3A_306, %swap3A_307], %swap3A_310 {strides = array<i32>} : memref<8x384xf32, #tpu.memory_space<vmem>>, vector<1x16xf32>,
      %get3A_311 = arith.constant 0 : i32
      %get3A_312 = arith.index_cast %get3A_311 : i32 to index
      %get3A_313 = arith.constant 272 : index
      %get3A_314 = tpu.vector_load %arg9[%get3A_312, %get3A_313] {strides = array<i32>} : memref<8x384xf32, #tpu.memory_space<vmem>>, vector<1x16xf32>,
      %get3A_315 = vector.shape_cast %get3A_314 : vector<1x16xf32> to vector<16xf32>
      %get3A_316 = arith.index_cast %scan3A_19 : i32 to index
      %get3A_317 = arith.constant 272 : index
      %get3A_318 = tpu.vector_load %arg8[%get3A_316, %get3A_317] {strides = array<i32>} : memref<8x384xf32, #tpu.memory_space<vmem>>, vector<1x16xf32>,
      %get3A_319 = vector.shape_cast %get3A_318 : vector<1x16xf32> to vector<16xf32>
      %mul3A_320 = arith.mulf %get3A_22, %get3A_319 : vector<16xf32>
      %add3A_321 = arith.addf %get3A_315, %mul3A_320 : vector<16xf32>
      %swap3A_322 = arith.constant 0 : i32
      %swap3A_323 = arith.index_cast %swap3A_322 : i32 to index
      %swap3A_324 = arith.constant 272 : index
      %swap3A_325 = tpu.vector_load %arg9[%swap3A_323, %swap3A_324] {strides = array<i32>} : memref<8x384xf32, #tpu.memory_space<vmem>>, vector<1x16xf32>,
      %swap3A_326 = vector.shape_cast %swap3A_325 : vector<1x16xf32> to vector<16xf32>
      %swap3A_327 = vector.shape_cast %add3A_321 : vector<16xf32> to vector<1x16xf32>
      tpu.vector_store %arg9[%swap3A_323, %swap3A_324], %swap3A_327 {strides = array<i32>} : memref<8x384xf32, #tpu.memory_space<vmem>>, vector<1x16xf32>,
      %get3A_328 = arith.constant 0 : i32
      %get3A_329 = arith.index_cast %get3A_328 : i32 to index
      %get3A_330 = arith.constant 288 : index
      %get3A_331 = tpu.vector_load %arg9[%get3A_329, %get3A_330] {strides = array<i32>} : memref<8x384xf32, #tpu.memory_space<vmem>>, vector<1x16xf32>,
      %get3A_332 = vector.shape_cast %get3A_331 : vector<1x16xf32> to vector<16xf32>
      %get3A_333 = arith.index_cast %scan3A_19 : i32 to index
      %get3A_334 = arith.constant 288 : index
      %get3A_335 = tpu.vector_load %arg8[%get3A_333, %get3A_334] {strides = array<i32>} : memref<8x384xf32, #tpu.memory_space<vmem>>, vector<1x16xf32>,
      %get3A_336 = vector.shape_cast %get3A_335 : vector<1x16xf32> to vector<16xf32>
      %mul3A_337 = arith.mulf %get3A_22, %get3A_336 : vector<16xf32>
      %add3A_338 = arith.addf %get3A_332, %mul3A_337 : vector<16xf32>
      %swap3A_339 = arith.constant 0 : i32
      %swap3A_340 = arith.index_cast %swap3A_339 : i32 to index
      %swap3A_341 = arith.constant 288 : index
      %swap3A_342 = tpu.vector_load %arg9[%swap3A_340, %swap3A_341] {strides = array<i32>} : memref<8x384xf32, #tpu.memory_space<vmem>>, vector<1x16xf32>,
      %swap3A_343 = vector.shape_cast %swap3A_342 : vector<1x16xf32> to vector<16xf32>
      %swap3A_344 = vector.shape_cast %add3A_338 : vector<16xf32> to vector<1x16xf32>
      tpu.vector_store %arg9[%swap3A_340, %swap3A_341], %swap3A_344 {strides = array<i32>} : memref<8x384xf32, #tpu.memory_space<vmem>>, vector<1x16xf32>,
      %get3A_345 = arith.constant 0 : i32
      %get3A_346 = arith.index_cast %get3A_345 : i32 to index
      %get3A_347 = arith.constant 304 : index
      %get3A_348 = tpu.vector_load %arg9[%get3A_346, %get3A_347] {strides = array<i32>} : memref<8x384xf32, #tpu.memory_space<vmem>>, vector<1x16xf32>,
      %get3A_349 = vector.shape_cast %get3A_348 : vector<1x16xf32> to vector<16xf32>
      %get3A_350 = arith.index_cast %scan3A_19 : i32 to index
      %get3A_351 = arith.constant 304 : index
      %get3A_352 = tpu.vector_load %arg8[%get3A_350, %get3A_351] {strides = array<i32>} : memref<8x384xf32, #tpu.memory_space<vmem>>, vector<1x16xf32>,
      %get3A_353 = vector.shape_cast %get3A_352 : vector<1x16xf32> to vector<16xf32>
      %mul3A_354 = arith.mulf %get3A_22, %get3A_353 : vector<16xf32>
      %add3A_355 = arith.addf %get3A_349, %mul3A_354 : vector<16xf32>
      %swap3A_356 = arith.constant 0 : i32
      %swap3A_357 = arith.index_cast %swap3A_356 : i32 to index
      %swap3A_358 = arith.constant 304 : index
      %swap3A_359 = tpu.vector_load %arg9[%swap3A_357, %swap3A_358] {strides = array<i32>} : memref<8x384xf32, #tpu.memory_space<vmem>>, vector<1x16xf32>,
      %swap3A_360 = vector.shape_cast %swap3A_359 : vector<1x16xf32> to vector<16xf32>
      %swap3A_361 = vector.shape_cast %add3A_355 : vector<16xf32> to vector<1x16xf32>
      tpu.vector_store %arg9[%swap3A_357, %swap3A_358], %swap3A_361 {strides = array<i32>} : memref<8x384xf32, #tpu.memory_space<vmem>>, vector<1x16xf32>,
      %get3A_362 = arith.constant 0 : i32
      %get3A_363 = arith.index_cast %get3A_362 : i32 to index
      %get3A_364 = arith.constant 320 : index
      %get3A_365 = tpu.vector_load %arg9[%get3A_363, %get3A_364] {strides = array<i32>} : memref<8x384xf32, #tpu.memory_space<vmem>>, vector<1x16xf32>,
      %get3A_366 = vector.shape_cast %get3A_365 : vector<1x16xf32> to vector<16xf32>
      %get3A_367 = arith.index_cast %scan3A_19 : i32 to index
      %get3A_368 = arith.constant 320 : index
      %get3A_369 = tpu.vector_load %arg8[%get3A_367, %get3A_368] {strides = array<i32>} : memref<8x384xf32, #tpu.memory_space<vmem>>, vector<1x16xf32>,
      %get3A_370 = vector.shape_cast %get3A_369 : vector<1x16xf32> to vector<16xf32>
      %mul3A_371 = arith.mulf %get3A_22, %get3A_370 : vector<16xf32>
      %add3A_372 = arith.addf %get3A_366, %mul3A_371 : vector<16xf32>
      %swap3A_373 = arith.constant 0 : i32
      %swap3A_374 = arith.index_cast %swap3A_373 : i32 to index
      %swap3A_375 = arith.constant 320 : index
      %swap3A_376 = tpu.vector_load %arg9[%swap3A_374, %swap3A_375] {strides = array<i32>} : memref<8x384xf32, #tpu.memory_space<vmem>>, vector<1x16xf32>,
      %swap3A_377 = vector.shape_cast %swap3A_376 : vector<1x16xf32> to vector<16xf32>
      %swap3A_378 = vector.shape_cast %add3A_372 : vector<16xf32> to vector<1x16xf32>
      tpu.vector_store %arg9[%swap3A_374, %swap3A_375], %swap3A_378 {strides = array<i32>} : memref<8x384xf32, #tpu.memory_space<vmem>>, vector<1x16xf32>,
      %get3A_379 = arith.constant 0 : i32
      %get3A_380 = arith.index_cast %get3A_379 : i32 to index
      %get3A_381 = arith.constant 336 : index
      %get3A_382 = tpu.vector_load %arg9[%get3A_380, %get3A_381] {strides = array<i32>} : memref<8x384xf32, #tpu.memory_space<vmem>>, vector<1x16xf32>,
      %get3A_383 = vector.shape_cast %get3A_382 : vector<1x16xf32> to vector<16xf32>
      %get3A_384 = arith.index_cast %scan3A_19 : i32 to index
      %get3A_385 = arith.constant 336 : index
      %get3A_386 = tpu.vector_load %arg8[%get3A_384, %get3A_385] {strides = array<i32>} : memref<8x384xf32, #tpu.memory_space<vmem>>, vector<1x16xf32>,
      %get3A_387 = vector.shape_cast %get3A_386 : vector<1x16xf32> to vector<16xf32>
      %mul3A_388 = arith.mulf %get3A_22, %get3A_387 : vector<16xf32>
      %add3A_389 = arith.addf %get3A_383, %mul3A_388 : vector<16xf32>
      %swap3A_390 = arith.constant 0 : i32
      %swap3A_391 = arith.index_cast %swap3A_390 : i32 to index
      %swap3A_392 = arith.constant 336 : index
      %swap3A_393 = tpu.vector_load %arg9[%swap3A_391, %swap3A_392] {strides = array<i32>} : memref<8x384xf32, #tpu.memory_space<vmem>>, vector<1x16xf32>,
      %swap3A_394 = vector.shape_cast %swap3A_393 : vector<1x16xf32> to vector<16xf32>
      %swap3A_395 = vector.shape_cast %add3A_389 : vector<16xf32> to vector<1x16xf32>
      tpu.vector_store %arg9[%swap3A_391, %swap3A_392], %swap3A_395 {strides = array<i32>} : memref<8x384xf32, #tpu.memory_space<vmem>>, vector<1x16xf32>,
      %get3A_396 = arith.constant 0 : i32
      %get3A_397 = arith.index_cast %get3A_396 : i32 to index
      %get3A_398 = arith.constant 352 : index
      %get3A_399 = tpu.vector_load %arg9[%get3A_397, %get3A_398] {strides = array<i32>} : memref<8x384xf32, #tpu.memory_space<vmem>>, vector<1x16xf32>,
      %get3A_400 = vector.shape_cast %get3A_399 : vector<1x16xf32> to vector<16xf32>
      %get3A_401 = arith.index_cast %scan3A_19 : i32 to index
      %get3A_402 = arith.constant 352 : index
      %get3A_403 = tpu.vector_load %arg8[%get3A_401, %get3A_402] {strides = array<i32>} : memref<8x384xf32, #tpu.memory_space<vmem>>, vector<1x16xf32>,
      %get3A_404 = vector.shape_cast %get3A_403 : vector<1x16xf32> to vector<16xf32>
      %mul3A_405 = arith.mulf %get3A_22, %get3A_404 : vector<16xf32>
      %add3A_406 = arith.addf %get3A_400, %mul3A_405 : vector<16xf32>
      %swap3A_407 = arith.constant 0 : i32
      %swap3A_408 = arith.index_cast %swap3A_407 : i32 to index
      %swap3A_409 = arith.constant 352 : index
      %swap3A_410 = tpu.vector_load %arg9[%swap3A_408, %swap3A_409] {strides = array<i32>} : memref<8x384xf32, #tpu.memory_space<vmem>>, vector<1x16xf32>,
      %swap3A_411 = vector.shape_cast %swap3A_410 : vector<1x16xf32> to vector<16xf32>
      %swap3A_412 = vector.shape_cast %add3A_406 : vector<16xf32> to vector<1x16xf32>
      tpu.vector_store %arg9[%swap3A_408, %swap3A_409], %swap3A_412 {strides = array<i32>} : memref<8x384xf32, #tpu.memory_space<vmem>>, vector<1x16xf32>,
      %get3A_413 = arith.constant 0 : i32
      %get3A_414 = arith.index_cast %get3A_413 : i32 to index
      %get3A_415 = arith.constant 368 : index
      %get3A_416 = tpu.vector_load %arg9[%get3A_414, %get3A_415] {strides = array<i32>} : memref<8x384xf32, #tpu.memory_space<vmem>>, vector<1x16xf32>,
      %get3A_417 = vector.shape_cast %get3A_416 : vector<1x16xf32> to vector<16xf32>
      %get3A_418 = arith.index_cast %scan3A_19 : i32 to index
      %get3A_419 = arith.constant 368 : index
      %get3A_420 = tpu.vector_load %arg8[%get3A_418, %get3A_419] {strides = array<i32>} : memref<8x384xf32, #tpu.memory_space<vmem>>, vector<1x16xf32>,
      %get3A_421 = vector.shape_cast %get3A_420 : vector<1x16xf32> to vector<16xf32>
      %mul3A_422 = arith.mulf %get3A_22, %get3A_421 : vector<16xf32>
      %add3A_423 = arith.addf %get3A_417, %mul3A_422 : vector<16xf32>
      %swap3A_424 = arith.constant 0 : i32
      %swap3A_425 = arith.index_cast %swap3A_424 : i32 to index
      %swap3A_426 = arith.constant 368 : index
      %swap3A_427 = tpu.vector_load %arg9[%swap3A_425, %swap3A_426] {strides = array<i32>} : memref<8x384xf32, #tpu.memory_space<vmem>>, vector<1x16xf32>,
      %swap3A_428 = vector.shape_cast %swap3A_427 : vector<1x16xf32> to vector<16xf32>
      %swap3A_429 = vector.shape_cast %add3A_423 : vector<16xf32> to vector<1x16xf32>
      tpu.vector_store %arg9[%swap3A_425, %swap3A_426], %swap3A_429 {strides = array<i32>} : memref<8x384xf32, #tpu.memory_space<vmem>>, vector<1x16xf32>,
      %get3A_430 = arith.index_cast %scan3A_19 : i32 to index
      %get3A_431 = arith.constant 16 : index
      %get3A_432 = tpu.vector_load %arg7[%get3A_430, %get3A_431] {strides = array<i32>} : memref<8x128xf32, #tpu.memory_space<vmem>>, vector<1x16xf32>,
      %get3A_433 = vector.shape_cast %get3A_432 : vector<1x16xf32> to vector<16xf32>
      %get3A_434 = arith.constant 1 : i32
      %get3A_435 = arith.index_cast %get3A_434 : i32 to index
      %get3A_436 = arith.constant 0 : index
      %get3A_437 = tpu.vector_load %arg9[%get3A_435, %get3A_436] {strides = array<i32>} : memref<8x384xf32, #tpu.memory_space<vmem>>, vector<1x16xf32>,
      %get3A_438 = vector.shape_cast %get3A_437 : vector<1x16xf32> to vector<16xf32>
      %get3A_439 = arith.index_cast %scan3A_19 : i32 to index
      %get3A_440 = arith.constant 0 : index
      %get3A_441 = tpu.vector_load %arg8[%get3A_439, %get3A_440] {strides = array<i32>} : memref<8x384xf32, #tpu.memory_space<vmem>>, vector<1x16xf32>,
      %get3A_442 = vector.shape_cast %get3A_441 : vector<1x16xf32> to vector<16xf32>
      %mul3A_443 = arith.mulf %get3A_433, %get3A_442 : vector<16xf32>
      %add3A_444 = arith.addf %get3A_438, %mul3A_443 : vector<16xf32>
      %swap3A_445 = arith.constant 1 : i32
      %swap3A_446 = arith.index_cast %swap3A_445 : i32 to index
      %swap3A_447 = arith.constant 0 : index
      %swap3A_448 = tpu.vector_load %arg9[%swap3A_446, %swap3A_447] {strides = array<i32>} : memref<8x384xf32, #tpu.memory_space<vmem>>, vector<1x16xf32>,
      %swap3A_449 = vector.shape_cast %swap3A_448 : vector<1x16xf32> to vector<16xf32>
      %swap3A_450 = vector.shape_cast %add3A_444 : vector<16xf32> to vector<1x16xf32>
      tpu.vector_store %arg9[%swap3A_446, %swap3A_447], %swap3A_450 {strides = array<i32>} : memref<8x384xf32, #tpu.memory_space<vmem>>, vector<1x16xf32>,
      %get3A_451 = arith.constant 1 : i32
      %get3A_452 = arith.index_cast %get3A_451 : i32 to index
      %get3A_453 = arith.constant 16 : index
      %get3A_454 = tpu.vector_load %arg9[%get3A_452, %get3A_453] {strides = array<i32>} : memref<8x384xf32, #tpu.memory_space<vmem>>, vector<1x16xf32>,
      %get3A_455 = vector.shape_cast %get3A_454 : vector<1x16xf32> to vector<16xf32>
      %get3A_456 = arith.index_cast %scan3A_19 : i32 to index
      %get3A_457 = arith.constant 16 : index
      %get3A_458 = tpu.vector_load %arg8[%get3A_456, %get3A_457] {strides = array<i32>} : memref<8x384xf32, #tpu.memory_space<vmem>>, vector<1x16xf32>,
      %get3A_459 = vector.shape_cast %get3A_458 : vector<1x16xf32> to vector<16xf32>
      %mul3A_460 = arith.mulf %get3A_433, %get3A_459 : vector<16xf32>
      %add3A_461 = arith.addf %get3A_455, %mul3A_460 : vector<16xf32>
      %swap3A_462 = arith.constant 1 : i32
      %swap3A_463 = arith.index_cast %swap3A_462 : i32 to index
      %swap3A_464 = arith.constant 16 : index
      %swap3A_465 = tpu.vector_load %arg9[%swap3A_463, %swap3A_464] {strides = array<i32>} : memref<8x384xf32, #tpu.memory_space<vmem>>, vector<1x16xf32>,
      %swap3A_466 = vector.shape_cast %swap3A_465 : vector<1x16xf32> to vector<16xf32>
      %swap3A_467 = vector.shape_cast %add3A_461 : vector<16xf32> to vector<1x16xf32>
      tpu.vector_store %arg9[%swap3A_463, %swap3A_464], %swap3A_467 {strides = array<i32>} : memref<8x384xf32, #tpu.memory_space<vmem>>, vector<1x16xf32>,
      %get3A_468 = arith.constant 1 : i32
      %get3A_469 = arith.index_cast %get3A_468 : i32 to index
      %get3A_470 = arith.constant 32 : index
      %get3A_471 = tpu.vector_load %arg9[%get3A_469, %get3A_470] {strides = array<i32>} : memref<8x384xf32, #tpu.memory_space<vmem>>, vector<1x16xf32>,
      %get3A_472 = vector.shape_cast %get3A_471 : vector<1x16xf32> to vector<16xf32>
      %get3A_473 = arith.index_cast %scan3A_19 : i32 to index
      %get3A_474 = arith.constant 32 : index
      %get3A_475 = tpu.vector_load %arg8[%get3A_473, %get3A_474] {strides = array<i32>} : memref<8x384xf32, #tpu.memory_space<vmem>>, vector<1x16xf32>,
      %get3A_476 = vector.shape_cast %get3A_475 : vector<1x16xf32> to vector<16xf32>
      %mul3A_477 = arith.mulf %get3A_433, %get3A_476 : vector<16xf32>
      %add3A_478 = arith.addf %get3A_472, %mul3A_477 : vector<16xf32>
      %swap3A_479 = arith.constant 1 : i32
      %swap3A_480 = arith.index_cast %swap3A_479 : i32 to index
      %swap3A_481 = arith.constant 32 : index
      %swap3A_482 = tpu.vector_load %arg9[%swap3A_480, %swap3A_481] {strides = array<i32>} : memref<8x384xf32, #tpu.memory_space<vmem>>, vector<1x16xf32>,
      %swap3A_483 = vector.shape_cast %swap3A_482 : vector<1x16xf32> to vector<16xf32>
      %swap3A_484 = vector.shape_cast %add3A_478 : vector<16xf32> to vector<1x16xf32>
      tpu.vector_store %arg9[%swap3A_480, %swap3A_481], %swap3A_484 {strides = array<i32>} : memref<8x384xf32, #tpu.memory_space<vmem>>, vector<1x16xf32>,
      %get3A_485 = arith.constant 1 : i32
      %get3A_486 = arith.index_cast %get3A_485 : i32 to index
      %get3A_487 = arith.constant 48 : index
      %get3A_488 = tpu.vector_load %arg9[%get3A_486, %get3A_487] {strides = array<i32>} : memref<8x384xf32, #tpu.memory_space<vmem>>, vector<1x16xf32>,
      %get3A_489 = vector.shape_cast %get3A_488 : vector<1x16xf32> to vector<16xf32>
      %get3A_490 = arith.index_cast %scan3A_19 : i32 to index
      %get3A_491 = arith.constant 48 : index
      %get3A_492 = tpu.vector_load %arg8[%get3A_490, %get3A_491] {strides = array<i32>} : memref<8x384xf32, #tpu.memory_space<vmem>>, vector<1x16xf32>,
      %get3A_493 = vector.shape_cast %get3A_492 : vector<1x16xf32> to vector<16xf32>
      %mul3A_494 = arith.mulf %get3A_433, %get3A_493 : vector<16xf32>
      %add3A_495 = arith.addf %get3A_489, %mul3A_494 : vector<16xf32>
      %swap3A_496 = arith.constant 1 : i32
      %swap3A_497 = arith.index_cast %swap3A_496 : i32 to index
      %swap3A_498 = arith.constant 48 : index
      %swap3A_499 = tpu.vector_load %arg9[%swap3A_497, %swap3A_498] {strides = array<i32>} : memref<8x384xf32, #tpu.memory_space<vmem>>, vector<1x16xf32>,
      %swap3A_500 = vector.shape_cast %swap3A_499 : vector<1x16xf32> to vector<16xf32>
      %swap3A_501 = vector.shape_cast %add3A_495 : vector<16xf32> to vector<1x16xf32>
      tpu.vector_store %arg9[%swap3A_497, %swap3A_498], %swap3A_501 {strides = array<i32>} : memref<8x384xf32, #tpu.memory_space<vmem>>, vector<1x16xf32>,
      %get3A_502 = arith.constant 1 : i32
      %get3A_503 = arith.index_cast %get3A_502 : i32 to index
      %get3A_504 = arith.constant 64 : index
      %get3A_505 = tpu.vector_load %arg9[%get3A_503, %get3A_504] {strides = array<i32>} : memref<8x384xf32, #tpu.memory_space<vmem>>, vector<1x16xf32>,
      %get3A_506 = vector.shape_cast %get3A_505 : vector<1x16xf32> to vector<16xf32>
      %get3A_507 = arith.index_cast %scan3A_19 : i32 to index
      %get3A_508 = arith.constant 64 : index
      %get3A_509 = tpu.vector_load %arg8[%get3A_507, %get3A_508] {strides = array<i32>} : memref<8x384xf32, #tpu.memory_space<vmem>>, vector<1x16xf32>,
      %get3A_510 = vector.shape_cast %get3A_509 : vector<1x16xf32> to vector<16xf32>
      %mul3A_511 = arith.mulf %get3A_433, %get3A_510 : vector<16xf32>
      %add3A_512 = arith.addf %get3A_506, %mul3A_511 : vector<16xf32>
      %swap3A_513 = arith.constant 1 : i32
      %swap3A_514 = arith.index_cast %swap3A_513 : i32 to index
      %swap3A_515 = arith.constant 64 : index
      %swap3A_516 = tpu.vector_load %arg9[%swap3A_514, %swap3A_515] {strides = array<i32>} : memref<8x384xf32, #tpu.memory_space<vmem>>, vector<1x16xf32>,
      %swap3A_517 = vector.shape_cast %swap3A_516 : vector<1x16xf32> to vector<16xf32>
      %swap3A_518 = vector.shape_cast %add3A_512 : vector<16xf32> to vector<1x16xf32>
      tpu.vector_store %arg9[%swap3A_514, %swap3A_515], %swap3A_518 {strides = array<i32>} : memref<8x384xf32, #tpu.memory_space<vmem>>, vector<1x16xf32>,
      %get3A_519 = arith.constant 1 : i32
      %get3A_520 = arith.index_cast %get3A_519 : i32 to index
      %get3A_521 = arith.constant 80 : index
      %get3A_522 = tpu.vector_load %arg9[%get3A_520, %get3A_521] {strides = array<i32>} : memref<8x384xf32, #tpu.memory_space<vmem>>, vector<1x16xf32>,
      %get3A_523 = vector.shape_cast %get3A_522 : vector<1x16xf32> to vector<16xf32>
      %get3A_524 = arith.index_cast %scan3A_19 : i32 to index
      %get3A_525 = arith.constant 80 : index
      %get3A_526 = tpu.vector_load %arg8[%get3A_524, %get3A_525] {strides = array<i32>} : memref<8x384xf32, #tpu.memory_space<vmem>>, vector<1x16xf32>,
      %get3A_527 = vector.shape_cast %get3A_526 : vector<1x16xf32> to vector<16xf32>
      %mul3A_528 = arith.mulf %get3A_433, %get3A_527 : vector<16xf32>
      %add3A_529 = arith.addf %get3A_523, %mul3A_528 : vector<16xf32>
      %swap3A_530 = arith.constant 1 : i32
      %swap3A_531 = arith.index_cast %swap3A_530 : i32 to index
      %swap3A_532 = arith.constant 80 : index
      %swap3A_533 = tpu.vector_load %arg9[%swap3A_531, %swap3A_532] {strides = array<i32>} : memref<8x384xf32, #tpu.memory_space<vmem>>, vector<1x16xf32>,
      %swap3A_534 = vector.shape_cast %swap3A_533 : vector<1x16xf32> to vector<16xf32>
      %swap3A_535 = vector.shape_cast %add3A_529 : vector<16xf32> to vector<1x16xf32>
      tpu.vector_store %arg9[%swap3A_531, %swap3A_532], %swap3A_535 {strides = array<i32>} : memref<8x384xf32, #tpu.memory_space<vmem>>, vector<1x16xf32>,
      %get3A_536 = arith.constant 1 : i32
      %get3A_537 = arith.index_cast %get3A_536 : i32 to index
      %get3A_538 = arith.constant 96 : index
      %get3A_539 = tpu.vector_load %arg9[%get3A_537, %get3A_538] {strides = array<i32>} : memref<8x384xf32, #tpu.memory_space<vmem>>, vector<1x16xf32>,
      %get3A_540 = vector.shape_cast %get3A_539 : vector<1x16xf32> to vector<16xf32>
      %get3A_541 = arith.index_cast %scan3A_19 : i32 to index
      %get3A_542 = arith.constant 96 : index
      %get3A_543 = tpu.vector_load %arg8[%get3A_541, %get3A_542] {strides = array<i32>} : memref<8x384xf32, #tpu.memory_space<vmem>>, vector<1x16xf32>,
      %get3A_544 = vector.shape_cast %get3A_543 : vector<1x16xf32> to vector<16xf32>
      %mul3A_545 = arith.mulf %get3A_433, %get3A_544 : vector<16xf32>
      %add3A_546 = arith.addf %get3A_540, %mul3A_545 : vector<16xf32>
      %swap3A_547 = arith.constant 1 : i32
      %swap3A_548 = arith.index_cast %swap3A_547 : i32 to index
      %swap3A_549 = arith.constant 96 : index
      %swap3A_550 = tpu.vector_load %arg9[%swap3A_548, %swap3A_549] {strides = array<i32>} : memref<8x384xf32, #tpu.memory_space<vmem>>, vector<1x16xf32>,
      %swap3A_551 = vector.shape_cast %swap3A_550 : vector<1x16xf32> to vector<16xf32>
      %swap3A_552 = vector.shape_cast %add3A_546 : vector<16xf32> to vector<1x16xf32>
      tpu.vector_store %arg9[%swap3A_548, %swap3A_549], %swap3A_552 {strides = array<i32>} : memref<8x384xf32, #tpu.memory_space<vmem>>, vector<1x16xf32>,
      %get3A_553 = arith.constant 1 : i32
      %get3A_554 = arith.index_cast %get3A_553 : i32 to index
      %get3A_555 = arith.constant 112 : index
      %get3A_556 = tpu.vector_load %arg9[%get3A_554, %get3A_555] {strides = array<i32>} : memref<8x384xf32, #tpu.memory_space<vmem>>, vector<1x16xf32>,
      %get3A_557 = vector.shape_cast %get3A_556 : vector<1x16xf32> to vector<16xf32>
      %get3A_558 = arith.index_cast %scan3A_19 : i32 to index
      %get3A_559 = arith.constant 112 : index
      %get3A_560 = tpu.vector_load %arg8[%get3A_558, %get3A_559] {strides = array<i32>} : memref<8x384xf32, #tpu.memory_space<vmem>>, vector<1x16xf32>,
      %get3A_561 = vector.shape_cast %get3A_560 : vector<1x16xf32> to vector<16xf32>
      %mul3A_562 = arith.mulf %get3A_433, %get3A_561 : vector<16xf32>
      %add3A_563 = arith.addf %get3A_557, %mul3A_562 : vector<16xf32>
      %swap3A_564 = arith.constant 1 : i32
      %swap3A_565 = arith.index_cast %swap3A_564 : i32 to index
      %swap3A_566 = arith.constant 112 : index
      %swap3A_567 = tpu.vector_load %arg9[%swap3A_565, %swap3A_566] {strides = array<i32>} : memref<8x384xf32, #tpu.memory_space<vmem>>, vector<1x16xf32>,
      %swap3A_568 = vector.shape_cast %swap3A_567 : vector<1x16xf32> to vector<16xf32>
      %swap3A_569 = vector.shape_cast %add3A_563 : vector<16xf32> to vector<1x16xf32>
      tpu.vector_store %arg9[%swap3A_565, %swap3A_566], %swap3A_569 {strides = array<i32>} : memref<8x384xf32, #tpu.memory_space<vmem>>, vector<1x16xf32>,
      %get3A_570 = arith.constant 1 : i32
      %get3A_571 = arith.index_cast %get3A_570 : i32 to index
      %get3A_572 = arith.constant 128 : index
      %get3A_573 = tpu.vector_load %arg9[%get3A_571, %get3A_572] {strides = array<i32>} : memref<8x384xf32, #tpu.memory_space<vmem>>, vector<1x16xf32>,
      %get3A_574 = vector.shape_cast %get3A_573 : vector<1x16xf32> to vector<16xf32>
      %get3A_575 = arith.index_cast %scan3A_19 : i32 to index
      %get3A_576 = arith.constant 128 : index
      %get3A_577 = tpu.vector_load %arg8[%get3A_575, %get3A_576] {strides = array<i32>} : memref<8x384xf32, #tpu.memory_space<vmem>>, vector<1x16xf32>,
      %get3A_578 = vector.shape_cast %get3A_577 : vector<1x16xf32> to vector<16xf32>
      %mul3A_579 = arith.mulf %get3A_433, %get3A_578 : vector<16xf32>
      %add3A_580 = arith.addf %get3A_574, %mul3A_579 : vector<16xf32>
      %swap3A_581 = arith.constant 1 : i32
      %swap3A_582 = arith.index_cast %swap3A_581 : i32 to index
      %swap3A_583 = arith.constant 128 : index
      %swap3A_584 = tpu.vector_load %arg9[%swap3A_582, %swap3A_583] {strides = array<i32>} : memref<8x384xf32, #tpu.memory_space<vmem>>, vector<1x16xf32>,
      %swap3A_585 = vector.shape_cast %swap3A_584 : vector<1x16xf32> to vector<16xf32>
      %swap3A_586 = vector.shape_cast %add3A_580 : vector<16xf32> to vector<1x16xf32>
      tpu.vector_store %arg9[%swap3A_582, %swap3A_583], %swap3A_586 {strides = array<i32>} : memref<8x384xf32, #tpu.memory_space<vmem>>, vector<1x16xf32>,
      %get3A_587 = arith.constant 1 : i32
      %get3A_588 = arith.index_cast %get3A_587 : i32 to index
      %get3A_589 = arith.constant 144 : index
      %get3A_590 = tpu.vector_load %arg9[%get3A_588, %get3A_589] {strides = array<i32>} : memref<8x384xf32, #tpu.memory_space<vmem>>, vector<1x16xf32>,
      %get3A_591 = vector.shape_cast %get3A_590 : vector<1x16xf32> to vector<16xf32>
      %get3A_592 = arith.index_cast %scan3A_19 : i32 to index
      %get3A_593 = arith.constant 144 : index
      %get3A_594 = tpu.vector_load %arg8[%get3A_592, %get3A_593] {strides = array<i32>} : memref<8x384xf32, #tpu.memory_space<vmem>>, vector<1x16xf32>,
      %get3A_595 = vector.shape_cast %get3A_594 : vector<1x16xf32> to vector<16xf32>
      %mul3A_596 = arith.mulf %get3A_433, %get3A_595 : vector<16xf32>
      %add3A_597 = arith.addf %get3A_591, %mul3A_596 : vector<16xf32>
      %swap3A_598 = arith.constant 1 : i32
      %swap3A_599 = arith.index_cast %swap3A_598 : i32 to index
      %swap3A_600 = arith.constant 144 : index
      %swap3A_601 = tpu.vector_load %arg9[%swap3A_599, %swap3A_600] {strides = array<i32>} : memref<8x384xf32, #tpu.memory_space<vmem>>, vector<1x16xf32>,
      %swap3A_602 = vector.shape_cast %swap3A_601 : vector<1x16xf32> to vector<16xf32>
      %swap3A_603 = vector.shape_cast %add3A_597 : vector<16xf32> to vector<1x16xf32>
      tpu.vector_store %arg9[%swap3A_599, %swap3A_600], %swap3A_603 {strides = array<i32>} : memref<8x384xf32, #tpu.memory_space<vmem>>, vector<1x16xf32>,
      %get3A_604 = arith.constant 1 : i32
      %get3A_605 = arith.index_cast %get3A_604 : i32 to index
      %get3A_606 = arith.constant 160 : index
      %get3A_607 = tpu.vector_load %arg9[%get3A_605, %get3A_606] {strides = array<i32>} : memref<8x384xf32, #tpu.memory_space<vmem>>, vector<1x16xf32>,
      %get3A_608 = vector.shape_cast %get3A_607 : vector<1x16xf32> to vector<16xf32>
      %get3A_609 = arith.index_cast %scan3A_19 : i32 to index
      %get3A_610 = arith.constant 160 : index
      %get3A_611 = tpu.vector_load %arg8[%get3A_609, %get3A_610] {strides = array<i32>} : memref<8x384xf32, #tpu.memory_space<vmem>>, vector<1x16xf32>,
      %get3A_612 = vector.shape_cast %get3A_611 : vector<1x16xf32> to vector<16xf32>
      %mul3A_613 = arith.mulf %get3A_433, %get3A_612 : vector<16xf32>
      %add3A_614 = arith.addf %get3A_608, %mul3A_613 : vector<16xf32>
      %swap3A_615 = arith.constant 1 : i32
      %swap3A_616 = arith.index_cast %swap3A_615 : i32 to index
      %swap3A_617 = arith.constant 160 : index
      %swap3A_618 = tpu.vector_load %arg9[%swap3A_616, %swap3A_617] {strides = array<i32>} : memref<8x384xf32, #tpu.memory_space<vmem>>, vector<1x16xf32>,
      %swap3A_619 = vector.shape_cast %swap3A_618 : vector<1x16xf32> to vector<16xf32>
      %swap3A_620 = vector.shape_cast %add3A_614 : vector<16xf32> to vector<1x16xf32>
      tpu.vector_store %arg9[%swap3A_616, %swap3A_617], %swap3A_620 {strides = array<i32>} : memref<8x384xf32, #tpu.memory_space<vmem>>, vector<1x16xf32>,
      %get3A_621 = arith.constant 1 : i32
      %get3A_622 = arith.index_cast %get3A_621 : i32 to index
      %get3A_623 = arith.constant 176 : index
      %get3A_624 = tpu.vector_load %arg9[%get3A_622, %get3A_623] {strides = array<i32>} : memref<8x384xf32, #tpu.memory_space<vmem>>, vector<1x16xf32>,
      %get3A_625 = vector.shape_cast %get3A_624 : vector<1x16xf32> to vector<16xf32>
      %get3A_626 = arith.index_cast %scan3A_19 : i32 to index
      %get3A_627 = arith.constant 176 : index
      %get3A_628 = tpu.vector_load %arg8[%get3A_626, %get3A_627] {strides = array<i32>} : memref<8x384xf32, #tpu.memory_space<vmem>>, vector<1x16xf32>,
      %get3A_629 = vector.shape_cast %get3A_628 : vector<1x16xf32> to vector<16xf32>
      %mul3A_630 = arith.mulf %get3A_433, %get3A_629 : vector<16xf32>
      %add3A_631 = arith.addf %get3A_625, %mul3A_630 : vector<16xf32>
      %swap3A_632 = arith.constant 1 : i32
      %swap3A_633 = arith.index_cast %swap3A_632 : i32 to index
      %swap3A_634 = arith.constant 176 : index
      %swap3A_635 = tpu.vector_load %arg9[%swap3A_633, %swap3A_634] {strides = array<i32>} : memref<8x384xf32, #tpu.memory_space<vmem>>, vector<1x16xf32>,
      %swap3A_636 = vector.shape_cast %swap3A_635 : vector<1x16xf32> to vector<16xf32>
      %swap3A_637 = vector.shape_cast %add3A_631 : vector<16xf32> to vector<1x16xf32>
      tpu.vector_store %arg9[%swap3A_633, %swap3A_634], %swap3A_637 {strides = array<i32>} : memref<8x384xf32, #tpu.memory_space<vmem>>, vector<1x16xf32>,
      %get3A_638 = arith.constant 1 : i32
      %get3A_639 = arith.index_cast %get3A_638 : i32 to index
      %get3A_640 = arith.constant 192 : index
      %get3A_641 = tpu.vector_load %arg9[%get3A_639, %get3A_640] {strides = array<i32>} : memref<8x384xf32, #tpu.memory_space<vmem>>, vector<1x16xf32>,
      %get3A_642 = vector.shape_cast %get3A_641 : vector<1x16xf32> to vector<16xf32>
      %get3A_643 = arith.index_cast %scan3A_19 : i32 to index
      %get3A_644 = arith.constant 192 : index
      %get3A_645 = tpu.vector_load %arg8[%get3A_643, %get3A_644] {strides = array<i32>} : memref<8x384xf32, #tpu.memory_space<vmem>>, vector<1x16xf32>,
      %get3A_646 = vector.shape_cast %get3A_645 : vector<1x16xf32> to vector<16xf32>
      %mul3A_647 = arith.mulf %get3A_433, %get3A_646 : vector<16xf32>
      %add3A_648 = arith.addf %get3A_642, %mul3A_647 : vector<16xf32>
      %swap3A_649 = arith.constant 1 : i32
      %swap3A_650 = arith.index_cast %swap3A_649 : i32 to index
      %swap3A_651 = arith.constant 192 : index
      %swap3A_652 = tpu.vector_load %arg9[%swap3A_650, %swap3A_651] {strides = array<i32>} : memref<8x384xf32, #tpu.memory_space<vmem>>, vector<1x16xf32>,
      %swap3A_653 = vector.shape_cast %swap3A_652 : vector<1x16xf32> to vector<16xf32>
      %swap3A_654 = vector.shape_cast %add3A_648 : vector<16xf32> to vector<1x16xf32>
      tpu.vector_store %arg9[%swap3A_650, %swap3A_651], %swap3A_654 {strides = array<i32>} : memref<8x384xf32, #tpu.memory_space<vmem>>, vector<1x16xf32>,
      %get3A_655 = arith.constant 1 : i32
      %get3A_656 = arith.index_cast %get3A_655 : i32 to index
      %get3A_657 = arith.constant 208 : index
      %get3A_658 = tpu.vector_load %arg9[%get3A_656, %get3A_657] {strides = array<i32>} : memref<8x384xf32, #tpu.memory_space<vmem>>, vector<1x16xf32>,
      %get3A_659 = vector.shape_cast %get3A_658 : vector<1x16xf32> to vector<16xf32>
      %get3A_660 = arith.index_cast %scan3A_19 : i32 to index
      %get3A_661 = arith.constant 208 : index
      %get3A_662 = tpu.vector_load %arg8[%get3A_660, %get3A_661] {strides = array<i32>} : memref<8x384xf32, #tpu.memory_space<vmem>>, vector<1x16xf32>,
      %get3A_663 = vector.shape_cast %get3A_662 : vector<1x16xf32> to vector<16xf32>
      %mul3A_664 = arith.mulf %get3A_433, %get3A_663 : vector<16xf32>
      %add3A_665 = arith.addf %get3A_659, %mul3A_664 : vector<16xf32>
      %swap3A_666 = arith.constant 1 : i32
      %swap3A_667 = arith.index_cast %swap3A_666 : i32 to index
      %swap3A_668 = arith.constant 208 : index
      %swap3A_669 = tpu.vector_load %arg9[%swap3A_667, %swap3A_668] {strides = array<i32>} : memref<8x384xf32, #tpu.memory_space<vmem>>, vector<1x16xf32>,
      %swap3A_670 = vector.shape_cast %swap3A_669 : vector<1x16xf32> to vector<16xf32>
      %swap3A_671 = vector.shape_cast %add3A_665 : vector<16xf32> to vector<1x16xf32>
      tpu.vector_store %arg9[%swap3A_667, %swap3A_668], %swap3A_671 {strides = array<i32>} : memref<8x384xf32, #tpu.memory_space<vmem>>, vector<1x16xf32>,
      %get3A_672 = arith.constant 1 : i32
      %get3A_673 = arith.index_cast %get3A_672 : i32 to index
      %get3A_674 = arith.constant 224 : index
      %get3A_675 = tpu.vector_load %arg9[%get3A_673, %get3A_674] {strides = array<i32>} : memref<8x384xf32, #tpu.memory_space<vmem>>, vector<1x16xf32>,
      %get3A_676 = vector.shape_cast %get3A_675 : vector<1x16xf32> to vector<16xf32>
      %get3A_677 = arith.index_cast %scan3A_19 : i32 to index
      %get3A_678 = arith.constant 224 : index
      %get3A_679 = tpu.vector_load %arg8[%get3A_677, %get3A_678] {strides = array<i32>} : memref<8x384xf32, #tpu.memory_space<vmem>>, vector<1x16xf32>,
      %get3A_680 = vector.shape_cast %get3A_679 : vector<1x16xf32> to vector<16xf32>
      %mul3A_681 = arith.mulf %get3A_433, %get3A_680 : vector<16xf32>
      %add3A_682 = arith.addf %get3A_676, %mul3A_681 : vector<16xf32>
      %swap3A_683 = arith.constant 1 : i32
      %swap3A_684 = arith.index_cast %swap3A_683 : i32 to index
      %swap3A_685 = arith.constant 224 : index
      %swap3A_686 = tpu.vector_load %arg9[%swap3A_684, %swap3A_685] {strides = array<i32>} : memref<8x384xf32, #tpu.memory_space<vmem>>, vector<1x16xf32>,
      %swap3A_687 = vector.shape_cast %swap3A_686 : vector<1x16xf32> to vector<16xf32>
      %swap3A_688 = vector.shape_cast %add3A_682 : vector<16xf32> to vector<1x16xf32>
      tpu.vector_store %arg9[%swap3A_684, %swap3A_685], %swap3A_688 {strides = array<i32>} : memref<8x384xf32, #tpu.memory_space<vmem>>, vector<1x16xf32>,
      %get3A_689 = arith.constant 1 : i32
      %get3A_690 = arith.index_cast %get3A_689 : i32 to index
      %get3A_691 = arith.constant 240 : index
      %get3A_692 = tpu.vector_load %arg9[%get3A_690, %get3A_691] {strides = array<i32>} : memref<8x384xf32, #tpu.memory_space<vmem>>, vector<1x16xf32>,
      %get3A_693 = vector.shape_cast %get3A_692 : vector<1x16xf32> to vector<16xf32>
      %get3A_694 = arith.index_cast %scan3A_19 : i32 to index
      %get3A_695 = arith.constant 240 : index
      %get3A_696 = tpu.vector_load %arg8[%get3A_694, %get3A_695] {strides = array<i32>} : memref<8x384xf32, #tpu.memory_space<vmem>>, vector<1x16xf32>,
      %get3A_697 = vector.shape_cast %get3A_696 : vector<1x16xf32> to vector<16xf32>
      %mul3A_698 = arith.mulf %get3A_433, %get3A_697 : vector<16xf32>
      %add3A_699 = arith.addf %get3A_693, %mul3A_698 : vector<16xf32>
      %swap3A_700 = arith.constant 1 : i32
      %swap3A_701 = arith.index_cast %swap3A_700 : i32 to index
      %swap3A_702 = arith.constant 240 : index
      %swap3A_703 = tpu.vector_load %arg9[%swap3A_701, %swap3A_702] {strides = array<i32>} : memref<8x384xf32, #tpu.memory_space<vmem>>, vector<1x16xf32>,
      %swap3A_704 = vector.shape_cast %swap3A_703 : vector<1x16xf32> to vector<16xf32>
      %swap3A_705 = vector.shape_cast %add3A_699 : vector<16xf32> to vector<1x16xf32>
      tpu.vector_store %arg9[%swap3A_701, %swap3A_702], %swap3A_705 {strides = array<i32>} : memref<8x384xf32, #tpu.memory_space<vmem>>, vector<1x16xf32>,
      %get3A_706 = arith.constant 1 : i32
      %get3A_707 = arith.index_cast %get3A_706 : i32 to index
      %get3A_708 = arith.constant 256 : index
      %get3A_709 = tpu.vector_load %arg9[%get3A_707, %get3A_708] {strides = array<i32>} : memref<8x384xf32, #tpu.memory_space<vmem>>, vector<1x16xf32>,
      %get3A_710 = vector.shape_cast %get3A_709 : vector<1x16xf32> to vector<16xf32>
      %get3A_711 = arith.index_cast %scan3A_19 : i32 to index
      %get3A_712 = arith.constant 256 : index
      %get3A_713 = tpu.vector_load %arg8[%get3A_711, %get3A_712] {strides = array<i32>} : memref<8x384xf32, #tpu.memory_space<vmem>>, vector<1x16xf32>,
      %get3A_714 = vector.shape_cast %get3A_713 : vector<1x16xf32> to vector<16xf32>
      %mul3A_715 = arith.mulf %get3A_433, %get3A_714 : vector<16xf32>
      %add3A_716 = arith.addf %get3A_710, %mul3A_715 : vector<16xf32>
      %swap3A_717 = arith.constant 1 : i32
      %swap3A_718 = arith.index_cast %swap3A_717 : i32 to index
      %swap3A_719 = arith.constant 256 : index
      %swap3A_720 = tpu.vector_load %arg9[%swap3A_718, %swap3A_719] {strides = array<i32>} : memref<8x384xf32, #tpu.memory_space<vmem>>, vector<1x16xf32>,
      %swap3A_721 = vector.shape_cast %swap3A_720 : vector<1x16xf32> to vector<16xf32>
      %swap3A_722 = vector.shape_cast %add3A_716 : vector<16xf32> to vector<1x16xf32>
      tpu.vector_store %arg9[%swap3A_718, %swap3A_719], %swap3A_722 {strides = array<i32>} : memref<8x384xf32, #tpu.memory_space<vmem>>, vector<1x16xf32>,
      %get3A_723 = arith.constant 1 : i32
      %get3A_724 = arith.index_cast %get3A_723 : i32 to index
      %get3A_725 = arith.constant 272 : index
      %get3A_726 = tpu.vector_load %arg9[%get3A_724, %get3A_725] {strides = array<i32>} : memref<8x384xf32, #tpu.memory_space<vmem>>, vector<1x16xf32>,
      %get3A_727 = vector.shape_cast %get3A_726 : vector<1x16xf32> to vector<16xf32>
      %get3A_728 = arith.index_cast %scan3A_19 : i32 to index
      %get3A_729 = arith.constant 272 : index
      %get3A_730 = tpu.vector_load %arg8[%get3A_728, %get3A_729] {strides = array<i32>} : memref<8x384xf32, #tpu.memory_space<vmem>>, vector<1x16xf32>,
      %get3A_731 = vector.shape_cast %get3A_730 : vector<1x16xf32> to vector<16xf32>
      %mul3A_732 = arith.mulf %get3A_433, %get3A_731 : vector<16xf32>
      %add3A_733 = arith.addf %get3A_727, %mul3A_732 : vector<16xf32>
      %swap3A_734 = arith.constant 1 : i32
      %swap3A_735 = arith.index_cast %swap3A_734 : i32 to index
      %swap3A_736 = arith.constant 272 : index
      %swap3A_737 = tpu.vector_load %arg9[%swap3A_735, %swap3A_736] {strides = array<i32>} : memref<8x384xf32, #tpu.memory_space<vmem>>, vector<1x16xf32>,
      %swap3A_738 = vector.shape_cast %swap3A_737 : vector<1x16xf32> to vector<16xf32>
      %swap3A_739 = vector.shape_cast %add3A_733 : vector<16xf32> to vector<1x16xf32>
      tpu.vector_store %arg9[%swap3A_735, %swap3A_736], %swap3A_739 {strides = array<i32>} : memref<8x384xf32, #tpu.memory_space<vmem>>, vector<1x16xf32>,
      %get3A_740 = arith.constant 1 : i32
      %get3A_741 = arith.index_cast %get3A_740 : i32 to index
      %get3A_742 = arith.constant 288 : index
      %get3A_743 = tpu.vector_load %arg9[%get3A_741, %get3A_742] {strides = array<i32>} : memref<8x384xf32, #tpu.memory_space<vmem>>, vector<1x16xf32>,
      %get3A_744 = vector.shape_cast %get3A_743 : vector<1x16xf32> to vector<16xf32>
      %get3A_745 = arith.index_cast %scan3A_19 : i32 to index
      %get3A_746 = arith.constant 288 : index
      %get3A_747 = tpu.vector_load %arg8[%get3A_745, %get3A_746] {strides = array<i32>} : memref<8x384xf32, #tpu.memory_space<vmem>>, vector<1x16xf32>,
      %get3A_748 = vector.shape_cast %get3A_747 : vector<1x16xf32> to vector<16xf32>
      %mul3A_749 = arith.mulf %get3A_433, %get3A_748 : vector<16xf32>
      %add3A_750 = arith.addf %get3A_744, %mul3A_749 : vector<16xf32>
      %swap3A_751 = arith.constant 1 : i32
      %swap3A_752 = arith.index_cast %swap3A_751 : i32 to index
      %swap3A_753 = arith.constant 288 : index
      %swap3A_754 = tpu.vector_load %arg9[%swap3A_752, %swap3A_753] {strides = array<i32>} : memref<8x384xf32, #tpu.memory_space<vmem>>, vector<1x16xf32>,
      %swap3A_755 = vector.shape_cast %swap3A_754 : vector<1x16xf32> to vector<16xf32>
      %swap3A_756 = vector.shape_cast %add3A_750 : vector<16xf32> to vector<1x16xf32>
      tpu.vector_store %arg9[%swap3A_752, %swap3A_753], %swap3A_756 {strides = array<i32>} : memref<8x384xf32, #tpu.memory_space<vmem>>, vector<1x16xf32>,
      %get3A_757 = arith.constant 1 : i32
      %get3A_758 = arith.index_cast %get3A_757 : i32 to index
      %get3A_759 = arith.constant 304 : index
      %get3A_760 = tpu.vector_load %arg9[%get3A_758, %get3A_759] {strides = array<i32>} : memref<8x384xf32, #tpu.memory_space<vmem>>, vector<1x16xf32>,
      %get3A_761 = vector.shape_cast %get3A_760 : vector<1x16xf32> to vector<16xf32>
      %get3A_762 = arith.index_cast %scan3A_19 : i32 to index
      %get3A_763 = arith.constant 304 : index
      %get3A_764 = tpu.vector_load %arg8[%get3A_762, %get3A_763] {strides = array<i32>} : memref<8x384xf32, #tpu.memory_space<vmem>>, vector<1x16xf32>,
      %get3A_765 = vector.shape_cast %get3A_764 : vector<1x16xf32> to vector<16xf32>
      %mul3A_766 = arith.mulf %get3A_433, %get3A_765 : vector<16xf32>
      %add3A_767 = arith.addf %get3A_761, %mul3A_766 : vector<16xf32>
      %swap3A_768 = arith.constant 1 : i32
      %swap3A_769 = arith.index_cast %swap3A_768 : i32 to index
      %swap3A_770 = arith.constant 304 : index
      %swap3A_771 = tpu.vector_load %arg9[%swap3A_769, %swap3A_770] {strides = array<i32>} : memref<8x384xf32, #tpu.memory_space<vmem>>, vector<1x16xf32>,
      %swap3A_772 = vector.shape_cast %swap3A_771 : vector<1x16xf32> to vector<16xf32>
      %swap3A_773 = vector.shape_cast %add3A_767 : vector<16xf32> to vector<1x16xf32>
      tpu.vector_store %arg9[%swap3A_769, %swap3A_770], %swap3A_773 {strides = array<i32>} : memref<8x384xf32, #tpu.memory_space<vmem>>, vector<1x16xf32>,
      %get3A_774 = arith.constant 1 : i32
      %get3A_775 = arith.index_cast %get3A_774 : i32 to index
      %get3A_776 = arith.constant 320 : index
      %get3A_777 = tpu.vector_load %arg9[%get3A_775, %get3A_776] {strides = array<i32>} : memref<8x384xf32, #tpu.memory_space<vmem>>, vector<1x16xf32>,
      %get3A_778 = vector.shape_cast %get3A_777 : vector<1x16xf32> to vector<16xf32>
      %get3A_779 = arith.index_cast %scan3A_19 : i32 to index
      %get3A_780 = arith.constant 320 : index
      %get3A_781 = tpu.vector_load %arg8[%get3A_779, %get3A_780] {strides = array<i32>} : memref<8x384xf32, #tpu.memory_space<vmem>>, vector<1x16xf32>,
      %get3A_782 = vector.shape_cast %get3A_781 : vector<1x16xf32> to vector<16xf32>
      %mul3A_783 = arith.mulf %get3A_433, %get3A_782 : vector<16xf32>
      %add3A_784 = arith.addf %get3A_778, %mul3A_783 : vector<16xf32>
      %swap3A_785 = arith.constant 1 : i32
      %swap3A_786 = arith.index_cast %swap3A_785 : i32 to index
      %swap3A_787 = arith.constant 320 : index
      %swap3A_788 = tpu.vector_load %arg9[%swap3A_786, %swap3A_787] {strides = array<i32>} : memref<8x384xf32, #tpu.memory_space<vmem>>, vector<1x16xf32>,
      %swap3A_789 = vector.shape_cast %swap3A_788 : vector<1x16xf32> to vector<16xf32>
      %swap3A_790 = vector.shape_cast %add3A_784 : vector<16xf32> to vector<1x16xf32>
      tpu.vector_store %arg9[%swap3A_786, %swap3A_787], %swap3A_790 {strides = array<i32>} : memref<8x384xf32, #tpu.memory_space<vmem>>, vector<1x16xf32>,
      %get3A_791 = arith.constant 1 : i32
      %get3A_792 = arith.index_cast %get3A_791 : i32 to index
      %get3A_793 = arith.constant 336 : index
      %get3A_794 = tpu.vector_load %arg9[%get3A_792, %get3A_793] {strides = array<i32>} : memref<8x384xf32, #tpu.memory_space<vmem>>, vector<1x16xf32>,
      %get3A_795 = vector.shape_cast %get3A_794 : vector<1x16xf32> to vector<16xf32>
      %get3A_796 = arith.index_cast %scan3A_19 : i32 to index
      %get3A_797 = arith.constant 336 : index
      %get3A_798 = tpu.vector_load %arg8[%get3A_796, %get3A_797] {strides = array<i32>} : memref<8x384xf32, #tpu.memory_space<vmem>>, vector<1x16xf32>,
      %get3A_799 = vector.shape_cast %get3A_798 : vector<1x16xf32> to vector<16xf32>
      %mul3A_800 = arith.mulf %get3A_433, %get3A_799 : vector<16xf32>
      %add3A_801 = arith.addf %get3A_795, %mul3A_800 : vector<16xf32>
      %swap3A_802 = arith.constant 1 : i32
      %swap3A_803 = arith.index_cast %swap3A_802 : i32 to index
      %swap3A_804 = arith.constant 336 : index
      %swap3A_805 = tpu.vector_load %arg9[%swap3A_803, %swap3A_804] {strides = array<i32>} : memref<8x384xf32, #tpu.memory_space<vmem>>, vector<1x16xf32>,
      %swap3A_806 = vector.shape_cast %swap3A_805 : vector<1x16xf32> to vector<16xf32>
      %swap3A_807 = vector.shape_cast %add3A_801 : vector<16xf32> to vector<1x16xf32>
      tpu.vector_store %arg9[%swap3A_803, %swap3A_804], %swap3A_807 {strides = array<i32>} : memref<8x384xf32, #tpu.memory_space<vmem>>, vector<1x16xf32>,
      %get3A_808 = arith.constant 1 : i32
      %get3A_809 = arith.index_cast %get3A_808 : i32 to index
      %get3A_810 = arith.constant 352 : index
      %get3A_811 = tpu.vector_load %arg9[%get3A_809, %get3A_810] {strides = array<i32>} : memref<8x384xf32, #tpu.memory_space<vmem>>, vector<1x16xf32>,
      %get3A_812 = vector.shape_cast %get3A_811 : vector<1x16xf32> to vector<16xf32>
      %get3A_813 = arith.index_cast %scan3A_19 : i32 to index
      %get3A_814 = arith.constant 352 : index
      %get3A_815 = tpu.vector_load %arg8[%get3A_813, %get3A_814] {strides = array<i32>} : memref<8x384xf32, #tpu.memory_space<vmem>>, vector<1x16xf32>,
      %get3A_816 = vector.shape_cast %get3A_815 : vector<1x16xf32> to vector<16xf32>
      %mul3A_817 = arith.mulf %get3A_433, %get3A_816 : vector<16xf32>
      %add3A_818 = arith.addf %get3A_812, %mul3A_817 : vector<16xf32>
      %swap3A_819 = arith.constant 1 : i32
      %swap3A_820 = arith.index_cast %swap3A_819 : i32 to index
      %swap3A_821 = arith.constant 352 : index
      %swap3A_822 = tpu.vector_load %arg9[%swap3A_820, %swap3A_821] {strides = array<i32>} : memref<8x384xf32, #tpu.memory_space<vmem>>, vector<1x16xf32>,
      %swap3A_823 = vector.shape_cast %swap3A_822 : vector<1x16xf32> to vector<16xf32>
      %swap3A_824 = vector.shape_cast %add3A_818 : vector<16xf32> to vector<1x16xf32>
      tpu.vector_store %arg9[%swap3A_820, %swap3A_821], %swap3A_824 {strides = array<i32>} : memref<8x384xf32, #tpu.memory_space<vmem>>, vector<1x16xf32>,
      %get3A_825 = arith.constant 1 : i32
      %get3A_826 = arith.index_cast %get3A_825 : i32 to index
      %get3A_827 = arith.constant 368 : index
      %get3A_828 = tpu.vector_load %arg9[%get3A_826, %get3A_827] {strides = array<i32>} : memref<8x384xf32, #tpu.memory_space<vmem>>, vector<1x16xf32>,
      %get3A_829 = vector.shape_cast %get3A_828 : vector<1x16xf32> to vector<16xf32>
      %get3A_830 = arith.index_cast %scan3A_19 : i32 to index
      %get3A_831 = arith.constant 368 : index
      %get3A_832 = tpu.vector_load %arg8[%get3A_830, %get3A_831] {strides = array<i32>} : memref<8x384xf32, #tpu.memory_space<vmem>>, vector<1x16xf32>,
      %get3A_833 = vector.shape_cast %get3A_832 : vector<1x16xf32> to vector<16xf32>
      %mul3A_834 = arith.mulf %get3A_433, %get3A_833 : vector<16xf32>
      %add3A_835 = arith.addf %get3A_829, %mul3A_834 : vector<16xf32>
      %swap3A_836 = arith.constant 1 : i32
      %swap3A_837 = arith.index_cast %swap3A_836 : i32 to index
      %swap3A_838 = arith.constant 368 : index
      %swap3A_839 = tpu.vector_load %arg9[%swap3A_837, %swap3A_838] {strides = array<i32>} : memref<8x384xf32, #tpu.memory_space<vmem>>, vector<1x16xf32>,
      %swap3A_840 = vector.shape_cast %swap3A_839 : vector<1x16xf32> to vector<16xf32>
      %swap3A_841 = vector.shape_cast %add3A_835 : vector<16xf32> to vector<1x16xf32>
      tpu.vector_store %arg9[%swap3A_837, %swap3A_838], %swap3A_841 {strides = array<i32>} : memref<8x384xf32, #tpu.memory_space<vmem>>, vector<1x16xf32>,
      %get3A_842 = arith.index_cast %scan3A_19 : i32 to index
      %get3A_843 = arith.constant 32 : index
      %get3A_844 = tpu.vector_load %arg7[%get3A_842, %get3A_843] {strides = array<i32>} : memref<8x128xf32, #tpu.memory_space<vmem>>, vector<1x16xf32>,
      %get3A_845 = vector.shape_cast %get3A_844 : vector<1x16xf32> to vector<16xf32>
      %get3A_846 = arith.constant 2 : i32
      %get3A_847 = arith.index_cast %get3A_846 : i32 to index
      %get3A_848 = arith.constant 0 : index
      %get3A_849 = tpu.vector_load %arg9[%get3A_847, %get3A_848] {strides = array<i32>} : memref<8x384xf32, #tpu.memory_space<vmem>>, vector<1x16xf32>,
      %get3A_850 = vector.shape_cast %get3A_849 : vector<1x16xf32> to vector<16xf32>
      %get3A_851 = arith.index_cast %scan3A_19 : i32 to index
      %get3A_852 = arith.constant 0 : index
      %get3A_853 = tpu.vector_load %arg8[%get3A_851, %get3A_852] {strides = array<i32>} : memref<8x384xf32, #tpu.memory_space<vmem>>, vector<1x16xf32>,
      %get3A_854 = vector.shape_cast %get3A_853 : vector<1x16xf32> to vector<16xf32>
      %mul3A_855 = arith.mulf %get3A_845, %get3A_854 : vector<16xf32>
      %add3A_856 = arith.addf %get3A_850, %mul3A_855 : vector<16xf32>
      %swap3A_857 = arith.constant 2 : i32
      %swap3A_858 = arith.index_cast %swap3A_857 : i32 to index
      %swap3A_859 = arith.constant 0 : index
      %swap3A_860 = tpu.vector_load %arg9[%swap3A_858, %swap3A_859] {strides = array<i32>} : memref<8x384xf32, #tpu.memory_space<vmem>>, vector<1x16xf32>,
      %swap3A_861 = vector.shape_cast %swap3A_860 : vector<1x16xf32> to vector<16xf32>
      %swap3A_862 = vector.shape_cast %add3A_856 : vector<16xf32> to vector<1x16xf32>
      tpu.vector_store %arg9[%swap3A_858, %swap3A_859], %swap3A_862 {strides = array<i32>} : memref<8x384xf32, #tpu.memory_space<vmem>>, vector<1x16xf32>,
      %get3A_863 = arith.constant 2 : i32
      %get3A_864 = arith.index_cast %get3A_863 : i32 to index
      %get3A_865 = arith.constant 16 : index
      %get3A_866 = tpu.vector_load %arg9[%get3A_864, %get3A_865] {strides = array<i32>} : memref<8x384xf32, #tpu.memory_space<vmem>>, vector<1x16xf32>,
      %get3A_867 = vector.shape_cast %get3A_866 : vector<1x16xf32> to vector<16xf32>
      %get3A_868 = arith.index_cast %scan3A_19 : i32 to index
      %get3A_869 = arith.constant 16 : index
      %get3A_870 = tpu.vector_load %arg8[%get3A_868, %get3A_869] {strides = array<i32>} : memref<8x384xf32, #tpu.memory_space<vmem>>, vector<1x16xf32>,
      %get3A_871 = vector.shape_cast %get3A_870 : vector<1x16xf32> to vector<16xf32>
      %mul3A_872 = arith.mulf %get3A_845, %get3A_871 : vector<16xf32>
      %add3A_873 = arith.addf %get3A_867, %mul3A_872 : vector<16xf32>
      %swap3A_874 = arith.constant 2 : i32
      %swap3A_875 = arith.index_cast %swap3A_874 : i32 to index
      %swap3A_876 = arith.constant 16 : index
      %swap3A_877 = tpu.vector_load %arg9[%swap3A_875, %swap3A_876] {strides = array<i32>} : memref<8x384xf32, #tpu.memory_space<vmem>>, vector<1x16xf32>,
      %swap3A_878 = vector.shape_cast %swap3A_877 : vector<1x16xf32> to vector<16xf32>
      %swap3A_879 = vector.shape_cast %add3A_873 : vector<16xf32> to vector<1x16xf32>
      tpu.vector_store %arg9[%swap3A_875, %swap3A_876], %swap3A_879 {strides = array<i32>} : memref<8x384xf32, #tpu.memory_space<vmem>>, vector<1x16xf32>,
      %get3A_880 = arith.constant 2 : i32
      %get3A_881 = arith.index_cast %get3A_880 : i32 to index
      %get3A_882 = arith.constant 32 : index
      %get3A_883 = tpu.vector_load %arg9[%get3A_881, %get3A_882] {strides = array<i32>} : memref<8x384xf32, #tpu.memory_space<vmem>>, vector<1x16xf32>,
      %get3A_884 = vector.shape_cast %get3A_883 : vector<1x16xf32> to vector<16xf32>
      %get3A_885 = arith.index_cast %scan3A_19 : i32 to index
      %get3A_886 = arith.constant 32 : index
      %get3A_887 = tpu.vector_load %arg8[%get3A_885, %get3A_886] {strides = array<i32>} : memref<8x384xf32, #tpu.memory_space<vmem>>, vector<1x16xf32>,
      %get3A_888 = vector.shape_cast %get3A_887 : vector<1x16xf32> to vector<16xf32>
      %mul3A_889 = arith.mulf %get3A_845, %get3A_888 : vector<16xf32>
      %add3A_890 = arith.addf %get3A_884, %mul3A_889 : vector<16xf32>
      %swap3A_891 = arith.constant 2 : i32
      %swap3A_892 = arith.index_cast %swap3A_891 : i32 to index
      %swap3A_893 = arith.constant 32 : index
      %swap3A_894 = tpu.vector_load %arg9[%swap3A_892, %swap3A_893] {strides = array<i32>} : memref<8x384xf32, #tpu.memory_space<vmem>>, vector<1x16xf32>,
      %swap3A_895 = vector.shape_cast %swap3A_894 : vector<1x16xf32> to vector<16xf32>
      %swap3A_896 = vector.shape_cast %add3A_890 : vector<16xf32> to vector<1x16xf32>
      tpu.vector_store %arg9[%swap3A_892, %swap3A_893], %swap3A_896 {strides = array<i32>} : memref<8x384xf32, #tpu.memory_space<vmem>>, vector<1x16xf32>,
      %get3A_897 = arith.constant 2 : i32
      %get3A_898 = arith.index_cast %get3A_897 : i32 to index
      %get3A_899 = arith.constant 48 : index
      %get3A_900 = tpu.vector_load %arg9[%get3A_898, %get3A_899] {strides = array<i32>} : memref<8x384xf32, #tpu.memory_space<vmem>>, vector<1x16xf32>,
      %get3A_901 = vector.shape_cast %get3A_900 : vector<1x16xf32> to vector<16xf32>
      %get3A_902 = arith.index_cast %scan3A_19 : i32 to index
      %get3A_903 = arith.constant 48 : index
      %get3A_904 = tpu.vector_load %arg8[%get3A_902, %get3A_903] {strides = array<i32>} : memref<8x384xf32, #tpu.memory_space<vmem>>, vector<1x16xf32>,
      %get3A_905 = vector.shape_cast %get3A_904 : vector<1x16xf32> to vector<16xf32>
      %mul3A_906 = arith.mulf %get3A_845, %get3A_905 : vector<16xf32>
      %add3A_907 = arith.addf %get3A_901, %mul3A_906 : vector<16xf32>
      %swap3A_908 = arith.constant 2 : i32
      %swap3A_909 = arith.index_cast %swap3A_908 : i32 to index
      %swap3A_910 = arith.constant 48 : index
      %swap3A_911 = tpu.vector_load %arg9[%swap3A_909, %swap3A_910] {strides = array<i32>} : memref<8x384xf32, #tpu.memory_space<vmem>>, vector<1x16xf32>,
      %swap3A_912 = vector.shape_cast %swap3A_911 : vector<1x16xf32> to vector<16xf32>
      %swap3A_913 = vector.shape_cast %add3A_907 : vector<16xf32> to vector<1x16xf32>
      tpu.vector_store %arg9[%swap3A_909, %swap3A_910], %swap3A_913 {strides = array<i32>} : memref<8x384xf32, #tpu.memory_space<vmem>>, vector<1x16xf32>,
      %get3A_914 = arith.constant 2 : i32
      %get3A_915 = arith.index_cast %get3A_914 : i32 to index
      %get3A_916 = arith.constant 64 : index
      %get3A_917 = tpu.vector_load %arg9[%get3A_915, %get3A_916] {strides = array<i32>} : memref<8x384xf32, #tpu.memory_space<vmem>>, vector<1x16xf32>,
      %get3A_918 = vector.shape_cast %get3A_917 : vector<1x16xf32> to vector<16xf32>
      %get3A_919 = arith.index_cast %scan3A_19 : i32 to index
      %get3A_920 = arith.constant 64 : index
      %get3A_921 = tpu.vector_load %arg8[%get3A_919, %get3A_920] {strides = array<i32>} : memref<8x384xf32, #tpu.memory_space<vmem>>, vector<1x16xf32>,
      %get3A_922 = vector.shape_cast %get3A_921 : vector<1x16xf32> to vector<16xf32>
      %mul3A_923 = arith.mulf %get3A_845, %get3A_922 : vector<16xf32>
      %add3A_924 = arith.addf %get3A_918, %mul3A_923 : vector<16xf32>
      %swap3A_925 = arith.constant 2 : i32
      %swap3A_926 = arith.index_cast %swap3A_925 : i32 to index
      %swap3A_927 = arith.constant 64 : index
      %swap3A_928 = tpu.vector_load %arg9[%swap3A_926, %swap3A_927] {strides = array<i32>} : memref<8x384xf32, #tpu.memory_space<vmem>>, vector<1x16xf32>,
      %swap3A_929 = vector.shape_cast %swap3A_928 : vector<1x16xf32> to vector<16xf32>
      %swap3A_930 = vector.shape_cast %add3A_924 : vector<16xf32> to vector<1x16xf32>
      tpu.vector_store %arg9[%swap3A_926, %swap3A_927], %swap3A_930 {strides = array<i32>} : memref<8x384xf32, #tpu.memory_space<vmem>>, vector<1x16xf32>,
      %get3A_931 = arith.constant 2 : i32
      %get3A_932 = arith.index_cast %get3A_931 : i32 to index
      %get3A_933 = arith.constant 80 : index
      %get3A_934 = tpu.vector_load %arg9[%get3A_932, %get3A_933] {strides = array<i32>} : memref<8x384xf32, #tpu.memory_space<vmem>>, vector<1x16xf32>,
      %get3A_935 = vector.shape_cast %get3A_934 : vector<1x16xf32> to vector<16xf32>
      %get3A_936 = arith.index_cast %scan3A_19 : i32 to index
      %get3A_937 = arith.constant 80 : index
      %get3A_938 = tpu.vector_load %arg8[%get3A_936, %get3A_937] {strides = array<i32>} : memref<8x384xf32, #tpu.memory_space<vmem>>, vector<1x16xf32>,
      %get3A_939 = vector.shape_cast %get3A_938 : vector<1x16xf32> to vector<16xf32>
      %mul3A_940 = arith.mulf %get3A_845, %get3A_939 : vector<16xf32>
      %add3A_941 = arith.addf %get3A_935, %mul3A_940 : vector<16xf32>
      %swap3A_942 = arith.constant 2 : i32
      %swap3A_943 = arith.index_cast %swap3A_942 : i32 to index
      %swap3A_944 = arith.constant 80 : index
      %swap3A_945 = tpu.vector_load %arg9[%swap3A_943, %swap3A_944] {strides = array<i32>} : memref<8x384xf32, #tpu.memory_space<vmem>>, vector<1x16xf32>,
      %swap3A_946 = vector.shape_cast %swap3A_945 : vector<1x16xf32> to vector<16xf32>
      %swap3A_947 = vector.shape_cast %add3A_941 : vector<16xf32> to vector<1x16xf32>
      tpu.vector_store %arg9[%swap3A_943, %swap3A_944], %swap3A_947 {strides = array<i32>} : memref<8x384xf32, #tpu.memory_space<vmem>>, vector<1x16xf32>,
      %get3A_948 = arith.constant 2 : i32
      %get3A_949 = arith.index_cast %get3A_948 : i32 to index
      %get3A_950 = arith.constant 96 : index
      %get3A_951 = tpu.vector_load %arg9[%get3A_949, %get3A_950] {strides = array<i32>} : memref<8x384xf32, #tpu.memory_space<vmem>>, vector<1x16xf32>,
      %get3A_952 = vector.shape_cast %get3A_951 : vector<1x16xf32> to vector<16xf32>
      %get3A_953 = arith.index_cast %scan3A_19 : i32 to index
      %get3A_954 = arith.constant 96 : index
      %get3A_955 = tpu.vector_load %arg8[%get3A_953, %get3A_954] {strides = array<i32>} : memref<8x384xf32, #tpu.memory_space<vmem>>, vector<1x16xf32>,
      %get3A_956 = vector.shape_cast %get3A_955 : vector<1x16xf32> to vector<16xf32>
      %mul3A_957 = arith.mulf %get3A_845, %get3A_956 : vector<16xf32>
      %add3A_958 = arith.addf %get3A_952, %mul3A_957 : vector<16xf32>
      %swap3A_959 = arith.constant 2 : i32
      %swap3A_960 = arith.index_cast %swap3A_959 : i32 to index
      %swap3A_961 = arith.constant 96 : index
      %swap3A_962 = tpu.vector_load %arg9[%swap3A_960, %swap3A_961] {strides = array<i32>} : memref<8x384xf32, #tpu.memory_space<vmem>>, vector<1x16xf32>,
      %swap3A_963 = vector.shape_cast %swap3A_962 : vector<1x16xf32> to vector<16xf32>
      %swap3A_964 = vector.shape_cast %add3A_958 : vector<16xf32> to vector<1x16xf32>
      tpu.vector_store %arg9[%swap3A_960, %swap3A_961], %swap3A_964 {strides = array<i32>} : memref<8x384xf32, #tpu.memory_space<vmem>>, vector<1x16xf32>,
      %get3A_965 = arith.constant 2 : i32
      %get3A_966 = arith.index_cast %get3A_965 : i32 to index
      %get3A_967 = arith.constant 112 : index
      %get3A_968 = tpu.vector_load %arg9[%get3A_966, %get3A_967] {strides = array<i32>} : memref<8x384xf32, #tpu.memory_space<vmem>>, vector<1x16xf32>,
      %get3A_969 = vector.shape_cast %get3A_968 : vector<1x16xf32> to vector<16xf32>
      %get3A_970 = arith.index_cast %scan3A_19 : i32 to index
      %get3A_971 = arith.constant 112 : index
      %get3A_972 = tpu.vector_load %arg8[%get3A_970, %get3A_971] {strides = array<i32>} : memref<8x384xf32, #tpu.memory_space<vmem>>, vector<1x16xf32>,
      %get3A_973 = vector.shape_cast %get3A_972 : vector<1x16xf32> to vector<16xf32>
      %mul3A_974 = arith.mulf %get3A_845, %get3A_973 : vector<16xf32>
      %add3A_975 = arith.addf %get3A_969, %mul3A_974 : vector<16xf32>
      %swap3A_976 = arith.constant 2 : i32
      %swap3A_977 = arith.index_cast %swap3A_976 : i32 to index
      %swap3A_978 = arith.constant 112 : index
      %swap3A_979 = tpu.vector_load %arg9[%swap3A_977, %swap3A_978] {strides = array<i32>} : memref<8x384xf32, #tpu.memory_space<vmem>>, vector<1x16xf32>,
      %swap3A_980 = vector.shape_cast %swap3A_979 : vector<1x16xf32> to vector<16xf32>
      %swap3A_981 = vector.shape_cast %add3A_975 : vector<16xf32> to vector<1x16xf32>
      tpu.vector_store %arg9[%swap3A_977, %swap3A_978], %swap3A_981 {strides = array<i32>} : memref<8x384xf32, #tpu.memory_space<vmem>>, vector<1x16xf32>,
      %get3A_982 = arith.constant 2 : i32
      %get3A_983 = arith.index_cast %get3A_982 : i32 to index
      %get3A_984 = arith.constant 128 : index
      %get3A_985 = tpu.vector_load %arg9[%get3A_983, %get3A_984] {strides = array<i32>} : memref<8x384xf32, #tpu.memory_space<vmem>>, vector<1x16xf32>,
      %get3A_986 = vector.shape_cast %get3A_985 : vector<1x16xf32> to vector<16xf32>
      %get3A_987 = arith.index_cast %scan3A_19 : i32 to index
      %get3A_988 = arith.constant 128 : index
      %get3A_989 = tpu.vector_load %arg8[%get3A_987, %get3A_988] {strides = array<i32>} : memref<8x384xf32, #tpu.memory_space<vmem>>, vector<1x16xf32>,
      %get3A_990 = vector.shape_cast %get3A_989 : vector<1x16xf32> to vector<16xf32>
      %mul3A_991 = arith.mulf %get3A_845, %get3A_990 : vector<16xf32>
      %add3A_992 = arith.addf %get3A_986, %mul3A_991 : vector<16xf32>
      %swap3A_993 = arith.constant 2 : i32
      %swap3A_994 = arith.index_cast %swap3A_993 : i32 to index
      %swap3A_995 = arith.constant 128 : index
      %swap3A_996 = tpu.vector_load %arg9[%swap3A_994, %swap3A_995] {strides = array<i32>} : memref<8x384xf32, #tpu.memory_space<vmem>>, vector<1x16xf32>,
      %swap3A_997 = vector.shape_cast %swap3A_996 : vector<1x16xf32> to vector<16xf32>
      %swap3A_998 = vector.shape_cast %add3A_992 : vector<16xf32> to vector<1x16xf32>
      tpu.vector_store %arg9[%swap3A_994, %swap3A_995], %swap3A_998 {strides = array<i32>} : memref<8x384xf32, #tpu.memory_space<vmem>>, vector<1x16xf32>,
      %get3A_999 = arith.constant 2 : i32
      %get3A_1000 = arith.index_cast %get3A_999 : i32 to index
      %get3A_1001 = arith.constant 144 : index
      %get3A_1002 = tpu.vector_load %arg9[%get3A_1000, %get3A_1001] {strides = array<i32>} : memref<8x384xf32, #tpu.memory_space<vmem>>, vector<1x16xf32>,
      %get3A_1003 = vector.shape_cast %get3A_1002 : vector<1x16xf32> to vector<16xf32>
      %get3A_1004 = arith.index_cast %scan3A_19 : i32 to index
      %get3A_1005 = arith.constant 144 : index
      %get3A_1006 = tpu.vector_load %arg8[%get3A_1004, %get3A_1005] {strides = array<i32>} : memref<8x384xf32, #tpu.memory_space<vmem>>, vector<1x16xf32>,
      %get3A_1007 = vector.shape_cast %get3A_1006 : vector<1x16xf32> to vector<16xf32>
      %mul3A_1008 = arith.mulf %get3A_845, %get3A_1007 : vector<16xf32>
      %add3A_1009 = arith.addf %get3A_1003, %mul3A_1008 : vector<16xf32>
      %swap3A_1010 = arith.constant 2 : i32
      %swap3A_1011 = arith.index_cast %swap3A_1010 : i32 to index
      %swap3A_1012 = arith.constant 144 : index
      %swap3A_1013 = tpu.vector_load %arg9[%swap3A_1011, %swap3A_1012] {strides = array<i32>} : memref<8x384xf32, #tpu.memory_space<vmem>>, vector<1x16xf32>,
      %swap3A_1014 = vector.shape_cast %swap3A_1013 : vector<1x16xf32> to vector<16xf32>
      %swap3A_1015 = vector.shape_cast %add3A_1009 : vector<16xf32> to vector<1x16xf32>
      tpu.vector_store %arg9[%swap3A_1011, %swap3A_1012], %swap3A_1015 {strides = array<i32>} : memref<8x384xf32, #tpu.memory_space<vmem>>, vector<1x16xf32>,
      %get3A_1016 = arith.constant 2 : i32
      %get3A_1017 = arith.index_cast %get3A_1016 : i32 to index
      %get3A_1018 = arith.constant 160 : index
      %get3A_1019 = tpu.vector_load %arg9[%get3A_1017, %get3A_1018] {strides = array<i32>} : memref<8x384xf32, #tpu.memory_space<vmem>>, vector<1x16xf32>,
      %get3A_1020 = vector.shape_cast %get3A_1019 : vector<1x16xf32> to vector<16xf32>
      %get3A_1021 = arith.index_cast %scan3A_19 : i32 to index
      %get3A_1022 = arith.constant 160 : index
      %get3A_1023 = tpu.vector_load %arg8[%get3A_1021, %get3A_1022] {strides = array<i32>} : memref<8x384xf32, #tpu.memory_space<vmem>>, vector<1x16xf32>,
      %get3A_1024 = vector.shape_cast %get3A_1023 : vector<1x16xf32> to vector<16xf32>
      %mul3A_1025 = arith.mulf %get3A_845, %get3A_1024 : vector<16xf32>
      %add3A_1026 = arith.addf %get3A_1020, %mul3A_1025 : vector<16xf32>
      %swap3A_1027 = arith.constant 2 : i32
      %swap3A_1028 = arith.index_cast %swap3A_1027 : i32 to index
      %swap3A_1029 = arith.constant 160 : index
      %swap3A_1030 = tpu.vector_load %arg9[%swap3A_1028, %swap3A_1029] {strides = array<i32>} : memref<8x384xf32, #tpu.memory_space<vmem>>, vector<1x16xf32>,
      %swap3A_1031 = vector.shape_cast %swap3A_1030 : vector<1x16xf32> to vector<16xf32>
      %swap3A_1032 = vector.shape_cast %add3A_1026 : vector<16xf32> to vector<1x16xf32>
      tpu.vector_store %arg9[%swap3A_1028, %swap3A_1029], %swap3A_1032 {strides = array<i32>} : memref<8x384xf32, #tpu.memory_space<vmem>>, vector<1x16xf32>,
      %get3A_1033 = arith.constant 2 : i32
      %get3A_1034 = arith.index_cast %get3A_1033 : i32 to index
      %get3A_1035 = arith.constant 176 : index
      %get3A_1036 = tpu.vector_load %arg9[%get3A_1034, %get3A_1035] {strides = array<i32>} : memref<8x384xf32, #tpu.memory_space<vmem>>, vector<1x16xf32>,
      %get3A_1037 = vector.shape_cast %get3A_1036 : vector<1x16xf32> to vector<16xf32>
      %get3A_1038 = arith.index_cast %scan3A_19 : i32 to index
      %get3A_1039 = arith.constant 176 : index
      %get3A_1040 = tpu.vector_load %arg8[%get3A_1038, %get3A_1039] {strides = array<i32>} : memref<8x384xf32, #tpu.memory_space<vmem>>, vector<1x16xf32>,
      %get3A_1041 = vector.shape_cast %get3A_1040 : vector<1x16xf32> to vector<16xf32>
      %mul3A_1042 = arith.mulf %get3A_845, %get3A_1041 : vector<16xf32>
      %add3A_1043 = arith.addf %get3A_1037, %mul3A_1042 : vector<16xf32>
      %swap3A_1044 = arith.constant 2 : i32
      %swap3A_1045 = arith.index_cast %swap3A_1044 : i32 to index
      %swap3A_1046 = arith.constant 176 : index
      %swap3A_1047 = tpu.vector_load %arg9[%swap3A_1045, %swap3A_1046] {strides = array<i32>} : memref<8x384xf32, #tpu.memory_space<vmem>>, vector<1x16xf32>,
      %swap3A_1048 = vector.shape_cast %swap3A_1047 : vector<1x16xf32> to vector<16xf32>
      %swap3A_1049 = vector.shape_cast %add3A_1043 : vector<16xf32> to vector<1x16xf32>
      tpu.vector_store %arg9[%swap3A_1045, %swap3A_1046], %swap3A_1049 {strides = array<i32>} : memref<8x384xf32, #tpu.memory_space<vmem>>, vector<1x16xf32>,
      %get3A_1050 = arith.constant 2 : i32
      %get3A_1051 = arith.index_cast %get3A_1050 : i32 to index
      %get3A_1052 = arith.constant 192 : index
      %get3A_1053 = tpu.vector_load %arg9[%get3A_1051, %get3A_1052] {strides = array<i32>} : memref<8x384xf32, #tpu.memory_space<vmem>>, vector<1x16xf32>,
      %get3A_1054 = vector.shape_cast %get3A_1053 : vector<1x16xf32> to vector<16xf32>
      %get3A_1055 = arith.index_cast %scan3A_19 : i32 to index
      %get3A_1056 = arith.constant 192 : index
      %get3A_1057 = tpu.vector_load %arg8[%get3A_1055, %get3A_1056] {strides = array<i32>} : memref<8x384xf32, #tpu.memory_space<vmem>>, vector<1x16xf32>,
      %get3A_1058 = vector.shape_cast %get3A_1057 : vector<1x16xf32> to vector<16xf32>
      %mul3A_1059 = arith.mulf %get3A_845, %get3A_1058 : vector<16xf32>
      %add3A_1060 = arith.addf %get3A_1054, %mul3A_1059 : vector<16xf32>
      %swap3A_1061 = arith.constant 2 : i32
      %swap3A_1062 = arith.index_cast %swap3A_1061 : i32 to index
      %swap3A_1063 = arith.constant 192 : index
      %swap3A_1064 = tpu.vector_load %arg9[%swap3A_1062, %swap3A_1063] {strides = array<i32>} : memref<8x384xf32, #tpu.memory_space<vmem>>, vector<1x16xf32>,
      %swap3A_1065 = vector.shape_cast %swap3A_1064 : vector<1x16xf32> to vector<16xf32>
      %swap3A_1066 = vector.shape_cast %add3A_1060 : vector<16xf32> to vector<1x16xf32>
      tpu.vector_store %arg9[%swap3A_1062, %swap3A_1063], %swap3A_1066 {strides = array<i32>} : memref<8x384xf32, #tpu.memory_space<vmem>>, vector<1x16xf32>,
      %get3A_1067 = arith.constant 2 : i32
      %get3A_1068 = arith.index_cast %get3A_1067 : i32 to index
      %get3A_1069 = arith.constant 208 : index
      %get3A_1070 = tpu.vector_load %arg9[%get3A_1068, %get3A_1069] {strides = array<i32>} : memref<8x384xf32, #tpu.memory_space<vmem>>, vector<1x16xf32>,
      %get3A_1071 = vector.shape_cast %get3A_1070 : vector<1x16xf32> to vector<16xf32>
      %get3A_1072 = arith.index_cast %scan3A_19 : i32 to index
      %get3A_1073 = arith.constant 208 : index
      %get3A_1074 = tpu.vector_load %arg8[%get3A_1072, %get3A_1073] {strides = array<i32>} : memref<8x384xf32, #tpu.memory_space<vmem>>, vector<1x16xf32>,
      %get3A_1075 = vector.shape_cast %get3A_1074 : vector<1x16xf32> to vector<16xf32>
      %mul3A_1076 = arith.mulf %get3A_845, %get3A_1075 : vector<16xf32>
      %add3A_1077 = arith.addf %get3A_1071, %mul3A_1076 : vector<16xf32>
      %swap3A_1078 = arith.constant 2 : i32
      %swap3A_1079 = arith.index_cast %swap3A_1078 : i32 to index
      %swap3A_1080 = arith.constant 208 : index
      %swap3A_1081 = tpu.vector_load %arg9[%swap3A_1079, %swap3A_1080] {strides = array<i32>} : memref<8x384xf32, #tpu.memory_space<vmem>>, vector<1x16xf32>,
      %swap3A_1082 = vector.shape_cast %swap3A_1081 : vector<1x16xf32> to vector<16xf32>
      %swap3A_1083 = vector.shape_cast %add3A_1077 : vector<16xf32> to vector<1x16xf32>
      tpu.vector_store %arg9[%swap3A_1079, %swap3A_1080], %swap3A_1083 {strides = array<i32>} : memref<8x384xf32, #tpu.memory_space<vmem>>, vector<1x16xf32>,
      %get3A_1084 = arith.constant 2 : i32
      %get3A_1085 = arith.index_cast %get3A_1084 : i32 to index
      %get3A_1086 = arith.constant 224 : index
      %get3A_1087 = tpu.vector_load %arg9[%get3A_1085, %get3A_1086] {strides = array<i32>} : memref<8x384xf32, #tpu.memory_space<vmem>>, vector<1x16xf32>,
      %get3A_1088 = vector.shape_cast %get3A_1087 : vector<1x16xf32> to vector<16xf32>
      %get3A_1089 = arith.index_cast %scan3A_19 : i32 to index
      %get3A_1090 = arith.constant 224 : index
      %get3A_1091 = tpu.vector_load %arg8[%get3A_1089, %get3A_1090] {strides = array<i32>} : memref<8x384xf32, #tpu.memory_space<vmem>>, vector<1x16xf32>,
      %get3A_1092 = vector.shape_cast %get3A_1091 : vector<1x16xf32> to vector<16xf32>
      %mul3A_1093 = arith.mulf %get3A_845, %get3A_1092 : vector<16xf32>
      %add3A_1094 = arith.addf %get3A_1088, %mul3A_1093 : vector<16xf32>
      %swap3A_1095 = arith.constant 2 : i32
      %swap3A_1096 = arith.index_cast %swap3A_1095 : i32 to index
      %swap3A_1097 = arith.constant 224 : index
      %swap3A_1098 = tpu.vector_load %arg9[%swap3A_1096, %swap3A_1097] {strides = array<i32>} : memref<8x384xf32, #tpu.memory_space<vmem>>, vector<1x16xf32>,
      %swap3A_1099 = vector.shape_cast %swap3A_1098 : vector<1x16xf32> to vector<16xf32>
      %swap3A_1100 = vector.shape_cast %add3A_1094 : vector<16xf32> to vector<1x16xf32>
      tpu.vector_store %arg9[%swap3A_1096, %swap3A_1097], %swap3A_1100 {strides = array<i32>} : memref<8x384xf32, #tpu.memory_space<vmem>>, vector<1x16xf32>,
      %get3A_1101 = arith.constant 2 : i32
      %get3A_1102 = arith.index_cast %get3A_1101 : i32 to index
      %get3A_1103 = arith.constant 240 : index
      %get3A_1104 = tpu.vector_load %arg9[%get3A_1102, %get3A_1103] {strides = array<i32>} : memref<8x384xf32, #tpu.memory_space<vmem>>, vector<1x16xf32>,
      %get3A_1105 = vector.shape_cast %get3A_1104 : vector<1x16xf32> to vector<16xf32>
      %get3A_1106 = arith.index_cast %scan3A_19 : i32 to index
      %get3A_1107 = arith.constant 240 : index
      %get3A_1108 = tpu.vector_load %arg8[%get3A_1106, %get3A_1107] {strides = array<i32>} : memref<8x384xf32, #tpu.memory_space<vmem>>, vector<1x16xf32>,
      %get3A_1109 = vector.shape_cast %get3A_1108 : vector<1x16xf32> to vector<16xf32>
      %mul3A_1110 = arith.mulf %get3A_845, %get3A_1109 : vector<16xf32>
      %add3A_1111 = arith.addf %get3A_1105, %mul3A_1110 : vector<16xf32>
      %swap3A_1112 = arith.constant 2 : i32
      %swap3A_1113 = arith.index_cast %swap3A_1112 : i32 to index
      %swap3A_1114 = arith.constant 240 : index
      %swap3A_1115 = tpu.vector_load %arg9[%swap3A_1113, %swap3A_1114] {strides = array<i32>} : memref<8x384xf32, #tpu.memory_space<vmem>>, vector<1x16xf32>,
      %swap3A_1116 = vector.shape_cast %swap3A_1115 : vector<1x16xf32> to vector<16xf32>
      %swap3A_1117 = vector.shape_cast %add3A_1111 : vector<16xf32> to vector<1x16xf32>
      tpu.vector_store %arg9[%swap3A_1113, %swap3A_1114], %swap3A_1117 {strides = array<i32>} : memref<8x384xf32, #tpu.memory_space<vmem>>, vector<1x16xf32>,
      %get3A_1118 = arith.constant 2 : i32
      %get3A_1119 = arith.index_cast %get3A_1118 : i32 to index
      %get3A_1120 = arith.constant 256 : index
      %get3A_1121 = tpu.vector_load %arg9[%get3A_1119, %get3A_1120] {strides = array<i32>} : memref<8x384xf32, #tpu.memory_space<vmem>>, vector<1x16xf32>,
      %get3A_1122 = vector.shape_cast %get3A_1121 : vector<1x16xf32> to vector<16xf32>
      %get3A_1123 = arith.index_cast %scan3A_19 : i32 to index
      %get3A_1124 = arith.constant 256 : index
      %get3A_1125 = tpu.vector_load %arg8[%get3A_1123, %get3A_1124] {strides = array<i32>} : memref<8x384xf32, #tpu.memory_space<vmem>>, vector<1x16xf32>,
      %get3A_1126 = vector.shape_cast %get3A_1125 : vector<1x16xf32> to vector<16xf32>
      %mul3A_1127 = arith.mulf %get3A_845, %get3A_1126 : vector<16xf32>
      %add3A_1128 = arith.addf %get3A_1122, %mul3A_1127 : vector<16xf32>
      %swap3A_1129 = arith.constant 2 : i32
      %swap3A_1130 = arith.index_cast %swap3A_1129 : i32 to index
      %swap3A_1131 = arith.constant 256 : index
      %swap3A_1132 = tpu.vector_load %arg9[%swap3A_1130, %swap3A_1131] {strides = array<i32>} : memref<8x384xf32, #tpu.memory_space<vmem>>, vector<1x16xf32>,
      %swap3A_1133 = vector.shape_cast %swap3A_1132 : vector<1x16xf32> to vector<16xf32>
      %swap3A_1134 = vector.shape_cast %add3A_1128 : vector<16xf32> to vector<1x16xf32>
      tpu.vector_store %arg9[%swap3A_1130, %swap3A_1131], %swap3A_1134 {strides = array<i32>} : memref<8x384xf32, #tpu.memory_space<vmem>>, vector<1x16xf32>,
      %get3A_1135 = arith.constant 2 : i32
      %get3A_1136 = arith.index_cast %get3A_1135 : i32 to index
      %get3A_1137 = arith.constant 272 : index
      %get3A_1138 = tpu.vector_load %arg9[%get3A_1136, %get3A_1137] {strides = array<i32>} : memref<8x384xf32, #tpu.memory_space<vmem>>, vector<1x16xf32>,
      %get3A_1139 = vector.shape_cast %get3A_1138 : vector<1x16xf32> to vector<16xf32>
      %get3A_1140 = arith.index_cast %scan3A_19 : i32 to index
      %get3A_1141 = arith.constant 272 : index
      %get3A_1142 = tpu.vector_load %arg8[%get3A_1140, %get3A_1141] {strides = array<i32>} : memref<8x384xf32, #tpu.memory_space<vmem>>, vector<1x16xf32>,
      %get3A_1143 = vector.shape_cast %get3A_1142 : vector<1x16xf32> to vector<16xf32>
      %mul3A_1144 = arith.mulf %get3A_845, %get3A_1143 : vector<16xf32>
      %add3A_1145 = arith.addf %get3A_1139, %mul3A_1144 : vector<16xf32>
      %swap3A_1146 = arith.constant 2 : i32
      %swap3A_1147 = arith.index_cast %swap3A_1146 : i32 to index
      %swap3A_1148 = arith.constant 272 : index
      %swap3A_1149 = tpu.vector_load %arg9[%swap3A_1147, %swap3A_1148] {strides = array<i32>} : memref<8x384xf32, #tpu.memory_space<vmem>>, vector<1x16xf32>,
      %swap3A_1150 = vector.shape_cast %swap3A_1149 : vector<1x16xf32> to vector<16xf32>
      %swap3A_1151 = vector.shape_cast %add3A_1145 : vector<16xf32> to vector<1x16xf32>
      tpu.vector_store %arg9[%swap3A_1147, %swap3A_1148], %swap3A_1151 {strides = array<i32>} : memref<8x384xf32, #tpu.memory_space<vmem>>, vector<1x16xf32>,
      %get3A_1152 = arith.constant 2 : i32
      %get3A_1153 = arith.index_cast %get3A_1152 : i32 to index
      %get3A_1154 = arith.constant 288 : index
      %get3A_1155 = tpu.vector_load %arg9[%get3A_1153, %get3A_1154] {strides = array<i32>} : memref<8x384xf32, #tpu.memory_space<vmem>>, vector<1x16xf32>,
      %get3A_1156 = vector.shape_cast %get3A_1155 : vector<1x16xf32> to vector<16xf32>
      %get3A_1157 = arith.index_cast %scan3A_19 : i32 to index
      %get3A_1158 = arith.constant 288 : index
      %get3A_1159 = tpu.vector_load %arg8[%get3A_1157, %get3A_1158] {strides = array<i32>} : memref<8x384xf32, #tpu.memory_space<vmem>>, vector<1x16xf32>,
      %get3A_1160 = vector.shape_cast %get3A_1159 : vector<1x16xf32> to vector<16xf32>
      %mul3A_1161 = arith.mulf %get3A_845, %get3A_1160 : vector<16xf32>
      %add3A_1162 = arith.addf %get3A_1156, %mul3A_1161 : vector<16xf32>
      %swap3A_1163 = arith.constant 2 : i32
      %swap3A_1164 = arith.index_cast %swap3A_1163 : i32 to index
      %swap3A_1165 = arith.constant 288 : index
      %swap3A_1166 = tpu.vector_load %arg9[%swap3A_1164, %swap3A_1165] {strides = array<i32>} : memref<8x384xf32, #tpu.memory_space<vmem>>, vector<1x16xf32>,
      %swap3A_1167 = vector.shape_cast %swap3A_1166 : vector<1x16xf32> to vector<16xf32>
      %swap3A_1168 = vector.shape_cast %add3A_1162 : vector<16xf32> to vector<1x16xf32>
      tpu.vector_store %arg9[%swap3A_1164, %swap3A_1165], %swap3A_1168 {strides = array<i32>} : memref<8x384xf32, #tpu.memory_space<vmem>>, vector<1x16xf32>,
      %get3A_1169 = arith.constant 2 : i32
      %get3A_1170 = arith.index_cast %get3A_1169 : i32 to index
      %get3A_1171 = arith.constant 304 : index
      %get3A_1172 = tpu.vector_load %arg9[%get3A_1170, %get3A_1171] {strides = array<i32>} : memref<8x384xf32, #tpu.memory_space<vmem>>, vector<1x16xf32>,
      %get3A_1173 = vector.shape_cast %get3A_1172 : vector<1x16xf32> to vector<16xf32>
      %get3A_1174 = arith.index_cast %scan3A_19 : i32 to index
      %get3A_1175 = arith.constant 304 : index
      %get3A_1176 = tpu.vector_load %arg8[%get3A_1174, %get3A_1175] {strides = array<i32>} : memref<8x384xf32, #tpu.memory_space<vmem>>, vector<1x16xf32>,
      %get3A_1177 = vector.shape_cast %get3A_1176 : vector<1x16xf32> to vector<16xf32>
      %mul3A_1178 = arith.mulf %get3A_845, %get3A_1177 : vector<16xf32>
      %add3A_1179 = arith.addf %get3A_1173, %mul3A_1178 : vector<16xf32>
      %swap3A_1180 = arith.constant 2 : i32
      %swap3A_1181 = arith.index_cast %swap3A_1180 : i32 to index
      %swap3A_1182 = arith.constant 304 : index
      %swap3A_1183 = tpu.vector_load %arg9[%swap3A_1181, %swap3A_1182] {strides = array<i32>} : memref<8x384xf32, #tpu.memory_space<vmem>>, vector<1x16xf32>,
      %swap3A_1184 = vector.shape_cast %swap3A_1183 : vector<1x16xf32> to vector<16xf32>
      %swap3A_1185 = vector.shape_cast %add3A_1179 : vector<16xf32> to vector<1x16xf32>
      tpu.vector_store %arg9[%swap3A_1181, %swap3A_1182], %swap3A_1185 {strides = array<i32>} : memref<8x384xf32, #tpu.memory_space<vmem>>, vector<1x16xf32>,
      %get3A_1186 = arith.constant 2 : i32
      %get3A_1187 = arith.index_cast %get3A_1186 : i32 to index
      %get3A_1188 = arith.constant 320 : index
      %get3A_1189 = tpu.vector_load %arg9[%get3A_1187, %get3A_1188] {strides = array<i32>} : memref<8x384xf32, #tpu.memory_space<vmem>>, vector<1x16xf32>,
      %get3A_1190 = vector.shape_cast %get3A_1189 : vector<1x16xf32> to vector<16xf32>
      %get3A_1191 = arith.index_cast %scan3A_19 : i32 to index
      %get3A_1192 = arith.constant 320 : index
      %get3A_1193 = tpu.vector_load %arg8[%get3A_1191, %get3A_1192] {strides = array<i32>} : memref<8x384xf32, #tpu.memory_space<vmem>>, vector<1x16xf32>,
      %get3A_1194 = vector.shape_cast %get3A_1193 : vector<1x16xf32> to vector<16xf32>
      %mul3A_1195 = arith.mulf %get3A_845, %get3A_1194 : vector<16xf32>
      %add3A_1196 = arith.addf %get3A_1190, %mul3A_1195 : vector<16xf32>
      %swap3A_1197 = arith.constant 2 : i32
      %swap3A_1198 = arith.index_cast %swap3A_1197 : i32 to index
      %swap3A_1199 = arith.constant 320 : index
      %swap3A_1200 = tpu.vector_load %arg9[%swap3A_1198, %swap3A_1199] {strides = array<i32>} : memref<8x384xf32, #tpu.memory_space<vmem>>, vector<1x16xf32>,
      %swap3A_1201 = vector.shape_cast %swap3A_1200 : vector<1x16xf32> to vector<16xf32>
      %swap3A_1202 = vector.shape_cast %add3A_1196 : vector<16xf32> to vector<1x16xf32>
      tpu.vector_store %arg9[%swap3A_1198, %swap3A_1199], %swap3A_1202 {strides = array<i32>} : memref<8x384xf32, #tpu.memory_space<vmem>>, vector<1x16xf32>,
      %get3A_1203 = arith.constant 2 : i32
      %get3A_1204 = arith.index_cast %get3A_1203 : i32 to index
      %get3A_1205 = arith.constant 336 : index
      %get3A_1206 = tpu.vector_load %arg9[%get3A_1204, %get3A_1205] {strides = array<i32>} : memref<8x384xf32, #tpu.memory_space<vmem>>, vector<1x16xf32>,
      %get3A_1207 = vector.shape_cast %get3A_1206 : vector<1x16xf32> to vector<16xf32>
      %get3A_1208 = arith.index_cast %scan3A_19 : i32 to index
      %get3A_1209 = arith.constant 336 : index
      %get3A_1210 = tpu.vector_load %arg8[%get3A_1208, %get3A_1209] {strides = array<i32>} : memref<8x384xf32, #tpu.memory_space<vmem>>, vector<1x16xf32>,
      %get3A_1211 = vector.shape_cast %get3A_1210 : vector<1x16xf32> to vector<16xf32>
      %mul3A_1212 = arith.mulf %get3A_845, %get3A_1211 : vector<16xf32>
      %add3A_1213 = arith.addf %get3A_1207, %mul3A_1212 : vector<16xf32>
      %swap3A_1214 = arith.constant 2 : i32
      %swap3A_1215 = arith.index_cast %swap3A_1214 : i32 to index
      %swap3A_1216 = arith.constant 336 : index
      %swap3A_1217 = tpu.vector_load %arg9[%swap3A_1215, %swap3A_1216] {strides = array<i32>} : memref<8x384xf32, #tpu.memory_space<vmem>>, vector<1x16xf32>,
      %swap3A_1218 = vector.shape_cast %swap3A_1217 : vector<1x16xf32> to vector<16xf32>
      %swap3A_1219 = vector.shape_cast %add3A_1213 : vector<16xf32> to vector<1x16xf32>
      tpu.vector_store %arg9[%swap3A_1215, %swap3A_1216], %swap3A_1219 {strides = array<i32>} : memref<8x384xf32, #tpu.memory_space<vmem>>, vector<1x16xf32>,
      %get3A_1220 = arith.constant 2 : i32
      %get3A_1221 = arith.index_cast %get3A_1220 : i32 to index
      %get3A_1222 = arith.constant 352 : index
      %get3A_1223 = tpu.vector_load %arg9[%get3A_1221, %get3A_1222] {strides = array<i32>} : memref<8x384xf32, #tpu.memory_space<vmem>>, vector<1x16xf32>,
      %get3A_1224 = vector.shape_cast %get3A_1223 : vector<1x16xf32> to vector<16xf32>
      %get3A_1225 = arith.index_cast %scan3A_19 : i32 to index
      %get3A_1226 = arith.constant 352 : index
      %get3A_1227 = tpu.vector_load %arg8[%get3A_1225, %get3A_1226] {strides = array<i32>} : memref<8x384xf32, #tpu.memory_space<vmem>>, vector<1x16xf32>,
      %get3A_1228 = vector.shape_cast %get3A_1227 : vector<1x16xf32> to vector<16xf32>
      %mul3A_1229 = arith.mulf %get3A_845, %get3A_1228 : vector<16xf32>
      %add3A_1230 = arith.addf %get3A_1224, %mul3A_1229 : vector<16xf32>
      %swap3A_1231 = arith.constant 2 : i32
      %swap3A_1232 = arith.index_cast %swap3A_1231 : i32 to index
      %swap3A_1233 = arith.constant 352 : index
      %swap3A_1234 = tpu.vector_load %arg9[%swap3A_1232, %swap3A_1233] {strides = array<i32>} : memref<8x384xf32, #tpu.memory_space<vmem>>, vector<1x16xf32>,
      %swap3A_1235 = vector.shape_cast %swap3A_1234 : vector<1x16xf32> to vector<16xf32>
      %swap3A_1236 = vector.shape_cast %add3A_1230 : vector<16xf32> to vector<1x16xf32>
      tpu.vector_store %arg9[%swap3A_1232, %swap3A_1233], %swap3A_1236 {strides = array<i32>} : memref<8x384xf32, #tpu.memory_space<vmem>>, vector<1x16xf32>,
      %get3A_1237 = arith.constant 2 : i32
      %get3A_1238 = arith.index_cast %get3A_1237 : i32 to index
      %get3A_1239 = arith.constant 368 : index
      %get3A_1240 = tpu.vector_load %arg9[%get3A_1238, %get3A_1239] {strides = array<i32>} : memref<8x384xf32, #tpu.memory_space<vmem>>, vector<1x16xf32>,
      %get3A_1241 = vector.shape_cast %get3A_1240 : vector<1x16xf32> to vector<16xf32>
      %get3A_1242 = arith.index_cast %scan3A_19 : i32 to index
      %get3A_1243 = arith.constant 368 : index
      %get3A_1244 = tpu.vector_load %arg8[%get3A_1242, %get3A_1243] {strides = array<i32>} : memref<8x384xf32, #tpu.memory_space<vmem>>, vector<1x16xf32>,
      %get3A_1245 = vector.shape_cast %get3A_1244 : vector<1x16xf32> to vector<16xf32>
      %mul3A_1246 = arith.mulf %get3A_845, %get3A_1245 : vector<16xf32>
      %add3A_1247 = arith.addf %get3A_1241, %mul3A_1246 : vector<16xf32>
      %swap3A_1248 = arith.constant 2 : i32
      %swap3A_1249 = arith.index_cast %swap3A_1248 : i32 to index
      %swap3A_1250 = arith.constant 368 : index
      %swap3A_1251 = tpu.vector_load %arg9[%swap3A_1249, %swap3A_1250] {strides = array<i32>} : memref<8x384xf32, #tpu.memory_space<vmem>>, vector<1x16xf32>,
      %swap3A_1252 = vector.shape_cast %swap3A_1251 : vector<1x16xf32> to vector<16xf32>
      %swap3A_1253 = vector.shape_cast %add3A_1247 : vector<16xf32> to vector<1x16xf32>
      tpu.vector_store %arg9[%swap3A_1249, %swap3A_1250], %swap3A_1253 {strides = array<i32>} : memref<8x384xf32, #tpu.memory_space<vmem>>, vector<1x16xf32>,
      %get3A_1254 = arith.index_cast %scan3A_19 : i32 to index
      %get3A_1255 = arith.constant 48 : index
      %get3A_1256 = tpu.vector_load %arg7[%get3A_1254, %get3A_1255] {strides = array<i32>} : memref<8x128xf32, #tpu.memory_space<vmem>>, vector<1x16xf32>,
      %get3A_1257 = vector.shape_cast %get3A_1256 : vector<1x16xf32> to vector<16xf32>
      %get3A_1258 = arith.constant 3 : i32
      %get3A_1259 = arith.index_cast %get3A_1258 : i32 to index
      %get3A_1260 = arith.constant 0 : index
      %get3A_1261 = tpu.vector_load %arg9[%get3A_1259, %get3A_1260] {strides = array<i32>} : memref<8x384xf32, #tpu.memory_space<vmem>>, vector<1x16xf32>,
      %get3A_1262 = vector.shape_cast %get3A_1261 : vector<1x16xf32> to vector<16xf32>
      %get3A_1263 = arith.index_cast %scan3A_19 : i32 to index
      %get3A_1264 = arith.constant 0 : index
      %get3A_1265 = tpu.vector_load %arg8[%get3A_1263, %get3A_1264] {strides = array<i32>} : memref<8x384xf32, #tpu.memory_space<vmem>>, vector<1x16xf32>,
      %get3A_1266 = vector.shape_cast %get3A_1265 : vector<1x16xf32> to vector<16xf32>
      %mul3A_1267 = arith.mulf %get3A_1257, %get3A_1266 : vector<16xf32>
      %add3A_1268 = arith.addf %get3A_1262, %mul3A_1267 : vector<16xf32>
      %swap3A_1269 = arith.constant 3 : i32
      %swap3A_1270 = arith.index_cast %swap3A_1269 : i32 to index
      %swap3A_1271 = arith.constant 0 : index
      %swap3A_1272 = tpu.vector_load %arg9[%swap3A_1270, %swap3A_1271] {strides = array<i32>} : memref<8x384xf32, #tpu.memory_space<vmem>>, vector<1x16xf32>,
      %swap3A_1273 = vector.shape_cast %swap3A_1272 : vector<1x16xf32> to vector<16xf32>
      %swap3A_1274 = vector.shape_cast %add3A_1268 : vector<16xf32> to vector<1x16xf32>
      tpu.vector_store %arg9[%swap3A_1270, %swap3A_1271], %swap3A_1274 {strides = array<i32>} : memref<8x384xf32, #tpu.memory_space<vmem>>, vector<1x16xf32>,
      %get3A_1275 = arith.constant 3 : i32
      %get3A_1276 = arith.index_cast %get3A_1275 : i32 to index
      %get3A_1277 = arith.constant 16 : index
      %get3A_1278 = tpu.vector_load %arg9[%get3A_1276, %get3A_1277] {strides = array<i32>} : memref<8x384xf32, #tpu.memory_space<vmem>>, vector<1x16xf32>,
      %get3A_1279 = vector.shape_cast %get3A_1278 : vector<1x16xf32> to vector<16xf32>
      %get3A_1280 = arith.index_cast %scan3A_19 : i32 to index
      %get3A_1281 = arith.constant 16 : index
      %get3A_1282 = tpu.vector_load %arg8[%get3A_1280, %get3A_1281] {strides = array<i32>} : memref<8x384xf32, #tpu.memory_space<vmem>>, vector<1x16xf32>,
      %get3A_1283 = vector.shape_cast %get3A_1282 : vector<1x16xf32> to vector<16xf32>
      %mul3A_1284 = arith.mulf %get3A_1257, %get3A_1283 : vector<16xf32>
      %add3A_1285 = arith.addf %get3A_1279, %mul3A_1284 : vector<16xf32>
      %swap3A_1286 = arith.constant 3 : i32
      %swap3A_1287 = arith.index_cast %swap3A_1286 : i32 to index
      %swap3A_1288 = arith.constant 16 : index
      %swap3A_1289 = tpu.vector_load %arg9[%swap3A_1287, %swap3A_1288] {strides = array<i32>} : memref<8x384xf32, #tpu.memory_space<vmem>>, vector<1x16xf32>,
      %swap3A_1290 = vector.shape_cast %swap3A_1289 : vector<1x16xf32> to vector<16xf32>
      %swap3A_1291 = vector.shape_cast %add3A_1285 : vector<16xf32> to vector<1x16xf32>
      tpu.vector_store %arg9[%swap3A_1287, %swap3A_1288], %swap3A_1291 {strides = array<i32>} : memref<8x384xf32, #tpu.memory_space<vmem>>, vector<1x16xf32>,
      %get3A_1292 = arith.constant 3 : i32
      %get3A_1293 = arith.index_cast %get3A_1292 : i32 to index
      %get3A_1294 = arith.constant 32 : index
      %get3A_1295 = tpu.vector_load %arg9[%get3A_1293, %get3A_1294] {strides = array<i32>} : memref<8x384xf32, #tpu.memory_space<vmem>>, vector<1x16xf32>,
      %get3A_1296 = vector.shape_cast %get3A_1295 : vector<1x16xf32> to vector<16xf32>
      %get3A_1297 = arith.index_cast %scan3A_19 : i32 to index
      %get3A_1298 = arith.constant 32 : index
      %get3A_1299 = tpu.vector_load %arg8[%get3A_1297, %get3A_1298] {strides = array<i32>} : memref<8x384xf32, #tpu.memory_space<vmem>>, vector<1x16xf32>,
      %get3A_1300 = vector.shape_cast %get3A_1299 : vector<1x16xf32> to vector<16xf32>
      %mul3A_1301 = arith.mulf %get3A_1257, %get3A_1300 : vector<16xf32>
      %add3A_1302 = arith.addf %get3A_1296, %mul3A_1301 : vector<16xf32>
      %swap3A_1303 = arith.constant 3 : i32
      %swap3A_1304 = arith.index_cast %swap3A_1303 : i32 to index
      %swap3A_1305 = arith.constant 32 : index
      %swap3A_1306 = tpu.vector_load %arg9[%swap3A_1304, %swap3A_1305] {strides = array<i32>} : memref<8x384xf32, #tpu.memory_space<vmem>>, vector<1x16xf32>,
      %swap3A_1307 = vector.shape_cast %swap3A_1306 : vector<1x16xf32> to vector<16xf32>
      %swap3A_1308 = vector.shape_cast %add3A_1302 : vector<16xf32> to vector<1x16xf32>
      tpu.vector_store %arg9[%swap3A_1304, %swap3A_1305], %swap3A_1308 {strides = array<i32>} : memref<8x384xf32, #tpu.memory_space<vmem>>, vector<1x16xf32>,
      %get3A_1309 = arith.constant 3 : i32
      %get3A_1310 = arith.index_cast %get3A_1309 : i32 to index
      %get3A_1311 = arith.constant 48 : index
      %get3A_1312 = tpu.vector_load %arg9[%get3A_1310, %get3A_1311] {strides = array<i32>} : memref<8x384xf32, #tpu.memory_space<vmem>>, vector<1x16xf32>,
      %get3A_1313 = vector.shape_cast %get3A_1312 : vector<1x16xf32> to vector<16xf32>
      %get3A_1314 = arith.index_cast %scan3A_19 : i32 to index
      %get3A_1315 = arith.constant 48 : index
      %get3A_1316 = tpu.vector_load %arg8[%get3A_1314, %get3A_1315] {strides = array<i32>} : memref<8x384xf32, #tpu.memory_space<vmem>>, vector<1x16xf32>,
      %get3A_1317 = vector.shape_cast %get3A_1316 : vector<1x16xf32> to vector<16xf32>
      %mul3A_1318 = arith.mulf %get3A_1257, %get3A_1317 : vector<16xf32>
      %add3A_1319 = arith.addf %get3A_1313, %mul3A_1318 : vector<16xf32>
      %swap3A_1320 = arith.constant 3 : i32
      %swap3A_1321 = arith.index_cast %swap3A_1320 : i32 to index
      %swap3A_1322 = arith.constant 48 : index
      %swap3A_1323 = tpu.vector_load %arg9[%swap3A_1321, %swap3A_1322] {strides = array<i32>} : memref<8x384xf32, #tpu.memory_space<vmem>>, vector<1x16xf32>,
      %swap3A_1324 = vector.shape_cast %swap3A_1323 : vector<1x16xf32> to vector<16xf32>
      %swap3A_1325 = vector.shape_cast %add3A_1319 : vector<16xf32> to vector<1x16xf32>
      tpu.vector_store %arg9[%swap3A_1321, %swap3A_1322], %swap3A_1325 {strides = array<i32>} : memref<8x384xf32, #tpu.memory_space<vmem>>, vector<1x16xf32>,
      %get3A_1326 = arith.constant 3 : i32
      %get3A_1327 = arith.index_cast %get3A_1326 : i32 to index
      %get3A_1328 = arith.constant 64 : index
      %get3A_1329 = tpu.vector_load %arg9[%get3A_1327, %get3A_1328] {strides = array<i32>} : memref<8x384xf32, #tpu.memory_space<vmem>>, vector<1x16xf32>,
      %get3A_1330 = vector.shape_cast %get3A_1329 : vector<1x16xf32> to vector<16xf32>
      %get3A_1331 = arith.index_cast %scan3A_19 : i32 to index
      %get3A_1332 = arith.constant 64 : index
      %get3A_1333 = tpu.vector_load %arg8[%get3A_1331, %get3A_1332] {strides = array<i32>} : memref<8x384xf32, #tpu.memory_space<vmem>>, vector<1x16xf32>,
      %get3A_1334 = vector.shape_cast %get3A_1333 : vector<1x16xf32> to vector<16xf32>
      %mul3A_1335 = arith.mulf %get3A_1257, %get3A_1334 : vector<16xf32>
      %add3A_1336 = arith.addf %get3A_1330, %mul3A_1335 : vector<16xf32>
      %swap3A_1337 = arith.constant 3 : i32
      %swap3A_1338 = arith.index_cast %swap3A_1337 : i32 to index
      %swap3A_1339 = arith.constant 64 : index
      %swap3A_1340 = tpu.vector_load %arg9[%swap3A_1338, %swap3A_1339] {strides = array<i32>} : memref<8x384xf32, #tpu.memory_space<vmem>>, vector<1x16xf32>,
      %swap3A_1341 = vector.shape_cast %swap3A_1340 : vector<1x16xf32> to vector<16xf32>
      %swap3A_1342 = vector.shape_cast %add3A_1336 : vector<16xf32> to vector<1x16xf32>
      tpu.vector_store %arg9[%swap3A_1338, %swap3A_1339], %swap3A_1342 {strides = array<i32>} : memref<8x384xf32, #tpu.memory_space<vmem>>, vector<1x16xf32>,
      %get3A_1343 = arith.constant 3 : i32
      %get3A_1344 = arith.index_cast %get3A_1343 : i32 to index
      %get3A_1345 = arith.constant 80 : index
      %get3A_1346 = tpu.vector_load %arg9[%get3A_1344, %get3A_1345] {strides = array<i32>} : memref<8x384xf32, #tpu.memory_space<vmem>>, vector<1x16xf32>,
      %get3A_1347 = vector.shape_cast %get3A_1346 : vector<1x16xf32> to vector<16xf32>
      %get3A_1348 = arith.index_cast %scan3A_19 : i32 to index
      %get3A_1349 = arith.constant 80 : index
      %get3A_1350 = tpu.vector_load %arg8[%get3A_1348, %get3A_1349] {strides = array<i32>} : memref<8x384xf32, #tpu.memory_space<vmem>>, vector<1x16xf32>,
      %get3A_1351 = vector.shape_cast %get3A_1350 : vector<1x16xf32> to vector<16xf32>
      %mul3A_1352 = arith.mulf %get3A_1257, %get3A_1351 : vector<16xf32>
      %add3A_1353 = arith.addf %get3A_1347, %mul3A_1352 : vector<16xf32>
      %swap3A_1354 = arith.constant 3 : i32
      %swap3A_1355 = arith.index_cast %swap3A_1354 : i32 to index
      %swap3A_1356 = arith.constant 80 : index
      %swap3A_1357 = tpu.vector_load %arg9[%swap3A_1355, %swap3A_1356] {strides = array<i32>} : memref<8x384xf32, #tpu.memory_space<vmem>>, vector<1x16xf32>,
      %swap3A_1358 = vector.shape_cast %swap3A_1357 : vector<1x16xf32> to vector<16xf32>
      %swap3A_1359 = vector.shape_cast %add3A_1353 : vector<16xf32> to vector<1x16xf32>
      tpu.vector_store %arg9[%swap3A_1355, %swap3A_1356], %swap3A_1359 {strides = array<i32>} : memref<8x384xf32, #tpu.memory_space<vmem>>, vector<1x16xf32>,
      %get3A_1360 = arith.constant 3 : i32
      %get3A_1361 = arith.index_cast %get3A_1360 : i32 to index
      %get3A_1362 = arith.constant 96 : index
      %get3A_1363 = tpu.vector_load %arg9[%get3A_1361, %get3A_1362] {strides = array<i32>} : memref<8x384xf32, #tpu.memory_space<vmem>>, vector<1x16xf32>,
      %get3A_1364 = vector.shape_cast %get3A_1363 : vector<1x16xf32> to vector<16xf32>
      %get3A_1365 = arith.index_cast %scan3A_19 : i32 to index
      %get3A_1366 = arith.constant 96 : index
      %get3A_1367 = tpu.vector_load %arg8[%get3A_1365, %get3A_1366] {strides = array<i32>} : memref<8x384xf32, #tpu.memory_space<vmem>>, vector<1x16xf32>,
      %get3A_1368 = vector.shape_cast %get3A_1367 : vector<1x16xf32> to vector<16xf32>
      %mul3A_1369 = arith.mulf %get3A_1257, %get3A_1368 : vector<16xf32>
      %add3A_1370 = arith.addf %get3A_1364, %mul3A_1369 : vector<16xf32>
      %swap3A_1371 = arith.constant 3 : i32
      %swap3A_1372 = arith.index_cast %swap3A_1371 : i32 to index
      %swap3A_1373 = arith.constant 96 : index
      %swap3A_1374 = tpu.vector_load %arg9[%swap3A_1372, %swap3A_1373] {strides = array<i32>} : memref<8x384xf32, #tpu.memory_space<vmem>>, vector<1x16xf32>,
      %swap3A_1375 = vector.shape_cast %swap3A_1374 : vector<1x16xf32> to vector<16xf32>
      %swap3A_1376 = vector.shape_cast %add3A_1370 : vector<16xf32> to vector<1x16xf32>
      tpu.vector_store %arg9[%swap3A_1372, %swap3A_1373], %swap3A_1376 {strides = array<i32>} : memref<8x384xf32, #tpu.memory_space<vmem>>, vector<1x16xf32>,
      %get3A_1377 = arith.constant 3 : i32
      %get3A_1378 = arith.index_cast %get3A_1377 : i32 to index
      %get3A_1379 = arith.constant 112 : index
      %get3A_1380 = tpu.vector_load %arg9[%get3A_1378, %get3A_1379] {strides = array<i32>} : memref<8x384xf32, #tpu.memory_space<vmem>>, vector<1x16xf32>,
      %get3A_1381 = vector.shape_cast %get3A_1380 : vector<1x16xf32> to vector<16xf32>
      %get3A_1382 = arith.index_cast %scan3A_19 : i32 to index
      %get3A_1383 = arith.constant 112 : index
      %get3A_1384 = tpu.vector_load %arg8[%get3A_1382, %get3A_1383] {strides = array<i32>} : memref<8x384xf32, #tpu.memory_space<vmem>>, vector<1x16xf32>,
      %get3A_1385 = vector.shape_cast %get3A_1384 : vector<1x16xf32> to vector<16xf32>
      %mul3A_1386 = arith.mulf %get3A_1257, %get3A_1385 : vector<16xf32>
      %add3A_1387 = arith.addf %get3A_1381, %mul3A_1386 : vector<16xf32>
      %swap3A_1388 = arith.constant 3 : i32
      %swap3A_1389 = arith.index_cast %swap3A_1388 : i32 to index
      %swap3A_1390 = arith.constant 112 : index
      %swap3A_1391 = tpu.vector_load %arg9[%swap3A_1389, %swap3A_1390] {strides = array<i32>} : memref<8x384xf32, #tpu.memory_space<vmem>>, vector<1x16xf32>,
      %swap3A_1392 = vector.shape_cast %swap3A_1391 : vector<1x16xf32> to vector<16xf32>
      %swap3A_1393 = vector.shape_cast %add3A_1387 : vector<16xf32> to vector<1x16xf32>
      tpu.vector_store %arg9[%swap3A_1389, %swap3A_1390], %swap3A_1393 {strides = array<i32>} : memref<8x384xf32, #tpu.memory_space<vmem>>, vector<1x16xf32>,
      %get3A_1394 = arith.constant 3 : i32
      %get3A_1395 = arith.index_cast %get3A_1394 : i32 to index
      %get3A_1396 = arith.constant 128 : index
      %get3A_1397 = tpu.vector_load %arg9[%get3A_1395, %get3A_1396] {strides = array<i32>} : memref<8x384xf32, #tpu.memory_space<vmem>>, vector<1x16xf32>,
      %get3A_1398 = vector.shape_cast %get3A_1397 : vector<1x16xf32> to vector<16xf32>
      %get3A_1399 = arith.index_cast %scan3A_19 : i32 to index
      %get3A_1400 = arith.constant 128 : index
      %get3A_1401 = tpu.vector_load %arg8[%get3A_1399, %get3A_1400] {strides = array<i32>} : memref<8x384xf32, #tpu.memory_space<vmem>>, vector<1x16xf32>,
      %get3A_1402 = vector.shape_cast %get3A_1401 : vector<1x16xf32> to vector<16xf32>
      %mul3A_1403 = arith.mulf %get3A_1257, %get3A_1402 : vector<16xf32>
      %add3A_1404 = arith.addf %get3A_1398, %mul3A_1403 : vector<16xf32>
      %swap3A_1405 = arith.constant 3 : i32
      %swap3A_1406 = arith.index_cast %swap3A_1405 : i32 to index
      %swap3A_1407 = arith.constant 128 : index
      %swap3A_1408 = tpu.vector_load %arg9[%swap3A_1406, %swap3A_1407] {strides = array<i32>} : memref<8x384xf32, #tpu.memory_space<vmem>>, vector<1x16xf32>,
      %swap3A_1409 = vector.shape_cast %swap3A_1408 : vector<1x16xf32> to vector<16xf32>
      %swap3A_1410 = vector.shape_cast %add3A_1404 : vector<16xf32> to vector<1x16xf32>
      tpu.vector_store %arg9[%swap3A_1406, %swap3A_1407], %swap3A_1410 {strides = array<i32>} : memref<8x384xf32, #tpu.memory_space<vmem>>, vector<1x16xf32>,
      %get3A_1411 = arith.constant 3 : i32
      %get3A_1412 = arith.index_cast %get3A_1411 : i32 to index
      %get3A_1413 = arith.constant 144 : index
      %get3A_1414 = tpu.vector_load %arg9[%get3A_1412, %get3A_1413] {strides = array<i32>} : memref<8x384xf32, #tpu.memory_space<vmem>>, vector<1x16xf32>,
      %get3A_1415 = vector.shape_cast %get3A_1414 : vector<1x16xf32> to vector<16xf32>
      %get3A_1416 = arith.index_cast %scan3A_19 : i32 to index
      %get3A_1417 = arith.constant 144 : index
      %get3A_1418 = tpu.vector_load %arg8[%get3A_1416, %get3A_1417] {strides = array<i32>} : memref<8x384xf32, #tpu.memory_space<vmem>>, vector<1x16xf32>,
      %get3A_1419 = vector.shape_cast %get3A_1418 : vector<1x16xf32> to vector<16xf32>
      %mul3A_1420 = arith.mulf %get3A_1257, %get3A_1419 : vector<16xf32>
      %add3A_1421 = arith.addf %get3A_1415, %mul3A_1420 : vector<16xf32>
      %swap3A_1422 = arith.constant 3 : i32
      %swap3A_1423 = arith.index_cast %swap3A_1422 : i32 to index
      %swap3A_1424 = arith.constant 144 : index
      %swap3A_1425 = tpu.vector_load %arg9[%swap3A_1423, %swap3A_1424] {strides = array<i32>} : memref<8x384xf32, #tpu.memory_space<vmem>>, vector<1x16xf32>,
      %swap3A_1426 = vector.shape_cast %swap3A_1425 : vector<1x16xf32> to vector<16xf32>
      %swap3A_1427 = vector.shape_cast %add3A_1421 : vector<16xf32> to vector<1x16xf32>
      tpu.vector_store %arg9[%swap3A_1423, %swap3A_1424], %swap3A_1427 {strides = array<i32>} : memref<8x384xf32, #tpu.memory_space<vmem>>, vector<1x16xf32>,
      %get3A_1428 = arith.constant 3 : i32
      %get3A_1429 = arith.index_cast %get3A_1428 : i32 to index
      %get3A_1430 = arith.constant 160 : index
      %get3A_1431 = tpu.vector_load %arg9[%get3A_1429, %get3A_1430] {strides = array<i32>} : memref<8x384xf32, #tpu.memory_space<vmem>>, vector<1x16xf32>,
      %get3A_1432 = vector.shape_cast %get3A_1431 : vector<1x16xf32> to vector<16xf32>
      %get3A_1433 = arith.index_cast %scan3A_19 : i32 to index
      %get3A_1434 = arith.constant 160 : index
      %get3A_1435 = tpu.vector_load %arg8[%get3A_1433, %get3A_1434] {strides = array<i32>} : memref<8x384xf32, #tpu.memory_space<vmem>>, vector<1x16xf32>,
      %get3A_1436 = vector.shape_cast %get3A_1435 : vector<1x16xf32> to vector<16xf32>
      %mul3A_1437 = arith.mulf %get3A_1257, %get3A_1436 : vector<16xf32>
      %add3A_1438 = arith.addf %get3A_1432, %mul3A_1437 : vector<16xf32>
      %swap3A_1439 = arith.constant 3 : i32
      %swap3A_1440 = arith.index_cast %swap3A_1439 : i32 to index
      %swap3A_1441 = arith.constant 160 : index
      %swap3A_1442 = tpu.vector_load %arg9[%swap3A_1440, %swap3A_1441] {strides = array<i32>} : memref<8x384xf32, #tpu.memory_space<vmem>>, vector<1x16xf32>,
      %swap3A_1443 = vector.shape_cast %swap3A_1442 : vector<1x16xf32> to vector<16xf32>
      %swap3A_1444 = vector.shape_cast %add3A_1438 : vector<16xf32> to vector<1x16xf32>
      tpu.vector_store %arg9[%swap3A_1440, %swap3A_1441], %swap3A_1444 {strides = array<i32>} : memref<8x384xf32, #tpu.memory_space<vmem>>, vector<1x16xf32>,
      %get3A_1445 = arith.constant 3 : i32
      %get3A_1446 = arith.index_cast %get3A_1445 : i32 to index
      %get3A_1447 = arith.constant 176 : index
      %get3A_1448 = tpu.vector_load %arg9[%get3A_1446, %get3A_1447] {strides = array<i32>} : memref<8x384xf32, #tpu.memory_space<vmem>>, vector<1x16xf32>,
      %get3A_1449 = vector.shape_cast %get3A_1448 : vector<1x16xf32> to vector<16xf32>
      %get3A_1450 = arith.index_cast %scan3A_19 : i32 to index
      %get3A_1451 = arith.constant 176 : index
      %get3A_1452 = tpu.vector_load %arg8[%get3A_1450, %get3A_1451] {strides = array<i32>} : memref<8x384xf32, #tpu.memory_space<vmem>>, vector<1x16xf32>,
      %get3A_1453 = vector.shape_cast %get3A_1452 : vector<1x16xf32> to vector<16xf32>
      %mul3A_1454 = arith.mulf %get3A_1257, %get3A_1453 : vector<16xf32>
      %add3A_1455 = arith.addf %get3A_1449, %mul3A_1454 : vector<16xf32>
      %swap3A_1456 = arith.constant 3 : i32
      %swap3A_1457 = arith.index_cast %swap3A_1456 : i32 to index
      %swap3A_1458 = arith.constant 176 : index
      %swap3A_1459 = tpu.vector_load %arg9[%swap3A_1457, %swap3A_1458] {strides = array<i32>} : memref<8x384xf32, #tpu.memory_space<vmem>>, vector<1x16xf32>,
      %swap3A_1460 = vector.shape_cast %swap3A_1459 : vector<1x16xf32> to vector<16xf32>
      %swap3A_1461 = vector.shape_cast %add3A_1455 : vector<16xf32> to vector<1x16xf32>
      tpu.vector_store %arg9[%swap3A_1457, %swap3A_1458], %swap3A_1461 {strides = array<i32>} : memref<8x384xf32, #tpu.memory_space<vmem>>, vector<1x16xf32>,
      %get3A_1462 = arith.constant 3 : i32
      %get3A_1463 = arith.index_cast %get3A_1462 : i32 to index
      %get3A_1464 = arith.constant 192 : index
      %get3A_1465 = tpu.vector_load %arg9[%get3A_1463, %get3A_1464] {strides = array<i32>} : memref<8x384xf32, #tpu.memory_space<vmem>>, vector<1x16xf32>,
      %get3A_1466 = vector.shape_cast %get3A_1465 : vector<1x16xf32> to vector<16xf32>
      %get3A_1467 = arith.index_cast %scan3A_19 : i32 to index
      %get3A_1468 = arith.constant 192 : index
      %get3A_1469 = tpu.vector_load %arg8[%get3A_1467, %get3A_1468] {strides = array<i32>} : memref<8x384xf32, #tpu.memory_space<vmem>>, vector<1x16xf32>,
      %get3A_1470 = vector.shape_cast %get3A_1469 : vector<1x16xf32> to vector<16xf32>
      %mul3A_1471 = arith.mulf %get3A_1257, %get3A_1470 : vector<16xf32>
      %add3A_1472 = arith.addf %get3A_1466, %mul3A_1471 : vector<16xf32>
      %swap3A_1473 = arith.constant 3 : i32
      %swap3A_1474 = arith.index_cast %swap3A_1473 : i32 to index
      %swap3A_1475 = arith.constant 192 : index
      %swap3A_1476 = tpu.vector_load %arg9[%swap3A_1474, %swap3A_1475] {strides = array<i32>} : memref<8x384xf32, #tpu.memory_space<vmem>>, vector<1x16xf32>,
      %swap3A_1477 = vector.shape_cast %swap3A_1476 : vector<1x16xf32> to vector<16xf32>
      %swap3A_1478 = vector.shape_cast %add3A_1472 : vector<16xf32> to vector<1x16xf32>
      tpu.vector_store %arg9[%swap3A_1474, %swap3A_1475], %swap3A_1478 {strides = array<i32>} : memref<8x384xf32, #tpu.memory_space<vmem>>, vector<1x16xf32>,
      %get3A_1479 = arith.constant 3 : i32
      %get3A_1480 = arith.index_cast %get3A_1479 : i32 to index
      %get3A_1481 = arith.constant 208 : index
      %get3A_1482 = tpu.vector_load %arg9[%get3A_1480, %get3A_1481] {strides = array<i32>} : memref<8x384xf32, #tpu.memory_space<vmem>>, vector<1x16xf32>,
      %get3A_1483 = vector.shape_cast %get3A_1482 : vector<1x16xf32> to vector<16xf32>
      %get3A_1484 = arith.index_cast %scan3A_19 : i32 to index
      %get3A_1485 = arith.constant 208 : index
      %get3A_1486 = tpu.vector_load %arg8[%get3A_1484, %get3A_1485] {strides = array<i32>} : memref<8x384xf32, #tpu.memory_space<vmem>>, vector<1x16xf32>,
      %get3A_1487 = vector.shape_cast %get3A_1486 : vector<1x16xf32> to vector<16xf32>
      %mul3A_1488 = arith.mulf %get3A_1257, %get3A_1487 : vector<16xf32>
      %add3A_1489 = arith.addf %get3A_1483, %mul3A_1488 : vector<16xf32>
      %swap3A_1490 = arith.constant 3 : i32
      %swap3A_1491 = arith.index_cast %swap3A_1490 : i32 to index
      %swap3A_1492 = arith.constant 208 : index
      %swap3A_1493 = tpu.vector_load %arg9[%swap3A_1491, %swap3A_1492] {strides = array<i32>} : memref<8x384xf32, #tpu.memory_space<vmem>>, vector<1x16xf32>,
      %swap3A_1494 = vector.shape_cast %swap3A_1493 : vector<1x16xf32> to vector<16xf32>
      %swap3A_1495 = vector.shape_cast %add3A_1489 : vector<16xf32> to vector<1x16xf32>
      tpu.vector_store %arg9[%swap3A_1491, %swap3A_1492], %swap3A_1495 {strides = array<i32>} : memref<8x384xf32, #tpu.memory_space<vmem>>, vector<1x16xf32>,
      %get3A_1496 = arith.constant 3 : i32
      %get3A_1497 = arith.index_cast %get3A_1496 : i32 to index
      %get3A_1498 = arith.constant 224 : index
      %get3A_1499 = tpu.vector_load %arg9[%get3A_1497, %get3A_1498] {strides = array<i32>} : memref<8x384xf32, #tpu.memory_space<vmem>>, vector<1x16xf32>,
      %get3A_1500 = vector.shape_cast %get3A_1499 : vector<1x16xf32> to vector<16xf32>
      %get3A_1501 = arith.index_cast %scan3A_19 : i32 to index
      %get3A_1502 = arith.constant 224 : index
      %get3A_1503 = tpu.vector_load %arg8[%get3A_1501, %get3A_1502] {strides = array<i32>} : memref<8x384xf32, #tpu.memory_space<vmem>>, vector<1x16xf32>,
      %get3A_1504 = vector.shape_cast %get3A_1503 : vector<1x16xf32> to vector<16xf32>
      %mul3A_1505 = arith.mulf %get3A_1257, %get3A_1504 : vector<16xf32>
      %add3A_1506 = arith.addf %get3A_1500, %mul3A_1505 : vector<16xf32>
      %swap3A_1507 = arith.constant 3 : i32
      %swap3A_1508 = arith.index_cast %swap3A_1507 : i32 to index
      %swap3A_1509 = arith.constant 224 : index
      %swap3A_1510 = tpu.vector_load %arg9[%swap3A_1508, %swap3A_1509] {strides = array<i32>} : memref<8x384xf32, #tpu.memory_space<vmem>>, vector<1x16xf32>,
      %swap3A_1511 = vector.shape_cast %swap3A_1510 : vector<1x16xf32> to vector<16xf32>
      %swap3A_1512 = vector.shape_cast %add3A_1506 : vector<16xf32> to vector<1x16xf32>
      tpu.vector_store %arg9[%swap3A_1508, %swap3A_1509], %swap3A_1512 {strides = array<i32>} : memref<8x384xf32, #tpu.memory_space<vmem>>, vector<1x16xf32>,
      %get3A_1513 = arith.constant 3 : i32
      %get3A_1514 = arith.index_cast %get3A_1513 : i32 to index
      %get3A_1515 = arith.constant 240 : index
      %get3A_1516 = tpu.vector_load %arg9[%get3A_1514, %get3A_1515] {strides = array<i32>} : memref<8x384xf32, #tpu.memory_space<vmem>>, vector<1x16xf32>,
      %get3A_1517 = vector.shape_cast %get3A_1516 : vector<1x16xf32> to vector<16xf32>
      %get3A_1518 = arith.index_cast %scan3A_19 : i32 to index
      %get3A_1519 = arith.constant 240 : index
      %get3A_1520 = tpu.vector_load %arg8[%get3A_1518, %get3A_1519] {strides = array<i32>} : memref<8x384xf32, #tpu.memory_space<vmem>>, vector<1x16xf32>,
      %get3A_1521 = vector.shape_cast %get3A_1520 : vector<1x16xf32> to vector<16xf32>
      %mul3A_1522 = arith.mulf %get3A_1257, %get3A_1521 : vector<16xf32>
      %add3A_1523 = arith.addf %get3A_1517, %mul3A_1522 : vector<16xf32>
      %swap3A_1524 = arith.constant 3 : i32
      %swap3A_1525 = arith.index_cast %swap3A_1524 : i32 to index
      %swap3A_1526 = arith.constant 240 : index
      %swap3A_1527 = tpu.vector_load %arg9[%swap3A_1525, %swap3A_1526] {strides = array<i32>} : memref<8x384xf32, #tpu.memory_space<vmem>>, vector<1x16xf32>,
      %swap3A_1528 = vector.shape_cast %swap3A_1527 : vector<1x16xf32> to vector<16xf32>
      %swap3A_1529 = vector.shape_cast %add3A_1523 : vector<16xf32> to vector<1x16xf32>
      tpu.vector_store %arg9[%swap3A_1525, %swap3A_1526], %swap3A_1529 {strides = array<i32>} : memref<8x384xf32, #tpu.memory_space<vmem>>, vector<1x16xf32>,
      %get3A_1530 = arith.constant 3 : i32
      %get3A_1531 = arith.index_cast %get3A_1530 : i32 to index
      %get3A_1532 = arith.constant 256 : index
      %get3A_1533 = tpu.vector_load %arg9[%get3A_1531, %get3A_1532] {strides = array<i32>} : memref<8x384xf32, #tpu.memory_space<vmem>>, vector<1x16xf32>,
      %get3A_1534 = vector.shape_cast %get3A_1533 : vector<1x16xf32> to vector<16xf32>
      %get3A_1535 = arith.index_cast %scan3A_19 : i32 to index
      %get3A_1536 = arith.constant 256 : index
      %get3A_1537 = tpu.vector_load %arg8[%get3A_1535, %get3A_1536] {strides = array<i32>} : memref<8x384xf32, #tpu.memory_space<vmem>>, vector<1x16xf32>,
      %get3A_1538 = vector.shape_cast %get3A_1537 : vector<1x16xf32> to vector<16xf32>
      %mul3A_1539 = arith.mulf %get3A_1257, %get3A_1538 : vector<16xf32>
      %add3A_1540 = arith.addf %get3A_1534, %mul3A_1539 : vector<16xf32>
      %swap3A_1541 = arith.constant 3 : i32
      %swap3A_1542 = arith.index_cast %swap3A_1541 : i32 to index
      %swap3A_1543 = arith.constant 256 : index
      %swap3A_1544 = tpu.vector_load %arg9[%swap3A_1542, %swap3A_1543] {strides = array<i32>} : memref<8x384xf32, #tpu.memory_space<vmem>>, vector<1x16xf32>,
      %swap3A_1545 = vector.shape_cast %swap3A_1544 : vector<1x16xf32> to vector<16xf32>
      %swap3A_1546 = vector.shape_cast %add3A_1540 : vector<16xf32> to vector<1x16xf32>
      tpu.vector_store %arg9[%swap3A_1542, %swap3A_1543], %swap3A_1546 {strides = array<i32>} : memref<8x384xf32, #tpu.memory_space<vmem>>, vector<1x16xf32>,
      %get3A_1547 = arith.constant 3 : i32
      %get3A_1548 = arith.index_cast %get3A_1547 : i32 to index
      %get3A_1549 = arith.constant 272 : index
      %get3A_1550 = tpu.vector_load %arg9[%get3A_1548, %get3A_1549] {strides = array<i32>} : memref<8x384xf32, #tpu.memory_space<vmem>>, vector<1x16xf32>,
      %get3A_1551 = vector.shape_cast %get3A_1550 : vector<1x16xf32> to vector<16xf32>
      %get3A_1552 = arith.index_cast %scan3A_19 : i32 to index
      %get3A_1553 = arith.constant 272 : index
      %get3A_1554 = tpu.vector_load %arg8[%get3A_1552, %get3A_1553] {strides = array<i32>} : memref<8x384xf32, #tpu.memory_space<vmem>>, vector<1x16xf32>,
      %get3A_1555 = vector.shape_cast %get3A_1554 : vector<1x16xf32> to vector<16xf32>
      %mul3A_1556 = arith.mulf %get3A_1257, %get3A_1555 : vector<16xf32>
      %add3A_1557 = arith.addf %get3A_1551, %mul3A_1556 : vector<16xf32>
      %swap3A_1558 = arith.constant 3 : i32
      %swap3A_1559 = arith.index_cast %swap3A_1558 : i32 to index
      %swap3A_1560 = arith.constant 272 : index
      %swap3A_1561 = tpu.vector_load %arg9[%swap3A_1559, %swap3A_1560] {strides = array<i32>} : memref<8x384xf32, #tpu.memory_space<vmem>>, vector<1x16xf32>,
      %swap3A_1562 = vector.shape_cast %swap3A_1561 : vector<1x16xf32> to vector<16xf32>
      %swap3A_1563 = vector.shape_cast %add3A_1557 : vector<16xf32> to vector<1x16xf32>
      tpu.vector_store %arg9[%swap3A_1559, %swap3A_1560], %swap3A_1563 {strides = array<i32>} : memref<8x384xf32, #tpu.memory_space<vmem>>, vector<1x16xf32>,
      %get3A_1564 = arith.constant 3 : i32
      %get3A_1565 = arith.index_cast %get3A_1564 : i32 to index
      %get3A_1566 = arith.constant 288 : index
      %get3A_1567 = tpu.vector_load %arg9[%get3A_1565, %get3A_1566] {strides = array<i32>} : memref<8x384xf32, #tpu.memory_space<vmem>>, vector<1x16xf32>,
      %get3A_1568 = vector.shape_cast %get3A_1567 : vector<1x16xf32> to vector<16xf32>
      %get3A_1569 = arith.index_cast %scan3A_19 : i32 to index
      %get3A_1570 = arith.constant 288 : index
      %get3A_1571 = tpu.vector_load %arg8[%get3A_1569, %get3A_1570] {strides = array<i32>} : memref<8x384xf32, #tpu.memory_space<vmem>>, vector<1x16xf32>,
      %get3A_1572 = vector.shape_cast %get3A_1571 : vector<1x16xf32> to vector<16xf32>
      %mul3A_1573 = arith.mulf %get3A_1257, %get3A_1572 : vector<16xf32>
      %add3A_1574 = arith.addf %get3A_1568, %mul3A_1573 : vector<16xf32>
      %swap3A_1575 = arith.constant 3 : i32
      %swap3A_1576 = arith.index_cast %swap3A_1575 : i32 to index
      %swap3A_1577 = arith.constant 288 : index
      %swap3A_1578 = tpu.vector_load %arg9[%swap3A_1576, %swap3A_1577] {strides = array<i32>} : memref<8x384xf32, #tpu.memory_space<vmem>>, vector<1x16xf32>,
      %swap3A_1579 = vector.shape_cast %swap3A_1578 : vector<1x16xf32> to vector<16xf32>
      %swap3A_1580 = vector.shape_cast %add3A_1574 : vector<16xf32> to vector<1x16xf32>
      tpu.vector_store %arg9[%swap3A_1576, %swap3A_1577], %swap3A_1580 {strides = array<i32>} : memref<8x384xf32, #tpu.memory_space<vmem>>, vector<1x16xf32>,
      %get3A_1581 = arith.constant 3 : i32
      %get3A_1582 = arith.index_cast %get3A_1581 : i32 to index
      %get3A_1583 = arith.constant 304 : index
      %get3A_1584 = tpu.vector_load %arg9[%get3A_1582, %get3A_1583] {strides = array<i32>} : memref<8x384xf32, #tpu.memory_space<vmem>>, vector<1x16xf32>,
      %get3A_1585 = vector.shape_cast %get3A_1584 : vector<1x16xf32> to vector<16xf32>
      %get3A_1586 = arith.index_cast %scan3A_19 : i32 to index
      %get3A_1587 = arith.constant 304 : index
      %get3A_1588 = tpu.vector_load %arg8[%get3A_1586, %get3A_1587] {strides = array<i32>} : memref<8x384xf32, #tpu.memory_space<vmem>>, vector<1x16xf32>,
      %get3A_1589 = vector.shape_cast %get3A_1588 : vector<1x16xf32> to vector<16xf32>
      %mul3A_1590 = arith.mulf %get3A_1257, %get3A_1589 : vector<16xf32>
      %add3A_1591 = arith.addf %get3A_1585, %mul3A_1590 : vector<16xf32>
      %swap3A_1592 = arith.constant 3 : i32
      %swap3A_1593 = arith.index_cast %swap3A_1592 : i32 to index
      %swap3A_1594 = arith.constant 304 : index
      %swap3A_1595 = tpu.vector_load %arg9[%swap3A_1593, %swap3A_1594] {strides = array<i32>} : memref<8x384xf32, #tpu.memory_space<vmem>>, vector<1x16xf32>,
      %swap3A_1596 = vector.shape_cast %swap3A_1595 : vector<1x16xf32> to vector<16xf32>
      %swap3A_1597 = vector.shape_cast %add3A_1591 : vector<16xf32> to vector<1x16xf32>
      tpu.vector_store %arg9[%swap3A_1593, %swap3A_1594], %swap3A_1597 {strides = array<i32>} : memref<8x384xf32, #tpu.memory_space<vmem>>, vector<1x16xf32>,
      %get3A_1598 = arith.constant 3 : i32
      %get3A_1599 = arith.index_cast %get3A_1598 : i32 to index
      %get3A_1600 = arith.constant 320 : index
      %get3A_1601 = tpu.vector_load %arg9[%get3A_1599, %get3A_1600] {strides = array<i32>} : memref<8x384xf32, #tpu.memory_space<vmem>>, vector<1x16xf32>,
      %get3A_1602 = vector.shape_cast %get3A_1601 : vector<1x16xf32> to vector<16xf32>
      %get3A_1603 = arith.index_cast %scan3A_19 : i32 to index
      %get3A_1604 = arith.constant 320 : index
      %get3A_1605 = tpu.vector_load %arg8[%get3A_1603, %get3A_1604] {strides = array<i32>} : memref<8x384xf32, #tpu.memory_space<vmem>>, vector<1x16xf32>,
      %get3A_1606 = vector.shape_cast %get3A_1605 : vector<1x16xf32> to vector<16xf32>
      %mul3A_1607 = arith.mulf %get3A_1257, %get3A_1606 : vector<16xf32>
      %add3A_1608 = arith.addf %get3A_1602, %mul3A_1607 : vector<16xf32>
      %swap3A_1609 = arith.constant 3 : i32
      %swap3A_1610 = arith.index_cast %swap3A_1609 : i32 to index
      %swap3A_1611 = arith.constant 320 : index
      %swap3A_1612 = tpu.vector_load %arg9[%swap3A_1610, %swap3A_1611] {strides = array<i32>} : memref<8x384xf32, #tpu.memory_space<vmem>>, vector<1x16xf32>,
      %swap3A_1613 = vector.shape_cast %swap3A_1612 : vector<1x16xf32> to vector<16xf32>
      %swap3A_1614 = vector.shape_cast %add3A_1608 : vector<16xf32> to vector<1x16xf32>
      tpu.vector_store %arg9[%swap3A_1610, %swap3A_1611], %swap3A_1614 {strides = array<i32>} : memref<8x384xf32, #tpu.memory_space<vmem>>, vector<1x16xf32>,
      %get3A_1615 = arith.constant 3 : i32
      %get3A_1616 = arith.index_cast %get3A_1615 : i32 to index
      %get3A_1617 = arith.constant 336 : index
      %get3A_1618 = tpu.vector_load %arg9[%get3A_1616, %get3A_1617] {strides = array<i32>} : memref<8x384xf32, #tpu.memory_space<vmem>>, vector<1x16xf32>,
      %get3A_1619 = vector.shape_cast %get3A_1618 : vector<1x16xf32> to vector<16xf32>
      %get3A_1620 = arith.index_cast %scan3A_19 : i32 to index
      %get3A_1621 = arith.constant 336 : index
      %get3A_1622 = tpu.vector_load %arg8[%get3A_1620, %get3A_1621] {strides = array<i32>} : memref<8x384xf32, #tpu.memory_space<vmem>>, vector<1x16xf32>,
      %get3A_1623 = vector.shape_cast %get3A_1622 : vector<1x16xf32> to vector<16xf32>
      %mul3A_1624 = arith.mulf %get3A_1257, %get3A_1623 : vector<16xf32>
      %add3A_1625 = arith.addf %get3A_1619, %mul3A_1624 : vector<16xf32>
      %swap3A_1626 = arith.constant 3 : i32
      %swap3A_1627 = arith.index_cast %swap3A_1626 : i32 to index
      %swap3A_1628 = arith.constant 336 : index
      %swap3A_1629 = tpu.vector_load %arg9[%swap3A_1627, %swap3A_1628] {strides = array<i32>} : memref<8x384xf32, #tpu.memory_space<vmem>>, vector<1x16xf32>,
      %swap3A_1630 = vector.shape_cast %swap3A_1629 : vector<1x16xf32> to vector<16xf32>
      %swap3A_1631 = vector.shape_cast %add3A_1625 : vector<16xf32> to vector<1x16xf32>
      tpu.vector_store %arg9[%swap3A_1627, %swap3A_1628], %swap3A_1631 {strides = array<i32>} : memref<8x384xf32, #tpu.memory_space<vmem>>, vector<1x16xf32>,
      %get3A_1632 = arith.constant 3 : i32
      %get3A_1633 = arith.index_cast %get3A_1632 : i32 to index
      %get3A_1634 = arith.constant 352 : index
      %get3A_1635 = tpu.vector_load %arg9[%get3A_1633, %get3A_1634] {strides = array<i32>} : memref<8x384xf32, #tpu.memory_space<vmem>>, vector<1x16xf32>,
      %get3A_1636 = vector.shape_cast %get3A_1635 : vector<1x16xf32> to vector<16xf32>
      %get3A_1637 = arith.index_cast %scan3A_19 : i32 to index
      %get3A_1638 = arith.constant 352 : index
      %get3A_1639 = tpu.vector_load %arg8[%get3A_1637, %get3A_1638] {strides = array<i32>} : memref<8x384xf32, #tpu.memory_space<vmem>>, vector<1x16xf32>,
      %get3A_1640 = vector.shape_cast %get3A_1639 : vector<1x16xf32> to vector<16xf32>
      %mul3A_1641 = arith.mulf %get3A_1257, %get3A_1640 : vector<16xf32>
      %add3A_1642 = arith.addf %get3A_1636, %mul3A_1641 : vector<16xf32>
      %swap3A_1643 = arith.constant 3 : i32
      %swap3A_1644 = arith.index_cast %swap3A_1643 : i32 to index
      %swap3A_1645 = arith.constant 352 : index
      %swap3A_1646 = tpu.vector_load %arg9[%swap3A_1644, %swap3A_1645] {strides = array<i32>} : memref<8x384xf32, #tpu.memory_space<vmem>>, vector<1x16xf32>,
      %swap3A_1647 = vector.shape_cast %swap3A_1646 : vector<1x16xf32> to vector<16xf32>
      %swap3A_1648 = vector.shape_cast %add3A_1642 : vector<16xf32> to vector<1x16xf32>
      tpu.vector_store %arg9[%swap3A_1644, %swap3A_1645], %swap3A_1648 {strides = array<i32>} : memref<8x384xf32, #tpu.memory_space<vmem>>, vector<1x16xf32>,
      %get3A_1649 = arith.constant 3 : i32
      %get3A_1650 = arith.index_cast %get3A_1649 : i32 to index
      %get3A_1651 = arith.constant 368 : index
      %get3A_1652 = tpu.vector_load %arg9[%get3A_1650, %get3A_1651] {strides = array<i32>} : memref<8x384xf32, #tpu.memory_space<vmem>>, vector<1x16xf32>,
      %get3A_1653 = vector.shape_cast %get3A_1652 : vector<1x16xf32> to vector<16xf32>
      %get3A_1654 = arith.index_cast %scan3A_19 : i32 to index
      %get3A_1655 = arith.constant 368 : index
      %get3A_1656 = tpu.vector_load %arg8[%get3A_1654, %get3A_1655] {strides = array<i32>} : memref<8x384xf32, #tpu.memory_space<vmem>>, vector<1x16xf32>,
      %get3A_1657 = vector.shape_cast %get3A_1656 : vector<1x16xf32> to vector<16xf32>
      %mul3A_1658 = arith.mulf %get3A_1257, %get3A_1657 : vector<16xf32>
      %add3A_1659 = arith.addf %get3A_1653, %mul3A_1658 : vector<16xf32>
      %swap3A_1660 = arith.constant 3 : i32
      %swap3A_1661 = arith.index_cast %swap3A_1660 : i32 to index
      %swap3A_1662 = arith.constant 368 : index
      %swap3A_1663 = tpu.vector_load %arg9[%swap3A_1661, %swap3A_1662] {strides = array<i32>} : memref<8x384xf32, #tpu.memory_space<vmem>>, vector<1x16xf32>,
      %swap3A_1664 = vector.shape_cast %swap3A_1663 : vector<1x16xf32> to vector<16xf32>
      %swap3A_1665 = vector.shape_cast %add3A_1659 : vector<16xf32> to vector<1x16xf32>
      tpu.vector_store %arg9[%swap3A_1661, %swap3A_1662], %swap3A_1665 {strides = array<i32>} : memref<8x384xf32, #tpu.memory_space<vmem>>, vector<1x16xf32>,
      %get3A_1666 = arith.index_cast %scan3A_19 : i32 to index
      %get3A_1667 = arith.constant 64 : index
      %get3A_1668 = tpu.vector_load %arg7[%get3A_1666, %get3A_1667] {strides = array<i32>} : memref<8x128xf32, #tpu.memory_space<vmem>>, vector<1x16xf32>,
      %get3A_1669 = vector.shape_cast %get3A_1668 : vector<1x16xf32> to vector<16xf32>
      %get3A_1670 = arith.constant 4 : i32
      %get3A_1671 = arith.index_cast %get3A_1670 : i32 to index
      %get3A_1672 = arith.constant 0 : index
      %get3A_1673 = tpu.vector_load %arg9[%get3A_1671, %get3A_1672] {strides = array<i32>} : memref<8x384xf32, #tpu.memory_space<vmem>>, vector<1x16xf32>,
      %get3A_1674 = vector.shape_cast %get3A_1673 : vector<1x16xf32> to vector<16xf32>
      %get3A_1675 = arith.index_cast %scan3A_19 : i32 to index
      %get3A_1676 = arith.constant 0 : index
      %get3A_1677 = tpu.vector_load %arg8[%get3A_1675, %get3A_1676] {strides = array<i32>} : memref<8x384xf32, #tpu.memory_space<vmem>>, vector<1x16xf32>,
      %get3A_1678 = vector.shape_cast %get3A_1677 : vector<1x16xf32> to vector<16xf32>
      %mul3A_1679 = arith.mulf %get3A_1669, %get3A_1678 : vector<16xf32>
      %add3A_1680 = arith.addf %get3A_1674, %mul3A_1679 : vector<16xf32>
      %swap3A_1681 = arith.constant 4 : i32
      %swap3A_1682 = arith.index_cast %swap3A_1681 : i32 to index
      %swap3A_1683 = arith.constant 0 : index
      %swap3A_1684 = tpu.vector_load %arg9[%swap3A_1682, %swap3A_1683] {strides = array<i32>} : memref<8x384xf32, #tpu.memory_space<vmem>>, vector<1x16xf32>,
      %swap3A_1685 = vector.shape_cast %swap3A_1684 : vector<1x16xf32> to vector<16xf32>
      %swap3A_1686 = vector.shape_cast %add3A_1680 : vector<16xf32> to vector<1x16xf32>
      tpu.vector_store %arg9[%swap3A_1682, %swap3A_1683], %swap3A_1686 {strides = array<i32>} : memref<8x384xf32, #tpu.memory_space<vmem>>, vector<1x16xf32>,
      %get3A_1687 = arith.constant 4 : i32
      %get3A_1688 = arith.index_cast %get3A_1687 : i32 to index
      %get3A_1689 = arith.constant 16 : index
      %get3A_1690 = tpu.vector_load %arg9[%get3A_1688, %get3A_1689] {strides = array<i32>} : memref<8x384xf32, #tpu.memory_space<vmem>>, vector<1x16xf32>,
      %get3A_1691 = vector.shape_cast %get3A_1690 : vector<1x16xf32> to vector<16xf32>
      %get3A_1692 = arith.index_cast %scan3A_19 : i32 to index
      %get3A_1693 = arith.constant 16 : index
      %get3A_1694 = tpu.vector_load %arg8[%get3A_1692, %get3A_1693] {strides = array<i32>} : memref<8x384xf32, #tpu.memory_space<vmem>>, vector<1x16xf32>,
      %get3A_1695 = vector.shape_cast %get3A_1694 : vector<1x16xf32> to vector<16xf32>
      %mul3A_1696 = arith.mulf %get3A_1669, %get3A_1695 : vector<16xf32>
      %add3A_1697 = arith.addf %get3A_1691, %mul3A_1696 : vector<16xf32>
      %swap3A_1698 = arith.constant 4 : i32
      %swap3A_1699 = arith.index_cast %swap3A_1698 : i32 to index
      %swap3A_1700 = arith.constant 16 : index
      %swap3A_1701 = tpu.vector_load %arg9[%swap3A_1699, %swap3A_1700] {strides = array<i32>} : memref<8x384xf32, #tpu.memory_space<vmem>>, vector<1x16xf32>,
      %swap3A_1702 = vector.shape_cast %swap3A_1701 : vector<1x16xf32> to vector<16xf32>
      %swap3A_1703 = vector.shape_cast %add3A_1697 : vector<16xf32> to vector<1x16xf32>
      tpu.vector_store %arg9[%swap3A_1699, %swap3A_1700], %swap3A_1703 {strides = array<i32>} : memref<8x384xf32, #tpu.memory_space<vmem>>, vector<1x16xf32>,
      %get3A_1704 = arith.constant 4 : i32
      %get3A_1705 = arith.index_cast %get3A_1704 : i32 to index
      %get3A_1706 = arith.constant 32 : index
      %get3A_1707 = tpu.vector_load %arg9[%get3A_1705, %get3A_1706] {strides = array<i32>} : memref<8x384xf32, #tpu.memory_space<vmem>>, vector<1x16xf32>,
      %get3A_1708 = vector.shape_cast %get3A_1707 : vector<1x16xf32> to vector<16xf32>
      %get3A_1709 = arith.index_cast %scan3A_19 : i32 to index
      %get3A_1710 = arith.constant 32 : index
      %get3A_1711 = tpu.vector_load %arg8[%get3A_1709, %get3A_1710] {strides = array<i32>} : memref<8x384xf32, #tpu.memory_space<vmem>>, vector<1x16xf32>,
      %get3A_1712 = vector.shape_cast %get3A_1711 : vector<1x16xf32> to vector<16xf32>
      %mul3A_1713 = arith.mulf %get3A_1669, %get3A_1712 : vector<16xf32>
      %add3A_1714 = arith.addf %get3A_1708, %mul3A_1713 : vector<16xf32>
      %swap3A_1715 = arith.constant 4 : i32
      %swap3A_1716 = arith.index_cast %swap3A_1715 : i32 to index
      %swap3A_1717 = arith.constant 32 : index
      %swap3A_1718 = tpu.vector_load %arg9[%swap3A_1716, %swap3A_1717] {strides = array<i32>} : memref<8x384xf32, #tpu.memory_space<vmem>>, vector<1x16xf32>,
      %swap3A_1719 = vector.shape_cast %swap3A_1718 : vector<1x16xf32> to vector<16xf32>
      %swap3A_1720 = vector.shape_cast %add3A_1714 : vector<16xf32> to vector<1x16xf32>
      tpu.vector_store %arg9[%swap3A_1716, %swap3A_1717], %swap3A_1720 {strides = array<i32>} : memref<8x384xf32, #tpu.memory_space<vmem>>, vector<1x16xf32>,
      %get3A_1721 = arith.constant 4 : i32
      %get3A_1722 = arith.index_cast %get3A_1721 : i32 to index
      %get3A_1723 = arith.constant 48 : index
      %get3A_1724 = tpu.vector_load %arg9[%get3A_1722, %get3A_1723] {strides = array<i32>} : memref<8x384xf32, #tpu.memory_space<vmem>>, vector<1x16xf32>,
      %get3A_1725 = vector.shape_cast %get3A_1724 : vector<1x16xf32> to vector<16xf32>
      %get3A_1726 = arith.index_cast %scan3A_19 : i32 to index
      %get3A_1727 = arith.constant 48 : index
      %get3A_1728 = tpu.vector_load %arg8[%get3A_1726, %get3A_1727] {strides = array<i32>} : memref<8x384xf32, #tpu.memory_space<vmem>>, vector<1x16xf32>,
      %get3A_1729 = vector.shape_cast %get3A_1728 : vector<1x16xf32> to vector<16xf32>
      %mul3A_1730 = arith.mulf %get3A_1669, %get3A_1729 : vector<16xf32>
      %add3A_1731 = arith.addf %get3A_1725, %mul3A_1730 : vector<16xf32>
      %swap3A_1732 = arith.constant 4 : i32
      %swap3A_1733 = arith.index_cast %swap3A_1732 : i32 to index
      %swap3A_1734 = arith.constant 48 : index
      %swap3A_1735 = tpu.vector_load %arg9[%swap3A_1733, %swap3A_1734] {strides = array<i32>} : memref<8x384xf32, #tpu.memory_space<vmem>>, vector<1x16xf32>,
      %swap3A_1736 = vector.shape_cast %swap3A_1735 : vector<1x16xf32> to vector<16xf32>
      %swap3A_1737 = vector.shape_cast %add3A_1731 : vector<16xf32> to vector<1x16xf32>
      tpu.vector_store %arg9[%swap3A_1733, %swap3A_1734], %swap3A_1737 {strides = array<i32>} : memref<8x384xf32, #tpu.memory_space<vmem>>, vector<1x16xf32>,
      %get3A_1738 = arith.constant 4 : i32
      %get3A_1739 = arith.index_cast %get3A_1738 : i32 to index
      %get3A_1740 = arith.constant 64 : index
      %get3A_1741 = tpu.vector_load %arg9[%get3A_1739, %get3A_1740] {strides = array<i32>} : memref<8x384xf32, #tpu.memory_space<vmem>>, vector<1x16xf32>,
      %get3A_1742 = vector.shape_cast %get3A_1741 : vector<1x16xf32> to vector<16xf32>
      %get3A_1743 = arith.index_cast %scan3A_19 : i32 to index
      %get3A_1744 = arith.constant 64 : index
      %get3A_1745 = tpu.vector_load %arg8[%get3A_1743, %get3A_1744] {strides = array<i32>} : memref<8x384xf32, #tpu.memory_space<vmem>>, vector<1x16xf32>,
      %get3A_1746 = vector.shape_cast %get3A_1745 : vector<1x16xf32> to vector<16xf32>
      %mul3A_1747 = arith.mulf %get3A_1669, %get3A_1746 : vector<16xf32>
      %add3A_1748 = arith.addf %get3A_1742, %mul3A_1747 : vector<16xf32>
      %swap3A_1749 = arith.constant 4 : i32
      %swap3A_1750 = arith.index_cast %swap3A_1749 : i32 to index
      %swap3A_1751 = arith.constant 64 : index
      %swap3A_1752 = tpu.vector_load %arg9[%swap3A_1750, %swap3A_1751] {strides = array<i32>} : memref<8x384xf32, #tpu.memory_space<vmem>>, vector<1x16xf32>,
      %swap3A_1753 = vector.shape_cast %swap3A_1752 : vector<1x16xf32> to vector<16xf32>
      %swap3A_1754 = vector.shape_cast %add3A_1748 : vector<16xf32> to vector<1x16xf32>
      tpu.vector_store %arg9[%swap3A_1750, %swap3A_1751], %swap3A_1754 {strides = array<i32>} : memref<8x384xf32, #tpu.memory_space<vmem>>, vector<1x16xf32>,
      %get3A_1755 = arith.constant 4 : i32
      %get3A_1756 = arith.index_cast %get3A_1755 : i32 to index
      %get3A_1757 = arith.constant 80 : index
      %get3A_1758 = tpu.vector_load %arg9[%get3A_1756, %get3A_1757] {strides = array<i32>} : memref<8x384xf32, #tpu.memory_space<vmem>>, vector<1x16xf32>,
      %get3A_1759 = vector.shape_cast %get3A_1758 : vector<1x16xf32> to vector<16xf32>
      %get3A_1760 = arith.index_cast %scan3A_19 : i32 to index
      %get3A_1761 = arith.constant 80 : index
      %get3A_1762 = tpu.vector_load %arg8[%get3A_1760, %get3A_1761] {strides = array<i32>} : memref<8x384xf32, #tpu.memory_space<vmem>>, vector<1x16xf32>,
      %get3A_1763 = vector.shape_cast %get3A_1762 : vector<1x16xf32> to vector<16xf32>
      %mul3A_1764 = arith.mulf %get3A_1669, %get3A_1763 : vector<16xf32>
      %add3A_1765 = arith.addf %get3A_1759, %mul3A_1764 : vector<16xf32>
      %swap3A_1766 = arith.constant 4 : i32
      %swap3A_1767 = arith.index_cast %swap3A_1766 : i32 to index
      %swap3A_1768 = arith.constant 80 : index
      %swap3A_1769 = tpu.vector_load %arg9[%swap3A_1767, %swap3A_1768] {strides = array<i32>} : memref<8x384xf32, #tpu.memory_space<vmem>>, vector<1x16xf32>,
      %swap3A_1770 = vector.shape_cast %swap3A_1769 : vector<1x16xf32> to vector<16xf32>
      %swap3A_1771 = vector.shape_cast %add3A_1765 : vector<16xf32> to vector<1x16xf32>
      tpu.vector_store %arg9[%swap3A_1767, %swap3A_1768], %swap3A_1771 {strides = array<i32>} : memref<8x384xf32, #tpu.memory_space<vmem>>, vector<1x16xf32>,
      %get3A_1772 = arith.constant 4 : i32
      %get3A_1773 = arith.index_cast %get3A_1772 : i32 to index
      %get3A_1774 = arith.constant 96 : index
      %get3A_1775 = tpu.vector_load %arg9[%get3A_1773, %get3A_1774] {strides = array<i32>} : memref<8x384xf32, #tpu.memory_space<vmem>>, vector<1x16xf32>,
      %get3A_1776 = vector.shape_cast %get3A_1775 : vector<1x16xf32> to vector<16xf32>
      %get3A_1777 = arith.index_cast %scan3A_19 : i32 to index
      %get3A_1778 = arith.constant 96 : index
      %get3A_1779 = tpu.vector_load %arg8[%get3A_1777, %get3A_1778] {strides = array<i32>} : memref<8x384xf32, #tpu.memory_space<vmem>>, vector<1x16xf32>,
      %get3A_1780 = vector.shape_cast %get3A_1779 : vector<1x16xf32> to vector<16xf32>
      %mul3A_1781 = arith.mulf %get3A_1669, %get3A_1780 : vector<16xf32>
      %add3A_1782 = arith.addf %get3A_1776, %mul3A_1781 : vector<16xf32>
      %swap3A_1783 = arith.constant 4 : i32
      %swap3A_1784 = arith.index_cast %swap3A_1783 : i32 to index
      %swap3A_1785 = arith.constant 96 : index
      %swap3A_1786 = tpu.vector_load %arg9[%swap3A_1784, %swap3A_1785] {strides = array<i32>} : memref<8x384xf32, #tpu.memory_space<vmem>>, vector<1x16xf32>,
      %swap3A_1787 = vector.shape_cast %swap3A_1786 : vector<1x16xf32> to vector<16xf32>
      %swap3A_1788 = vector.shape_cast %add3A_1782 : vector<16xf32> to vector<1x16xf32>
      tpu.vector_store %arg9[%swap3A_1784, %swap3A_1785], %swap3A_1788 {strides = array<i32>} : memref<8x384xf32, #tpu.memory_space<vmem>>, vector<1x16xf32>,
      %get3A_1789 = arith.constant 4 : i32
      %get3A_1790 = arith.index_cast %get3A_1789 : i32 to index
      %get3A_1791 = arith.constant 112 : index
      %get3A_1792 = tpu.vector_load %arg9[%get3A_1790, %get3A_1791] {strides = array<i32>} : memref<8x384xf32, #tpu.memory_space<vmem>>, vector<1x16xf32>,
      %get3A_1793 = vector.shape_cast %get3A_1792 : vector<1x16xf32> to vector<16xf32>
      %get3A_1794 = arith.index_cast %scan3A_19 : i32 to index
      %get3A_1795 = arith.constant 112 : index
      %get3A_1796 = tpu.vector_load %arg8[%get3A_1794, %get3A_1795] {strides = array<i32>} : memref<8x384xf32, #tpu.memory_space<vmem>>, vector<1x16xf32>,
      %get3A_1797 = vector.shape_cast %get3A_1796 : vector<1x16xf32> to vector<16xf32>
      %mul3A_1798 = arith.mulf %get3A_1669, %get3A_1797 : vector<16xf32>
      %add3A_1799 = arith.addf %get3A_1793, %mul3A_1798 : vector<16xf32>
      %swap3A_1800 = arith.constant 4 : i32
      %swap3A_1801 = arith.index_cast %swap3A_1800 : i32 to index
      %swap3A_1802 = arith.constant 112 : index
      %swap3A_1803 = tpu.vector_load %arg9[%swap3A_1801, %swap3A_1802] {strides = array<i32>} : memref<8x384xf32, #tpu.memory_space<vmem>>, vector<1x16xf32>,
      %swap3A_1804 = vector.shape_cast %swap3A_1803 : vector<1x16xf32> to vector<16xf32>
      %swap3A_1805 = vector.shape_cast %add3A_1799 : vector<16xf32> to vector<1x16xf32>
      tpu.vector_store %arg9[%swap3A_1801, %swap3A_1802], %swap3A_1805 {strides = array<i32>} : memref<8x384xf32, #tpu.memory_space<vmem>>, vector<1x16xf32>,
      %get3A_1806 = arith.constant 4 : i32
      %get3A_1807 = arith.index_cast %get3A_1806 : i32 to index
      %get3A_1808 = arith.constant 128 : index
      %get3A_1809 = tpu.vector_load %arg9[%get3A_1807, %get3A_1808] {strides = array<i32>} : memref<8x384xf32, #tpu.memory_space<vmem>>, vector<1x16xf32>,
      %get3A_1810 = vector.shape_cast %get3A_1809 : vector<1x16xf32> to vector<16xf32>
      %get3A_1811 = arith.index_cast %scan3A_19 : i32 to index
      %get3A_1812 = arith.constant 128 : index
      %get3A_1813 = tpu.vector_load %arg8[%get3A_1811, %get3A_1812] {strides = array<i32>} : memref<8x384xf32, #tpu.memory_space<vmem>>, vector<1x16xf32>,
      %get3A_1814 = vector.shape_cast %get3A_1813 : vector<1x16xf32> to vector<16xf32>
      %mul3A_1815 = arith.mulf %get3A_1669, %get3A_1814 : vector<16xf32>
      %add3A_1816 = arith.addf %get3A_1810, %mul3A_1815 : vector<16xf32>
      %swap3A_1817 = arith.constant 4 : i32
      %swap3A_1818 = arith.index_cast %swap3A_1817 : i32 to index
      %swap3A_1819 = arith.constant 128 : index
      %swap3A_1820 = tpu.vector_load %arg9[%swap3A_1818, %swap3A_1819] {strides = array<i32>} : memref<8x384xf32, #tpu.memory_space<vmem>>, vector<1x16xf32>,
      %swap3A_1821 = vector.shape_cast %swap3A_1820 : vector<1x16xf32> to vector<16xf32>
      %swap3A_1822 = vector.shape_cast %add3A_1816 : vector<16xf32> to vector<1x16xf32>
      tpu.vector_store %arg9[%swap3A_1818, %swap3A_1819], %swap3A_1822 {strides = array<i32>} : memref<8x384xf32, #tpu.memory_space<vmem>>, vector<1x16xf32>,
      %get3A_1823 = arith.constant 4 : i32
      %get3A_1824 = arith.index_cast %get3A_1823 : i32 to index
      %get3A_1825 = arith.constant 144 : index
      %get3A_1826 = tpu.vector_load %arg9[%get3A_1824, %get3A_1825] {strides = array<i32>} : memref<8x384xf32, #tpu.memory_space<vmem>>, vector<1x16xf32>,
      %get3A_1827 = vector.shape_cast %get3A_1826 : vector<1x16xf32> to vector<16xf32>
      %get3A_1828 = arith.index_cast %scan3A_19 : i32 to index
      %get3A_1829 = arith.constant 144 : index
      %get3A_1830 = tpu.vector_load %arg8[%get3A_1828, %get3A_1829] {strides = array<i32>} : memref<8x384xf32, #tpu.memory_space<vmem>>, vector<1x16xf32>,
      %get3A_1831 = vector.shape_cast %get3A_1830 : vector<1x16xf32> to vector<16xf32>
      %mul3A_1832 = arith.mulf %get3A_1669, %get3A_1831 : vector<16xf32>
      %add3A_1833 = arith.addf %get3A_1827, %mul3A_1832 : vector<16xf32>
      %swap3A_1834 = arith.constant 4 : i32
      %swap3A_1835 = arith.index_cast %swap3A_1834 : i32 to index
      %swap3A_1836 = arith.constant 144 : index
      %swap3A_1837 = tpu.vector_load %arg9[%swap3A_1835, %swap3A_1836] {strides = array<i32>} : memref<8x384xf32, #tpu.memory_space<vmem>>, vector<1x16xf32>,
      %swap3A_1838 = vector.shape_cast %swap3A_1837 : vector<1x16xf32> to vector<16xf32>
      %swap3A_1839 = vector.shape_cast %add3A_1833 : vector<16xf32> to vector<1x16xf32>
      tpu.vector_store %arg9[%swap3A_1835, %swap3A_1836], %swap3A_1839 {strides = array<i32>} : memref<8x384xf32, #tpu.memory_space<vmem>>, vector<1x16xf32>,
      %get3A_1840 = arith.constant 4 : i32
      %get3A_1841 = arith.index_cast %get3A_1840 : i32 to index
      %get3A_1842 = arith.constant 160 : index
      %get3A_1843 = tpu.vector_load %arg9[%get3A_1841, %get3A_1842] {strides = array<i32>} : memref<8x384xf32, #tpu.memory_space<vmem>>, vector<1x16xf32>,
      %get3A_1844 = vector.shape_cast %get3A_1843 : vector<1x16xf32> to vector<16xf32>
      %get3A_1845 = arith.index_cast %scan3A_19 : i32 to index
      %get3A_1846 = arith.constant 160 : index
      %get3A_1847 = tpu.vector_load %arg8[%get3A_1845, %get3A_1846] {strides = array<i32>} : memref<8x384xf32, #tpu.memory_space<vmem>>, vector<1x16xf32>,
      %get3A_1848 = vector.shape_cast %get3A_1847 : vector<1x16xf32> to vector<16xf32>
      %mul3A_1849 = arith.mulf %get3A_1669, %get3A_1848 : vector<16xf32>
      %add3A_1850 = arith.addf %get3A_1844, %mul3A_1849 : vector<16xf32>
      %swap3A_1851 = arith.constant 4 : i32
      %swap3A_1852 = arith.index_cast %swap3A_1851 : i32 to index
      %swap3A_1853 = arith.constant 160 : index
      %swap3A_1854 = tpu.vector_load %arg9[%swap3A_1852, %swap3A_1853] {strides = array<i32>} : memref<8x384xf32, #tpu.memory_space<vmem>>, vector<1x16xf32>,
      %swap3A_1855 = vector.shape_cast %swap3A_1854 : vector<1x16xf32> to vector<16xf32>
      %swap3A_1856 = vector.shape_cast %add3A_1850 : vector<16xf32> to vector<1x16xf32>
      tpu.vector_store %arg9[%swap3A_1852, %swap3A_1853], %swap3A_1856 {strides = array<i32>} : memref<8x384xf32, #tpu.memory_space<vmem>>, vector<1x16xf32>,
      %get3A_1857 = arith.constant 4 : i32
      %get3A_1858 = arith.index_cast %get3A_1857 : i32 to index
      %get3A_1859 = arith.constant 176 : index
      %get3A_1860 = tpu.vector_load %arg9[%get3A_1858, %get3A_1859] {strides = array<i32>} : memref<8x384xf32, #tpu.memory_space<vmem>>, vector<1x16xf32>,
      %get3A_1861 = vector.shape_cast %get3A_1860 : vector<1x16xf32> to vector<16xf32>
      %get3A_1862 = arith.index_cast %scan3A_19 : i32 to index
      %get3A_1863 = arith.constant 176 : index
      %get3A_1864 = tpu.vector_load %arg8[%get3A_1862, %get3A_1863] {strides = array<i32>} : memref<8x384xf32, #tpu.memory_space<vmem>>, vector<1x16xf32>,
      %get3A_1865 = vector.shape_cast %get3A_1864 : vector<1x16xf32> to vector<16xf32>
      %mul3A_1866 = arith.mulf %get3A_1669, %get3A_1865 : vector<16xf32>
      %add3A_1867 = arith.addf %get3A_1861, %mul3A_1866 : vector<16xf32>
      %swap3A_1868 = arith.constant 4 : i32
      %swap3A_1869 = arith.index_cast %swap3A_1868 : i32 to index
      %swap3A_1870 = arith.constant 176 : index
      %swap3A_1871 = tpu.vector_load %arg9[%swap3A_1869, %swap3A_1870] {strides = array<i32>} : memref<8x384xf32, #tpu.memory_space<vmem>>, vector<1x16xf32>,
      %swap3A_1872 = vector.shape_cast %swap3A_1871 : vector<1x16xf32> to vector<16xf32>
      %swap3A_1873 = vector.shape_cast %add3A_1867 : vector<16xf32> to vector<1x16xf32>
      tpu.vector_store %arg9[%swap3A_1869, %swap3A_1870], %swap3A_1873 {strides = array<i32>} : memref<8x384xf32, #tpu.memory_space<vmem>>, vector<1x16xf32>,
      %get3A_1874 = arith.constant 4 : i32
      %get3A_1875 = arith.index_cast %get3A_1874 : i32 to index
      %get3A_1876 = arith.constant 192 : index
      %get3A_1877 = tpu.vector_load %arg9[%get3A_1875, %get3A_1876] {strides = array<i32>} : memref<8x384xf32, #tpu.memory_space<vmem>>, vector<1x16xf32>,
      %get3A_1878 = vector.shape_cast %get3A_1877 : vector<1x16xf32> to vector<16xf32>
      %get3A_1879 = arith.index_cast %scan3A_19 : i32 to index
      %get3A_1880 = arith.constant 192 : index
      %get3A_1881 = tpu.vector_load %arg8[%get3A_1879, %get3A_1880] {strides = array<i32>} : memref<8x384xf32, #tpu.memory_space<vmem>>, vector<1x16xf32>,
      %get3A_1882 = vector.shape_cast %get3A_1881 : vector<1x16xf32> to vector<16xf32>
      %mul3A_1883 = arith.mulf %get3A_1669, %get3A_1882 : vector<16xf32>
      %add3A_1884 = arith.addf %get3A_1878, %mul3A_1883 : vector<16xf32>
      %swap3A_1885 = arith.constant 4 : i32
      %swap3A_1886 = arith.index_cast %swap3A_1885 : i32 to index
      %swap3A_1887 = arith.constant 192 : index
      %swap3A_1888 = tpu.vector_load %arg9[%swap3A_1886, %swap3A_1887] {strides = array<i32>} : memref<8x384xf32, #tpu.memory_space<vmem>>, vector<1x16xf32>,
      %swap3A_1889 = vector.shape_cast %swap3A_1888 : vector<1x16xf32> to vector<16xf32>
      %swap3A_1890 = vector.shape_cast %add3A_1884 : vector<16xf32> to vector<1x16xf32>
      tpu.vector_store %arg9[%swap3A_1886, %swap3A_1887], %swap3A_1890 {strides = array<i32>} : memref<8x384xf32, #tpu.memory_space<vmem>>, vector<1x16xf32>,
      %get3A_1891 = arith.constant 4 : i32
      %get3A_1892 = arith.index_cast %get3A_1891 : i32 to index
      %get3A_1893 = arith.constant 208 : index
      %get3A_1894 = tpu.vector_load %arg9[%get3A_1892, %get3A_1893] {strides = array<i32>} : memref<8x384xf32, #tpu.memory_space<vmem>>, vector<1x16xf32>,
      %get3A_1895 = vector.shape_cast %get3A_1894 : vector<1x16xf32> to vector<16xf32>
      %get3A_1896 = arith.index_cast %scan3A_19 : i32 to index
      %get3A_1897 = arith.constant 208 : index
      %get3A_1898 = tpu.vector_load %arg8[%get3A_1896, %get3A_1897] {strides = array<i32>} : memref<8x384xf32, #tpu.memory_space<vmem>>, vector<1x16xf32>,
      %get3A_1899 = vector.shape_cast %get3A_1898 : vector<1x16xf32> to vector<16xf32>
      %mul3A_1900 = arith.mulf %get3A_1669, %get3A_1899 : vector<16xf32>
      %add3A_1901 = arith.addf %get3A_1895, %mul3A_1900 : vector<16xf32>
      %swap3A_1902 = arith.constant 4 : i32
      %swap3A_1903 = arith.index_cast %swap3A_1902 : i32 to index
      %swap3A_1904 = arith.constant 208 : index
      %swap3A_1905 = tpu.vector_load %arg9[%swap3A_1903, %swap3A_1904] {strides = array<i32>} : memref<8x384xf32, #tpu.memory_space<vmem>>, vector<1x16xf32>,
      %swap3A_1906 = vector.shape_cast %swap3A_1905 : vector<1x16xf32> to vector<16xf32>
      %swap3A_1907 = vector.shape_cast %add3A_1901 : vector<16xf32> to vector<1x16xf32>
      tpu.vector_store %arg9[%swap3A_1903, %swap3A_1904], %swap3A_1907 {strides = array<i32>} : memref<8x384xf32, #tpu.memory_space<vmem>>, vector<1x16xf32>,
      %get3A_1908 = arith.constant 4 : i32
      %get3A_1909 = arith.index_cast %get3A_1908 : i32 to index
      %get3A_1910 = arith.constant 224 : index
      %get3A_1911 = tpu.vector_load %arg9[%get3A_1909, %get3A_1910] {strides = array<i32>} : memref<8x384xf32, #tpu.memory_space<vmem>>, vector<1x16xf32>,
      %get3A_1912 = vector.shape_cast %get3A_1911 : vector<1x16xf32> to vector<16xf32>
      %get3A_1913 = arith.index_cast %scan3A_19 : i32 to index
      %get3A_1914 = arith.constant 224 : index
      %get3A_1915 = tpu.vector_load %arg8[%get3A_1913, %get3A_1914] {strides = array<i32>} : memref<8x384xf32, #tpu.memory_space<vmem>>, vector<1x16xf32>,
      %get3A_1916 = vector.shape_cast %get3A_1915 : vector<1x16xf32> to vector<16xf32>
      %mul3A_1917 = arith.mulf %get3A_1669, %get3A_1916 : vector<16xf32>
      %add3A_1918 = arith.addf %get3A_1912, %mul3A_1917 : vector<16xf32>
      %swap3A_1919 = arith.constant 4 : i32
      %swap3A_1920 = arith.index_cast %swap3A_1919 : i32 to index
      %swap3A_1921 = arith.constant 224 : index
      %swap3A_1922 = tpu.vector_load %arg9[%swap3A_1920, %swap3A_1921] {strides = array<i32>} : memref<8x384xf32, #tpu.memory_space<vmem>>, vector<1x16xf32>,
      %swap3A_1923 = vector.shape_cast %swap3A_1922 : vector<1x16xf32> to vector<16xf32>
      %swap3A_1924 = vector.shape_cast %add3A_1918 : vector<16xf32> to vector<1x16xf32>
      tpu.vector_store %arg9[%swap3A_1920, %swap3A_1921], %swap3A_1924 {strides = array<i32>} : memref<8x384xf32, #tpu.memory_space<vmem>>, vector<1x16xf32>,
      %get3A_1925 = arith.constant 4 : i32
      %get3A_1926 = arith.index_cast %get3A_1925 : i32 to index
      %get3A_1927 = arith.constant 240 : index
      %get3A_1928 = tpu.vector_load %arg9[%get3A_1926, %get3A_1927] {strides = array<i32>} : memref<8x384xf32, #tpu.memory_space<vmem>>, vector<1x16xf32>,
      %get3A_1929 = vector.shape_cast %get3A_1928 : vector<1x16xf32> to vector<16xf32>
      %get3A_1930 = arith.index_cast %scan3A_19 : i32 to index
      %get3A_1931 = arith.constant 240 : index
      %get3A_1932 = tpu.vector_load %arg8[%get3A_1930, %get3A_1931] {strides = array<i32>} : memref<8x384xf32, #tpu.memory_space<vmem>>, vector<1x16xf32>,
      %get3A_1933 = vector.shape_cast %get3A_1932 : vector<1x16xf32> to vector<16xf32>
      %mul3A_1934 = arith.mulf %get3A_1669, %get3A_1933 : vector<16xf32>
      %add3A_1935 = arith.addf %get3A_1929, %mul3A_1934 : vector<16xf32>
      %swap3A_1936 = arith.constant 4 : i32
      %swap3A_1937 = arith.index_cast %swap3A_1936 : i32 to index
      %swap3A_1938 = arith.constant 240 : index
      %swap3A_1939 = tpu.vector_load %arg9[%swap3A_1937, %swap3A_1938] {strides = array<i32>} : memref<8x384xf32, #tpu.memory_space<vmem>>, vector<1x16xf32>,
      %swap3A_1940 = vector.shape_cast %swap3A_1939 : vector<1x16xf32> to vector<16xf32>
      %swap3A_1941 = vector.shape_cast %add3A_1935 : vector<16xf32> to vector<1x16xf32>
      tpu.vector_store %arg9[%swap3A_1937, %swap3A_1938], %swap3A_1941 {strides = array<i32>} : memref<8x384xf32, #tpu.memory_space<vmem>>, vector<1x16xf32>,
      %get3A_1942 = arith.constant 4 : i32
      %get3A_1943 = arith.index_cast %get3A_1942 : i32 to index
      %get3A_1944 = arith.constant 256 : index
      %get3A_1945 = tpu.vector_load %arg9[%get3A_1943, %get3A_1944] {strides = array<i32>} : memref<8x384xf32, #tpu.memory_space<vmem>>, vector<1x16xf32>,
      %get3A_1946 = vector.shape_cast %get3A_1945 : vector<1x16xf32> to vector<16xf32>
      %get3A_1947 = arith.index_cast %scan3A_19 : i32 to index
      %get3A_1948 = arith.constant 256 : index
      %get3A_1949 = tpu.vector_load %arg8[%get3A_1947, %get3A_1948] {strides = array<i32>} : memref<8x384xf32, #tpu.memory_space<vmem>>, vector<1x16xf32>,
      %get3A_1950 = vector.shape_cast %get3A_1949 : vector<1x16xf32> to vector<16xf32>
      %mul3A_1951 = arith.mulf %get3A_1669, %get3A_1950 : vector<16xf32>
      %add3A_1952 = arith.addf %get3A_1946, %mul3A_1951 : vector<16xf32>
      %swap3A_1953 = arith.constant 4 : i32
      %swap3A_1954 = arith.index_cast %swap3A_1953 : i32 to index
      %swap3A_1955 = arith.constant 256 : index
      %swap3A_1956 = tpu.vector_load %arg9[%swap3A_1954, %swap3A_1955] {strides = array<i32>} : memref<8x384xf32, #tpu.memory_space<vmem>>, vector<1x16xf32>,
      %swap3A_1957 = vector.shape_cast %swap3A_1956 : vector<1x16xf32> to vector<16xf32>
      %swap3A_1958 = vector.shape_cast %add3A_1952 : vector<16xf32> to vector<1x16xf32>
      tpu.vector_store %arg9[%swap3A_1954, %swap3A_1955], %swap3A_1958 {strides = array<i32>} : memref<8x384xf32, #tpu.memory_space<vmem>>, vector<1x16xf32>,
      %get3A_1959 = arith.constant 4 : i32
      %get3A_1960 = arith.index_cast %get3A_1959 : i32 to index
      %get3A_1961 = arith.constant 272 : index
      %get3A_1962 = tpu.vector_load %arg9[%get3A_1960, %get3A_1961] {strides = array<i32>} : memref<8x384xf32, #tpu.memory_space<vmem>>, vector<1x16xf32>,
      %get3A_1963 = vector.shape_cast %get3A_1962 : vector<1x16xf32> to vector<16xf32>
      %get3A_1964 = arith.index_cast %scan3A_19 : i32 to index
      %get3A_1965 = arith.constant 272 : index
      %get3A_1966 = tpu.vector_load %arg8[%get3A_1964, %get3A_1965] {strides = array<i32>} : memref<8x384xf32, #tpu.memory_space<vmem>>, vector<1x16xf32>,
      %get3A_1967 = vector.shape_cast %get3A_1966 : vector<1x16xf32> to vector<16xf32>
      %mul3A_1968 = arith.mulf %get3A_1669, %get3A_1967 : vector<16xf32>
      %add3A_1969 = arith.addf %get3A_1963, %mul3A_1968 : vector<16xf32>
      %swap3A_1970 = arith.constant 4 : i32
      %swap3A_1971 = arith.index_cast %swap3A_1970 : i32 to index
      %swap3A_1972 = arith.constant 272 : index
      %swap3A_1973 = tpu.vector_load %arg9[%swap3A_1971, %swap3A_1972] {strides = array<i32>} : memref<8x384xf32, #tpu.memory_space<vmem>>, vector<1x16xf32>,
      %swap3A_1974 = vector.shape_cast %swap3A_1973 : vector<1x16xf32> to vector<16xf32>
      %swap3A_1975 = vector.shape_cast %add3A_1969 : vector<16xf32> to vector<1x16xf32>
      tpu.vector_store %arg9[%swap3A_1971, %swap3A_1972], %swap3A_1975 {strides = array<i32>} : memref<8x384xf32, #tpu.memory_space<vmem>>, vector<1x16xf32>,
      %get3A_1976 = arith.constant 4 : i32
      %get3A_1977 = arith.index_cast %get3A_1976 : i32 to index
      %get3A_1978 = arith.constant 288 : index
      %get3A_1979 = tpu.vector_load %arg9[%get3A_1977, %get3A_1978] {strides = array<i32>} : memref<8x384xf32, #tpu.memory_space<vmem>>, vector<1x16xf32>,
      %get3A_1980 = vector.shape_cast %get3A_1979 : vector<1x16xf32> to vector<16xf32>
      %get3A_1981 = arith.index_cast %scan3A_19 : i32 to index
      %get3A_1982 = arith.constant 288 : index
      %get3A_1983 = tpu.vector_load %arg8[%get3A_1981, %get3A_1982] {strides = array<i32>} : memref<8x384xf32, #tpu.memory_space<vmem>>, vector<1x16xf32>,
      %get3A_1984 = vector.shape_cast %get3A_1983 : vector<1x16xf32> to vector<16xf32>
      %mul3A_1985 = arith.mulf %get3A_1669, %get3A_1984 : vector<16xf32>
      %add3A_1986 = arith.addf %get3A_1980, %mul3A_1985 : vector<16xf32>
      %swap3A_1987 = arith.constant 4 : i32
      %swap3A_1988 = arith.index_cast %swap3A_1987 : i32 to index
      %swap3A_1989 = arith.constant 288 : index
      %swap3A_1990 = tpu.vector_load %arg9[%swap3A_1988, %swap3A_1989] {strides = array<i32>} : memref<8x384xf32, #tpu.memory_space<vmem>>, vector<1x16xf32>,
      %swap3A_1991 = vector.shape_cast %swap3A_1990 : vector<1x16xf32> to vector<16xf32>
      %swap3A_1992 = vector.shape_cast %add3A_1986 : vector<16xf32> to vector<1x16xf32>
      tpu.vector_store %arg9[%swap3A_1988, %swap3A_1989], %swap3A_1992 {strides = array<i32>} : memref<8x384xf32, #tpu.memory_space<vmem>>, vector<1x16xf32>,
      %get3A_1993 = arith.constant 4 : i32
      %get3A_1994 = arith.index_cast %get3A_1993 : i32 to index
      %get3A_1995 = arith.constant 304 : index
      %get3A_1996 = tpu.vector_load %arg9[%get3A_1994, %get3A_1995] {strides = array<i32>} : memref<8x384xf32, #tpu.memory_space<vmem>>, vector<1x16xf32>,
      %get3A_1997 = vector.shape_cast %get3A_1996 : vector<1x16xf32> to vector<16xf32>
      %get3A_1998 = arith.index_cast %scan3A_19 : i32 to index
      %get3A_1999 = arith.constant 304 : index
      %get3A_2000 = tpu.vector_load %arg8[%get3A_1998, %get3A_1999] {strides = array<i32>} : memref<8x384xf32, #tpu.memory_space<vmem>>, vector<1x16xf32>,
      %get3A_2001 = vector.shape_cast %get3A_2000 : vector<1x16xf32> to vector<16xf32>
      %mul3A_2002 = arith.mulf %get3A_1669, %get3A_2001 : vector<16xf32>
      %add3A_2003 = arith.addf %get3A_1997, %mul3A_2002 : vector<16xf32>
      %swap3A_2004 = arith.constant 4 : i32
      %swap3A_2005 = arith.index_cast %swap3A_2004 : i32 to index
      %swap3A_2006 = arith.constant 304 : index
      %swap3A_2007 = tpu.vector_load %arg9[%swap3A_2005, %swap3A_2006] {strides = array<i32>} : memref<8x384xf32, #tpu.memory_space<vmem>>, vector<1x16xf32>,
      %swap3A_2008 = vector.shape_cast %swap3A_2007 : vector<1x16xf32> to vector<16xf32>
      %swap3A_2009 = vector.shape_cast %add3A_2003 : vector<16xf32> to vector<1x16xf32>
      tpu.vector_store %arg9[%swap3A_2005, %swap3A_2006], %swap3A_2009 {strides = array<i32>} : memref<8x384xf32, #tpu.memory_space<vmem>>, vector<1x16xf32>,
      %get3A_2010 = arith.constant 4 : i32
      %get3A_2011 = arith.index_cast %get3A_2010 : i32 to index
      %get3A_2012 = arith.constant 320 : index
      %get3A_2013 = tpu.vector_load %arg9[%get3A_2011, %get3A_2012] {strides = array<i32>} : memref<8x384xf32, #tpu.memory_space<vmem>>, vector<1x16xf32>,
      %get3A_2014 = vector.shape_cast %get3A_2013 : vector<1x16xf32> to vector<16xf32>
      %get3A_2015 = arith.index_cast %scan3A_19 : i32 to index
      %get3A_2016 = arith.constant 320 : index
      %get3A_2017 = tpu.vector_load %arg8[%get3A_2015, %get3A_2016] {strides = array<i32>} : memref<8x384xf32, #tpu.memory_space<vmem>>, vector<1x16xf32>,
      %get3A_2018 = vector.shape_cast %get3A_2017 : vector<1x16xf32> to vector<16xf32>
      %mul3A_2019 = arith.mulf %get3A_1669, %get3A_2018 : vector<16xf32>
      %add3A_2020 = arith.addf %get3A_2014, %mul3A_2019 : vector<16xf32>
      %swap3A_2021 = arith.constant 4 : i32
      %swap3A_2022 = arith.index_cast %swap3A_2021 : i32 to index
      %swap3A_2023 = arith.constant 320 : index
      %swap3A_2024 = tpu.vector_load %arg9[%swap3A_2022, %swap3A_2023] {strides = array<i32>} : memref<8x384xf32, #tpu.memory_space<vmem>>, vector<1x16xf32>,
      %swap3A_2025 = vector.shape_cast %swap3A_2024 : vector<1x16xf32> to vector<16xf32>
      %swap3A_2026 = vector.shape_cast %add3A_2020 : vector<16xf32> to vector<1x16xf32>
      tpu.vector_store %arg9[%swap3A_2022, %swap3A_2023], %swap3A_2026 {strides = array<i32>} : memref<8x384xf32, #tpu.memory_space<vmem>>, vector<1x16xf32>,
      %get3A_2027 = arith.constant 4 : i32
      %get3A_2028 = arith.index_cast %get3A_2027 : i32 to index
      %get3A_2029 = arith.constant 336 : index
      %get3A_2030 = tpu.vector_load %arg9[%get3A_2028, %get3A_2029] {strides = array<i32>} : memref<8x384xf32, #tpu.memory_space<vmem>>, vector<1x16xf32>,
      %get3A_2031 = vector.shape_cast %get3A_2030 : vector<1x16xf32> to vector<16xf32>
      %get3A_2032 = arith.index_cast %scan3A_19 : i32 to index
      %get3A_2033 = arith.constant 336 : index
      %get3A_2034 = tpu.vector_load %arg8[%get3A_2032, %get3A_2033] {strides = array<i32>} : memref<8x384xf32, #tpu.memory_space<vmem>>, vector<1x16xf32>,
      %get3A_2035 = vector.shape_cast %get3A_2034 : vector<1x16xf32> to vector<16xf32>
      %mul3A_2036 = arith.mulf %get3A_1669, %get3A_2035 : vector<16xf32>
      %add3A_2037 = arith.addf %get3A_2031, %mul3A_2036 : vector<16xf32>
      %swap3A_2038 = arith.constant 4 : i32
      %swap3A_2039 = arith.index_cast %swap3A_2038 : i32 to index
      %swap3A_2040 = arith.constant 336 : index
      %swap3A_2041 = tpu.vector_load %arg9[%swap3A_2039, %swap3A_2040] {strides = array<i32>} : memref<8x384xf32, #tpu.memory_space<vmem>>, vector<1x16xf32>,
      %swap3A_2042 = vector.shape_cast %swap3A_2041 : vector<1x16xf32> to vector<16xf32>
      %swap3A_2043 = vector.shape_cast %add3A_2037 : vector<16xf32> to vector<1x16xf32>
      tpu.vector_store %arg9[%swap3A_2039, %swap3A_2040], %swap3A_2043 {strides = array<i32>} : memref<8x384xf32, #tpu.memory_space<vmem>>, vector<1x16xf32>,
      %get3A_2044 = arith.constant 4 : i32
      %get3A_2045 = arith.index_cast %get3A_2044 : i32 to index
      %get3A_2046 = arith.constant 352 : index
      %get3A_2047 = tpu.vector_load %arg9[%get3A_2045, %get3A_2046] {strides = array<i32>} : memref<8x384xf32, #tpu.memory_space<vmem>>, vector<1x16xf32>,
      %get3A_2048 = vector.shape_cast %get3A_2047 : vector<1x16xf32> to vector<16xf32>
      %get3A_2049 = arith.index_cast %scan3A_19 : i32 to index
      %get3A_2050 = arith.constant 352 : index
      %get3A_2051 = tpu.vector_load %arg8[%get3A_2049, %get3A_2050] {strides = array<i32>} : memref<8x384xf32, #tpu.memory_space<vmem>>, vector<1x16xf32>,
      %get3A_2052 = vector.shape_cast %get3A_2051 : vector<1x16xf32> to vector<16xf32>
      %mul3A_2053 = arith.mulf %get3A_1669, %get3A_2052 : vector<16xf32>
      %add3A_2054 = arith.addf %get3A_2048, %mul3A_2053 : vector<16xf32>
      %swap3A_2055 = arith.constant 4 : i32
      %swap3A_2056 = arith.index_cast %swap3A_2055 : i32 to index
      %swap3A_2057 = arith.constant 352 : index
      %swap3A_2058 = tpu.vector_load %arg9[%swap3A_2056, %swap3A_2057] {strides = array<i32>} : memref<8x384xf32, #tpu.memory_space<vmem>>, vector<1x16xf32>,
      %swap3A_2059 = vector.shape_cast %swap3A_2058 : vector<1x16xf32> to vector<16xf32>
      %swap3A_2060 = vector.shape_cast %add3A_2054 : vector<16xf32> to vector<1x16xf32>
      tpu.vector_store %arg9[%swap3A_2056, %swap3A_2057], %swap3A_2060 {strides = array<i32>} : memref<8x384xf32, #tpu.memory_space<vmem>>, vector<1x16xf32>,
      %get3A_2061 = arith.constant 4 : i32
      %get3A_2062 = arith.index_cast %get3A_2061 : i32 to index
      %get3A_2063 = arith.constant 368 : index
      %get3A_2064 = tpu.vector_load %arg9[%get3A_2062, %get3A_2063] {strides = array<i32>} : memref<8x384xf32, #tpu.memory_space<vmem>>, vector<1x16xf32>,
      %get3A_2065 = vector.shape_cast %get3A_2064 : vector<1x16xf32> to vector<16xf32>
      %get3A_2066 = arith.index_cast %scan3A_19 : i32 to index
      %get3A_2067 = arith.constant 368 : index
      %get3A_2068 = tpu.vector_load %arg8[%get3A_2066, %get3A_2067] {strides = array<i32>} : memref<8x384xf32, #tpu.memory_space<vmem>>, vector<1x16xf32>,
      %get3A_2069 = vector.shape_cast %get3A_2068 : vector<1x16xf32> to vector<16xf32>
      %mul3A_2070 = arith.mulf %get3A_1669, %get3A_2069 : vector<16xf32>
      %add3A_2071 = arith.addf %get3A_2065, %mul3A_2070 : vector<16xf32>
      %swap3A_2072 = arith.constant 4 : i32
      %swap3A_2073 = arith.index_cast %swap3A_2072 : i32 to index
      %swap3A_2074 = arith.constant 368 : index
      %swap3A_2075 = tpu.vector_load %arg9[%swap3A_2073, %swap3A_2074] {strides = array<i32>} : memref<8x384xf32, #tpu.memory_space<vmem>>, vector<1x16xf32>,
      %swap3A_2076 = vector.shape_cast %swap3A_2075 : vector<1x16xf32> to vector<16xf32>
      %swap3A_2077 = vector.shape_cast %add3A_2071 : vector<16xf32> to vector<1x16xf32>
      tpu.vector_store %arg9[%swap3A_2073, %swap3A_2074], %swap3A_2077 {strides = array<i32>} : memref<8x384xf32, #tpu.memory_space<vmem>>, vector<1x16xf32>,
      %get3A_2078 = arith.index_cast %scan3A_19 : i32 to index
      %get3A_2079 = arith.constant 80 : index
      %get3A_2080 = tpu.vector_load %arg7[%get3A_2078, %get3A_2079] {strides = array<i32>} : memref<8x128xf32, #tpu.memory_space<vmem>>, vector<1x16xf32>,
      %get3A_2081 = vector.shape_cast %get3A_2080 : vector<1x16xf32> to vector<16xf32>
      %get3A_2082 = arith.constant 5 : i32
      %get3A_2083 = arith.index_cast %get3A_2082 : i32 to index
      %get3A_2084 = arith.constant 0 : index
      %get3A_2085 = tpu.vector_load %arg9[%get3A_2083, %get3A_2084] {strides = array<i32>} : memref<8x384xf32, #tpu.memory_space<vmem>>, vector<1x16xf32>,
      %get3A_2086 = vector.shape_cast %get3A_2085 : vector<1x16xf32> to vector<16xf32>
      %get3A_2087 = arith.index_cast %scan3A_19 : i32 to index
      %get3A_2088 = arith.constant 0 : index
      %get3A_2089 = tpu.vector_load %arg8[%get3A_2087, %get3A_2088] {strides = array<i32>} : memref<8x384xf32, #tpu.memory_space<vmem>>, vector<1x16xf32>,
      %get3A_2090 = vector.shape_cast %get3A_2089 : vector<1x16xf32> to vector<16xf32>
      %mul3A_2091 = arith.mulf %get3A_2081, %get3A_2090 : vector<16xf32>
      %add3A_2092 = arith.addf %get3A_2086, %mul3A_2091 : vector<16xf32>
      %swap3A_2093 = arith.constant 5 : i32
      %swap3A_2094 = arith.index_cast %swap3A_2093 : i32 to index
      %swap3A_2095 = arith.constant 0 : index
      %swap3A_2096 = tpu.vector_load %arg9[%swap3A_2094, %swap3A_2095] {strides = array<i32>} : memref<8x384xf32, #tpu.memory_space<vmem>>, vector<1x16xf32>,
      %swap3A_2097 = vector.shape_cast %swap3A_2096 : vector<1x16xf32> to vector<16xf32>
      %swap3A_2098 = vector.shape_cast %add3A_2092 : vector<16xf32> to vector<1x16xf32>
      tpu.vector_store %arg9[%swap3A_2094, %swap3A_2095], %swap3A_2098 {strides = array<i32>} : memref<8x384xf32, #tpu.memory_space<vmem>>, vector<1x16xf32>,
      %get3A_2099 = arith.constant 5 : i32
      %get3A_2100 = arith.index_cast %get3A_2099 : i32 to index
      %get3A_2101 = arith.constant 16 : index
      %get3A_2102 = tpu.vector_load %arg9[%get3A_2100, %get3A_2101] {strides = array<i32>} : memref<8x384xf32, #tpu.memory_space<vmem>>, vector<1x16xf32>,
      %get3A_2103 = vector.shape_cast %get3A_2102 : vector<1x16xf32> to vector<16xf32>
      %get3A_2104 = arith.index_cast %scan3A_19 : i32 to index
      %get3A_2105 = arith.constant 16 : index
      %get3A_2106 = tpu.vector_load %arg8[%get3A_2104, %get3A_2105] {strides = array<i32>} : memref<8x384xf32, #tpu.memory_space<vmem>>, vector<1x16xf32>,
      %get3A_2107 = vector.shape_cast %get3A_2106 : vector<1x16xf32> to vector<16xf32>
      %mul3A_2108 = arith.mulf %get3A_2081, %get3A_2107 : vector<16xf32>
      %add3A_2109 = arith.addf %get3A_2103, %mul3A_2108 : vector<16xf32>
      %swap3A_2110 = arith.constant 5 : i32
      %swap3A_2111 = arith.index_cast %swap3A_2110 : i32 to index
      %swap3A_2112 = arith.constant 16 : index
      %swap3A_2113 = tpu.vector_load %arg9[%swap3A_2111, %swap3A_2112] {strides = array<i32>} : memref<8x384xf32, #tpu.memory_space<vmem>>, vector<1x16xf32>,
      %swap3A_2114 = vector.shape_cast %swap3A_2113 : vector<1x16xf32> to vector<16xf32>
      %swap3A_2115 = vector.shape_cast %add3A_2109 : vector<16xf32> to vector<1x16xf32>
      tpu.vector_store %arg9[%swap3A_2111, %swap3A_2112], %swap3A_2115 {strides = array<i32>} : memref<8x384xf32, #tpu.memory_space<vmem>>, vector<1x16xf32>,
      %get3A_2116 = arith.constant 5 : i32
      %get3A_2117 = arith.index_cast %get3A_2116 : i32 to index
      %get3A_2118 = arith.constant 32 : index
      %get3A_2119 = tpu.vector_load %arg9[%get3A_2117, %get3A_2118] {strides = array<i32>} : memref<8x384xf32, #tpu.memory_space<vmem>>, vector<1x16xf32>,
      %get3A_2120 = vector.shape_cast %get3A_2119 : vector<1x16xf32> to vector<16xf32>
      %get3A_2121 = arith.index_cast %scan3A_19 : i32 to index
      %get3A_2122 = arith.constant 32 : index
      %get3A_2123 = tpu.vector_load %arg8[%get3A_2121, %get3A_2122] {strides = array<i32>} : memref<8x384xf32, #tpu.memory_space<vmem>>, vector<1x16xf32>,
      %get3A_2124 = vector.shape_cast %get3A_2123 : vector<1x16xf32> to vector<16xf32>
      %mul3A_2125 = arith.mulf %get3A_2081, %get3A_2124 : vector<16xf32>
      %add3A_2126 = arith.addf %get3A_2120, %mul3A_2125 : vector<16xf32>
      %swap3A_2127 = arith.constant 5 : i32
      %swap3A_2128 = arith.index_cast %swap3A_2127 : i32 to index
      %swap3A_2129 = arith.constant 32 : index
      %swap3A_2130 = tpu.vector_load %arg9[%swap3A_2128, %swap3A_2129] {strides = array<i32>} : memref<8x384xf32, #tpu.memory_space<vmem>>, vector<1x16xf32>,
      %swap3A_2131 = vector.shape_cast %swap3A_2130 : vector<1x16xf32> to vector<16xf32>
      %swap3A_2132 = vector.shape_cast %add3A_2126 : vector<16xf32> to vector<1x16xf32>
      tpu.vector_store %arg9[%swap3A_2128, %swap3A_2129], %swap3A_2132 {strides = array<i32>} : memref<8x384xf32, #tpu.memory_space<vmem>>, vector<1x16xf32>,
      %get3A_2133 = arith.constant 5 : i32
      %get3A_2134 = arith.index_cast %get3A_2133 : i32 to index
      %get3A_2135 = arith.constant 48 : index
      %get3A_2136 = tpu.vector_load %arg9[%get3A_2134, %get3A_2135] {strides = array<i32>} : memref<8x384xf32, #tpu.memory_space<vmem>>, vector<1x16xf32>,
      %get3A_2137 = vector.shape_cast %get3A_2136 : vector<1x16xf32> to vector<16xf32>
      %get3A_2138 = arith.index_cast %scan3A_19 : i32 to index
      %get3A_2139 = arith.constant 48 : index
      %get3A_2140 = tpu.vector_load %arg8[%get3A_2138, %get3A_2139] {strides = array<i32>} : memref<8x384xf32, #tpu.memory_space<vmem>>, vector<1x16xf32>,
      %get3A_2141 = vector.shape_cast %get3A_2140 : vector<1x16xf32> to vector<16xf32>
      %mul3A_2142 = arith.mulf %get3A_2081, %get3A_2141 : vector<16xf32>
      %add3A_2143 = arith.addf %get3A_2137, %mul3A_2142 : vector<16xf32>
      %swap3A_2144 = arith.constant 5 : i32
      %swap3A_2145 = arith.index_cast %swap3A_2144 : i32 to index
      %swap3A_2146 = arith.constant 48 : index
      %swap3A_2147 = tpu.vector_load %arg9[%swap3A_2145, %swap3A_2146] {strides = array<i32>} : memref<8x384xf32, #tpu.memory_space<vmem>>, vector<1x16xf32>,
      %swap3A_2148 = vector.shape_cast %swap3A_2147 : vector<1x16xf32> to vector<16xf32>
      %swap3A_2149 = vector.shape_cast %add3A_2143 : vector<16xf32> to vector<1x16xf32>
      tpu.vector_store %arg9[%swap3A_2145, %swap3A_2146], %swap3A_2149 {strides = array<i32>} : memref<8x384xf32, #tpu.memory_space<vmem>>, vector<1x16xf32>,
      %get3A_2150 = arith.constant 5 : i32
      %get3A_2151 = arith.index_cast %get3A_2150 : i32 to index
      %get3A_2152 = arith.constant 64 : index
      %get3A_2153 = tpu.vector_load %arg9[%get3A_2151, %get3A_2152] {strides = array<i32>} : memref<8x384xf32, #tpu.memory_space<vmem>>, vector<1x16xf32>,
      %get3A_2154 = vector.shape_cast %get3A_2153 : vector<1x16xf32> to vector<16xf32>
      %get3A_2155 = arith.index_cast %scan3A_19 : i32 to index
      %get3A_2156 = arith.constant 64 : index
      %get3A_2157 = tpu.vector_load %arg8[%get3A_2155, %get3A_2156] {strides = array<i32>} : memref<8x384xf32, #tpu.memory_space<vmem>>, vector<1x16xf32>,
      %get3A_2158 = vector.shape_cast %get3A_2157 : vector<1x16xf32> to vector<16xf32>
      %mul3A_2159 = arith.mulf %get3A_2081, %get3A_2158 : vector<16xf32>
      %add3A_2160 = arith.addf %get3A_2154, %mul3A_2159 : vector<16xf32>
      %swap3A_2161 = arith.constant 5 : i32
      %swap3A_2162 = arith.index_cast %swap3A_2161 : i32 to index
      %swap3A_2163 = arith.constant 64 : index
      %swap3A_2164 = tpu.vector_load %arg9[%swap3A_2162, %swap3A_2163] {strides = array<i32>} : memref<8x384xf32, #tpu.memory_space<vmem>>, vector<1x16xf32>,
      %swap3A_2165 = vector.shape_cast %swap3A_2164 : vector<1x16xf32> to vector<16xf32>
      %swap3A_2166 = vector.shape_cast %add3A_2160 : vector<16xf32> to vector<1x16xf32>
      tpu.vector_store %arg9[%swap3A_2162, %swap3A_2163], %swap3A_2166 {strides = array<i32>} : memref<8x384xf32, #tpu.memory_space<vmem>>, vector<1x16xf32>,
      %get3A_2167 = arith.constant 5 : i32
      %get3A_2168 = arith.index_cast %get3A_2167 : i32 to index
      %get3A_2169 = arith.constant 80 : index
      %get3A_2170 = tpu.vector_load %arg9[%get3A_2168, %get3A_2169] {strides = array<i32>} : memref<8x384xf32, #tpu.memory_space<vmem>>, vector<1x16xf32>,
      %get3A_2171 = vector.shape_cast %get3A_2170 : vector<1x16xf32> to vector<16xf32>
      %get3A_2172 = arith.index_cast %scan3A_19 : i32 to index
      %get3A_2173 = arith.constant 80 : index
      %get3A_2174 = tpu.vector_load %arg8[%get3A_2172, %get3A_2173] {strides = array<i32>} : memref<8x384xf32, #tpu.memory_space<vmem>>, vector<1x16xf32>,
      %get3A_2175 = vector.shape_cast %get3A_2174 : vector<1x16xf32> to vector<16xf32>
      %mul3A_2176 = arith.mulf %get3A_2081, %get3A_2175 : vector<16xf32>
      %add3A_2177 = arith.addf %get3A_2171, %mul3A_2176 : vector<16xf32>
      %swap3A_2178 = arith.constant 5 : i32
      %swap3A_2179 = arith.index_cast %swap3A_2178 : i32 to index
      %swap3A_2180 = arith.constant 80 : index
      %swap3A_2181 = tpu.vector_load %arg9[%swap3A_2179, %swap3A_2180] {strides = array<i32>} : memref<8x384xf32, #tpu.memory_space<vmem>>, vector<1x16xf32>,
      %swap3A_2182 = vector.shape_cast %swap3A_2181 : vector<1x16xf32> to vector<16xf32>
      %swap3A_2183 = vector.shape_cast %add3A_2177 : vector<16xf32> to vector<1x16xf32>
      tpu.vector_store %arg9[%swap3A_2179, %swap3A_2180], %swap3A_2183 {strides = array<i32>} : memref<8x384xf32, #tpu.memory_space<vmem>>, vector<1x16xf32>,
      %get3A_2184 = arith.constant 5 : i32
      %get3A_2185 = arith.index_cast %get3A_2184 : i32 to index
      %get3A_2186 = arith.constant 96 : index
      %get3A_2187 = tpu.vector_load %arg9[%get3A_2185, %get3A_2186] {strides = array<i32>} : memref<8x384xf32, #tpu.memory_space<vmem>>, vector<1x16xf32>,
      %get3A_2188 = vector.shape_cast %get3A_2187 : vector<1x16xf32> to vector<16xf32>
      %get3A_2189 = arith.index_cast %scan3A_19 : i32 to index
      %get3A_2190 = arith.constant 96 : index
      %get3A_2191 = tpu.vector_load %arg8[%get3A_2189, %get3A_2190] {strides = array<i32>} : memref<8x384xf32, #tpu.memory_space<vmem>>, vector<1x16xf32>,
      %get3A_2192 = vector.shape_cast %get3A_2191 : vector<1x16xf32> to vector<16xf32>
      %mul3A_2193 = arith.mulf %get3A_2081, %get3A_2192 : vector<16xf32>
      %add3A_2194 = arith.addf %get3A_2188, %mul3A_2193 : vector<16xf32>
      %swap3A_2195 = arith.constant 5 : i32
      %swap3A_2196 = arith.index_cast %swap3A_2195 : i32 to index
      %swap3A_2197 = arith.constant 96 : index
      %swap3A_2198 = tpu.vector_load %arg9[%swap3A_2196, %swap3A_2197] {strides = array<i32>} : memref<8x384xf32, #tpu.memory_space<vmem>>, vector<1x16xf32>,
      %swap3A_2199 = vector.shape_cast %swap3A_2198 : vector<1x16xf32> to vector<16xf32>
      %swap3A_2200 = vector.shape_cast %add3A_2194 : vector<16xf32> to vector<1x16xf32>
      tpu.vector_store %arg9[%swap3A_2196, %swap3A_2197], %swap3A_2200 {strides = array<i32>} : memref<8x384xf32, #tpu.memory_space<vmem>>, vector<1x16xf32>,
      %get3A_2201 = arith.constant 5 : i32
      %get3A_2202 = arith.index_cast %get3A_2201 : i32 to index
      %get3A_2203 = arith.constant 112 : index
      %get3A_2204 = tpu.vector_load %arg9[%get3A_2202, %get3A_2203] {strides = array<i32>} : memref<8x384xf32, #tpu.memory_space<vmem>>, vector<1x16xf32>,
      %get3A_2205 = vector.shape_cast %get3A_2204 : vector<1x16xf32> to vector<16xf32>
      %get3A_2206 = arith.index_cast %scan3A_19 : i32 to index
      %get3A_2207 = arith.constant 112 : index
      %get3A_2208 = tpu.vector_load %arg8[%get3A_2206, %get3A_2207] {strides = array<i32>} : memref<8x384xf32, #tpu.memory_space<vmem>>, vector<1x16xf32>,
      %get3A_2209 = vector.shape_cast %get3A_2208 : vector<1x16xf32> to vector<16xf32>
      %mul3A_2210 = arith.mulf %get3A_2081, %get3A_2209 : vector<16xf32>
      %add3A_2211 = arith.addf %get3A_2205, %mul3A_2210 : vector<16xf32>
      %swap3A_2212 = arith.constant 5 : i32
      %swap3A_2213 = arith.index_cast %swap3A_2212 : i32 to index
      %swap3A_2214 = arith.constant 112 : index
      %swap3A_2215 = tpu.vector_load %arg9[%swap3A_2213, %swap3A_2214] {strides = array<i32>} : memref<8x384xf32, #tpu.memory_space<vmem>>, vector<1x16xf32>,
      %swap3A_2216 = vector.shape_cast %swap3A_2215 : vector<1x16xf32> to vector<16xf32>
      %swap3A_2217 = vector.shape_cast %add3A_2211 : vector<16xf32> to vector<1x16xf32>
      tpu.vector_store %arg9[%swap3A_2213, %swap3A_2214], %swap3A_2217 {strides = array<i32>} : memref<8x384xf32, #tpu.memory_space<vmem>>, vector<1x16xf32>,
      %get3A_2218 = arith.constant 5 : i32
      %get3A_2219 = arith.index_cast %get3A_2218 : i32 to index
      %get3A_2220 = arith.constant 128 : index
      %get3A_2221 = tpu.vector_load %arg9[%get3A_2219, %get3A_2220] {strides = array<i32>} : memref<8x384xf32, #tpu.memory_space<vmem>>, vector<1x16xf32>,
      %get3A_2222 = vector.shape_cast %get3A_2221 : vector<1x16xf32> to vector<16xf32>
      %get3A_2223 = arith.index_cast %scan3A_19 : i32 to index
      %get3A_2224 = arith.constant 128 : index
      %get3A_2225 = tpu.vector_load %arg8[%get3A_2223, %get3A_2224] {strides = array<i32>} : memref<8x384xf32, #tpu.memory_space<vmem>>, vector<1x16xf32>,
      %get3A_2226 = vector.shape_cast %get3A_2225 : vector<1x16xf32> to vector<16xf32>
      %mul3A_2227 = arith.mulf %get3A_2081, %get3A_2226 : vector<16xf32>
      %add3A_2228 = arith.addf %get3A_2222, %mul3A_2227 : vector<16xf32>
      %swap3A_2229 = arith.constant 5 : i32
      %swap3A_2230 = arith.index_cast %swap3A_2229 : i32 to index
      %swap3A_2231 = arith.constant 128 : index
      %swap3A_2232 = tpu.vector_load %arg9[%swap3A_2230, %swap3A_2231] {strides = array<i32>} : memref<8x384xf32, #tpu.memory_space<vmem>>, vector<1x16xf32>,
      %swap3A_2233 = vector.shape_cast %swap3A_2232 : vector<1x16xf32> to vector<16xf32>
      %swap3A_2234 = vector.shape_cast %add3A_2228 : vector<16xf32> to vector<1x16xf32>
      tpu.vector_store %arg9[%swap3A_2230, %swap3A_2231], %swap3A_2234 {strides = array<i32>} : memref<8x384xf32, #tpu.memory_space<vmem>>, vector<1x16xf32>,
      %get3A_2235 = arith.constant 5 : i32
      %get3A_2236 = arith.index_cast %get3A_2235 : i32 to index
      %get3A_2237 = arith.constant 144 : index
      %get3A_2238 = tpu.vector_load %arg9[%get3A_2236, %get3A_2237] {strides = array<i32>} : memref<8x384xf32, #tpu.memory_space<vmem>>, vector<1x16xf32>,
      %get3A_2239 = vector.shape_cast %get3A_2238 : vector<1x16xf32> to vector<16xf32>
      %get3A_2240 = arith.index_cast %scan3A_19 : i32 to index
      %get3A_2241 = arith.constant 144 : index
      %get3A_2242 = tpu.vector_load %arg8[%get3A_2240, %get3A_2241] {strides = array<i32>} : memref<8x384xf32, #tpu.memory_space<vmem>>, vector<1x16xf32>,
      %get3A_2243 = vector.shape_cast %get3A_2242 : vector<1x16xf32> to vector<16xf32>
      %mul3A_2244 = arith.mulf %get3A_2081, %get3A_2243 : vector<16xf32>
      %add3A_2245 = arith.addf %get3A_2239, %mul3A_2244 : vector<16xf32>
      %swap3A_2246 = arith.constant 5 : i32
      %swap3A_2247 = arith.index_cast %swap3A_2246 : i32 to index
      %swap3A_2248 = arith.constant 144 : index
      %swap3A_2249 = tpu.vector_load %arg9[%swap3A_2247, %swap3A_2248] {strides = array<i32>} : memref<8x384xf32, #tpu.memory_space<vmem>>, vector<1x16xf32>,
      %swap3A_2250 = vector.shape_cast %swap3A_2249 : vector<1x16xf32> to vector<16xf32>
      %swap3A_2251 = vector.shape_cast %add3A_2245 : vector<16xf32> to vector<1x16xf32>
      tpu.vector_store %arg9[%swap3A_2247, %swap3A_2248], %swap3A_2251 {strides = array<i32>} : memref<8x384xf32, #tpu.memory_space<vmem>>, vector<1x16xf32>,
      %get3A_2252 = arith.constant 5 : i32
      %get3A_2253 = arith.index_cast %get3A_2252 : i32 to index
      %get3A_2254 = arith.constant 160 : index
      %get3A_2255 = tpu.vector_load %arg9[%get3A_2253, %get3A_2254] {strides = array<i32>} : memref<8x384xf32, #tpu.memory_space<vmem>>, vector<1x16xf32>,
      %get3A_2256 = vector.shape_cast %get3A_2255 : vector<1x16xf32> to vector<16xf32>
      %get3A_2257 = arith.index_cast %scan3A_19 : i32 to index
      %get3A_2258 = arith.constant 160 : index
      %get3A_2259 = tpu.vector_load %arg8[%get3A_2257, %get3A_2258] {strides = array<i32>} : memref<8x384xf32, #tpu.memory_space<vmem>>, vector<1x16xf32>,
      %get3A_2260 = vector.shape_cast %get3A_2259 : vector<1x16xf32> to vector<16xf32>
      %mul3A_2261 = arith.mulf %get3A_2081, %get3A_2260 : vector<16xf32>
      %add3A_2262 = arith.addf %get3A_2256, %mul3A_2261 : vector<16xf32>
      %swap3A_2263 = arith.constant 5 : i32
      %swap3A_2264 = arith.index_cast %swap3A_2263 : i32 to index
      %swap3A_2265 = arith.constant 160 : index
      %swap3A_2266 = tpu.vector_load %arg9[%swap3A_2264, %swap3A_2265] {strides = array<i32>} : memref<8x384xf32, #tpu.memory_space<vmem>>, vector<1x16xf32>,
      %swap3A_2267 = vector.shape_cast %swap3A_2266 : vector<1x16xf32> to vector<16xf32>
      %swap3A_2268 = vector.shape_cast %add3A_2262 : vector<16xf32> to vector<1x16xf32>
      tpu.vector_store %arg9[%swap3A_2264, %swap3A_2265], %swap3A_2268 {strides = array<i32>} : memref<8x384xf32, #tpu.memory_space<vmem>>, vector<1x16xf32>,
      %get3A_2269 = arith.constant 5 : i32
      %get3A_2270 = arith.index_cast %get3A_2269 : i32 to index
      %get3A_2271 = arith.constant 176 : index
      %get3A_2272 = tpu.vector_load %arg9[%get3A_2270, %get3A_2271] {strides = array<i32>} : memref<8x384xf32, #tpu.memory_space<vmem>>, vector<1x16xf32>,
      %get3A_2273 = vector.shape_cast %get3A_2272 : vector<1x16xf32> to vector<16xf32>
      %get3A_2274 = arith.index_cast %scan3A_19 : i32 to index
      %get3A_2275 = arith.constant 176 : index
      %get3A_2276 = tpu.vector_load %arg8[%get3A_2274, %get3A_2275] {strides = array<i32>} : memref<8x384xf32, #tpu.memory_space<vmem>>, vector<1x16xf32>,
      %get3A_2277 = vector.shape_cast %get3A_2276 : vector<1x16xf32> to vector<16xf32>
      %mul3A_2278 = arith.mulf %get3A_2081, %get3A_2277 : vector<16xf32>
      %add3A_2279 = arith.addf %get3A_2273, %mul3A_2278 : vector<16xf32>
      %swap3A_2280 = arith.constant 5 : i32
      %swap3A_2281 = arith.index_cast %swap3A_2280 : i32 to index
      %swap3A_2282 = arith.constant 176 : index
      %swap3A_2283 = tpu.vector_load %arg9[%swap3A_2281, %swap3A_2282] {strides = array<i32>} : memref<8x384xf32, #tpu.memory_space<vmem>>, vector<1x16xf32>,
      %swap3A_2284 = vector.shape_cast %swap3A_2283 : vector<1x16xf32> to vector<16xf32>
      %swap3A_2285 = vector.shape_cast %add3A_2279 : vector<16xf32> to vector<1x16xf32>
      tpu.vector_store %arg9[%swap3A_2281, %swap3A_2282], %swap3A_2285 {strides = array<i32>} : memref<8x384xf32, #tpu.memory_space<vmem>>, vector<1x16xf32>,
      %get3A_2286 = arith.constant 5 : i32
      %get3A_2287 = arith.index_cast %get3A_2286 : i32 to index
      %get3A_2288 = arith.constant 192 : index
      %get3A_2289 = tpu.vector_load %arg9[%get3A_2287, %get3A_2288] {strides = array<i32>} : memref<8x384xf32, #tpu.memory_space<vmem>>, vector<1x16xf32>,
      %get3A_2290 = vector.shape_cast %get3A_2289 : vector<1x16xf32> to vector<16xf32>
      %get3A_2291 = arith.index_cast %scan3A_19 : i32 to index
      %get3A_2292 = arith.constant 192 : index
      %get3A_2293 = tpu.vector_load %arg8[%get3A_2291, %get3A_2292] {strides = array<i32>} : memref<8x384xf32, #tpu.memory_space<vmem>>, vector<1x16xf32>,
      %get3A_2294 = vector.shape_cast %get3A_2293 : vector<1x16xf32> to vector<16xf32>
      %mul3A_2295 = arith.mulf %get3A_2081, %get3A_2294 : vector<16xf32>
      %add3A_2296 = arith.addf %get3A_2290, %mul3A_2295 : vector<16xf32>
      %swap3A_2297 = arith.constant 5 : i32
      %swap3A_2298 = arith.index_cast %swap3A_2297 : i32 to index
      %swap3A_2299 = arith.constant 192 : index
      %swap3A_2300 = tpu.vector_load %arg9[%swap3A_2298, %swap3A_2299] {strides = array<i32>} : memref<8x384xf32, #tpu.memory_space<vmem>>, vector<1x16xf32>,
      %swap3A_2301 = vector.shape_cast %swap3A_2300 : vector<1x16xf32> to vector<16xf32>
      %swap3A_2302 = vector.shape_cast %add3A_2296 : vector<16xf32> to vector<1x16xf32>
      tpu.vector_store %arg9[%swap3A_2298, %swap3A_2299], %swap3A_2302 {strides = array<i32>} : memref<8x384xf32, #tpu.memory_space<vmem>>, vector<1x16xf32>,
      %get3A_2303 = arith.constant 5 : i32
      %get3A_2304 = arith.index_cast %get3A_2303 : i32 to index
      %get3A_2305 = arith.constant 208 : index
      %get3A_2306 = tpu.vector_load %arg9[%get3A_2304, %get3A_2305] {strides = array<i32>} : memref<8x384xf32, #tpu.memory_space<vmem>>, vector<1x16xf32>,
      %get3A_2307 = vector.shape_cast %get3A_2306 : vector<1x16xf32> to vector<16xf32>
      %get3A_2308 = arith.index_cast %scan3A_19 : i32 to index
      %get3A_2309 = arith.constant 208 : index
      %get3A_2310 = tpu.vector_load %arg8[%get3A_2308, %get3A_2309] {strides = array<i32>} : memref<8x384xf32, #tpu.memory_space<vmem>>, vector<1x16xf32>,
      %get3A_2311 = vector.shape_cast %get3A_2310 : vector<1x16xf32> to vector<16xf32>
      %mul3A_2312 = arith.mulf %get3A_2081, %get3A_2311 : vector<16xf32>
      %add3A_2313 = arith.addf %get3A_2307, %mul3A_2312 : vector<16xf32>
      %swap3A_2314 = arith.constant 5 : i32
      %swap3A_2315 = arith.index_cast %swap3A_2314 : i32 to index
      %swap3A_2316 = arith.constant 208 : index
      %swap3A_2317 = tpu.vector_load %arg9[%swap3A_2315, %swap3A_2316] {strides = array<i32>} : memref<8x384xf32, #tpu.memory_space<vmem>>, vector<1x16xf32>,
      %swap3A_2318 = vector.shape_cast %swap3A_2317 : vector<1x16xf32> to vector<16xf32>
      %swap3A_2319 = vector.shape_cast %add3A_2313 : vector<16xf32> to vector<1x16xf32>
      tpu.vector_store %arg9[%swap3A_2315, %swap3A_2316], %swap3A_2319 {strides = array<i32>} : memref<8x384xf32, #tpu.memory_space<vmem>>, vector<1x16xf32>,
      %get3A_2320 = arith.constant 5 : i32
      %get3A_2321 = arith.index_cast %get3A_2320 : i32 to index
      %get3A_2322 = arith.constant 224 : index
      %get3A_2323 = tpu.vector_load %arg9[%get3A_2321, %get3A_2322] {strides = array<i32>} : memref<8x384xf32, #tpu.memory_space<vmem>>, vector<1x16xf32>,
      %get3A_2324 = vector.shape_cast %get3A_2323 : vector<1x16xf32> to vector<16xf32>
      %get3A_2325 = arith.index_cast %scan3A_19 : i32 to index
      %get3A_2326 = arith.constant 224 : index
      %get3A_2327 = tpu.vector_load %arg8[%get3A_2325, %get3A_2326] {strides = array<i32>} : memref<8x384xf32, #tpu.memory_space<vmem>>, vector<1x16xf32>,
      %get3A_2328 = vector.shape_cast %get3A_2327 : vector<1x16xf32> to vector<16xf32>
      %mul3A_2329 = arith.mulf %get3A_2081, %get3A_2328 : vector<16xf32>
      %add3A_2330 = arith.addf %get3A_2324, %mul3A_2329 : vector<16xf32>
      %swap3A_2331 = arith.constant 5 : i32
      %swap3A_2332 = arith.index_cast %swap3A_2331 : i32 to index
      %swap3A_2333 = arith.constant 224 : index
      %swap3A_2334 = tpu.vector_load %arg9[%swap3A_2332, %swap3A_2333] {strides = array<i32>} : memref<8x384xf32, #tpu.memory_space<vmem>>, vector<1x16xf32>,
      %swap3A_2335 = vector.shape_cast %swap3A_2334 : vector<1x16xf32> to vector<16xf32>
      %swap3A_2336 = vector.shape_cast %add3A_2330 : vector<16xf32> to vector<1x16xf32>
      tpu.vector_store %arg9[%swap3A_2332, %swap3A_2333], %swap3A_2336 {strides = array<i32>} : memref<8x384xf32, #tpu.memory_space<vmem>>, vector<1x16xf32>,
      %get3A_2337 = arith.constant 5 : i32
      %get3A_2338 = arith.index_cast %get3A_2337 : i32 to index
      %get3A_2339 = arith.constant 240 : index
      %get3A_2340 = tpu.vector_load %arg9[%get3A_2338, %get3A_2339] {strides = array<i32>} : memref<8x384xf32, #tpu.memory_space<vmem>>, vector<1x16xf32>,
      %get3A_2341 = vector.shape_cast %get3A_2340 : vector<1x16xf32> to vector<16xf32>
      %get3A_2342 = arith.index_cast %scan3A_19 : i32 to index
      %get3A_2343 = arith.constant 240 : index
      %get3A_2344 = tpu.vector_load %arg8[%get3A_2342, %get3A_2343] {strides = array<i32>} : memref<8x384xf32, #tpu.memory_space<vmem>>, vector<1x16xf32>,
      %get3A_2345 = vector.shape_cast %get3A_2344 : vector<1x16xf32> to vector<16xf32>
      %mul3A_2346 = arith.mulf %get3A_2081, %get3A_2345 : vector<16xf32>
      %add3A_2347 = arith.addf %get3A_2341, %mul3A_2346 : vector<16xf32>
      %swap3A_2348 = arith.constant 5 : i32
      %swap3A_2349 = arith.index_cast %swap3A_2348 : i32 to index
      %swap3A_2350 = arith.constant 240 : index
      %swap3A_2351 = tpu.vector_load %arg9[%swap3A_2349, %swap3A_2350] {strides = array<i32>} : memref<8x384xf32, #tpu.memory_space<vmem>>, vector<1x16xf32>,
      %swap3A_2352 = vector.shape_cast %swap3A_2351 : vector<1x16xf32> to vector<16xf32>
      %swap3A_2353 = vector.shape_cast %add3A_2347 : vector<16xf32> to vector<1x16xf32>
      tpu.vector_store %arg9[%swap3A_2349, %swap3A_2350], %swap3A_2353 {strides = array<i32>} : memref<8x384xf32, #tpu.memory_space<vmem>>, vector<1x16xf32>,
      %get3A_2354 = arith.constant 5 : i32
      %get3A_2355 = arith.index_cast %get3A_2354 : i32 to index
      %get3A_2356 = arith.constant 256 : index
      %get3A_2357 = tpu.vector_load %arg9[%get3A_2355, %get3A_2356] {strides = array<i32>} : memref<8x384xf32, #tpu.memory_space<vmem>>, vector<1x16xf32>,
      %get3A_2358 = vector.shape_cast %get3A_2357 : vector<1x16xf32> to vector<16xf32>
      %get3A_2359 = arith.index_cast %scan3A_19 : i32 to index
      %get3A_2360 = arith.constant 256 : index
      %get3A_2361 = tpu.vector_load %arg8[%get3A_2359, %get3A_2360] {strides = array<i32>} : memref<8x384xf32, #tpu.memory_space<vmem>>, vector<1x16xf32>,
      %get3A_2362 = vector.shape_cast %get3A_2361 : vector<1x16xf32> to vector<16xf32>
      %mul3A_2363 = arith.mulf %get3A_2081, %get3A_2362 : vector<16xf32>
      %add3A_2364 = arith.addf %get3A_2358, %mul3A_2363 : vector<16xf32>
      %swap3A_2365 = arith.constant 5 : i32
      %swap3A_2366 = arith.index_cast %swap3A_2365 : i32 to index
      %swap3A_2367 = arith.constant 256 : index
      %swap3A_2368 = tpu.vector_load %arg9[%swap3A_2366, %swap3A_2367] {strides = array<i32>} : memref<8x384xf32, #tpu.memory_space<vmem>>, vector<1x16xf32>,
      %swap3A_2369 = vector.shape_cast %swap3A_2368 : vector<1x16xf32> to vector<16xf32>
      %swap3A_2370 = vector.shape_cast %add3A_2364 : vector<16xf32> to vector<1x16xf32>
      tpu.vector_store %arg9[%swap3A_2366, %swap3A_2367], %swap3A_2370 {strides = array<i32>} : memref<8x384xf32, #tpu.memory_space<vmem>>, vector<1x16xf32>,
      %get3A_2371 = arith.constant 5 : i32
      %get3A_2372 = arith.index_cast %get3A_2371 : i32 to index
      %get3A_2373 = arith.constant 272 : index
      %get3A_2374 = tpu.vector_load %arg9[%get3A_2372, %get3A_2373] {strides = array<i32>} : memref<8x384xf32, #tpu.memory_space<vmem>>, vector<1x16xf32>,
      %get3A_2375 = vector.shape_cast %get3A_2374 : vector<1x16xf32> to vector<16xf32>
      %get3A_2376 = arith.index_cast %scan3A_19 : i32 to index
      %get3A_2377 = arith.constant 272 : index
      %get3A_2378 = tpu.vector_load %arg8[%get3A_2376, %get3A_2377] {strides = array<i32>} : memref<8x384xf32, #tpu.memory_space<vmem>>, vector<1x16xf32>,
      %get3A_2379 = vector.shape_cast %get3A_2378 : vector<1x16xf32> to vector<16xf32>
      %mul3A_2380 = arith.mulf %get3A_2081, %get3A_2379 : vector<16xf32>
      %add3A_2381 = arith.addf %get3A_2375, %mul3A_2380 : vector<16xf32>
      %swap3A_2382 = arith.constant 5 : i32
      %swap3A_2383 = arith.index_cast %swap3A_2382 : i32 to index
      %swap3A_2384 = arith.constant 272 : index
      %swap3A_2385 = tpu.vector_load %arg9[%swap3A_2383, %swap3A_2384] {strides = array<i32>} : memref<8x384xf32, #tpu.memory_space<vmem>>, vector<1x16xf32>,
      %swap3A_2386 = vector.shape_cast %swap3A_2385 : vector<1x16xf32> to vector<16xf32>
      %swap3A_2387 = vector.shape_cast %add3A_2381 : vector<16xf32> to vector<1x16xf32>
      tpu.vector_store %arg9[%swap3A_2383, %swap3A_2384], %swap3A_2387 {strides = array<i32>} : memref<8x384xf32, #tpu.memory_space<vmem>>, vector<1x16xf32>,
      %get3A_2388 = arith.constant 5 : i32
      %get3A_2389 = arith.index_cast %get3A_2388 : i32 to index
      %get3A_2390 = arith.constant 288 : index
      %get3A_2391 = tpu.vector_load %arg9[%get3A_2389, %get3A_2390] {strides = array<i32>} : memref<8x384xf32, #tpu.memory_space<vmem>>, vector<1x16xf32>,
      %get3A_2392 = vector.shape_cast %get3A_2391 : vector<1x16xf32> to vector<16xf32>
      %get3A_2393 = arith.index_cast %scan3A_19 : i32 to index
      %get3A_2394 = arith.constant 288 : index
      %get3A_2395 = tpu.vector_load %arg8[%get3A_2393, %get3A_2394] {strides = array<i32>} : memref<8x384xf32, #tpu.memory_space<vmem>>, vector<1x16xf32>,
      %get3A_2396 = vector.shape_cast %get3A_2395 : vector<1x16xf32> to vector<16xf32>
      %mul3A_2397 = arith.mulf %get3A_2081, %get3A_2396 : vector<16xf32>
      %add3A_2398 = arith.addf %get3A_2392, %mul3A_2397 : vector<16xf32>
      %swap3A_2399 = arith.constant 5 : i32
      %swap3A_2400 = arith.index_cast %swap3A_2399 : i32 to index
      %swap3A_2401 = arith.constant 288 : index
      %swap3A_2402 = tpu.vector_load %arg9[%swap3A_2400, %swap3A_2401] {strides = array<i32>} : memref<8x384xf32, #tpu.memory_space<vmem>>, vector<1x16xf32>,
      %swap3A_2403 = vector.shape_cast %swap3A_2402 : vector<1x16xf32> to vector<16xf32>
      %swap3A_2404 = vector.shape_cast %add3A_2398 : vector<16xf32> to vector<1x16xf32>
      tpu.vector_store %arg9[%swap3A_2400, %swap3A_2401], %swap3A_2404 {strides = array<i32>} : memref<8x384xf32, #tpu.memory_space<vmem>>, vector<1x16xf32>,
      %get3A_2405 = arith.constant 5 : i32
      %get3A_2406 = arith.index_cast %get3A_2405 : i32 to index
      %get3A_2407 = arith.constant 304 : index
      %get3A_2408 = tpu.vector_load %arg9[%get3A_2406, %get3A_2407] {strides = array<i32>} : memref<8x384xf32, #tpu.memory_space<vmem>>, vector<1x16xf32>,
      %get3A_2409 = vector.shape_cast %get3A_2408 : vector<1x16xf32> to vector<16xf32>
      %get3A_2410 = arith.index_cast %scan3A_19 : i32 to index
      %get3A_2411 = arith.constant 304 : index
      %get3A_2412 = tpu.vector_load %arg8[%get3A_2410, %get3A_2411] {strides = array<i32>} : memref<8x384xf32, #tpu.memory_space<vmem>>, vector<1x16xf32>,
      %get3A_2413 = vector.shape_cast %get3A_2412 : vector<1x16xf32> to vector<16xf32>
      %mul3A_2414 = arith.mulf %get3A_2081, %get3A_2413 : vector<16xf32>
      %add3A_2415 = arith.addf %get3A_2409, %mul3A_2414 : vector<16xf32>
      %swap3A_2416 = arith.constant 5 : i32
      %swap3A_2417 = arith.index_cast %swap3A_2416 : i32 to index
      %swap3A_2418 = arith.constant 304 : index
      %swap3A_2419 = tpu.vector_load %arg9[%swap3A_2417, %swap3A_2418] {strides = array<i32>} : memref<8x384xf32, #tpu.memory_space<vmem>>, vector<1x16xf32>,
      %swap3A_2420 = vector.shape_cast %swap3A_2419 : vector<1x16xf32> to vector<16xf32>
      %swap3A_2421 = vector.shape_cast %add3A_2415 : vector<16xf32> to vector<1x16xf32>
      tpu.vector_store %arg9[%swap3A_2417, %swap3A_2418], %swap3A_2421 {strides = array<i32>} : memref<8x384xf32, #tpu.memory_space<vmem>>, vector<1x16xf32>,
      %get3A_2422 = arith.constant 5 : i32
      %get3A_2423 = arith.index_cast %get3A_2422 : i32 to index
      %get3A_2424 = arith.constant 320 : index
      %get3A_2425 = tpu.vector_load %arg9[%get3A_2423, %get3A_2424] {strides = array<i32>} : memref<8x384xf32, #tpu.memory_space<vmem>>, vector<1x16xf32>,
      %get3A_2426 = vector.shape_cast %get3A_2425 : vector<1x16xf32> to vector<16xf32>
      %get3A_2427 = arith.index_cast %scan3A_19 : i32 to index
      %get3A_2428 = arith.constant 320 : index
      %get3A_2429 = tpu.vector_load %arg8[%get3A_2427, %get3A_2428] {strides = array<i32>} : memref<8x384xf32, #tpu.memory_space<vmem>>, vector<1x16xf32>,
      %get3A_2430 = vector.shape_cast %get3A_2429 : vector<1x16xf32> to vector<16xf32>
      %mul3A_2431 = arith.mulf %get3A_2081, %get3A_2430 : vector<16xf32>
      %add3A_2432 = arith.addf %get3A_2426, %mul3A_2431 : vector<16xf32>
      %swap3A_2433 = arith.constant 5 : i32
      %swap3A_2434 = arith.index_cast %swap3A_2433 : i32 to index
      %swap3A_2435 = arith.constant 320 : index
      %swap3A_2436 = tpu.vector_load %arg9[%swap3A_2434, %swap3A_2435] {strides = array<i32>} : memref<8x384xf32, #tpu.memory_space<vmem>>, vector<1x16xf32>,
      %swap3A_2437 = vector.shape_cast %swap3A_2436 : vector<1x16xf32> to vector<16xf32>
      %swap3A_2438 = vector.shape_cast %add3A_2432 : vector<16xf32> to vector<1x16xf32>
      tpu.vector_store %arg9[%swap3A_2434, %swap3A_2435], %swap3A_2438 {strides = array<i32>} : memref<8x384xf32, #tpu.memory_space<vmem>>, vector<1x16xf32>,
      %get3A_2439 = arith.constant 5 : i32
      %get3A_2440 = arith.index_cast %get3A_2439 : i32 to index
      %get3A_2441 = arith.constant 336 : index
      %get3A_2442 = tpu.vector_load %arg9[%get3A_2440, %get3A_2441] {strides = array<i32>} : memref<8x384xf32, #tpu.memory_space<vmem>>, vector<1x16xf32>,
      %get3A_2443 = vector.shape_cast %get3A_2442 : vector<1x16xf32> to vector<16xf32>
      %get3A_2444 = arith.index_cast %scan3A_19 : i32 to index
      %get3A_2445 = arith.constant 336 : index
      %get3A_2446 = tpu.vector_load %arg8[%get3A_2444, %get3A_2445] {strides = array<i32>} : memref<8x384xf32, #tpu.memory_space<vmem>>, vector<1x16xf32>,
      %get3A_2447 = vector.shape_cast %get3A_2446 : vector<1x16xf32> to vector<16xf32>
      %mul3A_2448 = arith.mulf %get3A_2081, %get3A_2447 : vector<16xf32>
      %add3A_2449 = arith.addf %get3A_2443, %mul3A_2448 : vector<16xf32>
      %swap3A_2450 = arith.constant 5 : i32
      %swap3A_2451 = arith.index_cast %swap3A_2450 : i32 to index
      %swap3A_2452 = arith.constant 336 : index
      %swap3A_2453 = tpu.vector_load %arg9[%swap3A_2451, %swap3A_2452] {strides = array<i32>} : memref<8x384xf32, #tpu.memory_space<vmem>>, vector<1x16xf32>,
      %swap3A_2454 = vector.shape_cast %swap3A_2453 : vector<1x16xf32> to vector<16xf32>
      %swap3A_2455 = vector.shape_cast %add3A_2449 : vector<16xf32> to vector<1x16xf32>
      tpu.vector_store %arg9[%swap3A_2451, %swap3A_2452], %swap3A_2455 {strides = array<i32>} : memref<8x384xf32, #tpu.memory_space<vmem>>, vector<1x16xf32>,
      %get3A_2456 = arith.constant 5 : i32
      %get3A_2457 = arith.index_cast %get3A_2456 : i32 to index
      %get3A_2458 = arith.constant 352 : index
      %get3A_2459 = tpu.vector_load %arg9[%get3A_2457, %get3A_2458] {strides = array<i32>} : memref<8x384xf32, #tpu.memory_space<vmem>>, vector<1x16xf32>,
      %get3A_2460 = vector.shape_cast %get3A_2459 : vector<1x16xf32> to vector<16xf32>
      %get3A_2461 = arith.index_cast %scan3A_19 : i32 to index
      %get3A_2462 = arith.constant 352 : index
      %get3A_2463 = tpu.vector_load %arg8[%get3A_2461, %get3A_2462] {strides = array<i32>} : memref<8x384xf32, #tpu.memory_space<vmem>>, vector<1x16xf32>,
      %get3A_2464 = vector.shape_cast %get3A_2463 : vector<1x16xf32> to vector<16xf32>
      %mul3A_2465 = arith.mulf %get3A_2081, %get3A_2464 : vector<16xf32>
      %add3A_2466 = arith.addf %get3A_2460, %mul3A_2465 : vector<16xf32>
      %swap3A_2467 = arith.constant 5 : i32
      %swap3A_2468 = arith.index_cast %swap3A_2467 : i32 to index
      %swap3A_2469 = arith.constant 352 : index
      %swap3A_2470 = tpu.vector_load %arg9[%swap3A_2468, %swap3A_2469] {strides = array<i32>} : memref<8x384xf32, #tpu.memory_space<vmem>>, vector<1x16xf32>,
      %swap3A_2471 = vector.shape_cast %swap3A_2470 : vector<1x16xf32> to vector<16xf32>
      %swap3A_2472 = vector.shape_cast %add3A_2466 : vector<16xf32> to vector<1x16xf32>
      tpu.vector_store %arg9[%swap3A_2468, %swap3A_2469], %swap3A_2472 {strides = array<i32>} : memref<8x384xf32, #tpu.memory_space<vmem>>, vector<1x16xf32>,
      %get3A_2473 = arith.constant 5 : i32
      %get3A_2474 = arith.index_cast %get3A_2473 : i32 to index
      %get3A_2475 = arith.constant 368 : index
      %get3A_2476 = tpu.vector_load %arg9[%get3A_2474, %get3A_2475] {strides = array<i32>} : memref<8x384xf32, #tpu.memory_space<vmem>>, vector<1x16xf32>,
      %get3A_2477 = vector.shape_cast %get3A_2476 : vector<1x16xf32> to vector<16xf32>
      %get3A_2478 = arith.index_cast %scan3A_19 : i32 to index
      %get3A_2479 = arith.constant 368 : index
      %get3A_2480 = tpu.vector_load %arg8[%get3A_2478, %get3A_2479] {strides = array<i32>} : memref<8x384xf32, #tpu.memory_space<vmem>>, vector<1x16xf32>,
      %get3A_2481 = vector.shape_cast %get3A_2480 : vector<1x16xf32> to vector<16xf32>
      %mul3A_2482 = arith.mulf %get3A_2081, %get3A_2481 : vector<16xf32>
      %add3A_2483 = arith.addf %get3A_2477, %mul3A_2482 : vector<16xf32>
      %swap3A_2484 = arith.constant 5 : i32
      %swap3A_2485 = arith.index_cast %swap3A_2484 : i32 to index
      %swap3A_2486 = arith.constant 368 : index
      %swap3A_2487 = tpu.vector_load %arg9[%swap3A_2485, %swap3A_2486] {strides = array<i32>} : memref<8x384xf32, #tpu.memory_space<vmem>>, vector<1x16xf32>,
      %swap3A_2488 = vector.shape_cast %swap3A_2487 : vector<1x16xf32> to vector<16xf32>
      %swap3A_2489 = vector.shape_cast %add3A_2483 : vector<16xf32> to vector<1x16xf32>
      tpu.vector_store %arg9[%swap3A_2485, %swap3A_2486], %swap3A_2489 {strides = array<i32>} : memref<8x384xf32, #tpu.memory_space<vmem>>, vector<1x16xf32>,
      %get3A_2490 = arith.index_cast %scan3A_19 : i32 to index
      %get3A_2491 = arith.constant 96 : index
      %get3A_2492 = tpu.vector_load %arg7[%get3A_2490, %get3A_2491] {strides = array<i32>} : memref<8x128xf32, #tpu.memory_space<vmem>>, vector<1x16xf32>,
      %get3A_2493 = vector.shape_cast %get3A_2492 : vector<1x16xf32> to vector<16xf32>
      %get3A_2494 = arith.constant 6 : i32
      %get3A_2495 = arith.index_cast %get3A_2494 : i32 to index
      %get3A_2496 = arith.constant 0 : index
      %get3A_2497 = tpu.vector_load %arg9[%get3A_2495, %get3A_2496] {strides = array<i32>} : memref<8x384xf32, #tpu.memory_space<vmem>>, vector<1x16xf32>,
      %get3A_2498 = vector.shape_cast %get3A_2497 : vector<1x16xf32> to vector<16xf32>
      %get3A_2499 = arith.index_cast %scan3A_19 : i32 to index
      %get3A_2500 = arith.constant 0 : index
      %get3A_2501 = tpu.vector_load %arg8[%get3A_2499, %get3A_2500] {strides = array<i32>} : memref<8x384xf32, #tpu.memory_space<vmem>>, vector<1x16xf32>,
      %get3A_2502 = vector.shape_cast %get3A_2501 : vector<1x16xf32> to vector<16xf32>
      %mul3A_2503 = arith.mulf %get3A_2493, %get3A_2502 : vector<16xf32>
      %add3A_2504 = arith.addf %get3A_2498, %mul3A_2503 : vector<16xf32>
      %swap3A_2505 = arith.constant 6 : i32
      %swap3A_2506 = arith.index_cast %swap3A_2505 : i32 to index
      %swap3A_2507 = arith.constant 0 : index
      %swap3A_2508 = tpu.vector_load %arg9[%swap3A_2506, %swap3A_2507] {strides = array<i32>} : memref<8x384xf32, #tpu.memory_space<vmem>>, vector<1x16xf32>,
      %swap3A_2509 = vector.shape_cast %swap3A_2508 : vector<1x16xf32> to vector<16xf32>
      %swap3A_2510 = vector.shape_cast %add3A_2504 : vector<16xf32> to vector<1x16xf32>
      tpu.vector_store %arg9[%swap3A_2506, %swap3A_2507], %swap3A_2510 {strides = array<i32>} : memref<8x384xf32, #tpu.memory_space<vmem>>, vector<1x16xf32>,
      %get3A_2511 = arith.constant 6 : i32
      %get3A_2512 = arith.index_cast %get3A_2511 : i32 to index
      %get3A_2513 = arith.constant 16 : index
      %get3A_2514 = tpu.vector_load %arg9[%get3A_2512, %get3A_2513] {strides = array<i32>} : memref<8x384xf32, #tpu.memory_space<vmem>>, vector<1x16xf32>,
      %get3A_2515 = vector.shape_cast %get3A_2514 : vector<1x16xf32> to vector<16xf32>
      %get3A_2516 = arith.index_cast %scan3A_19 : i32 to index
      %get3A_2517 = arith.constant 16 : index
      %get3A_2518 = tpu.vector_load %arg8[%get3A_2516, %get3A_2517] {strides = array<i32>} : memref<8x384xf32, #tpu.memory_space<vmem>>, vector<1x16xf32>,
      %get3A_2519 = vector.shape_cast %get3A_2518 : vector<1x16xf32> to vector<16xf32>
      %mul3A_2520 = arith.mulf %get3A_2493, %get3A_2519 : vector<16xf32>
      %add3A_2521 = arith.addf %get3A_2515, %mul3A_2520 : vector<16xf32>
      %swap3A_2522 = arith.constant 6 : i32
      %swap3A_2523 = arith.index_cast %swap3A_2522 : i32 to index
      %swap3A_2524 = arith.constant 16 : index
      %swap3A_2525 = tpu.vector_load %arg9[%swap3A_2523, %swap3A_2524] {strides = array<i32>} : memref<8x384xf32, #tpu.memory_space<vmem>>, vector<1x16xf32>,
      %swap3A_2526 = vector.shape_cast %swap3A_2525 : vector<1x16xf32> to vector<16xf32>
      %swap3A_2527 = vector.shape_cast %add3A_2521 : vector<16xf32> to vector<1x16xf32>
      tpu.vector_store %arg9[%swap3A_2523, %swap3A_2524], %swap3A_2527 {strides = array<i32>} : memref<8x384xf32, #tpu.memory_space<vmem>>, vector<1x16xf32>,
      %get3A_2528 = arith.constant 6 : i32
      %get3A_2529 = arith.index_cast %get3A_2528 : i32 to index
      %get3A_2530 = arith.constant 32 : index
      %get3A_2531 = tpu.vector_load %arg9[%get3A_2529, %get3A_2530] {strides = array<i32>} : memref<8x384xf32, #tpu.memory_space<vmem>>, vector<1x16xf32>,
      %get3A_2532 = vector.shape_cast %get3A_2531 : vector<1x16xf32> to vector<16xf32>
      %get3A_2533 = arith.index_cast %scan3A_19 : i32 to index
      %get3A_2534 = arith.constant 32 : index
      %get3A_2535 = tpu.vector_load %arg8[%get3A_2533, %get3A_2534] {strides = array<i32>} : memref<8x384xf32, #tpu.memory_space<vmem>>, vector<1x16xf32>,
      %get3A_2536 = vector.shape_cast %get3A_2535 : vector<1x16xf32> to vector<16xf32>
      %mul3A_2537 = arith.mulf %get3A_2493, %get3A_2536 : vector<16xf32>
      %add3A_2538 = arith.addf %get3A_2532, %mul3A_2537 : vector<16xf32>
      %swap3A_2539 = arith.constant 6 : i32
      %swap3A_2540 = arith.index_cast %swap3A_2539 : i32 to index
      %swap3A_2541 = arith.constant 32 : index
      %swap3A_2542 = tpu.vector_load %arg9[%swap3A_2540, %swap3A_2541] {strides = array<i32>} : memref<8x384xf32, #tpu.memory_space<vmem>>, vector<1x16xf32>,
      %swap3A_2543 = vector.shape_cast %swap3A_2542 : vector<1x16xf32> to vector<16xf32>
      %swap3A_2544 = vector.shape_cast %add3A_2538 : vector<16xf32> to vector<1x16xf32>
      tpu.vector_store %arg9[%swap3A_2540, %swap3A_2541], %swap3A_2544 {strides = array<i32>} : memref<8x384xf32, #tpu.memory_space<vmem>>, vector<1x16xf32>,
      %get3A_2545 = arith.constant 6 : i32
      %get3A_2546 = arith.index_cast %get3A_2545 : i32 to index
      %get3A_2547 = arith.constant 48 : index
      %get3A_2548 = tpu.vector_load %arg9[%get3A_2546, %get3A_2547] {strides = array<i32>} : memref<8x384xf32, #tpu.memory_space<vmem>>, vector<1x16xf32>,
      %get3A_2549 = vector.shape_cast %get3A_2548 : vector<1x16xf32> to vector<16xf32>
      %get3A_2550 = arith.index_cast %scan3A_19 : i32 to index
      %get3A_2551 = arith.constant 48 : index
      %get3A_2552 = tpu.vector_load %arg8[%get3A_2550, %get3A_2551] {strides = array<i32>} : memref<8x384xf32, #tpu.memory_space<vmem>>, vector<1x16xf32>,
      %get3A_2553 = vector.shape_cast %get3A_2552 : vector<1x16xf32> to vector<16xf32>
      %mul3A_2554 = arith.mulf %get3A_2493, %get3A_2553 : vector<16xf32>
      %add3A_2555 = arith.addf %get3A_2549, %mul3A_2554 : vector<16xf32>
      %swap3A_2556 = arith.constant 6 : i32
      %swap3A_2557 = arith.index_cast %swap3A_2556 : i32 to index
      %swap3A_2558 = arith.constant 48 : index
      %swap3A_2559 = tpu.vector_load %arg9[%swap3A_2557, %swap3A_2558] {strides = array<i32>} : memref<8x384xf32, #tpu.memory_space<vmem>>, vector<1x16xf32>,
      %swap3A_2560 = vector.shape_cast %swap3A_2559 : vector<1x16xf32> to vector<16xf32>
      %swap3A_2561 = vector.shape_cast %add3A_2555 : vector<16xf32> to vector<1x16xf32>
      tpu.vector_store %arg9[%swap3A_2557, %swap3A_2558], %swap3A_2561 {strides = array<i32>} : memref<8x384xf32, #tpu.memory_space<vmem>>, vector<1x16xf32>,
      %get3A_2562 = arith.constant 6 : i32
      %get3A_2563 = arith.index_cast %get3A_2562 : i32 to index
      %get3A_2564 = arith.constant 64 : index
      %get3A_2565 = tpu.vector_load %arg9[%get3A_2563, %get3A_2564] {strides = array<i32>} : memref<8x384xf32, #tpu.memory_space<vmem>>, vector<1x16xf32>,
      %get3A_2566 = vector.shape_cast %get3A_2565 : vector<1x16xf32> to vector<16xf32>
      %get3A_2567 = arith.index_cast %scan3A_19 : i32 to index
      %get3A_2568 = arith.constant 64 : index
      %get3A_2569 = tpu.vector_load %arg8[%get3A_2567, %get3A_2568] {strides = array<i32>} : memref<8x384xf32, #tpu.memory_space<vmem>>, vector<1x16xf32>,
      %get3A_2570 = vector.shape_cast %get3A_2569 : vector<1x16xf32> to vector<16xf32>
      %mul3A_2571 = arith.mulf %get3A_2493, %get3A_2570 : vector<16xf32>
      %add3A_2572 = arith.addf %get3A_2566, %mul3A_2571 : vector<16xf32>
      %swap3A_2573 = arith.constant 6 : i32
      %swap3A_2574 = arith.index_cast %swap3A_2573 : i32 to index
      %swap3A_2575 = arith.constant 64 : index
      %swap3A_2576 = tpu.vector_load %arg9[%swap3A_2574, %swap3A_2575] {strides = array<i32>} : memref<8x384xf32, #tpu.memory_space<vmem>>, vector<1x16xf32>,
      %swap3A_2577 = vector.shape_cast %swap3A_2576 : vector<1x16xf32> to vector<16xf32>
      %swap3A_2578 = vector.shape_cast %add3A_2572 : vector<16xf32> to vector<1x16xf32>
      tpu.vector_store %arg9[%swap3A_2574, %swap3A_2575], %swap3A_2578 {strides = array<i32>} : memref<8x384xf32, #tpu.memory_space<vmem>>, vector<1x16xf32>,
      %get3A_2579 = arith.constant 6 : i32
      %get3A_2580 = arith.index_cast %get3A_2579 : i32 to index
      %get3A_2581 = arith.constant 80 : index
      %get3A_2582 = tpu.vector_load %arg9[%get3A_2580, %get3A_2581] {strides = array<i32>} : memref<8x384xf32, #tpu.memory_space<vmem>>, vector<1x16xf32>,
      %get3A_2583 = vector.shape_cast %get3A_2582 : vector<1x16xf32> to vector<16xf32>
      %get3A_2584 = arith.index_cast %scan3A_19 : i32 to index
      %get3A_2585 = arith.constant 80 : index
      %get3A_2586 = tpu.vector_load %arg8[%get3A_2584, %get3A_2585] {strides = array<i32>} : memref<8x384xf32, #tpu.memory_space<vmem>>, vector<1x16xf32>,
      %get3A_2587 = vector.shape_cast %get3A_2586 : vector<1x16xf32> to vector<16xf32>
      %mul3A_2588 = arith.mulf %get3A_2493, %get3A_2587 : vector<16xf32>
      %add3A_2589 = arith.addf %get3A_2583, %mul3A_2588 : vector<16xf32>
      %swap3A_2590 = arith.constant 6 : i32
      %swap3A_2591 = arith.index_cast %swap3A_2590 : i32 to index
      %swap3A_2592 = arith.constant 80 : index
      %swap3A_2593 = tpu.vector_load %arg9[%swap3A_2591, %swap3A_2592] {strides = array<i32>} : memref<8x384xf32, #tpu.memory_space<vmem>>, vector<1x16xf32>,
      %swap3A_2594 = vector.shape_cast %swap3A_2593 : vector<1x16xf32> to vector<16xf32>
      %swap3A_2595 = vector.shape_cast %add3A_2589 : vector<16xf32> to vector<1x16xf32>
      tpu.vector_store %arg9[%swap3A_2591, %swap3A_2592], %swap3A_2595 {strides = array<i32>} : memref<8x384xf32, #tpu.memory_space<vmem>>, vector<1x16xf32>,
      %get3A_2596 = arith.constant 6 : i32
      %get3A_2597 = arith.index_cast %get3A_2596 : i32 to index
      %get3A_2598 = arith.constant 96 : index
      %get3A_2599 = tpu.vector_load %arg9[%get3A_2597, %get3A_2598] {strides = array<i32>} : memref<8x384xf32, #tpu.memory_space<vmem>>, vector<1x16xf32>,
      %get3A_2600 = vector.shape_cast %get3A_2599 : vector<1x16xf32> to vector<16xf32>
      %get3A_2601 = arith.index_cast %scan3A_19 : i32 to index
      %get3A_2602 = arith.constant 96 : index
      %get3A_2603 = tpu.vector_load %arg8[%get3A_2601, %get3A_2602] {strides = array<i32>} : memref<8x384xf32, #tpu.memory_space<vmem>>, vector<1x16xf32>,
      %get3A_2604 = vector.shape_cast %get3A_2603 : vector<1x16xf32> to vector<16xf32>
      %mul3A_2605 = arith.mulf %get3A_2493, %get3A_2604 : vector<16xf32>
      %add3A_2606 = arith.addf %get3A_2600, %mul3A_2605 : vector<16xf32>
      %swap3A_2607 = arith.constant 6 : i32
      %swap3A_2608 = arith.index_cast %swap3A_2607 : i32 to index
      %swap3A_2609 = arith.constant 96 : index
      %swap3A_2610 = tpu.vector_load %arg9[%swap3A_2608, %swap3A_2609] {strides = array<i32>} : memref<8x384xf32, #tpu.memory_space<vmem>>, vector<1x16xf32>,
      %swap3A_2611 = vector.shape_cast %swap3A_2610 : vector<1x16xf32> to vector<16xf32>
      %swap3A_2612 = vector.shape_cast %add3A_2606 : vector<16xf32> to vector<1x16xf32>
      tpu.vector_store %arg9[%swap3A_2608, %swap3A_2609], %swap3A_2612 {strides = array<i32>} : memref<8x384xf32, #tpu.memory_space<vmem>>, vector<1x16xf32>,
      %get3A_2613 = arith.constant 6 : i32
      %get3A_2614 = arith.index_cast %get3A_2613 : i32 to index
      %get3A_2615 = arith.constant 112 : index
      %get3A_2616 = tpu.vector_load %arg9[%get3A_2614, %get3A_2615] {strides = array<i32>} : memref<8x384xf32, #tpu.memory_space<vmem>>, vector<1x16xf32>,
      %get3A_2617 = vector.shape_cast %get3A_2616 : vector<1x16xf32> to vector<16xf32>
      %get3A_2618 = arith.index_cast %scan3A_19 : i32 to index
      %get3A_2619 = arith.constant 112 : index
      %get3A_2620 = tpu.vector_load %arg8[%get3A_2618, %get3A_2619] {strides = array<i32>} : memref<8x384xf32, #tpu.memory_space<vmem>>, vector<1x16xf32>,
      %get3A_2621 = vector.shape_cast %get3A_2620 : vector<1x16xf32> to vector<16xf32>
      %mul3A_2622 = arith.mulf %get3A_2493, %get3A_2621 : vector<16xf32>
      %add3A_2623 = arith.addf %get3A_2617, %mul3A_2622 : vector<16xf32>
      %swap3A_2624 = arith.constant 6 : i32
      %swap3A_2625 = arith.index_cast %swap3A_2624 : i32 to index
      %swap3A_2626 = arith.constant 112 : index
      %swap3A_2627 = tpu.vector_load %arg9[%swap3A_2625, %swap3A_2626] {strides = array<i32>} : memref<8x384xf32, #tpu.memory_space<vmem>>, vector<1x16xf32>,
      %swap3A_2628 = vector.shape_cast %swap3A_2627 : vector<1x16xf32> to vector<16xf32>
      %swap3A_2629 = vector.shape_cast %add3A_2623 : vector<16xf32> to vector<1x16xf32>
      tpu.vector_store %arg9[%swap3A_2625, %swap3A_2626], %swap3A_2629 {strides = array<i32>} : memref<8x384xf32, #tpu.memory_space<vmem>>, vector<1x16xf32>,
      %get3A_2630 = arith.constant 6 : i32
      %get3A_2631 = arith.index_cast %get3A_2630 : i32 to index
      %get3A_2632 = arith.constant 128 : index
      %get3A_2633 = tpu.vector_load %arg9[%get3A_2631, %get3A_2632] {strides = array<i32>} : memref<8x384xf32, #tpu.memory_space<vmem>>, vector<1x16xf32>,
      %get3A_2634 = vector.shape_cast %get3A_2633 : vector<1x16xf32> to vector<16xf32>
      %get3A_2635 = arith.index_cast %scan3A_19 : i32 to index
      %get3A_2636 = arith.constant 128 : index
      %get3A_2637 = tpu.vector_load %arg8[%get3A_2635, %get3A_2636] {strides = array<i32>} : memref<8x384xf32, #tpu.memory_space<vmem>>, vector<1x16xf32>,
      %get3A_2638 = vector.shape_cast %get3A_2637 : vector<1x16xf32> to vector<16xf32>
      %mul3A_2639 = arith.mulf %get3A_2493, %get3A_2638 : vector<16xf32>
      %add3A_2640 = arith.addf %get3A_2634, %mul3A_2639 : vector<16xf32>
      %swap3A_2641 = arith.constant 6 : i32
      %swap3A_2642 = arith.index_cast %swap3A_2641 : i32 to index
      %swap3A_2643 = arith.constant 128 : index
      %swap3A_2644 = tpu.vector_load %arg9[%swap3A_2642, %swap3A_2643] {strides = array<i32>} : memref<8x384xf32, #tpu.memory_space<vmem>>, vector<1x16xf32>,
      %swap3A_2645 = vector.shape_cast %swap3A_2644 : vector<1x16xf32> to vector<16xf32>
      %swap3A_2646 = vector.shape_cast %add3A_2640 : vector<16xf32> to vector<1x16xf32>
      tpu.vector_store %arg9[%swap3A_2642, %swap3A_2643], %swap3A_2646 {strides = array<i32>} : memref<8x384xf32, #tpu.memory_space<vmem>>, vector<1x16xf32>,
      %get3A_2647 = arith.constant 6 : i32
      %get3A_2648 = arith.index_cast %get3A_2647 : i32 to index
      %get3A_2649 = arith.constant 144 : index
      %get3A_2650 = tpu.vector_load %arg9[%get3A_2648, %get3A_2649] {strides = array<i32>} : memref<8x384xf32, #tpu.memory_space<vmem>>, vector<1x16xf32>,
      %get3A_2651 = vector.shape_cast %get3A_2650 : vector<1x16xf32> to vector<16xf32>
      %get3A_2652 = arith.index_cast %scan3A_19 : i32 to index
      %get3A_2653 = arith.constant 144 : index
      %get3A_2654 = tpu.vector_load %arg8[%get3A_2652, %get3A_2653] {strides = array<i32>} : memref<8x384xf32, #tpu.memory_space<vmem>>, vector<1x16xf32>,
      %get3A_2655 = vector.shape_cast %get3A_2654 : vector<1x16xf32> to vector<16xf32>
      %mul3A_2656 = arith.mulf %get3A_2493, %get3A_2655 : vector<16xf32>
      %add3A_2657 = arith.addf %get3A_2651, %mul3A_2656 : vector<16xf32>
      %swap3A_2658 = arith.constant 6 : i32
      %swap3A_2659 = arith.index_cast %swap3A_2658 : i32 to index
      %swap3A_2660 = arith.constant 144 : index
      %swap3A_2661 = tpu.vector_load %arg9[%swap3A_2659, %swap3A_2660] {strides = array<i32>} : memref<8x384xf32, #tpu.memory_space<vmem>>, vector<1x16xf32>,
      %swap3A_2662 = vector.shape_cast %swap3A_2661 : vector<1x16xf32> to vector<16xf32>
      %swap3A_2663 = vector.shape_cast %add3A_2657 : vector<16xf32> to vector<1x16xf32>
      tpu.vector_store %arg9[%swap3A_2659, %swap3A_2660], %swap3A_2663 {strides = array<i32>} : memref<8x384xf32, #tpu.memory_space<vmem>>, vector<1x16xf32>,
      %get3A_2664 = arith.constant 6 : i32
      %get3A_2665 = arith.index_cast %get3A_2664 : i32 to index
      %get3A_2666 = arith.constant 160 : index
      %get3A_2667 = tpu.vector_load %arg9[%get3A_2665, %get3A_2666] {strides = array<i32>} : memref<8x384xf32, #tpu.memory_space<vmem>>, vector<1x16xf32>,
      %get3A_2668 = vector.shape_cast %get3A_2667 : vector<1x16xf32> to vector<16xf32>
      %get3A_2669 = arith.index_cast %scan3A_19 : i32 to index
      %get3A_2670 = arith.constant 160 : index
      %get3A_2671 = tpu.vector_load %arg8[%get3A_2669, %get3A_2670] {strides = array<i32>} : memref<8x384xf32, #tpu.memory_space<vmem>>, vector<1x16xf32>,
      %get3A_2672 = vector.shape_cast %get3A_2671 : vector<1x16xf32> to vector<16xf32>
      %mul3A_2673 = arith.mulf %get3A_2493, %get3A_2672 : vector<16xf32>
      %add3A_2674 = arith.addf %get3A_2668, %mul3A_2673 : vector<16xf32>
      %swap3A_2675 = arith.constant 6 : i32
      %swap3A_2676 = arith.index_cast %swap3A_2675 : i32 to index
      %swap3A_2677 = arith.constant 160 : index
      %swap3A_2678 = tpu.vector_load %arg9[%swap3A_2676, %swap3A_2677] {strides = array<i32>} : memref<8x384xf32, #tpu.memory_space<vmem>>, vector<1x16xf32>,
      %swap3A_2679 = vector.shape_cast %swap3A_2678 : vector<1x16xf32> to vector<16xf32>
      %swap3A_2680 = vector.shape_cast %add3A_2674 : vector<16xf32> to vector<1x16xf32>
      tpu.vector_store %arg9[%swap3A_2676, %swap3A_2677], %swap3A_2680 {strides = array<i32>} : memref<8x384xf32, #tpu.memory_space<vmem>>, vector<1x16xf32>,
      %get3A_2681 = arith.constant 6 : i32
      %get3A_2682 = arith.index_cast %get3A_2681 : i32 to index
      %get3A_2683 = arith.constant 176 : index
      %get3A_2684 = tpu.vector_load %arg9[%get3A_2682, %get3A_2683] {strides = array<i32>} : memref<8x384xf32, #tpu.memory_space<vmem>>, vector<1x16xf32>,
      %get3A_2685 = vector.shape_cast %get3A_2684 : vector<1x16xf32> to vector<16xf32>
      %get3A_2686 = arith.index_cast %scan3A_19 : i32 to index
      %get3A_2687 = arith.constant 176 : index
      %get3A_2688 = tpu.vector_load %arg8[%get3A_2686, %get3A_2687] {strides = array<i32>} : memref<8x384xf32, #tpu.memory_space<vmem>>, vector<1x16xf32>,
      %get3A_2689 = vector.shape_cast %get3A_2688 : vector<1x16xf32> to vector<16xf32>
      %mul3A_2690 = arith.mulf %get3A_2493, %get3A_2689 : vector<16xf32>
      %add3A_2691 = arith.addf %get3A_2685, %mul3A_2690 : vector<16xf32>
      %swap3A_2692 = arith.constant 6 : i32
      %swap3A_2693 = arith.index_cast %swap3A_2692 : i32 to index
      %swap3A_2694 = arith.constant 176 : index
      %swap3A_2695 = tpu.vector_load %arg9[%swap3A_2693, %swap3A_2694] {strides = array<i32>} : memref<8x384xf32, #tpu.memory_space<vmem>>, vector<1x16xf32>,
      %swap3A_2696 = vector.shape_cast %swap3A_2695 : vector<1x16xf32> to vector<16xf32>
      %swap3A_2697 = vector.shape_cast %add3A_2691 : vector<16xf32> to vector<1x16xf32>
      tpu.vector_store %arg9[%swap3A_2693, %swap3A_2694], %swap3A_2697 {strides = array<i32>} : memref<8x384xf32, #tpu.memory_space<vmem>>, vector<1x16xf32>,
      %get3A_2698 = arith.constant 6 : i32
      %get3A_2699 = arith.index_cast %get3A_2698 : i32 to index
      %get3A_2700 = arith.constant 192 : index
      %get3A_2701 = tpu.vector_load %arg9[%get3A_2699, %get3A_2700] {strides = array<i32>} : memref<8x384xf32, #tpu.memory_space<vmem>>, vector<1x16xf32>,
      %get3A_2702 = vector.shape_cast %get3A_2701 : vector<1x16xf32> to vector<16xf32>
      %get3A_2703 = arith.index_cast %scan3A_19 : i32 to index
      %get3A_2704 = arith.constant 192 : index
      %get3A_2705 = tpu.vector_load %arg8[%get3A_2703, %get3A_2704] {strides = array<i32>} : memref<8x384xf32, #tpu.memory_space<vmem>>, vector<1x16xf32>,
      %get3A_2706 = vector.shape_cast %get3A_2705 : vector<1x16xf32> to vector<16xf32>
      %mul3A_2707 = arith.mulf %get3A_2493, %get3A_2706 : vector<16xf32>
      %add3A_2708 = arith.addf %get3A_2702, %mul3A_2707 : vector<16xf32>
      %swap3A_2709 = arith.constant 6 : i32
      %swap3A_2710 = arith.index_cast %swap3A_2709 : i32 to index
      %swap3A_2711 = arith.constant 192 : index
      %swap3A_2712 = tpu.vector_load %arg9[%swap3A_2710, %swap3A_2711] {strides = array<i32>} : memref<8x384xf32, #tpu.memory_space<vmem>>, vector<1x16xf32>,
      %swap3A_2713 = vector.shape_cast %swap3A_2712 : vector<1x16xf32> to vector<16xf32>
      %swap3A_2714 = vector.shape_cast %add3A_2708 : vector<16xf32> to vector<1x16xf32>
      tpu.vector_store %arg9[%swap3A_2710, %swap3A_2711], %swap3A_2714 {strides = array<i32>} : memref<8x384xf32, #tpu.memory_space<vmem>>, vector<1x16xf32>,
      %get3A_2715 = arith.constant 6 : i32
      %get3A_2716 = arith.index_cast %get3A_2715 : i32 to index
      %get3A_2717 = arith.constant 208 : index
      %get3A_2718 = tpu.vector_load %arg9[%get3A_2716, %get3A_2717] {strides = array<i32>} : memref<8x384xf32, #tpu.memory_space<vmem>>, vector<1x16xf32>,
      %get3A_2719 = vector.shape_cast %get3A_2718 : vector<1x16xf32> to vector<16xf32>
      %get3A_2720 = arith.index_cast %scan3A_19 : i32 to index
      %get3A_2721 = arith.constant 208 : index
      %get3A_2722 = tpu.vector_load %arg8[%get3A_2720, %get3A_2721] {strides = array<i32>} : memref<8x384xf32, #tpu.memory_space<vmem>>, vector<1x16xf32>,
      %get3A_2723 = vector.shape_cast %get3A_2722 : vector<1x16xf32> to vector<16xf32>
      %mul3A_2724 = arith.mulf %get3A_2493, %get3A_2723 : vector<16xf32>
      %add3A_2725 = arith.addf %get3A_2719, %mul3A_2724 : vector<16xf32>
      %swap3A_2726 = arith.constant 6 : i32
      %swap3A_2727 = arith.index_cast %swap3A_2726 : i32 to index
      %swap3A_2728 = arith.constant 208 : index
      %swap3A_2729 = tpu.vector_load %arg9[%swap3A_2727, %swap3A_2728] {strides = array<i32>} : memref<8x384xf32, #tpu.memory_space<vmem>>, vector<1x16xf32>,
      %swap3A_2730 = vector.shape_cast %swap3A_2729 : vector<1x16xf32> to vector<16xf32>
      %swap3A_2731 = vector.shape_cast %add3A_2725 : vector<16xf32> to vector<1x16xf32>
      tpu.vector_store %arg9[%swap3A_2727, %swap3A_2728], %swap3A_2731 {strides = array<i32>} : memref<8x384xf32, #tpu.memory_space<vmem>>, vector<1x16xf32>,
      %get3A_2732 = arith.constant 6 : i32
      %get3A_2733 = arith.index_cast %get3A_2732 : i32 to index
      %get3A_2734 = arith.constant 224 : index
      %get3A_2735 = tpu.vector_load %arg9[%get3A_2733, %get3A_2734] {strides = array<i32>} : memref<8x384xf32, #tpu.memory_space<vmem>>, vector<1x16xf32>,
      %get3A_2736 = vector.shape_cast %get3A_2735 : vector<1x16xf32> to vector<16xf32>
      %get3A_2737 = arith.index_cast %scan3A_19 : i32 to index
      %get3A_2738 = arith.constant 224 : index
      %get3A_2739 = tpu.vector_load %arg8[%get3A_2737, %get3A_2738] {strides = array<i32>} : memref<8x384xf32, #tpu.memory_space<vmem>>, vector<1x16xf32>,
      %get3A_2740 = vector.shape_cast %get3A_2739 : vector<1x16xf32> to vector<16xf32>
      %mul3A_2741 = arith.mulf %get3A_2493, %get3A_2740 : vector<16xf32>
      %add3A_2742 = arith.addf %get3A_2736, %mul3A_2741 : vector<16xf32>
      %swap3A_2743 = arith.constant 6 : i32
      %swap3A_2744 = arith.index_cast %swap3A_2743 : i32 to index
      %swap3A_2745 = arith.constant 224 : index
      %swap3A_2746 = tpu.vector_load %arg9[%swap3A_2744, %swap3A_2745] {strides = array<i32>} : memref<8x384xf32, #tpu.memory_space<vmem>>, vector<1x16xf32>,
      %swap3A_2747 = vector.shape_cast %swap3A_2746 : vector<1x16xf32> to vector<16xf32>
      %swap3A_2748 = vector.shape_cast %add3A_2742 : vector<16xf32> to vector<1x16xf32>
      tpu.vector_store %arg9[%swap3A_2744, %swap3A_2745], %swap3A_2748 {strides = array<i32>} : memref<8x384xf32, #tpu.memory_space<vmem>>, vector<1x16xf32>,
      %get3A_2749 = arith.constant 6 : i32
      %get3A_2750 = arith.index_cast %get3A_2749 : i32 to index
      %get3A_2751 = arith.constant 240 : index
      %get3A_2752 = tpu.vector_load %arg9[%get3A_2750, %get3A_2751] {strides = array<i32>} : memref<8x384xf32, #tpu.memory_space<vmem>>, vector<1x16xf32>,
      %get3A_2753 = vector.shape_cast %get3A_2752 : vector<1x16xf32> to vector<16xf32>
      %get3A_2754 = arith.index_cast %scan3A_19 : i32 to index
      %get3A_2755 = arith.constant 240 : index
      %get3A_2756 = tpu.vector_load %arg8[%get3A_2754, %get3A_2755] {strides = array<i32>} : memref<8x384xf32, #tpu.memory_space<vmem>>, vector<1x16xf32>,
      %get3A_2757 = vector.shape_cast %get3A_2756 : vector<1x16xf32> to vector<16xf32>
      %mul3A_2758 = arith.mulf %get3A_2493, %get3A_2757 : vector<16xf32>
      %add3A_2759 = arith.addf %get3A_2753, %mul3A_2758 : vector<16xf32>
      %swap3A_2760 = arith.constant 6 : i32
      %swap3A_2761 = arith.index_cast %swap3A_2760 : i32 to index
      %swap3A_2762 = arith.constant 240 : index
      %swap3A_2763 = tpu.vector_load %arg9[%swap3A_2761, %swap3A_2762] {strides = array<i32>} : memref<8x384xf32, #tpu.memory_space<vmem>>, vector<1x16xf32>,
      %swap3A_2764 = vector.shape_cast %swap3A_2763 : vector<1x16xf32> to vector<16xf32>
      %swap3A_2765 = vector.shape_cast %add3A_2759 : vector<16xf32> to vector<1x16xf32>
      tpu.vector_store %arg9[%swap3A_2761, %swap3A_2762], %swap3A_2765 {strides = array<i32>} : memref<8x384xf32, #tpu.memory_space<vmem>>, vector<1x16xf32>,
      %get3A_2766 = arith.constant 6 : i32
      %get3A_2767 = arith.index_cast %get3A_2766 : i32 to index
      %get3A_2768 = arith.constant 256 : index
      %get3A_2769 = tpu.vector_load %arg9[%get3A_2767, %get3A_2768] {strides = array<i32>} : memref<8x384xf32, #tpu.memory_space<vmem>>, vector<1x16xf32>,
      %get3A_2770 = vector.shape_cast %get3A_2769 : vector<1x16xf32> to vector<16xf32>
      %get3A_2771 = arith.index_cast %scan3A_19 : i32 to index
      %get3A_2772 = arith.constant 256 : index
      %get3A_2773 = tpu.vector_load %arg8[%get3A_2771, %get3A_2772] {strides = array<i32>} : memref<8x384xf32, #tpu.memory_space<vmem>>, vector<1x16xf32>,
      %get3A_2774 = vector.shape_cast %get3A_2773 : vector<1x16xf32> to vector<16xf32>
      %mul3A_2775 = arith.mulf %get3A_2493, %get3A_2774 : vector<16xf32>
      %add3A_2776 = arith.addf %get3A_2770, %mul3A_2775 : vector<16xf32>
      %swap3A_2777 = arith.constant 6 : i32
      %swap3A_2778 = arith.index_cast %swap3A_2777 : i32 to index
      %swap3A_2779 = arith.constant 256 : index
      %swap3A_2780 = tpu.vector_load %arg9[%swap3A_2778, %swap3A_2779] {strides = array<i32>} : memref<8x384xf32, #tpu.memory_space<vmem>>, vector<1x16xf32>,
      %swap3A_2781 = vector.shape_cast %swap3A_2780 : vector<1x16xf32> to vector<16xf32>
      %swap3A_2782 = vector.shape_cast %add3A_2776 : vector<16xf32> to vector<1x16xf32>
      tpu.vector_store %arg9[%swap3A_2778, %swap3A_2779], %swap3A_2782 {strides = array<i32>} : memref<8x384xf32, #tpu.memory_space<vmem>>, vector<1x16xf32>,
      %get3A_2783 = arith.constant 6 : i32
      %get3A_2784 = arith.index_cast %get3A_2783 : i32 to index
      %get3A_2785 = arith.constant 272 : index
      %get3A_2786 = tpu.vector_load %arg9[%get3A_2784, %get3A_2785] {strides = array<i32>} : memref<8x384xf32, #tpu.memory_space<vmem>>, vector<1x16xf32>,
      %get3A_2787 = vector.shape_cast %get3A_2786 : vector<1x16xf32> to vector<16xf32>
      %get3A_2788 = arith.index_cast %scan3A_19 : i32 to index
      %get3A_2789 = arith.constant 272 : index
      %get3A_2790 = tpu.vector_load %arg8[%get3A_2788, %get3A_2789] {strides = array<i32>} : memref<8x384xf32, #tpu.memory_space<vmem>>, vector<1x16xf32>,
      %get3A_2791 = vector.shape_cast %get3A_2790 : vector<1x16xf32> to vector<16xf32>
      %mul3A_2792 = arith.mulf %get3A_2493, %get3A_2791 : vector<16xf32>
      %add3A_2793 = arith.addf %get3A_2787, %mul3A_2792 : vector<16xf32>
      %swap3A_2794 = arith.constant 6 : i32
      %swap3A_2795 = arith.index_cast %swap3A_2794 : i32 to index
      %swap3A_2796 = arith.constant 272 : index
      %swap3A_2797 = tpu.vector_load %arg9[%swap3A_2795, %swap3A_2796] {strides = array<i32>} : memref<8x384xf32, #tpu.memory_space<vmem>>, vector<1x16xf32>,
      %swap3A_2798 = vector.shape_cast %swap3A_2797 : vector<1x16xf32> to vector<16xf32>
      %swap3A_2799 = vector.shape_cast %add3A_2793 : vector<16xf32> to vector<1x16xf32>
      tpu.vector_store %arg9[%swap3A_2795, %swap3A_2796], %swap3A_2799 {strides = array<i32>} : memref<8x384xf32, #tpu.memory_space<vmem>>, vector<1x16xf32>,
      %get3A_2800 = arith.constant 6 : i32
      %get3A_2801 = arith.index_cast %get3A_2800 : i32 to index
      %get3A_2802 = arith.constant 288 : index
      %get3A_2803 = tpu.vector_load %arg9[%get3A_2801, %get3A_2802] {strides = array<i32>} : memref<8x384xf32, #tpu.memory_space<vmem>>, vector<1x16xf32>,
      %get3A_2804 = vector.shape_cast %get3A_2803 : vector<1x16xf32> to vector<16xf32>
      %get3A_2805 = arith.index_cast %scan3A_19 : i32 to index
      %get3A_2806 = arith.constant 288 : index
      %get3A_2807 = tpu.vector_load %arg8[%get3A_2805, %get3A_2806] {strides = array<i32>} : memref<8x384xf32, #tpu.memory_space<vmem>>, vector<1x16xf32>,
      %get3A_2808 = vector.shape_cast %get3A_2807 : vector<1x16xf32> to vector<16xf32>
      %mul3A_2809 = arith.mulf %get3A_2493, %get3A_2808 : vector<16xf32>
      %add3A_2810 = arith.addf %get3A_2804, %mul3A_2809 : vector<16xf32>
      %swap3A_2811 = arith.constant 6 : i32
      %swap3A_2812 = arith.index_cast %swap3A_2811 : i32 to index
      %swap3A_2813 = arith.constant 288 : index
      %swap3A_2814 = tpu.vector_load %arg9[%swap3A_2812, %swap3A_2813] {strides = array<i32>} : memref<8x384xf32, #tpu.memory_space<vmem>>, vector<1x16xf32>,
      %swap3A_2815 = vector.shape_cast %swap3A_2814 : vector<1x16xf32> to vector<16xf32>
      %swap3A_2816 = vector.shape_cast %add3A_2810 : vector<16xf32> to vector<1x16xf32>
      tpu.vector_store %arg9[%swap3A_2812, %swap3A_2813], %swap3A_2816 {strides = array<i32>} : memref<8x384xf32, #tpu.memory_space<vmem>>, vector<1x16xf32>,
      %get3A_2817 = arith.constant 6 : i32
      %get3A_2818 = arith.index_cast %get3A_2817 : i32 to index
      %get3A_2819 = arith.constant 304 : index
      %get3A_2820 = tpu.vector_load %arg9[%get3A_2818, %get3A_2819] {strides = array<i32>} : memref<8x384xf32, #tpu.memory_space<vmem>>, vector<1x16xf32>,
      %get3A_2821 = vector.shape_cast %get3A_2820 : vector<1x16xf32> to vector<16xf32>
      %get3A_2822 = arith.index_cast %scan3A_19 : i32 to index
      %get3A_2823 = arith.constant 304 : index
      %get3A_2824 = tpu.vector_load %arg8[%get3A_2822, %get3A_2823] {strides = array<i32>} : memref<8x384xf32, #tpu.memory_space<vmem>>, vector<1x16xf32>,
      %get3A_2825 = vector.shape_cast %get3A_2824 : vector<1x16xf32> to vector<16xf32>
      %mul3A_2826 = arith.mulf %get3A_2493, %get3A_2825 : vector<16xf32>
      %add3A_2827 = arith.addf %get3A_2821, %mul3A_2826 : vector<16xf32>
      %swap3A_2828 = arith.constant 6 : i32
      %swap3A_2829 = arith.index_cast %swap3A_2828 : i32 to index
      %swap3A_2830 = arith.constant 304 : index
      %swap3A_2831 = tpu.vector_load %arg9[%swap3A_2829, %swap3A_2830] {strides = array<i32>} : memref<8x384xf32, #tpu.memory_space<vmem>>, vector<1x16xf32>,
      %swap3A_2832 = vector.shape_cast %swap3A_2831 : vector<1x16xf32> to vector<16xf32>
      %swap3A_2833 = vector.shape_cast %add3A_2827 : vector<16xf32> to vector<1x16xf32>
      tpu.vector_store %arg9[%swap3A_2829, %swap3A_2830], %swap3A_2833 {strides = array<i32>} : memref<8x384xf32, #tpu.memory_space<vmem>>, vector<1x16xf32>,
      %get3A_2834 = arith.constant 6 : i32
      %get3A_2835 = arith.index_cast %get3A_2834 : i32 to index
      %get3A_2836 = arith.constant 320 : index
      %get3A_2837 = tpu.vector_load %arg9[%get3A_2835, %get3A_2836] {strides = array<i32>} : memref<8x384xf32, #tpu.memory_space<vmem>>, vector<1x16xf32>,
      %get3A_2838 = vector.shape_cast %get3A_2837 : vector<1x16xf32> to vector<16xf32>
      %get3A_2839 = arith.index_cast %scan3A_19 : i32 to index
      %get3A_2840 = arith.constant 320 : index
      %get3A_2841 = tpu.vector_load %arg8[%get3A_2839, %get3A_2840] {strides = array<i32>} : memref<8x384xf32, #tpu.memory_space<vmem>>, vector<1x16xf32>,
      %get3A_2842 = vector.shape_cast %get3A_2841 : vector<1x16xf32> to vector<16xf32>
      %mul3A_2843 = arith.mulf %get3A_2493, %get3A_2842 : vector<16xf32>
      %add3A_2844 = arith.addf %get3A_2838, %mul3A_2843 : vector<16xf32>
      %swap3A_2845 = arith.constant 6 : i32
      %swap3A_2846 = arith.index_cast %swap3A_2845 : i32 to index
      %swap3A_2847 = arith.constant 320 : index
      %swap3A_2848 = tpu.vector_load %arg9[%swap3A_2846, %swap3A_2847] {strides = array<i32>} : memref<8x384xf32, #tpu.memory_space<vmem>>, vector<1x16xf32>,
      %swap3A_2849 = vector.shape_cast %swap3A_2848 : vector<1x16xf32> to vector<16xf32>
      %swap3A_2850 = vector.shape_cast %add3A_2844 : vector<16xf32> to vector<1x16xf32>
      tpu.vector_store %arg9[%swap3A_2846, %swap3A_2847], %swap3A_2850 {strides = array<i32>} : memref<8x384xf32, #tpu.memory_space<vmem>>, vector<1x16xf32>,
      %get3A_2851 = arith.constant 6 : i32
      %get3A_2852 = arith.index_cast %get3A_2851 : i32 to index
      %get3A_2853 = arith.constant 336 : index
      %get3A_2854 = tpu.vector_load %arg9[%get3A_2852, %get3A_2853] {strides = array<i32>} : memref<8x384xf32, #tpu.memory_space<vmem>>, vector<1x16xf32>,
      %get3A_2855 = vector.shape_cast %get3A_2854 : vector<1x16xf32> to vector<16xf32>
      %get3A_2856 = arith.index_cast %scan3A_19 : i32 to index
      %get3A_2857 = arith.constant 336 : index
      %get3A_2858 = tpu.vector_load %arg8[%get3A_2856, %get3A_2857] {strides = array<i32>} : memref<8x384xf32, #tpu.memory_space<vmem>>, vector<1x16xf32>,
      %get3A_2859 = vector.shape_cast %get3A_2858 : vector<1x16xf32> to vector<16xf32>
      %mul3A_2860 = arith.mulf %get3A_2493, %get3A_2859 : vector<16xf32>
      %add3A_2861 = arith.addf %get3A_2855, %mul3A_2860 : vector<16xf32>
      %swap3A_2862 = arith.constant 6 : i32
      %swap3A_2863 = arith.index_cast %swap3A_2862 : i32 to index
      %swap3A_2864 = arith.constant 336 : index
      %swap3A_2865 = tpu.vector_load %arg9[%swap3A_2863, %swap3A_2864] {strides = array<i32>} : memref<8x384xf32, #tpu.memory_space<vmem>>, vector<1x16xf32>,
      %swap3A_2866 = vector.shape_cast %swap3A_2865 : vector<1x16xf32> to vector<16xf32>
      %swap3A_2867 = vector.shape_cast %add3A_2861 : vector<16xf32> to vector<1x16xf32>
      tpu.vector_store %arg9[%swap3A_2863, %swap3A_2864], %swap3A_2867 {strides = array<i32>} : memref<8x384xf32, #tpu.memory_space<vmem>>, vector<1x16xf32>,
      %get3A_2868 = arith.constant 6 : i32
      %get3A_2869 = arith.index_cast %get3A_2868 : i32 to index
      %get3A_2870 = arith.constant 352 : index
      %get3A_2871 = tpu.vector_load %arg9[%get3A_2869, %get3A_2870] {strides = array<i32>} : memref<8x384xf32, #tpu.memory_space<vmem>>, vector<1x16xf32>,
      %get3A_2872 = vector.shape_cast %get3A_2871 : vector<1x16xf32> to vector<16xf32>
      %get3A_2873 = arith.index_cast %scan3A_19 : i32 to index
      %get3A_2874 = arith.constant 352 : index
      %get3A_2875 = tpu.vector_load %arg8[%get3A_2873, %get3A_2874] {strides = array<i32>} : memref<8x384xf32, #tpu.memory_space<vmem>>, vector<1x16xf32>,
      %get3A_2876 = vector.shape_cast %get3A_2875 : vector<1x16xf32> to vector<16xf32>
      %mul3A_2877 = arith.mulf %get3A_2493, %get3A_2876 : vector<16xf32>
      %add3A_2878 = arith.addf %get3A_2872, %mul3A_2877 : vector<16xf32>
      %swap3A_2879 = arith.constant 6 : i32
      %swap3A_2880 = arith.index_cast %swap3A_2879 : i32 to index
      %swap3A_2881 = arith.constant 352 : index
      %swap3A_2882 = tpu.vector_load %arg9[%swap3A_2880, %swap3A_2881] {strides = array<i32>} : memref<8x384xf32, #tpu.memory_space<vmem>>, vector<1x16xf32>,
      %swap3A_2883 = vector.shape_cast %swap3A_2882 : vector<1x16xf32> to vector<16xf32>
      %swap3A_2884 = vector.shape_cast %add3A_2878 : vector<16xf32> to vector<1x16xf32>
      tpu.vector_store %arg9[%swap3A_2880, %swap3A_2881], %swap3A_2884 {strides = array<i32>} : memref<8x384xf32, #tpu.memory_space<vmem>>, vector<1x16xf32>,
      %get3A_2885 = arith.constant 6 : i32
      %get3A_2886 = arith.index_cast %get3A_2885 : i32 to index
      %get3A_2887 = arith.constant 368 : index
      %get3A_2888 = tpu.vector_load %arg9[%get3A_2886, %get3A_2887] {strides = array<i32>} : memref<8x384xf32, #tpu.memory_space<vmem>>, vector<1x16xf32>,
      %get3A_2889 = vector.shape_cast %get3A_2888 : vector<1x16xf32> to vector<16xf32>
      %get3A_2890 = arith.index_cast %scan3A_19 : i32 to index
      %get3A_2891 = arith.constant 368 : index
      %get3A_2892 = tpu.vector_load %arg8[%get3A_2890, %get3A_2891] {strides = array<i32>} : memref<8x384xf32, #tpu.memory_space<vmem>>, vector<1x16xf32>,
      %get3A_2893 = vector.shape_cast %get3A_2892 : vector<1x16xf32> to vector<16xf32>
      %mul3A_2894 = arith.mulf %get3A_2493, %get3A_2893 : vector<16xf32>
      %add3A_2895 = arith.addf %get3A_2889, %mul3A_2894 : vector<16xf32>
      %swap3A_2896 = arith.constant 6 : i32
      %swap3A_2897 = arith.index_cast %swap3A_2896 : i32 to index
      %swap3A_2898 = arith.constant 368 : index
      %swap3A_2899 = tpu.vector_load %arg9[%swap3A_2897, %swap3A_2898] {strides = array<i32>} : memref<8x384xf32, #tpu.memory_space<vmem>>, vector<1x16xf32>,
      %swap3A_2900 = vector.shape_cast %swap3A_2899 : vector<1x16xf32> to vector<16xf32>
      %swap3A_2901 = vector.shape_cast %add3A_2895 : vector<16xf32> to vector<1x16xf32>
      tpu.vector_store %arg9[%swap3A_2897, %swap3A_2898], %swap3A_2901 {strides = array<i32>} : memref<8x384xf32, #tpu.memory_space<vmem>>, vector<1x16xf32>,
      %get3A_2902 = arith.index_cast %scan3A_19 : i32 to index
      %get3A_2903 = arith.constant 112 : index
      %get3A_2904 = tpu.vector_load %arg7[%get3A_2902, %get3A_2903] {strides = array<i32>} : memref<8x128xf32, #tpu.memory_space<vmem>>, vector<1x16xf32>,
      %get3A_2905 = vector.shape_cast %get3A_2904 : vector<1x16xf32> to vector<16xf32>
      %get3A_2906 = arith.constant 7 : i32
      %get3A_2907 = arith.index_cast %get3A_2906 : i32 to index
      %get3A_2908 = arith.constant 0 : index
      %get3A_2909 = tpu.vector_load %arg9[%get3A_2907, %get3A_2908] {strides = array<i32>} : memref<8x384xf32, #tpu.memory_space<vmem>>, vector<1x16xf32>,
      %get3A_2910 = vector.shape_cast %get3A_2909 : vector<1x16xf32> to vector<16xf32>
      %get3A_2911 = arith.index_cast %scan3A_19 : i32 to index
      %get3A_2912 = arith.constant 0 : index
      %get3A_2913 = tpu.vector_load %arg8[%get3A_2911, %get3A_2912] {strides = array<i32>} : memref<8x384xf32, #tpu.memory_space<vmem>>, vector<1x16xf32>,
      %get3A_2914 = vector.shape_cast %get3A_2913 : vector<1x16xf32> to vector<16xf32>
      %mul3A_2915 = arith.mulf %get3A_2905, %get3A_2914 : vector<16xf32>
      %add3A_2916 = arith.addf %get3A_2910, %mul3A_2915 : vector<16xf32>
      %swap3A_2917 = arith.constant 7 : i32
      %swap3A_2918 = arith.index_cast %swap3A_2917 : i32 to index
      %swap3A_2919 = arith.constant 0 : index
      %swap3A_2920 = tpu.vector_load %arg9[%swap3A_2918, %swap3A_2919] {strides = array<i32>} : memref<8x384xf32, #tpu.memory_space<vmem>>, vector<1x16xf32>,
      %swap3A_2921 = vector.shape_cast %swap3A_2920 : vector<1x16xf32> to vector<16xf32>
      %swap3A_2922 = vector.shape_cast %add3A_2916 : vector<16xf32> to vector<1x16xf32>
      tpu.vector_store %arg9[%swap3A_2918, %swap3A_2919], %swap3A_2922 {strides = array<i32>} : memref<8x384xf32, #tpu.memory_space<vmem>>, vector<1x16xf32>,
      %get3A_2923 = arith.constant 7 : i32
      %get3A_2924 = arith.index_cast %get3A_2923 : i32 to index
      %get3A_2925 = arith.constant 16 : index
      %get3A_2926 = tpu.vector_load %arg9[%get3A_2924, %get3A_2925] {strides = array<i32>} : memref<8x384xf32, #tpu.memory_space<vmem>>, vector<1x16xf32>,
      %get3A_2927 = vector.shape_cast %get3A_2926 : vector<1x16xf32> to vector<16xf32>
      %get3A_2928 = arith.index_cast %scan3A_19 : i32 to index
      %get3A_2929 = arith.constant 16 : index
      %get3A_2930 = tpu.vector_load %arg8[%get3A_2928, %get3A_2929] {strides = array<i32>} : memref<8x384xf32, #tpu.memory_space<vmem>>, vector<1x16xf32>,
      %get3A_2931 = vector.shape_cast %get3A_2930 : vector<1x16xf32> to vector<16xf32>
      %mul3A_2932 = arith.mulf %get3A_2905, %get3A_2931 : vector<16xf32>
      %add3A_2933 = arith.addf %get3A_2927, %mul3A_2932 : vector<16xf32>
      %swap3A_2934 = arith.constant 7 : i32
      %swap3A_2935 = arith.index_cast %swap3A_2934 : i32 to index
      %swap3A_2936 = arith.constant 16 : index
      %swap3A_2937 = tpu.vector_load %arg9[%swap3A_2935, %swap3A_2936] {strides = array<i32>} : memref<8x384xf32, #tpu.memory_space<vmem>>, vector<1x16xf32>,
      %swap3A_2938 = vector.shape_cast %swap3A_2937 : vector<1x16xf32> to vector<16xf32>
      %swap3A_2939 = vector.shape_cast %add3A_2933 : vector<16xf32> to vector<1x16xf32>
      tpu.vector_store %arg9[%swap3A_2935, %swap3A_2936], %swap3A_2939 {strides = array<i32>} : memref<8x384xf32, #tpu.memory_space<vmem>>, vector<1x16xf32>,
      %get3A_2940 = arith.constant 7 : i32
      %get3A_2941 = arith.index_cast %get3A_2940 : i32 to index
      %get3A_2942 = arith.constant 32 : index
      %get3A_2943 = tpu.vector_load %arg9[%get3A_2941, %get3A_2942] {strides = array<i32>} : memref<8x384xf32, #tpu.memory_space<vmem>>, vector<1x16xf32>,
      %get3A_2944 = vector.shape_cast %get3A_2943 : vector<1x16xf32> to vector<16xf32>
      %get3A_2945 = arith.index_cast %scan3A_19 : i32 to index
      %get3A_2946 = arith.constant 32 : index
      %get3A_2947 = tpu.vector_load %arg8[%get3A_2945, %get3A_2946] {strides = array<i32>} : memref<8x384xf32, #tpu.memory_space<vmem>>, vector<1x16xf32>,
      %get3A_2948 = vector.shape_cast %get3A_2947 : vector<1x16xf32> to vector<16xf32>
      %mul3A_2949 = arith.mulf %get3A_2905, %get3A_2948 : vector<16xf32>
      %add3A_2950 = arith.addf %get3A_2944, %mul3A_2949 : vector<16xf32>
      %swap3A_2951 = arith.constant 7 : i32
      %swap3A_2952 = arith.index_cast %swap3A_2951 : i32 to index
      %swap3A_2953 = arith.constant 32 : index
      %swap3A_2954 = tpu.vector_load %arg9[%swap3A_2952, %swap3A_2953] {strides = array<i32>} : memref<8x384xf32, #tpu.memory_space<vmem>>, vector<1x16xf32>,
      %swap3A_2955 = vector.shape_cast %swap3A_2954 : vector<1x16xf32> to vector<16xf32>
      %swap3A_2956 = vector.shape_cast %add3A_2950 : vector<16xf32> to vector<1x16xf32>
      tpu.vector_store %arg9[%swap3A_2952, %swap3A_2953], %swap3A_2956 {strides = array<i32>} : memref<8x384xf32, #tpu.memory_space<vmem>>, vector<1x16xf32>,
      %get3A_2957 = arith.constant 7 : i32
      %get3A_2958 = arith.index_cast %get3A_2957 : i32 to index
      %get3A_2959 = arith.constant 48 : index
      %get3A_2960 = tpu.vector_load %arg9[%get3A_2958, %get3A_2959] {strides = array<i32>} : memref<8x384xf32, #tpu.memory_space<vmem>>, vector<1x16xf32>,
      %get3A_2961 = vector.shape_cast %get3A_2960 : vector<1x16xf32> to vector<16xf32>
      %get3A_2962 = arith.index_cast %scan3A_19 : i32 to index
      %get3A_2963 = arith.constant 48 : index
      %get3A_2964 = tpu.vector_load %arg8[%get3A_2962, %get3A_2963] {strides = array<i32>} : memref<8x384xf32, #tpu.memory_space<vmem>>, vector<1x16xf32>,
      %get3A_2965 = vector.shape_cast %get3A_2964 : vector<1x16xf32> to vector<16xf32>
      %mul3A_2966 = arith.mulf %get3A_2905, %get3A_2965 : vector<16xf32>
      %add3A_2967 = arith.addf %get3A_2961, %mul3A_2966 : vector<16xf32>
      %swap3A_2968 = arith.constant 7 : i32
      %swap3A_2969 = arith.index_cast %swap3A_2968 : i32 to index
      %swap3A_2970 = arith.constant 48 : index
      %swap3A_2971 = tpu.vector_load %arg9[%swap3A_2969, %swap3A_2970] {strides = array<i32>} : memref<8x384xf32, #tpu.memory_space<vmem>>, vector<1x16xf32>,
      %swap3A_2972 = vector.shape_cast %swap3A_2971 : vector<1x16xf32> to vector<16xf32>
      %swap3A_2973 = vector.shape_cast %add3A_2967 : vector<16xf32> to vector<1x16xf32>
      tpu.vector_store %arg9[%swap3A_2969, %swap3A_2970], %swap3A_2973 {strides = array<i32>} : memref<8x384xf32, #tpu.memory_space<vmem>>, vector<1x16xf32>,
      %get3A_2974 = arith.constant 7 : i32
      %get3A_2975 = arith.index_cast %get3A_2974 : i32 to index
      %get3A_2976 = arith.constant 64 : index
      %get3A_2977 = tpu.vector_load %arg9[%get3A_2975, %get3A_2976] {strides = array<i32>} : memref<8x384xf32, #tpu.memory_space<vmem>>, vector<1x16xf32>,
      %get3A_2978 = vector.shape_cast %get3A_2977 : vector<1x16xf32> to vector<16xf32>
      %get3A_2979 = arith.index_cast %scan3A_19 : i32 to index
      %get3A_2980 = arith.constant 64 : index
      %get3A_2981 = tpu.vector_load %arg8[%get3A_2979, %get3A_2980] {strides = array<i32>} : memref<8x384xf32, #tpu.memory_space<vmem>>, vector<1x16xf32>,
      %get3A_2982 = vector.shape_cast %get3A_2981 : vector<1x16xf32> to vector<16xf32>
      %mul3A_2983 = arith.mulf %get3A_2905, %get3A_2982 : vector<16xf32>
      %add3A_2984 = arith.addf %get3A_2978, %mul3A_2983 : vector<16xf32>
      %swap3A_2985 = arith.constant 7 : i32
      %swap3A_2986 = arith.index_cast %swap3A_2985 : i32 to index
      %swap3A_2987 = arith.constant 64 : index
      %swap3A_2988 = tpu.vector_load %arg9[%swap3A_2986, %swap3A_2987] {strides = array<i32>} : memref<8x384xf32, #tpu.memory_space<vmem>>, vector<1x16xf32>,
      %swap3A_2989 = vector.shape_cast %swap3A_2988 : vector<1x16xf32> to vector<16xf32>
      %swap3A_2990 = vector.shape_cast %add3A_2984 : vector<16xf32> to vector<1x16xf32>
      tpu.vector_store %arg9[%swap3A_2986, %swap3A_2987], %swap3A_2990 {strides = array<i32>} : memref<8x384xf32, #tpu.memory_space<vmem>>, vector<1x16xf32>,
      %get3A_2991 = arith.constant 7 : i32
      %get3A_2992 = arith.index_cast %get3A_2991 : i32 to index
      %get3A_2993 = arith.constant 80 : index
      %get3A_2994 = tpu.vector_load %arg9[%get3A_2992, %get3A_2993] {strides = array<i32>} : memref<8x384xf32, #tpu.memory_space<vmem>>, vector<1x16xf32>,
      %get3A_2995 = vector.shape_cast %get3A_2994 : vector<1x16xf32> to vector<16xf32>
      %get3A_2996 = arith.index_cast %scan3A_19 : i32 to index
      %get3A_2997 = arith.constant 80 : index
      %get3A_2998 = tpu.vector_load %arg8[%get3A_2996, %get3A_2997] {strides = array<i32>} : memref<8x384xf32, #tpu.memory_space<vmem>>, vector<1x16xf32>,
      %get3A_2999 = vector.shape_cast %get3A_2998 : vector<1x16xf32> to vector<16xf32>
      %mul3A_3000 = arith.mulf %get3A_2905, %get3A_2999 : vector<16xf32>
      %add3A_3001 = arith.addf %get3A_2995, %mul3A_3000 : vector<16xf32>
      %swap3A_3002 = arith.constant 7 : i32
      %swap3A_3003 = arith.index_cast %swap3A_3002 : i32 to index
      %swap3A_3004 = arith.constant 80 : index
      %swap3A_3005 = tpu.vector_load %arg9[%swap3A_3003, %swap3A_3004] {strides = array<i32>} : memref<8x384xf32, #tpu.memory_space<vmem>>, vector<1x16xf32>,
      %swap3A_3006 = vector.shape_cast %swap3A_3005 : vector<1x16xf32> to vector<16xf32>
      %swap3A_3007 = vector.shape_cast %add3A_3001 : vector<16xf32> to vector<1x16xf32>
      tpu.vector_store %arg9[%swap3A_3003, %swap3A_3004], %swap3A_3007 {strides = array<i32>} : memref<8x384xf32, #tpu.memory_space<vmem>>, vector<1x16xf32>,
      %get3A_3008 = arith.constant 7 : i32
      %get3A_3009 = arith.index_cast %get3A_3008 : i32 to index
      %get3A_3010 = arith.constant 96 : index
      %get3A_3011 = tpu.vector_load %arg9[%get3A_3009, %get3A_3010] {strides = array<i32>} : memref<8x384xf32, #tpu.memory_space<vmem>>, vector<1x16xf32>,
      %get3A_3012 = vector.shape_cast %get3A_3011 : vector<1x16xf32> to vector<16xf32>
      %get3A_3013 = arith.index_cast %scan3A_19 : i32 to index
      %get3A_3014 = arith.constant 96 : index
      %get3A_3015 = tpu.vector_load %arg8[%get3A_3013, %get3A_3014] {strides = array<i32>} : memref<8x384xf32, #tpu.memory_space<vmem>>, vector<1x16xf32>,
      %get3A_3016 = vector.shape_cast %get3A_3015 : vector<1x16xf32> to vector<16xf32>
      %mul3A_3017 = arith.mulf %get3A_2905, %get3A_3016 : vector<16xf32>
      %add3A_3018 = arith.addf %get3A_3012, %mul3A_3017 : vector<16xf32>
      %swap3A_3019 = arith.constant 7 : i32
      %swap3A_3020 = arith.index_cast %swap3A_3019 : i32 to index
      %swap3A_3021 = arith.constant 96 : index
      %swap3A_3022 = tpu.vector_load %arg9[%swap3A_3020, %swap3A_3021] {strides = array<i32>} : memref<8x384xf32, #tpu.memory_space<vmem>>, vector<1x16xf32>,
      %swap3A_3023 = vector.shape_cast %swap3A_3022 : vector<1x16xf32> to vector<16xf32>
      %swap3A_3024 = vector.shape_cast %add3A_3018 : vector<16xf32> to vector<1x16xf32>
      tpu.vector_store %arg9[%swap3A_3020, %swap3A_3021], %swap3A_3024 {strides = array<i32>} : memref<8x384xf32, #tpu.memory_space<vmem>>, vector<1x16xf32>,
      %get3A_3025 = arith.constant 7 : i32
      %get3A_3026 = arith.index_cast %get3A_3025 : i32 to index
      %get3A_3027 = arith.constant 112 : index
      %get3A_3028 = tpu.vector_load %arg9[%get3A_3026, %get3A_3027] {strides = array<i32>} : memref<8x384xf32, #tpu.memory_space<vmem>>, vector<1x16xf32>,
      %get3A_3029 = vector.shape_cast %get3A_3028 : vector<1x16xf32> to vector<16xf32>
      %get3A_3030 = arith.index_cast %scan3A_19 : i32 to index
      %get3A_3031 = arith.constant 112 : index
      %get3A_3032 = tpu.vector_load %arg8[%get3A_3030, %get3A_3031] {strides = array<i32>} : memref<8x384xf32, #tpu.memory_space<vmem>>, vector<1x16xf32>,
      %get3A_3033 = vector.shape_cast %get3A_3032 : vector<1x16xf32> to vector<16xf32>
      %mul3A_3034 = arith.mulf %get3A_2905, %get3A_3033 : vector<16xf32>
      %add3A_3035 = arith.addf %get3A_3029, %mul3A_3034 : vector<16xf32>
      %swap3A_3036 = arith.constant 7 : i32
      %swap3A_3037 = arith.index_cast %swap3A_3036 : i32 to index
      %swap3A_3038 = arith.constant 112 : index
      %swap3A_3039 = tpu.vector_load %arg9[%swap3A_3037, %swap3A_3038] {strides = array<i32>} : memref<8x384xf32, #tpu.memory_space<vmem>>, vector<1x16xf32>,
      %swap3A_3040 = vector.shape_cast %swap3A_3039 : vector<1x16xf32> to vector<16xf32>
      %swap3A_3041 = vector.shape_cast %add3A_3035 : vector<16xf32> to vector<1x16xf32>
      tpu.vector_store %arg9[%swap3A_3037, %swap3A_3038], %swap3A_3041 {strides = array<i32>} : memref<8x384xf32, #tpu.memory_space<vmem>>, vector<1x16xf32>,
      %get3A_3042 = arith.constant 7 : i32
      %get3A_3043 = arith.index_cast %get3A_3042 : i32 to index
      %get3A_3044 = arith.constant 128 : index
      %get3A_3045 = tpu.vector_load %arg9[%get3A_3043, %get3A_3044] {strides = array<i32>} : memref<8x384xf32, #tpu.memory_space<vmem>>, vector<1x16xf32>,
      %get3A_3046 = vector.shape_cast %get3A_3045 : vector<1x16xf32> to vector<16xf32>
      %get3A_3047 = arith.index_cast %scan3A_19 : i32 to index
      %get3A_3048 = arith.constant 128 : index
      %get3A_3049 = tpu.vector_load %arg8[%get3A_3047, %get3A_3048] {strides = array<i32>} : memref<8x384xf32, #tpu.memory_space<vmem>>, vector<1x16xf32>,
      %get3A_3050 = vector.shape_cast %get3A_3049 : vector<1x16xf32> to vector<16xf32>
      %mul3A_3051 = arith.mulf %get3A_2905, %get3A_3050 : vector<16xf32>
      %add3A_3052 = arith.addf %get3A_3046, %mul3A_3051 : vector<16xf32>
      %swap3A_3053 = arith.constant 7 : i32
      %swap3A_3054 = arith.index_cast %swap3A_3053 : i32 to index
      %swap3A_3055 = arith.constant 128 : index
      %swap3A_3056 = tpu.vector_load %arg9[%swap3A_3054, %swap3A_3055] {strides = array<i32>} : memref<8x384xf32, #tpu.memory_space<vmem>>, vector<1x16xf32>,
      %swap3A_3057 = vector.shape_cast %swap3A_3056 : vector<1x16xf32> to vector<16xf32>
      %swap3A_3058 = vector.shape_cast %add3A_3052 : vector<16xf32> to vector<1x16xf32>
      tpu.vector_store %arg9[%swap3A_3054, %swap3A_3055], %swap3A_3058 {strides = array<i32>} : memref<8x384xf32, #tpu.memory_space<vmem>>, vector<1x16xf32>,
      %get3A_3059 = arith.constant 7 : i32
      %get3A_3060 = arith.index_cast %get3A_3059 : i32 to index
      %get3A_3061 = arith.constant 144 : index
      %get3A_3062 = tpu.vector_load %arg9[%get3A_3060, %get3A_3061] {strides = array<i32>} : memref<8x384xf32, #tpu.memory_space<vmem>>, vector<1x16xf32>,
      %get3A_3063 = vector.shape_cast %get3A_3062 : vector<1x16xf32> to vector<16xf32>
      %get3A_3064 = arith.index_cast %scan3A_19 : i32 to index
      %get3A_3065 = arith.constant 144 : index
      %get3A_3066 = tpu.vector_load %arg8[%get3A_3064, %get3A_3065] {strides = array<i32>} : memref<8x384xf32, #tpu.memory_space<vmem>>, vector<1x16xf32>,
      %get3A_3067 = vector.shape_cast %get3A_3066 : vector<1x16xf32> to vector<16xf32>
      %mul3A_3068 = arith.mulf %get3A_2905, %get3A_3067 : vector<16xf32>
      %add3A_3069 = arith.addf %get3A_3063, %mul3A_3068 : vector<16xf32>
      %swap3A_3070 = arith.constant 7 : i32
      %swap3A_3071 = arith.index_cast %swap3A_3070 : i32 to index
      %swap3A_3072 = arith.constant 144 : index
      %swap3A_3073 = tpu.vector_load %arg9[%swap3A_3071, %swap3A_3072] {strides = array<i32>} : memref<8x384xf32, #tpu.memory_space<vmem>>, vector<1x16xf32>,
      %swap3A_3074 = vector.shape_cast %swap3A_3073 : vector<1x16xf32> to vector<16xf32>
      %swap3A_3075 = vector.shape_cast %add3A_3069 : vector<16xf32> to vector<1x16xf32>
      tpu.vector_store %arg9[%swap3A_3071, %swap3A_3072], %swap3A_3075 {strides = array<i32>} : memref<8x384xf32, #tpu.memory_space<vmem>>, vector<1x16xf32>,
      %get3A_3076 = arith.constant 7 : i32
      %get3A_3077 = arith.index_cast %get3A_3076 : i32 to index
      %get3A_3078 = arith.constant 160 : index
      %get3A_3079 = tpu.vector_load %arg9[%get3A_3077, %get3A_3078] {strides = array<i32>} : memref<8x384xf32, #tpu.memory_space<vmem>>, vector<1x16xf32>,
      %get3A_3080 = vector.shape_cast %get3A_3079 : vector<1x16xf32> to vector<16xf32>
      %get3A_3081 = arith.index_cast %scan3A_19 : i32 to index
      %get3A_3082 = arith.constant 160 : index
      %get3A_3083 = tpu.vector_load %arg8[%get3A_3081, %get3A_3082] {strides = array<i32>} : memref<8x384xf32, #tpu.memory_space<vmem>>, vector<1x16xf32>,
      %get3A_3084 = vector.shape_cast %get3A_3083 : vector<1x16xf32> to vector<16xf32>
      %mul3A_3085 = arith.mulf %get3A_2905, %get3A_3084 : vector<16xf32>
      %add3A_3086 = arith.addf %get3A_3080, %mul3A_3085 : vector<16xf32>
      %swap3A_3087 = arith.constant 7 : i32
      %swap3A_3088 = arith.index_cast %swap3A_3087 : i32 to index
      %swap3A_3089 = arith.constant 160 : index
      %swap3A_3090 = tpu.vector_load %arg9[%swap3A_3088, %swap3A_3089] {strides = array<i32>} : memref<8x384xf32, #tpu.memory_space<vmem>>, vector<1x16xf32>,
      %swap3A_3091 = vector.shape_cast %swap3A_3090 : vector<1x16xf32> to vector<16xf32>
      %swap3A_3092 = vector.shape_cast %add3A_3086 : vector<16xf32> to vector<1x16xf32>
      tpu.vector_store %arg9[%swap3A_3088, %swap3A_3089], %swap3A_3092 {strides = array<i32>} : memref<8x384xf32, #tpu.memory_space<vmem>>, vector<1x16xf32>,
      %get3A_3093 = arith.constant 7 : i32
      %get3A_3094 = arith.index_cast %get3A_3093 : i32 to index
      %get3A_3095 = arith.constant 176 : index
      %get3A_3096 = tpu.vector_load %arg9[%get3A_3094, %get3A_3095] {strides = array<i32>} : memref<8x384xf32, #tpu.memory_space<vmem>>, vector<1x16xf32>,
      %get3A_3097 = vector.shape_cast %get3A_3096 : vector<1x16xf32> to vector<16xf32>
      %get3A_3098 = arith.index_cast %scan3A_19 : i32 to index
      %get3A_3099 = arith.constant 176 : index
      %get3A_3100 = tpu.vector_load %arg8[%get3A_3098, %get3A_3099] {strides = array<i32>} : memref<8x384xf32, #tpu.memory_space<vmem>>, vector<1x16xf32>,
      %get3A_3101 = vector.shape_cast %get3A_3100 : vector<1x16xf32> to vector<16xf32>
      %mul3A_3102 = arith.mulf %get3A_2905, %get3A_3101 : vector<16xf32>
      %add3A_3103 = arith.addf %get3A_3097, %mul3A_3102 : vector<16xf32>
      %swap3A_3104 = arith.constant 7 : i32
      %swap3A_3105 = arith.index_cast %swap3A_3104 : i32 to index
      %swap3A_3106 = arith.constant 176 : index
      %swap3A_3107 = tpu.vector_load %arg9[%swap3A_3105, %swap3A_3106] {strides = array<i32>} : memref<8x384xf32, #tpu.memory_space<vmem>>, vector<1x16xf32>,
      %swap3A_3108 = vector.shape_cast %swap3A_3107 : vector<1x16xf32> to vector<16xf32>
      %swap3A_3109 = vector.shape_cast %add3A_3103 : vector<16xf32> to vector<1x16xf32>
      tpu.vector_store %arg9[%swap3A_3105, %swap3A_3106], %swap3A_3109 {strides = array<i32>} : memref<8x384xf32, #tpu.memory_space<vmem>>, vector<1x16xf32>,
      %get3A_3110 = arith.constant 7 : i32
      %get3A_3111 = arith.index_cast %get3A_3110 : i32 to index
      %get3A_3112 = arith.constant 192 : index
      %get3A_3113 = tpu.vector_load %arg9[%get3A_3111, %get3A_3112] {strides = array<i32>} : memref<8x384xf32, #tpu.memory_space<vmem>>, vector<1x16xf32>,
      %get3A_3114 = vector.shape_cast %get3A_3113 : vector<1x16xf32> to vector<16xf32>
      %get3A_3115 = arith.index_cast %scan3A_19 : i32 to index
      %get3A_3116 = arith.constant 192 : index
      %get3A_3117 = tpu.vector_load %arg8[%get3A_3115, %get3A_3116] {strides = array<i32>} : memref<8x384xf32, #tpu.memory_space<vmem>>, vector<1x16xf32>,
      %get3A_3118 = vector.shape_cast %get3A_3117 : vector<1x16xf32> to vector<16xf32>
      %mul3A_3119 = arith.mulf %get3A_2905, %get3A_3118 : vector<16xf32>
      %add3A_3120 = arith.addf %get3A_3114, %mul3A_3119 : vector<16xf32>
      %swap3A_3121 = arith.constant 7 : i32
      %swap3A_3122 = arith.index_cast %swap3A_3121 : i32 to index
      %swap3A_3123 = arith.constant 192 : index
      %swap3A_3124 = tpu.vector_load %arg9[%swap3A_3122, %swap3A_3123] {strides = array<i32>} : memref<8x384xf32, #tpu.memory_space<vmem>>, vector<1x16xf32>,
      %swap3A_3125 = vector.shape_cast %swap3A_3124 : vector<1x16xf32> to vector<16xf32>
      %swap3A_3126 = vector.shape_cast %add3A_3120 : vector<16xf32> to vector<1x16xf32>
      tpu.vector_store %arg9[%swap3A_3122, %swap3A_3123], %swap3A_3126 {strides = array<i32>} : memref<8x384xf32, #tpu.memory_space<vmem>>, vector<1x16xf32>,
      %get3A_3127 = arith.constant 7 : i32
      %get3A_3128 = arith.index_cast %get3A_3127 : i32 to index
      %get3A_3129 = arith.constant 208 : index
      %get3A_3130 = tpu.vector_load %arg9[%get3A_3128, %get3A_3129] {strides = array<i32>} : memref<8x384xf32, #tpu.memory_space<vmem>>, vector<1x16xf32>,
      %get3A_3131 = vector.shape_cast %get3A_3130 : vector<1x16xf32> to vector<16xf32>
      %get3A_3132 = arith.index_cast %scan3A_19 : i32 to index
      %get3A_3133 = arith.constant 208 : index
      %get3A_3134 = tpu.vector_load %arg8[%get3A_3132, %get3A_3133] {strides = array<i32>} : memref<8x384xf32, #tpu.memory_space<vmem>>, vector<1x16xf32>,
      %get3A_3135 = vector.shape_cast %get3A_3134 : vector<1x16xf32> to vector<16xf32>
      %mul3A_3136 = arith.mulf %get3A_2905, %get3A_3135 : vector<16xf32>
      %add3A_3137 = arith.addf %get3A_3131, %mul3A_3136 : vector<16xf32>
      %swap3A_3138 = arith.constant 7 : i32
      %swap3A_3139 = arith.index_cast %swap3A_3138 : i32 to index
      %swap3A_3140 = arith.constant 208 : index
      %swap3A_3141 = tpu.vector_load %arg9[%swap3A_3139, %swap3A_3140] {strides = array<i32>} : memref<8x384xf32, #tpu.memory_space<vmem>>, vector<1x16xf32>,
      %swap3A_3142 = vector.shape_cast %swap3A_3141 : vector<1x16xf32> to vector<16xf32>
      %swap3A_3143 = vector.shape_cast %add3A_3137 : vector<16xf32> to vector<1x16xf32>
      tpu.vector_store %arg9[%swap3A_3139, %swap3A_3140], %swap3A_3143 {strides = array<i32>} : memref<8x384xf32, #tpu.memory_space<vmem>>, vector<1x16xf32>,
      %get3A_3144 = arith.constant 7 : i32
      %get3A_3145 = arith.index_cast %get3A_3144 : i32 to index
      %get3A_3146 = arith.constant 224 : index
      %get3A_3147 = tpu.vector_load %arg9[%get3A_3145, %get3A_3146] {strides = array<i32>} : memref<8x384xf32, #tpu.memory_space<vmem>>, vector<1x16xf32>,
      %get3A_3148 = vector.shape_cast %get3A_3147 : vector<1x16xf32> to vector<16xf32>
      %get3A_3149 = arith.index_cast %scan3A_19 : i32 to index
      %get3A_3150 = arith.constant 224 : index
      %get3A_3151 = tpu.vector_load %arg8[%get3A_3149, %get3A_3150] {strides = array<i32>} : memref<8x384xf32, #tpu.memory_space<vmem>>, vector<1x16xf32>,
      %get3A_3152 = vector.shape_cast %get3A_3151 : vector<1x16xf32> to vector<16xf32>
      %mul3A_3153 = arith.mulf %get3A_2905, %get3A_3152 : vector<16xf32>
      %add3A_3154 = arith.addf %get3A_3148, %mul3A_3153 : vector<16xf32>
      %swap3A_3155 = arith.constant 7 : i32
      %swap3A_3156 = arith.index_cast %swap3A_3155 : i32 to index
      %swap3A_3157 = arith.constant 224 : index
      %swap3A_3158 = tpu.vector_load %arg9[%swap3A_3156, %swap3A_3157] {strides = array<i32>} : memref<8x384xf32, #tpu.memory_space<vmem>>, vector<1x16xf32>,
      %swap3A_3159 = vector.shape_cast %swap3A_3158 : vector<1x16xf32> to vector<16xf32>
      %swap3A_3160 = vector.shape_cast %add3A_3154 : vector<16xf32> to vector<1x16xf32>
      tpu.vector_store %arg9[%swap3A_3156, %swap3A_3157], %swap3A_3160 {strides = array<i32>} : memref<8x384xf32, #tpu.memory_space<vmem>>, vector<1x16xf32>,
      %get3A_3161 = arith.constant 7 : i32
      %get3A_3162 = arith.index_cast %get3A_3161 : i32 to index
      %get3A_3163 = arith.constant 240 : index
      %get3A_3164 = tpu.vector_load %arg9[%get3A_3162, %get3A_3163] {strides = array<i32>} : memref<8x384xf32, #tpu.memory_space<vmem>>, vector<1x16xf32>,
      %get3A_3165 = vector.shape_cast %get3A_3164 : vector<1x16xf32> to vector<16xf32>
      %get3A_3166 = arith.index_cast %scan3A_19 : i32 to index
      %get3A_3167 = arith.constant 240 : index
      %get3A_3168 = tpu.vector_load %arg8[%get3A_3166, %get3A_3167] {strides = array<i32>} : memref<8x384xf32, #tpu.memory_space<vmem>>, vector<1x16xf32>,
      %get3A_3169 = vector.shape_cast %get3A_3168 : vector<1x16xf32> to vector<16xf32>
      %mul3A_3170 = arith.mulf %get3A_2905, %get3A_3169 : vector<16xf32>
      %add3A_3171 = arith.addf %get3A_3165, %mul3A_3170 : vector<16xf32>
      %swap3A_3172 = arith.constant 7 : i32
      %swap3A_3173 = arith.index_cast %swap3A_3172 : i32 to index
      %swap3A_3174 = arith.constant 240 : index
      %swap3A_3175 = tpu.vector_load %arg9[%swap3A_3173, %swap3A_3174] {strides = array<i32>} : memref<8x384xf32, #tpu.memory_space<vmem>>, vector<1x16xf32>,
      %swap3A_3176 = vector.shape_cast %swap3A_3175 : vector<1x16xf32> to vector<16xf32>
      %swap3A_3177 = vector.shape_cast %add3A_3171 : vector<16xf32> to vector<1x16xf32>
      tpu.vector_store %arg9[%swap3A_3173, %swap3A_3174], %swap3A_3177 {strides = array<i32>} : memref<8x384xf32, #tpu.memory_space<vmem>>, vector<1x16xf32>,
      %get3A_3178 = arith.constant 7 : i32
      %get3A_3179 = arith.index_cast %get3A_3178 : i32 to index
      %get3A_3180 = arith.constant 256 : index
      %get3A_3181 = tpu.vector_load %arg9[%get3A_3179, %get3A_3180] {strides = array<i32>} : memref<8x384xf32, #tpu.memory_space<vmem>>, vector<1x16xf32>,
      %get3A_3182 = vector.shape_cast %get3A_3181 : vector<1x16xf32> to vector<16xf32>
      %get3A_3183 = arith.index_cast %scan3A_19 : i32 to index
      %get3A_3184 = arith.constant 256 : index
      %get3A_3185 = tpu.vector_load %arg8[%get3A_3183, %get3A_3184] {strides = array<i32>} : memref<8x384xf32, #tpu.memory_space<vmem>>, vector<1x16xf32>,
      %get3A_3186 = vector.shape_cast %get3A_3185 : vector<1x16xf32> to vector<16xf32>
      %mul3A_3187 = arith.mulf %get3A_2905, %get3A_3186 : vector<16xf32>
      %add3A_3188 = arith.addf %get3A_3182, %mul3A_3187 : vector<16xf32>
      %swap3A_3189 = arith.constant 7 : i32
      %swap3A_3190 = arith.index_cast %swap3A_3189 : i32 to index
      %swap3A_3191 = arith.constant 256 : index
      %swap3A_3192 = tpu.vector_load %arg9[%swap3A_3190, %swap3A_3191] {strides = array<i32>} : memref<8x384xf32, #tpu.memory_space<vmem>>, vector<1x16xf32>,
      %swap3A_3193 = vector.shape_cast %swap3A_3192 : vector<1x16xf32> to vector<16xf32>
      %swap3A_3194 = vector.shape_cast %add3A_3188 : vector<16xf32> to vector<1x16xf32>
      tpu.vector_store %arg9[%swap3A_3190, %swap3A_3191], %swap3A_3194 {strides = array<i32>} : memref<8x384xf32, #tpu.memory_space<vmem>>, vector<1x16xf32>,
      %get3A_3195 = arith.constant 7 : i32
      %get3A_3196 = arith.index_cast %get3A_3195 : i32 to index
      %get3A_3197 = arith.constant 272 : index
      %get3A_3198 = tpu.vector_load %arg9[%get3A_3196, %get3A_3197] {strides = array<i32>} : memref<8x384xf32, #tpu.memory_space<vmem>>, vector<1x16xf32>,
      %get3A_3199 = vector.shape_cast %get3A_3198 : vector<1x16xf32> to vector<16xf32>
      %get3A_3200 = arith.index_cast %scan3A_19 : i32 to index
      %get3A_3201 = arith.constant 272 : index
      %get3A_3202 = tpu.vector_load %arg8[%get3A_3200, %get3A_3201] {strides = array<i32>} : memref<8x384xf32, #tpu.memory_space<vmem>>, vector<1x16xf32>,
      %get3A_3203 = vector.shape_cast %get3A_3202 : vector<1x16xf32> to vector<16xf32>
      %mul3A_3204 = arith.mulf %get3A_2905, %get3A_3203 : vector<16xf32>
      %add3A_3205 = arith.addf %get3A_3199, %mul3A_3204 : vector<16xf32>
      %swap3A_3206 = arith.constant 7 : i32
      %swap3A_3207 = arith.index_cast %swap3A_3206 : i32 to index
      %swap3A_3208 = arith.constant 272 : index
      %swap3A_3209 = tpu.vector_load %arg9[%swap3A_3207, %swap3A_3208] {strides = array<i32>} : memref<8x384xf32, #tpu.memory_space<vmem>>, vector<1x16xf32>,
      %swap3A_3210 = vector.shape_cast %swap3A_3209 : vector<1x16xf32> to vector<16xf32>
      %swap3A_3211 = vector.shape_cast %add3A_3205 : vector<16xf32> to vector<1x16xf32>
      tpu.vector_store %arg9[%swap3A_3207, %swap3A_3208], %swap3A_3211 {strides = array<i32>} : memref<8x384xf32, #tpu.memory_space<vmem>>, vector<1x16xf32>,
      %get3A_3212 = arith.constant 7 : i32
      %get3A_3213 = arith.index_cast %get3A_3212 : i32 to index
      %get3A_3214 = arith.constant 288 : index
      %get3A_3215 = tpu.vector_load %arg9[%get3A_3213, %get3A_3214] {strides = array<i32>} : memref<8x384xf32, #tpu.memory_space<vmem>>, vector<1x16xf32>,
      %get3A_3216 = vector.shape_cast %get3A_3215 : vector<1x16xf32> to vector<16xf32>
      %get3A_3217 = arith.index_cast %scan3A_19 : i32 to index
      %get3A_3218 = arith.constant 288 : index
      %get3A_3219 = tpu.vector_load %arg8[%get3A_3217, %get3A_3218] {strides = array<i32>} : memref<8x384xf32, #tpu.memory_space<vmem>>, vector<1x16xf32>,
      %get3A_3220 = vector.shape_cast %get3A_3219 : vector<1x16xf32> to vector<16xf32>
      %mul3A_3221 = arith.mulf %get3A_2905, %get3A_3220 : vector<16xf32>
      %add3A_3222 = arith.addf %get3A_3216, %mul3A_3221 : vector<16xf32>
      %swap3A_3223 = arith.constant 7 : i32
      %swap3A_3224 = arith.index_cast %swap3A_3223 : i32 to index
      %swap3A_3225 = arith.constant 288 : index
      %swap3A_3226 = tpu.vector_load %arg9[%swap3A_3224, %swap3A_3225] {strides = array<i32>} : memref<8x384xf32, #tpu.memory_space<vmem>>, vector<1x16xf32>,
      %swap3A_3227 = vector.shape_cast %swap3A_3226 : vector<1x16xf32> to vector<16xf32>
      %swap3A_3228 = vector.shape_cast %add3A_3222 : vector<16xf32> to vector<1x16xf32>
      tpu.vector_store %arg9[%swap3A_3224, %swap3A_3225], %swap3A_3228 {strides = array<i32>} : memref<8x384xf32, #tpu.memory_space<vmem>>, vector<1x16xf32>,
      %get3A_3229 = arith.constant 7 : i32
      %get3A_3230 = arith.index_cast %get3A_3229 : i32 to index
      %get3A_3231 = arith.constant 304 : index
      %get3A_3232 = tpu.vector_load %arg9[%get3A_3230, %get3A_3231] {strides = array<i32>} : memref<8x384xf32, #tpu.memory_space<vmem>>, vector<1x16xf32>,
      %get3A_3233 = vector.shape_cast %get3A_3232 : vector<1x16xf32> to vector<16xf32>
      %get3A_3234 = arith.index_cast %scan3A_19 : i32 to index
      %get3A_3235 = arith.constant 304 : index
      %get3A_3236 = tpu.vector_load %arg8[%get3A_3234, %get3A_3235] {strides = array<i32>} : memref<8x384xf32, #tpu.memory_space<vmem>>, vector<1x16xf32>,
      %get3A_3237 = vector.shape_cast %get3A_3236 : vector<1x16xf32> to vector<16xf32>
      %mul3A_3238 = arith.mulf %get3A_2905, %get3A_3237 : vector<16xf32>
      %add3A_3239 = arith.addf %get3A_3233, %mul3A_3238 : vector<16xf32>
      %swap3A_3240 = arith.constant 7 : i32
      %swap3A_3241 = arith.index_cast %swap3A_3240 : i32 to index
      %swap3A_3242 = arith.constant 304 : index
      %swap3A_3243 = tpu.vector_load %arg9[%swap3A_3241, %swap3A_3242] {strides = array<i32>} : memref<8x384xf32, #tpu.memory_space<vmem>>, vector<1x16xf32>,
      %swap3A_3244 = vector.shape_cast %swap3A_3243 : vector<1x16xf32> to vector<16xf32>
      %swap3A_3245 = vector.shape_cast %add3A_3239 : vector<16xf32> to vector<1x16xf32>
      tpu.vector_store %arg9[%swap3A_3241, %swap3A_3242], %swap3A_3245 {strides = array<i32>} : memref<8x384xf32, #tpu.memory_space<vmem>>, vector<1x16xf32>,
      %get3A_3246 = arith.constant 7 : i32
      %get3A_3247 = arith.index_cast %get3A_3246 : i32 to index
      %get3A_3248 = arith.constant 320 : index
      %get3A_3249 = tpu.vector_load %arg9[%get3A_3247, %get3A_3248] {strides = array<i32>} : memref<8x384xf32, #tpu.memory_space<vmem>>, vector<1x16xf32>,
      %get3A_3250 = vector.shape_cast %get3A_3249 : vector<1x16xf32> to vector<16xf32>
      %get3A_3251 = arith.index_cast %scan3A_19 : i32 to index
      %get3A_3252 = arith.constant 320 : index
      %get3A_3253 = tpu.vector_load %arg8[%get3A_3251, %get3A_3252] {strides = array<i32>} : memref<8x384xf32, #tpu.memory_space<vmem>>, vector<1x16xf32>,
      %get3A_3254 = vector.shape_cast %get3A_3253 : vector<1x16xf32> to vector<16xf32>
      %mul3A_3255 = arith.mulf %get3A_2905, %get3A_3254 : vector<16xf32>
      %add3A_3256 = arith.addf %get3A_3250, %mul3A_3255 : vector<16xf32>
      %swap3A_3257 = arith.constant 7 : i32
      %swap3A_3258 = arith.index_cast %swap3A_3257 : i32 to index
      %swap3A_3259 = arith.constant 320 : index
      %swap3A_3260 = tpu.vector_load %arg9[%swap3A_3258, %swap3A_3259] {strides = array<i32>} : memref<8x384xf32, #tpu.memory_space<vmem>>, vector<1x16xf32>,
      %swap3A_3261 = vector.shape_cast %swap3A_3260 : vector<1x16xf32> to vector<16xf32>
      %swap3A_3262 = vector.shape_cast %add3A_3256 : vector<16xf32> to vector<1x16xf32>
      tpu.vector_store %arg9[%swap3A_3258, %swap3A_3259], %swap3A_3262 {strides = array<i32>} : memref<8x384xf32, #tpu.memory_space<vmem>>, vector<1x16xf32>,
      %get3A_3263 = arith.constant 7 : i32
      %get3A_3264 = arith.index_cast %get3A_3263 : i32 to index
      %get3A_3265 = arith.constant 336 : index
      %get3A_3266 = tpu.vector_load %arg9[%get3A_3264, %get3A_3265] {strides = array<i32>} : memref<8x384xf32, #tpu.memory_space<vmem>>, vector<1x16xf32>,
      %get3A_3267 = vector.shape_cast %get3A_3266 : vector<1x16xf32> to vector<16xf32>
      %get3A_3268 = arith.index_cast %scan3A_19 : i32 to index
      %get3A_3269 = arith.constant 336 : index
      %get3A_3270 = tpu.vector_load %arg8[%get3A_3268, %get3A_3269] {strides = array<i32>} : memref<8x384xf32, #tpu.memory_space<vmem>>, vector<1x16xf32>,
      %get3A_3271 = vector.shape_cast %get3A_3270 : vector<1x16xf32> to vector<16xf32>
      %mul3A_3272 = arith.mulf %get3A_2905, %get3A_3271 : vector<16xf32>
      %add3A_3273 = arith.addf %get3A_3267, %mul3A_3272 : vector<16xf32>
      %swap3A_3274 = arith.constant 7 : i32
      %swap3A_3275 = arith.index_cast %swap3A_3274 : i32 to index
      %swap3A_3276 = arith.constant 336 : index
      %swap3A_3277 = tpu.vector_load %arg9[%swap3A_3275, %swap3A_3276] {strides = array<i32>} : memref<8x384xf32, #tpu.memory_space<vmem>>, vector<1x16xf32>,
      %swap3A_3278 = vector.shape_cast %swap3A_3277 : vector<1x16xf32> to vector<16xf32>
      %swap3A_3279 = vector.shape_cast %add3A_3273 : vector<16xf32> to vector<1x16xf32>
      tpu.vector_store %arg9[%swap3A_3275, %swap3A_3276], %swap3A_3279 {strides = array<i32>} : memref<8x384xf32, #tpu.memory_space<vmem>>, vector<1x16xf32>,
      %get3A_3280 = arith.constant 7 : i32
      %get3A_3281 = arith.index_cast %get3A_3280 : i32 to index
      %get3A_3282 = arith.constant 352 : index
      %get3A_3283 = tpu.vector_load %arg9[%get3A_3281, %get3A_3282] {strides = array<i32>} : memref<8x384xf32, #tpu.memory_space<vmem>>, vector<1x16xf32>,
      %get3A_3284 = vector.shape_cast %get3A_3283 : vector<1x16xf32> to vector<16xf32>
      %get3A_3285 = arith.index_cast %scan3A_19 : i32 to index
      %get3A_3286 = arith.constant 352 : index
      %get3A_3287 = tpu.vector_load %arg8[%get3A_3285, %get3A_3286] {strides = array<i32>} : memref<8x384xf32, #tpu.memory_space<vmem>>, vector<1x16xf32>,
      %get3A_3288 = vector.shape_cast %get3A_3287 : vector<1x16xf32> to vector<16xf32>
      %mul3A_3289 = arith.mulf %get3A_2905, %get3A_3288 : vector<16xf32>
      %add3A_3290 = arith.addf %get3A_3284, %mul3A_3289 : vector<16xf32>
      %swap3A_3291 = arith.constant 7 : i32
      %swap3A_3292 = arith.index_cast %swap3A_3291 : i32 to index
      %swap3A_3293 = arith.constant 352 : index
      %swap3A_3294 = tpu.vector_load %arg9[%swap3A_3292, %swap3A_3293] {strides = array<i32>} : memref<8x384xf32, #tpu.memory_space<vmem>>, vector<1x16xf32>,
      %swap3A_3295 = vector.shape_cast %swap3A_3294 : vector<1x16xf32> to vector<16xf32>
      %swap3A_3296 = vector.shape_cast %add3A_3290 : vector<16xf32> to vector<1x16xf32>
      tpu.vector_store %arg9[%swap3A_3292, %swap3A_3293], %swap3A_3296 {strides = array<i32>} : memref<8x384xf32, #tpu.memory_space<vmem>>, vector<1x16xf32>,
      %get3A_3297 = arith.constant 7 : i32
      %get3A_3298 = arith.index_cast %get3A_3297 : i32 to index
      %get3A_3299 = arith.constant 368 : index
      %get3A_3300 = tpu.vector_load %arg9[%get3A_3298, %get3A_3299] {strides = array<i32>} : memref<8x384xf32, #tpu.memory_space<vmem>>, vector<1x16xf32>,
      %get3A_3301 = vector.shape_cast %get3A_3300 : vector<1x16xf32> to vector<16xf32>
      %get3A_3302 = arith.index_cast %scan3A_19 : i32 to index
      %get3A_3303 = arith.constant 368 : index
      %get3A_3304 = tpu.vector_load %arg8[%get3A_3302, %get3A_3303] {strides = array<i32>} : memref<8x384xf32, #tpu.memory_space<vmem>>, vector<1x16xf32>,
      %get3A_3305 = vector.shape_cast %get3A_3304 : vector<1x16xf32> to vector<16xf32>
      %mul3A_3306 = arith.mulf %get3A_2905, %get3A_3305 : vector<16xf32>
      %add3A_3307 = arith.addf %get3A_3301, %mul3A_3306 : vector<16xf32>
      %swap3A_3308 = arith.constant 7 : i32
      %swap3A_3309 = arith.index_cast %swap3A_3308 : i32 to index
      %swap3A_3310 = arith.constant 368 : index
      %swap3A_3311 = tpu.vector_load %arg9[%swap3A_3309, %swap3A_3310] {strides = array<i32>} : memref<8x384xf32, #tpu.memory_space<vmem>>, vector<1x16xf32>,
      %swap3A_3312 = vector.shape_cast %swap3A_3311 : vector<1x16xf32> to vector<16xf32>
      %swap3A_3313 = vector.shape_cast %add3A_3307 : vector<16xf32> to vector<1x16xf32>
      tpu.vector_store %arg9[%swap3A_3309, %swap3A_3310], %swap3A_3313 {strides = array<i32>} : memref<8x384xf32, #tpu.memory_space<vmem>>, vector<1x16xf32>,
    }
    %scan3A_18 = arith.constant 8 : i32
    "tpu.region"() ({
      %run_scoped3A = tpu.sem_alloc : memref<!tpu.dma_semaphore, #tpu.memory_space<semaphore_mem>>
      %dma_start3A_19 = arith.constant 0 : i32
      %dma_start3A_20 = arith.constant 0 : i32
      %dma_start3A_21 = tpu.memref_slice %arg5[%add3A, %dma_start3A_19, %dma_start3A_20] : memref<32x8x384xf32, #tpu.memory_space<hbm>> -> memref<1x8x384xf32, #tpu.memory_space<hbm>>
      %dma_start3A_22 = tpu.memref_squeeze %dma_start3A_21 : memref<1x8x384xf32, #tpu.memory_space<hbm>> -> memref<8x384xf32, #tpu.memory_space<hbm>>
      %dma_start3A_23 = arith.constant 0 : i32
      %dma_start3A_24 = arith.constant 0 : i32
      %dma_start3A_25 = tpu.memref_slice %arg5[%add3A, %dma_start3A_23, %dma_start3A_24] : memref<32x8x384xf32, #tpu.memory_space<hbm>> -> memref<1x8x384xf32, #tpu.memory_space<hbm>>
      %dma_start3A_26 = tpu.memref_squeeze %dma_start3A_25 : memref<1x8x384xf32, #tpu.memory_space<hbm>> -> memref<8x384xf32, #tpu.memory_space<hbm>>
      tpu.enqueue_dma source(%arg9 : memref<8x384xf32, #tpu.memory_space<vmem>>) target(%dma_start3A_26 : memref<8x384xf32, #tpu.memory_space<hbm>>) target_semaphore(%run_scoped3A : memref<!tpu.dma_semaphore, #tpu.memory_space<semaphore_mem>>)
      %dma_wait3A_27 = arith.constant 0 : i32
      %dma_wait3A_28 = arith.constant 0 : i32
      %dma_wait3A_29 = tpu.memref_slice %arg5[%add3A, %dma_wait3A_27, %dma_wait3A_28] : memref<32x8x384xf32, #tpu.memory_space<hbm>> -> memref<1x8x384xf32, #tpu.memory_space<hbm>>
      %dma_wait3A_30 = tpu.memref_squeeze %dma_wait3A_29 : memref<1x8x384xf32, #tpu.memory_space<hbm>> -> memref<8x384xf32, #tpu.memory_space<hbm>>
      %dma_wait3A_31 = arith.constant 0 : i32
      %dma_wait3A_32 = arith.constant 0 : i32
      %dma_wait3A_33 = tpu.memref_slice %arg5[%add3A, %dma_wait3A_31, %dma_wait3A_32] : memref<32x8x384xf32, #tpu.memory_space<hbm>> -> memref<1x8x384xf32, #tpu.memory_space<hbm>>
      %dma_wait3A_34 = tpu.memref_squeeze %dma_wait3A_33 : memref<1x8x384xf32, #tpu.memory_space<hbm>> -> memref<8x384xf32, #tpu.memory_space<hbm>>
      tpu.wait_dma2 semaphore(%run_scoped3A : memref<!tpu.dma_semaphore, #tpu.memory_space<semaphore_mem>>) src(%arg9 : memref<8x384xf32, #tpu.memory_space<vmem>>) dst(%dma_wait3A_34 : memref<8x384xf32, #tpu.memory_space<hbm>>)
      tpu.yield
    }) : () -> ()
    return
  }
}

module attributes {stable_mosaic.version = 14 : i64} {
  func.func @_prep_kernel(%arg0: memref<8x25xi32, #tpu.memory_space<smem>>, %arg1: memref<32769x16xf32, #tpu.memory_space<any>>, %arg2: memref<256xi32, #tpu.memory_space<smem>>, %arg3: memref<256x128xf32, #tpu.memory_space<vmem>>, %arg4: memref<1024xi32, #tpu.memory_space<smem>>, %arg5: memref<256x16xf32, #tpu.memory_space<vmem>>, %arg6: memref<!tpu.dma_semaphore, #tpu.memory_space<semaphore_mem>>) attributes {dimension_semantics = [], scalar_prefetch = 0 : i64, scratch_operands = 3 : i64, tpu.core_type = #tpu.core_type<tc>} {
    %broadcast_in_dim3A = arith.constant 0.000000e+00 : f32
    %broadcast_in_dim3A_0 = vector.broadcast %broadcast_in_dim3A : f32 to vector<256x16xf32>
    %swap3A = arith.constant 0 : index
    %swap3A_1 = arith.constant 0 : index
    %swap3A_2 = vector.load %arg5[%swap3A, %swap3A_1] : memref<256x16xf32, #tpu.memory_space<vmem>>, vector<256x16xf32>
    tpu.vector_store %arg5[%swap3A, %swap3A_1], %broadcast_in_dim3A_0 {strides = array<i32>} : memref<256x16xf32, #tpu.memory_space<vmem>>, vector<256x16xf32>,
    %scan3A = arith.constant 0 : i32
    %scan3A_3 = arith.constant 1024 : i32
    %scan3A_4 = arith.addi %scan3A, %scan3A_3 : i32
    %scan3A_5 = arith.constant 1 : i32
    scf.for %scan3A_51 = %scan3A to %scan3A_4 step %scan3A_5  : i32 {
      %swap3A_52 = arith.constant 0 : i32
      %swap3A_53 = arith.index_cast %scan3A_51 : i32 to index
      %swap3A_54 = memref.load %arg4[%swap3A_53] : memref<1024xi32, #tpu.memory_space<smem>>
      memref.store %swap3A_52, %arg4[%swap3A_53] : memref<1024xi32, #tpu.memory_space<smem>>
    }
    %scan3A_6 = arith.constant 1024 : i32
    %scan3A_7 = arith.constant 0 : i32
    %scan3A_8 = arith.constant 256 : i32
    %scan3A_9 = arith.addi %scan3A_7, %scan3A_8 : i32
    %scan3A_10 = arith.constant 1 : i32
    scf.for %scan3A_51 = %scan3A_7 to %scan3A_9 step %scan3A_10  : i32 {
      %min3A = arith.constant 199 : i32
      %min3A_52 = arith.minsi %scan3A_51, %min3A : i32
      %jit3A_53 = arith.constant 25 : i32
      %div3A_54 = arith.divsi %min3A_52, %jit3A_53 : i32
      %sign3A_55 = arith.constant 0 : i32
      %sign3A_56 = arith.cmpi sgt, %min3A_52, %sign3A_55 : i32
      %sign3A_57 = arith.extui %sign3A_56 : i1 to i32
      %sign3A_58 = arith.constant 0 : i32
      %sign3A_59 = arith.cmpi slt, %min3A_52, %sign3A_58 : i32
      %sign3A_60 = arith.extui %sign3A_59 : i1 to i32
      %sign3A_61 = arith.subi %sign3A_57, %sign3A_60 : i32
      %sign3A_62 = arith.constant 0 : i32
      %sign3A_63 = arith.cmpi sgt, %jit3A_53, %sign3A_62 : i32
      %sign3A_64 = arith.extui %sign3A_63 : i1 to i32
      %sign3A_65 = arith.constant 0 : i32
      %sign3A_66 = arith.cmpi slt, %jit3A_53, %sign3A_65 : i32
      %sign3A_67 = arith.extui %sign3A_66 : i1 to i32
      %sign3A_68 = arith.subi %sign3A_64, %sign3A_67 : i32
      %ne3A_69 = arith.cmpi ne, %sign3A_61, %sign3A_68 : i32
      %rem3A_70 = arith.remsi %min3A_52, %jit3A_53 : i32
      %ne3A_71 = arith.constant 0 : i32
      %ne3A_72 = arith.cmpi ne, %rem3A_70, %ne3A_71 : i32
      %and3A_73 = arith.andi %ne3A_69, %ne3A_72 : i1
      %sub3A_74 = arith.constant 1 : i32
      %sub3A_75 = arith.subi %div3A_54, %sub3A_74 : i32
      %select_n3A_76 = arith.select %and3A_73, %sub3A_75, %div3A_54 : i32
      %mul3A = arith.constant 25 : i32
      %mul3A_77 = arith.muli %select_n3A_76, %mul3A : i32
      %sub3A_78 = arith.subi %min3A_52, %mul3A_77 : i32
      %get3A_79 = arith.index_cast %select_n3A_76 : i32 to index
      %get3A_80 = arith.index_cast %sub3A_78 : i32 to index
      %get3A_81 = memref.load %arg0[%get3A_79, %get3A_80] : memref<8x25xi32, #tpu.memory_space<smem>>
      %jit3A_82 = arith.constant 32 : i32
      %div3A_83 = arith.divsi %get3A_81, %jit3A_82 : i32
      %sign3A_84 = arith.constant 0 : i32
      %sign3A_85 = arith.cmpi sgt, %get3A_81, %sign3A_84 : i32
      %sign3A_86 = arith.extui %sign3A_85 : i1 to i32
      %sign3A_87 = arith.constant 0 : i32
      %sign3A_88 = arith.cmpi slt, %get3A_81, %sign3A_87 : i32
      %sign3A_89 = arith.extui %sign3A_88 : i1 to i32
      %sign3A_90 = arith.subi %sign3A_86, %sign3A_89 : i32
      %sign3A_91 = arith.constant 0 : i32
      %sign3A_92 = arith.cmpi sgt, %jit3A_82, %sign3A_91 : i32
      %sign3A_93 = arith.extui %sign3A_92 : i1 to i32
      %sign3A_94 = arith.constant 0 : i32
      %sign3A_95 = arith.cmpi slt, %jit3A_82, %sign3A_94 : i32
      %sign3A_96 = arith.extui %sign3A_95 : i1 to i32
      %sign3A_97 = arith.subi %sign3A_93, %sign3A_96 : i32
      %ne3A_98 = arith.cmpi ne, %sign3A_90, %sign3A_97 : i32
      %rem3A_99 = arith.remsi %get3A_81, %jit3A_82 : i32
      %ne3A_100 = arith.constant 0 : i32
      %ne3A_101 = arith.cmpi ne, %rem3A_99, %ne3A_100 : i32
      %and3A_102 = arith.andi %ne3A_98, %ne3A_101 : i1
      %sub3A_103 = arith.constant 1 : i32
      %sub3A_104 = arith.subi %div3A_83, %sub3A_103 : i32
      %select_n3A_105 = arith.select %and3A_102, %sub3A_104, %div3A_83 : i32
      %mul3A_106 = arith.constant 32 : i32
      %mul3A_107 = arith.muli %select_n3A_105, %mul3A_106 : i32
      %sub3A_108 = arith.subi %get3A_81, %mul3A_107 : i32
      %get3A_109 = arith.index_cast %select_n3A_105 : i32 to index
      %get3A_110 = memref.load %arg4[%get3A_109] : memref<1024xi32, #tpu.memory_space<smem>>
      %shift_right_arithmetic3A = arith.shrsi %get3A_110, %sub3A_108 : i32
      %and3A_111 = arith.constant 1 : i32
      %and3A_112 = arith.andi %shift_right_arithmetic3A, %and3A_111 : i32
      %ge3A = arith.constant 200 : i32
      %ge3A_113 = arith.cmpi sge, %scan3A_51, %ge3A : i32
      %eq3A_114 = arith.constant 1 : i32
      %eq3A_115 = arith.cmpi eq, %and3A_112, %eq3A_114 : i32
      %or3A = arith.ori %eq3A_115, %ge3A_113 : i1
      %shift_left3A = arith.constant 1 : i32
      %shift_left3A_116 = arith.shli %shift_left3A, %sub3A_108 : i32
      %or3A_117 = arith.ori %get3A_110, %shift_left3A_116 : i32
      %select_n3A_118 = arith.select %ge3A_113, %get3A_110, %or3A_117 : i32
      %swap3A_119 = arith.index_cast %select_n3A_105 : i32 to index
      %swap3A_120 = memref.load %arg4[%swap3A_119] : memref<1024xi32, #tpu.memory_space<smem>>
      memref.store %select_n3A_118, %arg4[%swap3A_119] : memref<1024xi32, #tpu.memory_space<smem>>
      %jit3A_121 = arith.constant 32768 : i32
      %select_n3A_122 = arith.select %or3A, %jit3A_121, %get3A_81 : i32
      %jit3A_123 = arith.constant 0 : i32
      %select_n3A_124 = arith.select %or3A, %jit3A_123, %get3A_81 : i32
      %swap3A_125 = arith.index_cast %scan3A_51 : i32 to index
      %swap3A_126 = memref.load %arg2[%swap3A_125] : memref<256xi32, #tpu.memory_space<smem>>
      memref.store %select_n3A_124, %arg2[%swap3A_125] : memref<256xi32, #tpu.memory_space<smem>>
      %dma_start3A = arith.constant 0 : i32
      %dma_start3A_127 = tpu.memref_slice %arg5[%scan3A_51, %dma_start3A] : memref<256x16xf32, #tpu.memory_space<vmem>> -> memref<1x16xf32, #tpu.memory_space<vmem>>
      %dma_start3A_128 = arith.constant 0 : i32
      %dma_start3A_129 = tpu.memref_slice %arg1[%select_n3A_122, %dma_start3A_128] : memref<32769x16xf32, #tpu.memory_space<any>> -> memref<1x16xf32, #tpu.memory_space<any>>
      tpu.enqueue_dma source(%dma_start3A_129 : memref<1x16xf32, #tpu.memory_space<any>>) target(%dma_start3A_127 : memref<1x16xf32, #tpu.memory_space<vmem>>) target_semaphore(%arg6 : memref<!tpu.dma_semaphore, #tpu.memory_space<semaphore_mem>>)
    }
    %scan3A_11 = arith.constant 256 : i32
    %scan3A_12 = arith.constant 0 : i32
    %scan3A_13 = arith.constant 256 : i32
    %scan3A_14 = arith.addi %scan3A_12, %scan3A_13 : i32
    %scan3A_15 = arith.constant 1 : i32
    scf.for %scan3A_51 = %scan3A_12 to %scan3A_14 step %scan3A_15  : i32 {
      %dma_wait3A = arith.constant 0 : i32
      %dma_wait3A_52 = arith.constant 0 : i32
      %dma_wait3A_53 = tpu.memref_slice %arg5[%dma_wait3A, %dma_wait3A_52] : memref<256x16xf32, #tpu.memory_space<vmem>> -> memref<1x16xf32, #tpu.memory_space<vmem>>
      %dma_wait3A_54 = arith.constant 0 : i32
      %dma_wait3A_55 = arith.constant 0 : i32
      %dma_wait3A_56 = tpu.memref_slice %arg1[%dma_wait3A_54, %dma_wait3A_55] : memref<32769x16xf32, #tpu.memory_space<any>> -> memref<1x16xf32, #tpu.memory_space<any>>
      tpu.wait_dma2 semaphore(%arg6 : memref<!tpu.dma_semaphore, #tpu.memory_space<semaphore_mem>>) src(%dma_wait3A_56 : memref<1x16xf32, #tpu.memory_space<any>>) dst(%dma_wait3A_53 : memref<1x16xf32, #tpu.memory_space<vmem>>)
    }
    %iota3A = tpu.iota {dimensions = array<i32: 1>} : vector<16x128xi32>
    %iota3A_16 = tpu.iota {dimensions = array<i32: 0>} : vector<16x128xi32>
    %jit3A = arith.constant 16 : i32
    %div3A = vector.broadcast %jit3A : i32 to vector<16x128xi32>
    %div3A_17 = arith.divsi %iota3A, %div3A : vector<16x128xi32>
    %sign3A = arith.constant 0 : i32
    %sign3A_18 = vector.broadcast %sign3A : i32 to vector<16x128xi32>
    %sign3A_19 = arith.cmpi sgt, %iota3A, %sign3A_18 : vector<16x128xi32>
    %sign3A_20 = arith.extui %sign3A_19 : vector<16x128xi1> to vector<16x128xi32>
    %sign3A_21 = arith.constant 0 : i32
    %sign3A_22 = vector.broadcast %sign3A_21 : i32 to vector<16x128xi32>
    %sign3A_23 = arith.cmpi slt, %iota3A, %sign3A_22 : vector<16x128xi32>
    %sign3A_24 = arith.extui %sign3A_23 : vector<16x128xi1> to vector<16x128xi32>
    %sign3A_25 = arith.subi %sign3A_20, %sign3A_24 : vector<16x128xi32>
    %sign3A_26 = arith.constant 0 : i32
    %sign3A_27 = arith.cmpi sgt, %jit3A, %sign3A_26 : i32
    %sign3A_28 = arith.extui %sign3A_27 : i1 to i32
    %sign3A_29 = arith.constant 0 : i32
    %sign3A_30 = arith.cmpi slt, %jit3A, %sign3A_29 : i32
    %sign3A_31 = arith.extui %sign3A_30 : i1 to i32
    %sign3A_32 = arith.subi %sign3A_28, %sign3A_31 : i32
    %ne3A = vector.broadcast %sign3A_32 : i32 to vector<16x128xi32>
    %ne3A_33 = arith.cmpi ne, %sign3A_25, %ne3A : vector<16x128xi32>
    %rem3A = vector.broadcast %jit3A : i32 to vector<16x128xi32>
    %rem3A_34 = arith.remsi %iota3A, %rem3A : vector<16x128xi32>
    %ne3A_35 = arith.constant 0 : i32
    %ne3A_36 = vector.broadcast %ne3A_35 : i32 to vector<16x128xi32>
    %ne3A_37 = arith.cmpi ne, %rem3A_34, %ne3A_36 : vector<16x128xi32>
    %and3A = arith.andi %ne3A_33, %ne3A_37 : vector<16x128xi1>
    %sub3A = arith.constant 1 : i32
    %sub3A_38 = vector.broadcast %sub3A : i32 to vector<16x128xi32>
    %sub3A_39 = arith.subi %div3A_17, %sub3A_38 : vector<16x128xi32>
    %select_n3A = arith.select %and3A, %sub3A_39, %div3A_17 : vector<16x128xi1>, vector<16x128xi32>
    %eq3A = arith.cmpi eq, %select_n3A, %iota3A_16 : vector<16x128xi32>
    %jit3A_40 = arith.constant 1.000000e+00 : f32
    %jit3A_41 = arith.constant 0.000000e+00 : f32
    %broadcast_in_dim3A_42 = vector.broadcast %jit3A_40 : f32 to vector<16x128xf32>
    %broadcast_in_dim3A_43 = vector.broadcast %jit3A_41 : f32 to vector<16x128xf32>
    %select_n3A_44 = arith.select %eq3A, %broadcast_in_dim3A_42, %broadcast_in_dim3A_43 : vector<16x128xi1>, vector<16x128xf32>
    %get3A = arith.constant 0 : index
    %get3A_45 = arith.constant 0 : index
    %get3A_46 = vector.load %arg5[%get3A, %get3A_45] : memref<256x16xf32, #tpu.memory_space<vmem>>, vector<256x16xf32>
    %dot_general3A = arith.constant dense<0.000000e+00> : vector<256x128xf32>
    %dot_general3A_47 = tpu.matmul %get3A_46, %select_n3A_44, %dot_general3A {dimension_numbers = #tpu.dot_dimension_numbers<[1], [0], [0], [1], [0, 0, 1, 1], [], []>, transpose_lhs_hint = false} : vector<256x16xf32>, vector<16x128xf32>, vector<256x128xf32> -> vector<256x128xf32>
    %swap3A_48 = arith.constant 0 : index
    %swap3A_49 = arith.constant 0 : index
    %swap3A_50 = vector.load %arg3[%swap3A_48, %swap3A_49] : memref<256x128xf32, #tpu.memory_space<vmem>>, vector<256x128xf32>
    tpu.vector_store %arg3[%swap3A_48, %swap3A_49], %dot_general3A_47 {strides = array<i32>} : memref<256x128xf32, #tpu.memory_space<vmem>>, vector<256x128xf32>,
    return
  }
}

module attributes {stable_mosaic.version = 14 : i64} {
  func.func @_score_kernel(%arg0: i32, %arg1: memref<8x768xf32, #tpu.memory_space<vmem>>, %arg2: memref<2048x768xf32, #tpu.memory_space<vmem>>, %arg3: memref<8x2048xf32, #tpu.memory_space<vmem>>, %arg4: memref<2048x8xf32, #tpu.memory_space<vmem>>) attributes {dimension_semantics = [#tpu.dimension_semantics<arbitrary>], iteration_bounds = array<i64: 16>, scalar_prefetch = 0 : i64, scratch_operands = 0 : i64, tpu.core_type = #tpu.core_type<tc>, window_params = [{pipeline_mode = #tpu.pipeline_mode<synchronous>, transform_indices = @transform_0, window_bounds = array<i64: 8, 768>}, {transform_indices = @transform_1, window_bounds = array<i64: 2048, 768>}, {transform_indices = @transform_2, window_bounds = array<i64: 8, 2048>}, {transform_indices = @transform_3, window_bounds = array<i64: 2048, 8>}]} {
    %get3A = arith.constant 0 : index
    %get3A_0 = arith.constant 0 : index
    %get3A_1 = vector.load %arg1[%get3A, %get3A_0] : memref<8x768xf32, #tpu.memory_space<vmem>>, vector<8x768xf32>
    %mul3A = arith.mulf %get3A_1, %get3A_1 : vector<8x768xf32>
    %reduce_sum3A = arith.constant dense<0.000000e+00> : vector<8xf32>
    %reduce_sum3A_2 = vector.multi_reduction <add>, %mul3A, %reduce_sum3A [1] : vector<8x768xf32> to vector<8xf32>
    %broadcast_in_dim3A = vector.shape_cast %reduce_sum3A_2 : vector<8xf32> to vector<8x1xf32>
    %sqrt3A = math.sqrt %broadcast_in_dim3A : vector<8x1xf32>
    %max3A = arith.constant 9.99999996E-13 : f32
    %max3A_3 = vector.broadcast %max3A : f32 to vector<8x1xf32>
    %max3A_4 = arith.maximumf %sqrt3A, %max3A_3 : vector<8x1xf32>
    %div3A = vector.broadcast %max3A_4 : vector<8x1xf32> to vector<8x768xf32>
    %div3A_5 = arith.divf %get3A_1, %div3A : vector<8x768xf32>
    %get3A_6 = arith.constant 0 : index
    %get3A_7 = arith.constant 0 : index
    %get3A_8 = vector.load %arg2[%get3A_6, %get3A_7] : memref<2048x768xf32, #tpu.memory_space<vmem>>, vector<2048x768xf32>
    %mul3A_9 = arith.mulf %get3A_8, %get3A_8 : vector<2048x768xf32>
    %reduce_sum3A_10 = arith.constant dense<0.000000e+00> : vector<2048xf32>
    %reduce_sum3A_11 = vector.multi_reduction <add>, %mul3A_9, %reduce_sum3A_10 [1] : vector<2048x768xf32> to vector<2048xf32>
    %broadcast_in_dim3A_12 = vector.shape_cast %reduce_sum3A_11 : vector<2048xf32> to vector<2048x1xf32>
    %sqrt3A_13 = math.sqrt %broadcast_in_dim3A_12 : vector<2048x1xf32>
    %max3A_14 = arith.constant 9.99999996E-13 : f32
    %max3A_15 = vector.broadcast %max3A_14 : f32 to vector<2048x1xf32>
    %max3A_16 = arith.maximumf %sqrt3A_13, %max3A_15 : vector<2048x1xf32>
    %div3A_17 = vector.broadcast %max3A_16 : vector<2048x1xf32> to vector<2048x768xf32>
    %div3A_18 = arith.divf %get3A_8, %div3A_17 : vector<2048x768xf32>
    %dot_general3A = arith.constant dense<0.000000e+00> : vector<8x2048xf32>
    %dot_general3A_19 = tpu.matmul %div3A_5, %div3A_18, %dot_general3A {dimension_numbers = #tpu.dot_dimension_numbers<[1], [1], [0], [0], [0, 0, 1, 0], [], []>, transpose_lhs_hint = false} : vector<8x768xf32>, vector<2048x768xf32>, vector<8x2048xf32> -> vector<8x2048xf32>
    %jit3A = arith.constant 0.000000e+00 : f32
    %jit3A_20 = arith.constant 1.000000e+00 : f32
    %max3A_21 = vector.broadcast %jit3A : f32 to vector<8x2048xf32>
    %max3A_22 = arith.maximumf %max3A_21, %dot_general3A_19 : vector<8x2048xf32>
    %min3A = vector.broadcast %jit3A_20 : f32 to vector<8x2048xf32>
    %min3A_23 = arith.minimumf %min3A, %max3A_22 : vector<8x2048xf32>
    %exp3A = math.exp %min3A_23 : vector<8x2048xf32>
    %swap3A = arith.constant 0 : index
    %swap3A_24 = arith.constant 0 : index
    %swap3A_25 = vector.load %arg3[%swap3A, %swap3A_24] : memref<8x2048xf32, #tpu.memory_space<vmem>>, vector<8x2048xf32>
    tpu.vector_store %arg3[%swap3A, %swap3A_24], %exp3A {strides = array<i32>} : memref<8x2048xf32, #tpu.memory_space<vmem>>, vector<8x2048xf32>,
    %dot_general3A_26 = arith.constant dense<0.000000e+00> : vector<2048x8xf32>
    %dot_general3A_27 = tpu.matmul %div3A_18, %div3A_5, %dot_general3A_26 {dimension_numbers = #tpu.dot_dimension_numbers<[1], [1], [0], [0], [0, 0, 1, 0], [], []>, transpose_lhs_hint = false} : vector<2048x768xf32>, vector<8x768xf32>, vector<2048x8xf32> -> vector<2048x8xf32>
    %jit3A_28 = arith.constant 0.000000e+00 : f32
    %jit3A_29 = arith.constant 1.000000e+00 : f32
    %max3A_30 = vector.broadcast %jit3A_28 : f32 to vector<2048x8xf32>
    %max3A_31 = arith.maximumf %max3A_30, %dot_general3A_27 : vector<2048x8xf32>
    %min3A_32 = vector.broadcast %jit3A_29 : f32 to vector<2048x8xf32>
    %min3A_33 = arith.minimumf %min3A_32, %max3A_31 : vector<2048x8xf32>
    %exp3A_34 = math.exp %min3A_33 : vector<2048x8xf32>
    %swap3A_35 = arith.constant 0 : index
    %swap3A_36 = arith.constant 0 : index
    %swap3A_37 = vector.load %arg4[%swap3A_35, %swap3A_36] : memref<2048x8xf32, #tpu.memory_space<vmem>>, vector<2048x8xf32>
    tpu.vector_store %arg4[%swap3A_35, %swap3A_36], %exp3A_34 {strides = array<i32>} : memref<2048x8xf32, #tpu.memory_space<vmem>>, vector<2048x8xf32>,
    return
  }
  func.func @transform_0(%arg0: i32) -> (i32, i32) {
    %c0_i32 = arith.constant 0 : i32
    %c0_i32_0 = arith.constant 0 : i32
    %c0_i32_1 = arith.constant 0 : i32
    return %c0_i32, %c0_i32_0 : i32, i32
  }
  func.func @transform_1(%arg0: i32) -> (i32, i32) {
    %c0_i32 = arith.constant 0 : i32
    %c0_i32_0 = arith.constant 0 : i32
    return %arg0, %c0_i32 : i32, i32
  }
  func.func @transform_2(%arg0: i32) -> (i32, i32) {
    %c0_i32 = arith.constant 0 : i32
    %c0_i32_0 = arith.constant 0 : i32
    return %c0_i32, %arg0 : i32, i32
  }
  func.func @transform_3(%arg0: i32) -> (i32, i32) {
    %c0_i32 = arith.constant 0 : i32
    %c0_i32_0 = arith.constant 0 : i32
    return %arg0, %c0_i32 : i32, i32
  }
}

module attributes {stable_mosaic.version = 14 : i64} {
  func.func @_topk_kernel(%arg0: memref<8x32768xf32, #tpu.memory_space<vmem>>, %arg1: memref<1xf32, #tpu.memory_space<smem>>, %arg2: memref<8x25xi32, #tpu.memory_space<vmem>>, %arg3: memref<8x1xf32, #tpu.memory_space<vmem>>, %arg4: memref<8x32768xf32, #tpu.memory_space<vmem>>) attributes {dimension_semantics = [], scalar_prefetch = 0 : i64, scratch_operands = 1 : i64, tpu.core_type = #tpu.core_type<tc>} {
    %get3A = arith.constant 0 : index
    %get3A_0 = arith.constant 0 : index
    %get3A_1 = vector.load %arg0[%get3A, %get3A_0] : memref<8x32768xf32, #tpu.memory_space<vmem>>, vector<8x32768xf32>
    %swap3A = arith.constant 0 : index
    %swap3A_2 = arith.constant 0 : index
    %swap3A_3 = vector.load %arg4[%swap3A, %swap3A_2] : memref<8x32768xf32, #tpu.memory_space<vmem>>, vector<8x32768xf32>
    tpu.vector_store %arg4[%swap3A, %swap3A_2], %get3A_1 {strides = array<i32>} : memref<8x32768xf32, #tpu.memory_space<vmem>>, vector<8x32768xf32>,
    %get3A_4 = arith.constant 0 : index
    %get3A_5 = memref.load %arg1[%get3A_4] : memref<1xf32, #tpu.memory_space<smem>>
    %logistic3A = arith.negf %get3A_5 : f32
    %logistic3A_6 = math.exp %logistic3A : f32
    %logistic3A_7 = arith.constant 1.000000e+00 : f32
    %logistic3A_8 = arith.addf %logistic3A_7, %logistic3A_6 : f32
    %logistic3A_9 = arith.divf %logistic3A_7, %logistic3A_8 : f32
    %mul3A = arith.constant 2.000000e+00 : f32
    %mul3A_10 = arith.mulf %mul3A, %logistic3A_9 : f32
    %get3A_11 = arith.constant 0 : index
    %get3A_12 = arith.constant 0 : index
    %get3A_13 = vector.load %arg0[%get3A_11, %get3A_12] : memref<8x32768xf32, #tpu.memory_space<vmem>>, vector<8x32768xf32>
    %reduce_sum3A = arith.constant dense<0.000000e+00> : vector<8xf32>
    %reduce_sum3A_14 = vector.multi_reduction <add>, %get3A_13, %reduce_sum3A [1] : vector<8x32768xf32> to vector<8xf32>
    %broadcast_in_dim3A = vector.shape_cast %reduce_sum3A_14 : vector<8xf32> to vector<8x1xf32>
    %div3A = vector.broadcast %mul3A_10 : f32 to vector<8x1xf32>
    %div3A_15 = arith.divf %div3A, %broadcast_in_dim3A : vector<8x1xf32>
    %swap3A_16 = arith.constant 0 : index
    %swap3A_17 = arith.constant 0 : index
    %swap3A_18 = vector.load %arg3[%swap3A_16, %swap3A_17] : memref<8x1xf32, #tpu.memory_space<vmem>>, vector<8x1xf32>
    tpu.vector_store %arg3[%swap3A_16, %swap3A_17], %div3A_15 {strides = array<i32>} : memref<8x1xf32, #tpu.memory_space<vmem>>, vector<8x1xf32>,
    %iota3A = tpu.iota {dimensions = array<i32: 1>} : vector<8x32768xi32>
    %get3A_19 = arith.constant 0 : index
    %get3A_20 = arith.constant 0 : index
    %get3A_21 = vector.load %arg4[%get3A_19, %get3A_20] : memref<8x32768xf32, #tpu.memory_space<vmem>>, vector<8x32768xf32>
    %reduce_max3A = arith.constant dense<0xFF800000> : vector<8xf32>
    %reduce_max3A_22 = vector.multi_reduction <maximumf>, %get3A_21, %reduce_max3A [1] : vector<8x32768xf32> to vector<8xf32>
    %broadcast_in_dim3A_23 = vector.shape_cast %reduce_max3A_22 : vector<8xf32> to vector<8x1xf32>
    %eq3A = vector.broadcast %broadcast_in_dim3A_23 : vector<8x1xf32> to vector<8x32768xf32>
    %eq3A_24 = arith.cmpf oeq, %get3A_21, %eq3A : vector<8x32768xf32>
    %jit3A = arith.constant 32768 : i32
    %broadcast_in_dim3A_25 = vector.broadcast %jit3A : i32 to vector<8x32768xi32>
    %select_n3A = arith.select %eq3A_24, %iota3A, %broadcast_in_dim3A_25 : vector<8x32768xi1>, vector<8x32768xi32>
    %reduce_min3A = arith.constant dense<2147483647> : vector<8xi32>
    %reduce_min3A_26 = vector.multi_reduction <minsi>, %select_n3A, %reduce_min3A [1] : vector<8x32768xi32> to vector<8xi32>
    %broadcast_in_dim3A_27 = vector.shape_cast %reduce_min3A_26 : vector<8xi32> to vector<8x1xi32>
    %swap3A_28 = arith.constant 0 : index
    %swap3A_29 = arith.constant 0 : index
    %swap3A_30 = vector.load %arg2[%swap3A_28, %swap3A_29] : memref<8x25xi32, #tpu.memory_space<vmem>>, vector<8x1xi32>
    tpu.vector_store %arg2[%swap3A_28, %swap3A_29], %broadcast_in_dim3A_27 {strides = array<i32>} : memref<8x25xi32, #tpu.memory_space<vmem>>, vector<8x1xi32>,
    %eq3A_31 = vector.broadcast %broadcast_in_dim3A_27 : vector<8x1xi32> to vector<8x32768xi32>
    %eq3A_32 = arith.cmpi eq, %iota3A, %eq3A_31 : vector<8x32768xi32>
    %jit3A_33 = arith.constant -1.000000e+00 : f32
    %broadcast_in_dim3A_34 = vector.broadcast %jit3A_33 : f32 to vector<8x32768xf32>
    %select_n3A_35 = arith.select %eq3A_32, %broadcast_in_dim3A_34, %get3A_21 : vector<8x32768xi1>, vector<8x32768xf32>
    %swap3A_36 = arith.constant 0 : index
    %swap3A_37 = arith.constant 0 : index
    %swap3A_38 = vector.load %arg4[%swap3A_36, %swap3A_37] : memref<8x32768xf32, #tpu.memory_space<vmem>>, vector<8x32768xf32>
    tpu.vector_store %arg4[%swap3A_36, %swap3A_37], %select_n3A_35 {strides = array<i32>} : memref<8x32768xf32, #tpu.memory_space<vmem>>, vector<8x32768xf32>,
    %get3A_39 = arith.constant 0 : index
    %get3A_40 = arith.constant 0 : index
    %get3A_41 = vector.load %arg4[%get3A_39, %get3A_40] : memref<8x32768xf32, #tpu.memory_space<vmem>>, vector<8x32768xf32>
    %reduce_max3A_42 = arith.constant dense<0xFF800000> : vector<8xf32>
    %reduce_max3A_43 = vector.multi_reduction <maximumf>, %get3A_41, %reduce_max3A_42 [1] : vector<8x32768xf32> to vector<8xf32>
    %broadcast_in_dim3A_44 = vector.shape_cast %reduce_max3A_43 : vector<8xf32> to vector<8x1xf32>
    %eq3A_45 = vector.broadcast %broadcast_in_dim3A_44 : vector<8x1xf32> to vector<8x32768xf32>
    %eq3A_46 = arith.cmpf oeq, %get3A_41, %eq3A_45 : vector<8x32768xf32>
    %jit3A_47 = arith.constant 32768 : i32
    %broadcast_in_dim3A_48 = vector.broadcast %jit3A_47 : i32 to vector<8x32768xi32>
    %select_n3A_49 = arith.select %eq3A_46, %iota3A, %broadcast_in_dim3A_48 : vector<8x32768xi1>, vector<8x32768xi32>
    %reduce_min3A_50 = arith.constant dense<2147483647> : vector<8xi32>
    %reduce_min3A_51 = vector.multi_reduction <minsi>, %select_n3A_49, %reduce_min3A_50 [1] : vector<8x32768xi32> to vector<8xi32>
    %broadcast_in_dim3A_52 = vector.shape_cast %reduce_min3A_51 : vector<8xi32> to vector<8x1xi32>
    %swap3A_53 = arith.constant 0 : index
    %swap3A_54 = arith.constant 1 : index
    %swap3A_55 = vector.load %arg2[%swap3A_53, %swap3A_54] : memref<8x25xi32, #tpu.memory_space<vmem>>, vector<8x1xi32>
    tpu.vector_store %arg2[%swap3A_53, %swap3A_54], %broadcast_in_dim3A_52 {strides = array<i32>} : memref<8x25xi32, #tpu.memory_space<vmem>>, vector<8x1xi32>,
    %eq3A_56 = vector.broadcast %broadcast_in_dim3A_52 : vector<8x1xi32> to vector<8x32768xi32>
    %eq3A_57 = arith.cmpi eq, %iota3A, %eq3A_56 : vector<8x32768xi32>
    %jit3A_58 = arith.constant -1.000000e+00 : f32
    %broadcast_in_dim3A_59 = vector.broadcast %jit3A_58 : f32 to vector<8x32768xf32>
    %select_n3A_60 = arith.select %eq3A_57, %broadcast_in_dim3A_59, %get3A_41 : vector<8x32768xi1>, vector<8x32768xf32>
    %swap3A_61 = arith.constant 0 : index
    %swap3A_62 = arith.constant 0 : index
    %swap3A_63 = vector.load %arg4[%swap3A_61, %swap3A_62] : memref<8x32768xf32, #tpu.memory_space<vmem>>, vector<8x32768xf32>
    tpu.vector_store %arg4[%swap3A_61, %swap3A_62], %select_n3A_60 {strides = array<i32>} : memref<8x32768xf32, #tpu.memory_space<vmem>>, vector<8x32768xf32>,
    %get3A_64 = arith.constant 0 : index
    %get3A_65 = arith.constant 0 : index
    %get3A_66 = vector.load %arg4[%get3A_64, %get3A_65] : memref<8x32768xf32, #tpu.memory_space<vmem>>, vector<8x32768xf32>
    %reduce_max3A_67 = arith.constant dense<0xFF800000> : vector<8xf32>
    %reduce_max3A_68 = vector.multi_reduction <maximumf>, %get3A_66, %reduce_max3A_67 [1] : vector<8x32768xf32> to vector<8xf32>
    %broadcast_in_dim3A_69 = vector.shape_cast %reduce_max3A_68 : vector<8xf32> to vector<8x1xf32>
    %eq3A_70 = vector.broadcast %broadcast_in_dim3A_69 : vector<8x1xf32> to vector<8x32768xf32>
    %eq3A_71 = arith.cmpf oeq, %get3A_66, %eq3A_70 : vector<8x32768xf32>
    %jit3A_72 = arith.constant 32768 : i32
    %broadcast_in_dim3A_73 = vector.broadcast %jit3A_72 : i32 to vector<8x32768xi32>
    %select_n3A_74 = arith.select %eq3A_71, %iota3A, %broadcast_in_dim3A_73 : vector<8x32768xi1>, vector<8x32768xi32>
    %reduce_min3A_75 = arith.constant dense<2147483647> : vector<8xi32>
    %reduce_min3A_76 = vector.multi_reduction <minsi>, %select_n3A_74, %reduce_min3A_75 [1] : vector<8x32768xi32> to vector<8xi32>
    %broadcast_in_dim3A_77 = vector.shape_cast %reduce_min3A_76 : vector<8xi32> to vector<8x1xi32>
    %swap3A_78 = arith.constant 0 : index
    %swap3A_79 = arith.constant 2 : index
    %swap3A_80 = vector.load %arg2[%swap3A_78, %swap3A_79] : memref<8x25xi32, #tpu.memory_space<vmem>>, vector<8x1xi32>
    tpu.vector_store %arg2[%swap3A_78, %swap3A_79], %broadcast_in_dim3A_77 {strides = array<i32>} : memref<8x25xi32, #tpu.memory_space<vmem>>, vector<8x1xi32>,
    %eq3A_81 = vector.broadcast %broadcast_in_dim3A_77 : vector<8x1xi32> to vector<8x32768xi32>
    %eq3A_82 = arith.cmpi eq, %iota3A, %eq3A_81 : vector<8x32768xi32>
    %jit3A_83 = arith.constant -1.000000e+00 : f32
    %broadcast_in_dim3A_84 = vector.broadcast %jit3A_83 : f32 to vector<8x32768xf32>
    %select_n3A_85 = arith.select %eq3A_82, %broadcast_in_dim3A_84, %get3A_66 : vector<8x32768xi1>, vector<8x32768xf32>
    %swap3A_86 = arith.constant 0 : index
    %swap3A_87 = arith.constant 0 : index
    %swap3A_88 = vector.load %arg4[%swap3A_86, %swap3A_87] : memref<8x32768xf32, #tpu.memory_space<vmem>>, vector<8x32768xf32>
    tpu.vector_store %arg4[%swap3A_86, %swap3A_87], %select_n3A_85 {strides = array<i32>} : memref<8x32768xf32, #tpu.memory_space<vmem>>, vector<8x32768xf32>,
    %get3A_89 = arith.constant 0 : index
    %get3A_90 = arith.constant 0 : index
    %get3A_91 = vector.load %arg4[%get3A_89, %get3A_90] : memref<8x32768xf32, #tpu.memory_space<vmem>>, vector<8x32768xf32>
    %reduce_max3A_92 = arith.constant dense<0xFF800000> : vector<8xf32>
    %reduce_max3A_93 = vector.multi_reduction <maximumf>, %get3A_91, %reduce_max3A_92 [1] : vector<8x32768xf32> to vector<8xf32>
    %broadcast_in_dim3A_94 = vector.shape_cast %reduce_max3A_93 : vector<8xf32> to vector<8x1xf32>
    %eq3A_95 = vector.broadcast %broadcast_in_dim3A_94 : vector<8x1xf32> to vector<8x32768xf32>
    %eq3A_96 = arith.cmpf oeq, %get3A_91, %eq3A_95 : vector<8x32768xf32>
    %jit3A_97 = arith.constant 32768 : i32
    %broadcast_in_dim3A_98 = vector.broadcast %jit3A_97 : i32 to vector<8x32768xi32>
    %select_n3A_99 = arith.select %eq3A_96, %iota3A, %broadcast_in_dim3A_98 : vector<8x32768xi1>, vector<8x32768xi32>
    %reduce_min3A_100 = arith.constant dense<2147483647> : vector<8xi32>
    %reduce_min3A_101 = vector.multi_reduction <minsi>, %select_n3A_99, %reduce_min3A_100 [1] : vector<8x32768xi32> to vector<8xi32>
    %broadcast_in_dim3A_102 = vector.shape_cast %reduce_min3A_101 : vector<8xi32> to vector<8x1xi32>
    %swap3A_103 = arith.constant 0 : index
    %swap3A_104 = arith.constant 3 : index
    %swap3A_105 = vector.load %arg2[%swap3A_103, %swap3A_104] : memref<8x25xi32, #tpu.memory_space<vmem>>, vector<8x1xi32>
    tpu.vector_store %arg2[%swap3A_103, %swap3A_104], %broadcast_in_dim3A_102 {strides = array<i32>} : memref<8x25xi32, #tpu.memory_space<vmem>>, vector<8x1xi32>,
    %eq3A_106 = vector.broadcast %broadcast_in_dim3A_102 : vector<8x1xi32> to vector<8x32768xi32>
    %eq3A_107 = arith.cmpi eq, %iota3A, %eq3A_106 : vector<8x32768xi32>
    %jit3A_108 = arith.constant -1.000000e+00 : f32
    %broadcast_in_dim3A_109 = vector.broadcast %jit3A_108 : f32 to vector<8x32768xf32>
    %select_n3A_110 = arith.select %eq3A_107, %broadcast_in_dim3A_109, %get3A_91 : vector<8x32768xi1>, vector<8x32768xf32>
    %swap3A_111 = arith.constant 0 : index
    %swap3A_112 = arith.constant 0 : index
    %swap3A_113 = vector.load %arg4[%swap3A_111, %swap3A_112] : memref<8x32768xf32, #tpu.memory_space<vmem>>, vector<8x32768xf32>
    tpu.vector_store %arg4[%swap3A_111, %swap3A_112], %select_n3A_110 {strides = array<i32>} : memref<8x32768xf32, #tpu.memory_space<vmem>>, vector<8x32768xf32>,
    %get3A_114 = arith.constant 0 : index
    %get3A_115 = arith.constant 0 : index
    %get3A_116 = vector.load %arg4[%get3A_114, %get3A_115] : memref<8x32768xf32, #tpu.memory_space<vmem>>, vector<8x32768xf32>
    %reduce_max3A_117 = arith.constant dense<0xFF800000> : vector<8xf32>
    %reduce_max3A_118 = vector.multi_reduction <maximumf>, %get3A_116, %reduce_max3A_117 [1] : vector<8x32768xf32> to vector<8xf32>
    %broadcast_in_dim3A_119 = vector.shape_cast %reduce_max3A_118 : vector<8xf32> to vector<8x1xf32>
    %eq3A_120 = vector.broadcast %broadcast_in_dim3A_119 : vector<8x1xf32> to vector<8x32768xf32>
    %eq3A_121 = arith.cmpf oeq, %get3A_116, %eq3A_120 : vector<8x32768xf32>
    %jit3A_122 = arith.constant 32768 : i32
    %broadcast_in_dim3A_123 = vector.broadcast %jit3A_122 : i32 to vector<8x32768xi32>
    %select_n3A_124 = arith.select %eq3A_121, %iota3A, %broadcast_in_dim3A_123 : vector<8x32768xi1>, vector<8x32768xi32>
    %reduce_min3A_125 = arith.constant dense<2147483647> : vector<8xi32>
    %reduce_min3A_126 = vector.multi_reduction <minsi>, %select_n3A_124, %reduce_min3A_125 [1] : vector<8x32768xi32> to vector<8xi32>
    %broadcast_in_dim3A_127 = vector.shape_cast %reduce_min3A_126 : vector<8xi32> to vector<8x1xi32>
    %swap3A_128 = arith.constant 0 : index
    %swap3A_129 = arith.constant 4 : index
    %swap3A_130 = vector.load %arg2[%swap3A_128, %swap3A_129] : memref<8x25xi32, #tpu.memory_space<vmem>>, vector<8x1xi32>
    tpu.vector_store %arg2[%swap3A_128, %swap3A_129], %broadcast_in_dim3A_127 {strides = array<i32>} : memref<8x25xi32, #tpu.memory_space<vmem>>, vector<8x1xi32>,
    %eq3A_131 = vector.broadcast %broadcast_in_dim3A_127 : vector<8x1xi32> to vector<8x32768xi32>
    %eq3A_132 = arith.cmpi eq, %iota3A, %eq3A_131 : vector<8x32768xi32>
    %jit3A_133 = arith.constant -1.000000e+00 : f32
    %broadcast_in_dim3A_134 = vector.broadcast %jit3A_133 : f32 to vector<8x32768xf32>
    %select_n3A_135 = arith.select %eq3A_132, %broadcast_in_dim3A_134, %get3A_116 : vector<8x32768xi1>, vector<8x32768xf32>
    %swap3A_136 = arith.constant 0 : index
    %swap3A_137 = arith.constant 0 : index
    %swap3A_138 = vector.load %arg4[%swap3A_136, %swap3A_137] : memref<8x32768xf32, #tpu.memory_space<vmem>>, vector<8x32768xf32>
    tpu.vector_store %arg4[%swap3A_136, %swap3A_137], %select_n3A_135 {strides = array<i32>} : memref<8x32768xf32, #tpu.memory_space<vmem>>, vector<8x32768xf32>,
    %get3A_139 = arith.constant 0 : index
    %get3A_140 = arith.constant 0 : index
    %get3A_141 = vector.load %arg4[%get3A_139, %get3A_140] : memref<8x32768xf32, #tpu.memory_space<vmem>>, vector<8x32768xf32>
    %reduce_max3A_142 = arith.constant dense<0xFF800000> : vector<8xf32>
    %reduce_max3A_143 = vector.multi_reduction <maximumf>, %get3A_141, %reduce_max3A_142 [1] : vector<8x32768xf32> to vector<8xf32>
    %broadcast_in_dim3A_144 = vector.shape_cast %reduce_max3A_143 : vector<8xf32> to vector<8x1xf32>
    %eq3A_145 = vector.broadcast %broadcast_in_dim3A_144 : vector<8x1xf32> to vector<8x32768xf32>
    %eq3A_146 = arith.cmpf oeq, %get3A_141, %eq3A_145 : vector<8x32768xf32>
    %jit3A_147 = arith.constant 32768 : i32
    %broadcast_in_dim3A_148 = vector.broadcast %jit3A_147 : i32 to vector<8x32768xi32>
    %select_n3A_149 = arith.select %eq3A_146, %iota3A, %broadcast_in_dim3A_148 : vector<8x32768xi1>, vector<8x32768xi32>
    %reduce_min3A_150 = arith.constant dense<2147483647> : vector<8xi32>
    %reduce_min3A_151 = vector.multi_reduction <minsi>, %select_n3A_149, %reduce_min3A_150 [1] : vector<8x32768xi32> to vector<8xi32>
    %broadcast_in_dim3A_152 = vector.shape_cast %reduce_min3A_151 : vector<8xi32> to vector<8x1xi32>
    %swap3A_153 = arith.constant 0 : index
    %swap3A_154 = arith.constant 5 : index
    %swap3A_155 = vector.load %arg2[%swap3A_153, %swap3A_154] : memref<8x25xi32, #tpu.memory_space<vmem>>, vector<8x1xi32>
    tpu.vector_store %arg2[%swap3A_153, %swap3A_154], %broadcast_in_dim3A_152 {strides = array<i32>} : memref<8x25xi32, #tpu.memory_space<vmem>>, vector<8x1xi32>,
    %eq3A_156 = vector.broadcast %broadcast_in_dim3A_152 : vector<8x1xi32> to vector<8x32768xi32>
    %eq3A_157 = arith.cmpi eq, %iota3A, %eq3A_156 : vector<8x32768xi32>
    %jit3A_158 = arith.constant -1.000000e+00 : f32
    %broadcast_in_dim3A_159 = vector.broadcast %jit3A_158 : f32 to vector<8x32768xf32>
    %select_n3A_160 = arith.select %eq3A_157, %broadcast_in_dim3A_159, %get3A_141 : vector<8x32768xi1>, vector<8x32768xf32>
    %swap3A_161 = arith.constant 0 : index
    %swap3A_162 = arith.constant 0 : index
    %swap3A_163 = vector.load %arg4[%swap3A_161, %swap3A_162] : memref<8x32768xf32, #tpu.memory_space<vmem>>, vector<8x32768xf32>
    tpu.vector_store %arg4[%swap3A_161, %swap3A_162], %select_n3A_160 {strides = array<i32>} : memref<8x32768xf32, #tpu.memory_space<vmem>>, vector<8x32768xf32>,
    %get3A_164 = arith.constant 0 : index
    %get3A_165 = arith.constant 0 : index
    %get3A_166 = vector.load %arg4[%get3A_164, %get3A_165] : memref<8x32768xf32, #tpu.memory_space<vmem>>, vector<8x32768xf32>
    %reduce_max3A_167 = arith.constant dense<0xFF800000> : vector<8xf32>
    %reduce_max3A_168 = vector.multi_reduction <maximumf>, %get3A_166, %reduce_max3A_167 [1] : vector<8x32768xf32> to vector<8xf32>
    %broadcast_in_dim3A_169 = vector.shape_cast %reduce_max3A_168 : vector<8xf32> to vector<8x1xf32>
    %eq3A_170 = vector.broadcast %broadcast_in_dim3A_169 : vector<8x1xf32> to vector<8x32768xf32>
    %eq3A_171 = arith.cmpf oeq, %get3A_166, %eq3A_170 : vector<8x32768xf32>
    %jit3A_172 = arith.constant 32768 : i32
    %broadcast_in_dim3A_173 = vector.broadcast %jit3A_172 : i32 to vector<8x32768xi32>
    %select_n3A_174 = arith.select %eq3A_171, %iota3A, %broadcast_in_dim3A_173 : vector<8x32768xi1>, vector<8x32768xi32>
    %reduce_min3A_175 = arith.constant dense<2147483647> : vector<8xi32>
    %reduce_min3A_176 = vector.multi_reduction <minsi>, %select_n3A_174, %reduce_min3A_175 [1] : vector<8x32768xi32> to vector<8xi32>
    %broadcast_in_dim3A_177 = vector.shape_cast %reduce_min3A_176 : vector<8xi32> to vector<8x1xi32>
    %swap3A_178 = arith.constant 0 : index
    %swap3A_179 = arith.constant 6 : index
    %swap3A_180 = vector.load %arg2[%swap3A_178, %swap3A_179] : memref<8x25xi32, #tpu.memory_space<vmem>>, vector<8x1xi32>
    tpu.vector_store %arg2[%swap3A_178, %swap3A_179], %broadcast_in_dim3A_177 {strides = array<i32>} : memref<8x25xi32, #tpu.memory_space<vmem>>, vector<8x1xi32>,
    %eq3A_181 = vector.broadcast %broadcast_in_dim3A_177 : vector<8x1xi32> to vector<8x32768xi32>
    %eq3A_182 = arith.cmpi eq, %iota3A, %eq3A_181 : vector<8x32768xi32>
    %jit3A_183 = arith.constant -1.000000e+00 : f32
    %broadcast_in_dim3A_184 = vector.broadcast %jit3A_183 : f32 to vector<8x32768xf32>
    %select_n3A_185 = arith.select %eq3A_182, %broadcast_in_dim3A_184, %get3A_166 : vector<8x32768xi1>, vector<8x32768xf32>
    %swap3A_186 = arith.constant 0 : index
    %swap3A_187 = arith.constant 0 : index
    %swap3A_188 = vector.load %arg4[%swap3A_186, %swap3A_187] : memref<8x32768xf32, #tpu.memory_space<vmem>>, vector<8x32768xf32>
    tpu.vector_store %arg4[%swap3A_186, %swap3A_187], %select_n3A_185 {strides = array<i32>} : memref<8x32768xf32, #tpu.memory_space<vmem>>, vector<8x32768xf32>,
    %get3A_189 = arith.constant 0 : index
    %get3A_190 = arith.constant 0 : index
    %get3A_191 = vector.load %arg4[%get3A_189, %get3A_190] : memref<8x32768xf32, #tpu.memory_space<vmem>>, vector<8x32768xf32>
    %reduce_max3A_192 = arith.constant dense<0xFF800000> : vector<8xf32>
    %reduce_max3A_193 = vector.multi_reduction <maximumf>, %get3A_191, %reduce_max3A_192 [1] : vector<8x32768xf32> to vector<8xf32>
    %broadcast_in_dim3A_194 = vector.shape_cast %reduce_max3A_193 : vector<8xf32> to vector<8x1xf32>
    %eq3A_195 = vector.broadcast %broadcast_in_dim3A_194 : vector<8x1xf32> to vector<8x32768xf32>
    %eq3A_196 = arith.cmpf oeq, %get3A_191, %eq3A_195 : vector<8x32768xf32>
    %jit3A_197 = arith.constant 32768 : i32
    %broadcast_in_dim3A_198 = vector.broadcast %jit3A_197 : i32 to vector<8x32768xi32>
    %select_n3A_199 = arith.select %eq3A_196, %iota3A, %broadcast_in_dim3A_198 : vector<8x32768xi1>, vector<8x32768xi32>
    %reduce_min3A_200 = arith.constant dense<2147483647> : vector<8xi32>
    %reduce_min3A_201 = vector.multi_reduction <minsi>, %select_n3A_199, %reduce_min3A_200 [1] : vector<8x32768xi32> to vector<8xi32>
    %broadcast_in_dim3A_202 = vector.shape_cast %reduce_min3A_201 : vector<8xi32> to vector<8x1xi32>
    %swap3A_203 = arith.constant 0 : index
    %swap3A_204 = arith.constant 7 : index
    %swap3A_205 = vector.load %arg2[%swap3A_203, %swap3A_204] : memref<8x25xi32, #tpu.memory_space<vmem>>, vector<8x1xi32>
    tpu.vector_store %arg2[%swap3A_203, %swap3A_204], %broadcast_in_dim3A_202 {strides = array<i32>} : memref<8x25xi32, #tpu.memory_space<vmem>>, vector<8x1xi32>,
    %eq3A_206 = vector.broadcast %broadcast_in_dim3A_202 : vector<8x1xi32> to vector<8x32768xi32>
    %eq3A_207 = arith.cmpi eq, %iota3A, %eq3A_206 : vector<8x32768xi32>
    %jit3A_208 = arith.constant -1.000000e+00 : f32
    %broadcast_in_dim3A_209 = vector.broadcast %jit3A_208 : f32 to vector<8x32768xf32>
    %select_n3A_210 = arith.select %eq3A_207, %broadcast_in_dim3A_209, %get3A_191 : vector<8x32768xi1>, vector<8x32768xf32>
    %swap3A_211 = arith.constant 0 : index
    %swap3A_212 = arith.constant 0 : index
    %swap3A_213 = vector.load %arg4[%swap3A_211, %swap3A_212] : memref<8x32768xf32, #tpu.memory_space<vmem>>, vector<8x32768xf32>
    tpu.vector_store %arg4[%swap3A_211, %swap3A_212], %select_n3A_210 {strides = array<i32>} : memref<8x32768xf32, #tpu.memory_space<vmem>>, vector<8x32768xf32>,
    %get3A_214 = arith.constant 0 : index
    %get3A_215 = arith.constant 0 : index
    %get3A_216 = vector.load %arg4[%get3A_214, %get3A_215] : memref<8x32768xf32, #tpu.memory_space<vmem>>, vector<8x32768xf32>
    %reduce_max3A_217 = arith.constant dense<0xFF800000> : vector<8xf32>
    %reduce_max3A_218 = vector.multi_reduction <maximumf>, %get3A_216, %reduce_max3A_217 [1] : vector<8x32768xf32> to vector<8xf32>
    %broadcast_in_dim3A_219 = vector.shape_cast %reduce_max3A_218 : vector<8xf32> to vector<8x1xf32>
    %eq3A_220 = vector.broadcast %broadcast_in_dim3A_219 : vector<8x1xf32> to vector<8x32768xf32>
    %eq3A_221 = arith.cmpf oeq, %get3A_216, %eq3A_220 : vector<8x32768xf32>
    %jit3A_222 = arith.constant 32768 : i32
    %broadcast_in_dim3A_223 = vector.broadcast %jit3A_222 : i32 to vector<8x32768xi32>
    %select_n3A_224 = arith.select %eq3A_221, %iota3A, %broadcast_in_dim3A_223 : vector<8x32768xi1>, vector<8x32768xi32>
    %reduce_min3A_225 = arith.constant dense<2147483647> : vector<8xi32>
    %reduce_min3A_226 = vector.multi_reduction <minsi>, %select_n3A_224, %reduce_min3A_225 [1] : vector<8x32768xi32> to vector<8xi32>
    %broadcast_in_dim3A_227 = vector.shape_cast %reduce_min3A_226 : vector<8xi32> to vector<8x1xi32>
    %swap3A_228 = arith.constant 0 : index
    %swap3A_229 = arith.constant 8 : index
    %swap3A_230 = vector.load %arg2[%swap3A_228, %swap3A_229] : memref<8x25xi32, #tpu.memory_space<vmem>>, vector<8x1xi32>
    tpu.vector_store %arg2[%swap3A_228, %swap3A_229], %broadcast_in_dim3A_227 {strides = array<i32>} : memref<8x25xi32, #tpu.memory_space<vmem>>, vector<8x1xi32>,
    %eq3A_231 = vector.broadcast %broadcast_in_dim3A_227 : vector<8x1xi32> to vector<8x32768xi32>
    %eq3A_232 = arith.cmpi eq, %iota3A, %eq3A_231 : vector<8x32768xi32>
    %jit3A_233 = arith.constant -1.000000e+00 : f32
    %broadcast_in_dim3A_234 = vector.broadcast %jit3A_233 : f32 to vector<8x32768xf32>
    %select_n3A_235 = arith.select %eq3A_232, %broadcast_in_dim3A_234, %get3A_216 : vector<8x32768xi1>, vector<8x32768xf32>
    %swap3A_236 = arith.constant 0 : index
    %swap3A_237 = arith.constant 0 : index
    %swap3A_238 = vector.load %arg4[%swap3A_236, %swap3A_237] : memref<8x32768xf32, #tpu.memory_space<vmem>>, vector<8x32768xf32>
    tpu.vector_store %arg4[%swap3A_236, %swap3A_237], %select_n3A_235 {strides = array<i32>} : memref<8x32768xf32, #tpu.memory_space<vmem>>, vector<8x32768xf32>,
    %get3A_239 = arith.constant 0 : index
    %get3A_240 = arith.constant 0 : index
    %get3A_241 = vector.load %arg4[%get3A_239, %get3A_240] : memref<8x32768xf32, #tpu.memory_space<vmem>>, vector<8x32768xf32>
    %reduce_max3A_242 = arith.constant dense<0xFF800000> : vector<8xf32>
    %reduce_max3A_243 = vector.multi_reduction <maximumf>, %get3A_241, %reduce_max3A_242 [1] : vector<8x32768xf32> to vector<8xf32>
    %broadcast_in_dim3A_244 = vector.shape_cast %reduce_max3A_243 : vector<8xf32> to vector<8x1xf32>
    %eq3A_245 = vector.broadcast %broadcast_in_dim3A_244 : vector<8x1xf32> to vector<8x32768xf32>
    %eq3A_246 = arith.cmpf oeq, %get3A_241, %eq3A_245 : vector<8x32768xf32>
    %jit3A_247 = arith.constant 32768 : i32
    %broadcast_in_dim3A_248 = vector.broadcast %jit3A_247 : i32 to vector<8x32768xi32>
    %select_n3A_249 = arith.select %eq3A_246, %iota3A, %broadcast_in_dim3A_248 : vector<8x32768xi1>, vector<8x32768xi32>
    %reduce_min3A_250 = arith.constant dense<2147483647> : vector<8xi32>
    %reduce_min3A_251 = vector.multi_reduction <minsi>, %select_n3A_249, %reduce_min3A_250 [1] : vector<8x32768xi32> to vector<8xi32>
    %broadcast_in_dim3A_252 = vector.shape_cast %reduce_min3A_251 : vector<8xi32> to vector<8x1xi32>
    %swap3A_253 = arith.constant 0 : index
    %swap3A_254 = arith.constant 9 : index
    %swap3A_255 = vector.load %arg2[%swap3A_253, %swap3A_254] : memref<8x25xi32, #tpu.memory_space<vmem>>, vector<8x1xi32>
    tpu.vector_store %arg2[%swap3A_253, %swap3A_254], %broadcast_in_dim3A_252 {strides = array<i32>} : memref<8x25xi32, #tpu.memory_space<vmem>>, vector<8x1xi32>,
    %eq3A_256 = vector.broadcast %broadcast_in_dim3A_252 : vector<8x1xi32> to vector<8x32768xi32>
    %eq3A_257 = arith.cmpi eq, %iota3A, %eq3A_256 : vector<8x32768xi32>
    %jit3A_258 = arith.constant -1.000000e+00 : f32
    %broadcast_in_dim3A_259 = vector.broadcast %jit3A_258 : f32 to vector<8x32768xf32>
    %select_n3A_260 = arith.select %eq3A_257, %broadcast_in_dim3A_259, %get3A_241 : vector<8x32768xi1>, vector<8x32768xf32>
    %swap3A_261 = arith.constant 0 : index
    %swap3A_262 = arith.constant 0 : index
    %swap3A_263 = vector.load %arg4[%swap3A_261, %swap3A_262] : memref<8x32768xf32, #tpu.memory_space<vmem>>, vector<8x32768xf32>
    tpu.vector_store %arg4[%swap3A_261, %swap3A_262], %select_n3A_260 {strides = array<i32>} : memref<8x32768xf32, #tpu.memory_space<vmem>>, vector<8x32768xf32>,
    %get3A_264 = arith.constant 0 : index
    %get3A_265 = arith.constant 0 : index
    %get3A_266 = vector.load %arg4[%get3A_264, %get3A_265] : memref<8x32768xf32, #tpu.memory_space<vmem>>, vector<8x32768xf32>
    %reduce_max3A_267 = arith.constant dense<0xFF800000> : vector<8xf32>
    %reduce_max3A_268 = vector.multi_reduction <maximumf>, %get3A_266, %reduce_max3A_267 [1] : vector<8x32768xf32> to vector<8xf32>
    %broadcast_in_dim3A_269 = vector.shape_cast %reduce_max3A_268 : vector<8xf32> to vector<8x1xf32>
    %eq3A_270 = vector.broadcast %broadcast_in_dim3A_269 : vector<8x1xf32> to vector<8x32768xf32>
    %eq3A_271 = arith.cmpf oeq, %get3A_266, %eq3A_270 : vector<8x32768xf32>
    %jit3A_272 = arith.constant 32768 : i32
    %broadcast_in_dim3A_273 = vector.broadcast %jit3A_272 : i32 to vector<8x32768xi32>
    %select_n3A_274 = arith.select %eq3A_271, %iota3A, %broadcast_in_dim3A_273 : vector<8x32768xi1>, vector<8x32768xi32>
    %reduce_min3A_275 = arith.constant dense<2147483647> : vector<8xi32>
    %reduce_min3A_276 = vector.multi_reduction <minsi>, %select_n3A_274, %reduce_min3A_275 [1] : vector<8x32768xi32> to vector<8xi32>
    %broadcast_in_dim3A_277 = vector.shape_cast %reduce_min3A_276 : vector<8xi32> to vector<8x1xi32>
    %swap3A_278 = arith.constant 0 : index
    %swap3A_279 = arith.constant 10 : index
    %swap3A_280 = vector.load %arg2[%swap3A_278, %swap3A_279] : memref<8x25xi32, #tpu.memory_space<vmem>>, vector<8x1xi32>
    tpu.vector_store %arg2[%swap3A_278, %swap3A_279], %broadcast_in_dim3A_277 {strides = array<i32>} : memref<8x25xi32, #tpu.memory_space<vmem>>, vector<8x1xi32>,
    %eq3A_281 = vector.broadcast %broadcast_in_dim3A_277 : vector<8x1xi32> to vector<8x32768xi32>
    %eq3A_282 = arith.cmpi eq, %iota3A, %eq3A_281 : vector<8x32768xi32>
    %jit3A_283 = arith.constant -1.000000e+00 : f32
    %broadcast_in_dim3A_284 = vector.broadcast %jit3A_283 : f32 to vector<8x32768xf32>
    %select_n3A_285 = arith.select %eq3A_282, %broadcast_in_dim3A_284, %get3A_266 : vector<8x32768xi1>, vector<8x32768xf32>
    %swap3A_286 = arith.constant 0 : index
    %swap3A_287 = arith.constant 0 : index
    %swap3A_288 = vector.load %arg4[%swap3A_286, %swap3A_287] : memref<8x32768xf32, #tpu.memory_space<vmem>>, vector<8x32768xf32>
    tpu.vector_store %arg4[%swap3A_286, %swap3A_287], %select_n3A_285 {strides = array<i32>} : memref<8x32768xf32, #tpu.memory_space<vmem>>, vector<8x32768xf32>,
    %get3A_289 = arith.constant 0 : index
    %get3A_290 = arith.constant 0 : index
    %get3A_291 = vector.load %arg4[%get3A_289, %get3A_290] : memref<8x32768xf32, #tpu.memory_space<vmem>>, vector<8x32768xf32>
    %reduce_max3A_292 = arith.constant dense<0xFF800000> : vector<8xf32>
    %reduce_max3A_293 = vector.multi_reduction <maximumf>, %get3A_291, %reduce_max3A_292 [1] : vector<8x32768xf32> to vector<8xf32>
    %broadcast_in_dim3A_294 = vector.shape_cast %reduce_max3A_293 : vector<8xf32> to vector<8x1xf32>
    %eq3A_295 = vector.broadcast %broadcast_in_dim3A_294 : vector<8x1xf32> to vector<8x32768xf32>
    %eq3A_296 = arith.cmpf oeq, %get3A_291, %eq3A_295 : vector<8x32768xf32>
    %jit3A_297 = arith.constant 32768 : i32
    %broadcast_in_dim3A_298 = vector.broadcast %jit3A_297 : i32 to vector<8x32768xi32>
    %select_n3A_299 = arith.select %eq3A_296, %iota3A, %broadcast_in_dim3A_298 : vector<8x32768xi1>, vector<8x32768xi32>
    %reduce_min3A_300 = arith.constant dense<2147483647> : vector<8xi32>
    %reduce_min3A_301 = vector.multi_reduction <minsi>, %select_n3A_299, %reduce_min3A_300 [1] : vector<8x32768xi32> to vector<8xi32>
    %broadcast_in_dim3A_302 = vector.shape_cast %reduce_min3A_301 : vector<8xi32> to vector<8x1xi32>
    %swap3A_303 = arith.constant 0 : index
    %swap3A_304 = arith.constant 11 : index
    %swap3A_305 = vector.load %arg2[%swap3A_303, %swap3A_304] : memref<8x25xi32, #tpu.memory_space<vmem>>, vector<8x1xi32>
    tpu.vector_store %arg2[%swap3A_303, %swap3A_304], %broadcast_in_dim3A_302 {strides = array<i32>} : memref<8x25xi32, #tpu.memory_space<vmem>>, vector<8x1xi32>,
    %eq3A_306 = vector.broadcast %broadcast_in_dim3A_302 : vector<8x1xi32> to vector<8x32768xi32>
    %eq3A_307 = arith.cmpi eq, %iota3A, %eq3A_306 : vector<8x32768xi32>
    %jit3A_308 = arith.constant -1.000000e+00 : f32
    %broadcast_in_dim3A_309 = vector.broadcast %jit3A_308 : f32 to vector<8x32768xf32>
    %select_n3A_310 = arith.select %eq3A_307, %broadcast_in_dim3A_309, %get3A_291 : vector<8x32768xi1>, vector<8x32768xf32>
    %swap3A_311 = arith.constant 0 : index
    %swap3A_312 = arith.constant 0 : index
    %swap3A_313 = vector.load %arg4[%swap3A_311, %swap3A_312] : memref<8x32768xf32, #tpu.memory_space<vmem>>, vector<8x32768xf32>
    tpu.vector_store %arg4[%swap3A_311, %swap3A_312], %select_n3A_310 {strides = array<i32>} : memref<8x32768xf32, #tpu.memory_space<vmem>>, vector<8x32768xf32>,
    %get3A_314 = arith.constant 0 : index
    %get3A_315 = arith.constant 0 : index
    %get3A_316 = vector.load %arg4[%get3A_314, %get3A_315] : memref<8x32768xf32, #tpu.memory_space<vmem>>, vector<8x32768xf32>
    %reduce_max3A_317 = arith.constant dense<0xFF800000> : vector<8xf32>
    %reduce_max3A_318 = vector.multi_reduction <maximumf>, %get3A_316, %reduce_max3A_317 [1] : vector<8x32768xf32> to vector<8xf32>
    %broadcast_in_dim3A_319 = vector.shape_cast %reduce_max3A_318 : vector<8xf32> to vector<8x1xf32>
    %eq3A_320 = vector.broadcast %broadcast_in_dim3A_319 : vector<8x1xf32> to vector<8x32768xf32>
    %eq3A_321 = arith.cmpf oeq, %get3A_316, %eq3A_320 : vector<8x32768xf32>
    %jit3A_322 = arith.constant 32768 : i32
    %broadcast_in_dim3A_323 = vector.broadcast %jit3A_322 : i32 to vector<8x32768xi32>
    %select_n3A_324 = arith.select %eq3A_321, %iota3A, %broadcast_in_dim3A_323 : vector<8x32768xi1>, vector<8x32768xi32>
    %reduce_min3A_325 = arith.constant dense<2147483647> : vector<8xi32>
    %reduce_min3A_326 = vector.multi_reduction <minsi>, %select_n3A_324, %reduce_min3A_325 [1] : vector<8x32768xi32> to vector<8xi32>
    %broadcast_in_dim3A_327 = vector.shape_cast %reduce_min3A_326 : vector<8xi32> to vector<8x1xi32>
    %swap3A_328 = arith.constant 0 : index
    %swap3A_329 = arith.constant 12 : index
    %swap3A_330 = vector.load %arg2[%swap3A_328, %swap3A_329] : memref<8x25xi32, #tpu.memory_space<vmem>>, vector<8x1xi32>
    tpu.vector_store %arg2[%swap3A_328, %swap3A_329], %broadcast_in_dim3A_327 {strides = array<i32>} : memref<8x25xi32, #tpu.memory_space<vmem>>, vector<8x1xi32>,
    %eq3A_331 = vector.broadcast %broadcast_in_dim3A_327 : vector<8x1xi32> to vector<8x32768xi32>
    %eq3A_332 = arith.cmpi eq, %iota3A, %eq3A_331 : vector<8x32768xi32>
    %jit3A_333 = arith.constant -1.000000e+00 : f32
    %broadcast_in_dim3A_334 = vector.broadcast %jit3A_333 : f32 to vector<8x32768xf32>
    %select_n3A_335 = arith.select %eq3A_332, %broadcast_in_dim3A_334, %get3A_316 : vector<8x32768xi1>, vector<8x32768xf32>
    %swap3A_336 = arith.constant 0 : index
    %swap3A_337 = arith.constant 0 : index
    %swap3A_338 = vector.load %arg4[%swap3A_336, %swap3A_337] : memref<8x32768xf32, #tpu.memory_space<vmem>>, vector<8x32768xf32>
    tpu.vector_store %arg4[%swap3A_336, %swap3A_337], %select_n3A_335 {strides = array<i32>} : memref<8x32768xf32, #tpu.memory_space<vmem>>, vector<8x32768xf32>,
    %get3A_339 = arith.constant 0 : index
    %get3A_340 = arith.constant 0 : index
    %get3A_341 = vector.load %arg4[%get3A_339, %get3A_340] : memref<8x32768xf32, #tpu.memory_space<vmem>>, vector<8x32768xf32>
    %reduce_max3A_342 = arith.constant dense<0xFF800000> : vector<8xf32>
    %reduce_max3A_343 = vector.multi_reduction <maximumf>, %get3A_341, %reduce_max3A_342 [1] : vector<8x32768xf32> to vector<8xf32>
    %broadcast_in_dim3A_344 = vector.shape_cast %reduce_max3A_343 : vector<8xf32> to vector<8x1xf32>
    %eq3A_345 = vector.broadcast %broadcast_in_dim3A_344 : vector<8x1xf32> to vector<8x32768xf32>
    %eq3A_346 = arith.cmpf oeq, %get3A_341, %eq3A_345 : vector<8x32768xf32>
    %jit3A_347 = arith.constant 32768 : i32
    %broadcast_in_dim3A_348 = vector.broadcast %jit3A_347 : i32 to vector<8x32768xi32>
    %select_n3A_349 = arith.select %eq3A_346, %iota3A, %broadcast_in_dim3A_348 : vector<8x32768xi1>, vector<8x32768xi32>
    %reduce_min3A_350 = arith.constant dense<2147483647> : vector<8xi32>
    %reduce_min3A_351 = vector.multi_reduction <minsi>, %select_n3A_349, %reduce_min3A_350 [1] : vector<8x32768xi32> to vector<8xi32>
    %broadcast_in_dim3A_352 = vector.shape_cast %reduce_min3A_351 : vector<8xi32> to vector<8x1xi32>
    %swap3A_353 = arith.constant 0 : index
    %swap3A_354 = arith.constant 13 : index
    %swap3A_355 = vector.load %arg2[%swap3A_353, %swap3A_354] : memref<8x25xi32, #tpu.memory_space<vmem>>, vector<8x1xi32>
    tpu.vector_store %arg2[%swap3A_353, %swap3A_354], %broadcast_in_dim3A_352 {strides = array<i32>} : memref<8x25xi32, #tpu.memory_space<vmem>>, vector<8x1xi32>,
    %eq3A_356 = vector.broadcast %broadcast_in_dim3A_352 : vector<8x1xi32> to vector<8x32768xi32>
    %eq3A_357 = arith.cmpi eq, %iota3A, %eq3A_356 : vector<8x32768xi32>
    %jit3A_358 = arith.constant -1.000000e+00 : f32
    %broadcast_in_dim3A_359 = vector.broadcast %jit3A_358 : f32 to vector<8x32768xf32>
    %select_n3A_360 = arith.select %eq3A_357, %broadcast_in_dim3A_359, %get3A_341 : vector<8x32768xi1>, vector<8x32768xf32>
    %swap3A_361 = arith.constant 0 : index
    %swap3A_362 = arith.constant 0 : index
    %swap3A_363 = vector.load %arg4[%swap3A_361, %swap3A_362] : memref<8x32768xf32, #tpu.memory_space<vmem>>, vector<8x32768xf32>
    tpu.vector_store %arg4[%swap3A_361, %swap3A_362], %select_n3A_360 {strides = array<i32>} : memref<8x32768xf32, #tpu.memory_space<vmem>>, vector<8x32768xf32>,
    %get3A_364 = arith.constant 0 : index
    %get3A_365 = arith.constant 0 : index
    %get3A_366 = vector.load %arg4[%get3A_364, %get3A_365] : memref<8x32768xf32, #tpu.memory_space<vmem>>, vector<8x32768xf32>
    %reduce_max3A_367 = arith.constant dense<0xFF800000> : vector<8xf32>
    %reduce_max3A_368 = vector.multi_reduction <maximumf>, %get3A_366, %reduce_max3A_367 [1] : vector<8x32768xf32> to vector<8xf32>
    %broadcast_in_dim3A_369 = vector.shape_cast %reduce_max3A_368 : vector<8xf32> to vector<8x1xf32>
    %eq3A_370 = vector.broadcast %broadcast_in_dim3A_369 : vector<8x1xf32> to vector<8x32768xf32>
    %eq3A_371 = arith.cmpf oeq, %get3A_366, %eq3A_370 : vector<8x32768xf32>
    %jit3A_372 = arith.constant 32768 : i32
    %broadcast_in_dim3A_373 = vector.broadcast %jit3A_372 : i32 to vector<8x32768xi32>
    %select_n3A_374 = arith.select %eq3A_371, %iota3A, %broadcast_in_dim3A_373 : vector<8x32768xi1>, vector<8x32768xi32>
    %reduce_min3A_375 = arith.constant dense<2147483647> : vector<8xi32>
    %reduce_min3A_376 = vector.multi_reduction <minsi>, %select_n3A_374, %reduce_min3A_375 [1] : vector<8x32768xi32> to vector<8xi32>
    %broadcast_in_dim3A_377 = vector.shape_cast %reduce_min3A_376 : vector<8xi32> to vector<8x1xi32>
    %swap3A_378 = arith.constant 0 : index
    %swap3A_379 = arith.constant 14 : index
    %swap3A_380 = vector.load %arg2[%swap3A_378, %swap3A_379] : memref<8x25xi32, #tpu.memory_space<vmem>>, vector<8x1xi32>
    tpu.vector_store %arg2[%swap3A_378, %swap3A_379], %broadcast_in_dim3A_377 {strides = array<i32>} : memref<8x25xi32, #tpu.memory_space<vmem>>, vector<8x1xi32>,
    %eq3A_381 = vector.broadcast %broadcast_in_dim3A_377 : vector<8x1xi32> to vector<8x32768xi32>
    %eq3A_382 = arith.cmpi eq, %iota3A, %eq3A_381 : vector<8x32768xi32>
    %jit3A_383 = arith.constant -1.000000e+00 : f32
    %broadcast_in_dim3A_384 = vector.broadcast %jit3A_383 : f32 to vector<8x32768xf32>
    %select_n3A_385 = arith.select %eq3A_382, %broadcast_in_dim3A_384, %get3A_366 : vector<8x32768xi1>, vector<8x32768xf32>
    %swap3A_386 = arith.constant 0 : index
    %swap3A_387 = arith.constant 0 : index
    %swap3A_388 = vector.load %arg4[%swap3A_386, %swap3A_387] : memref<8x32768xf32, #tpu.memory_space<vmem>>, vector<8x32768xf32>
    tpu.vector_store %arg4[%swap3A_386, %swap3A_387], %select_n3A_385 {strides = array<i32>} : memref<8x32768xf32, #tpu.memory_space<vmem>>, vector<8x32768xf32>,
    %get3A_389 = arith.constant 0 : index
    %get3A_390 = arith.constant 0 : index
    %get3A_391 = vector.load %arg4[%get3A_389, %get3A_390] : memref<8x32768xf32, #tpu.memory_space<vmem>>, vector<8x32768xf32>
    %reduce_max3A_392 = arith.constant dense<0xFF800000> : vector<8xf32>
    %reduce_max3A_393 = vector.multi_reduction <maximumf>, %get3A_391, %reduce_max3A_392 [1] : vector<8x32768xf32> to vector<8xf32>
    %broadcast_in_dim3A_394 = vector.shape_cast %reduce_max3A_393 : vector<8xf32> to vector<8x1xf32>
    %eq3A_395 = vector.broadcast %broadcast_in_dim3A_394 : vector<8x1xf32> to vector<8x32768xf32>
    %eq3A_396 = arith.cmpf oeq, %get3A_391, %eq3A_395 : vector<8x32768xf32>
    %jit3A_397 = arith.constant 32768 : i32
    %broadcast_in_dim3A_398 = vector.broadcast %jit3A_397 : i32 to vector<8x32768xi32>
    %select_n3A_399 = arith.select %eq3A_396, %iota3A, %broadcast_in_dim3A_398 : vector<8x32768xi1>, vector<8x32768xi32>
    %reduce_min3A_400 = arith.constant dense<2147483647> : vector<8xi32>
    %reduce_min3A_401 = vector.multi_reduction <minsi>, %select_n3A_399, %reduce_min3A_400 [1] : vector<8x32768xi32> to vector<8xi32>
    %broadcast_in_dim3A_402 = vector.shape_cast %reduce_min3A_401 : vector<8xi32> to vector<8x1xi32>
    %swap3A_403 = arith.constant 0 : index
    %swap3A_404 = arith.constant 15 : index
    %swap3A_405 = vector.load %arg2[%swap3A_403, %swap3A_404] : memref<8x25xi32, #tpu.memory_space<vmem>>, vector<8x1xi32>
    tpu.vector_store %arg2[%swap3A_403, %swap3A_404], %broadcast_in_dim3A_402 {strides = array<i32>} : memref<8x25xi32, #tpu.memory_space<vmem>>, vector<8x1xi32>,
    %eq3A_406 = vector.broadcast %broadcast_in_dim3A_402 : vector<8x1xi32> to vector<8x32768xi32>
    %eq3A_407 = arith.cmpi eq, %iota3A, %eq3A_406 : vector<8x32768xi32>
    %jit3A_408 = arith.constant -1.000000e+00 : f32
    %broadcast_in_dim3A_409 = vector.broadcast %jit3A_408 : f32 to vector<8x32768xf32>
    %select_n3A_410 = arith.select %eq3A_407, %broadcast_in_dim3A_409, %get3A_391 : vector<8x32768xi1>, vector<8x32768xf32>
    %swap3A_411 = arith.constant 0 : index
    %swap3A_412 = arith.constant 0 : index
    %swap3A_413 = vector.load %arg4[%swap3A_411, %swap3A_412] : memref<8x32768xf32, #tpu.memory_space<vmem>>, vector<8x32768xf32>
    tpu.vector_store %arg4[%swap3A_411, %swap3A_412], %select_n3A_410 {strides = array<i32>} : memref<8x32768xf32, #tpu.memory_space<vmem>>, vector<8x32768xf32>,
    %get3A_414 = arith.constant 0 : index
    %get3A_415 = arith.constant 0 : index
    %get3A_416 = vector.load %arg4[%get3A_414, %get3A_415] : memref<8x32768xf32, #tpu.memory_space<vmem>>, vector<8x32768xf32>
    %reduce_max3A_417 = arith.constant dense<0xFF800000> : vector<8xf32>
    %reduce_max3A_418 = vector.multi_reduction <maximumf>, %get3A_416, %reduce_max3A_417 [1] : vector<8x32768xf32> to vector<8xf32>
    %broadcast_in_dim3A_419 = vector.shape_cast %reduce_max3A_418 : vector<8xf32> to vector<8x1xf32>
    %eq3A_420 = vector.broadcast %broadcast_in_dim3A_419 : vector<8x1xf32> to vector<8x32768xf32>
    %eq3A_421 = arith.cmpf oeq, %get3A_416, %eq3A_420 : vector<8x32768xf32>
    %jit3A_422 = arith.constant 32768 : i32
    %broadcast_in_dim3A_423 = vector.broadcast %jit3A_422 : i32 to vector<8x32768xi32>
    %select_n3A_424 = arith.select %eq3A_421, %iota3A, %broadcast_in_dim3A_423 : vector<8x32768xi1>, vector<8x32768xi32>
    %reduce_min3A_425 = arith.constant dense<2147483647> : vector<8xi32>
    %reduce_min3A_426 = vector.multi_reduction <minsi>, %select_n3A_424, %reduce_min3A_425 [1] : vector<8x32768xi32> to vector<8xi32>
    %broadcast_in_dim3A_427 = vector.shape_cast %reduce_min3A_426 : vector<8xi32> to vector<8x1xi32>
    %swap3A_428 = arith.constant 0 : index
    %swap3A_429 = arith.constant 16 : index
    %swap3A_430 = vector.load %arg2[%swap3A_428, %swap3A_429] : memref<8x25xi32, #tpu.memory_space<vmem>>, vector<8x1xi32>
    tpu.vector_store %arg2[%swap3A_428, %swap3A_429], %broadcast_in_dim3A_427 {strides = array<i32>} : memref<8x25xi32, #tpu.memory_space<vmem>>, vector<8x1xi32>,
    %eq3A_431 = vector.broadcast %broadcast_in_dim3A_427 : vector<8x1xi32> to vector<8x32768xi32>
    %eq3A_432 = arith.cmpi eq, %iota3A, %eq3A_431 : vector<8x32768xi32>
    %jit3A_433 = arith.constant -1.000000e+00 : f32
    %broadcast_in_dim3A_434 = vector.broadcast %jit3A_433 : f32 to vector<8x32768xf32>
    %select_n3A_435 = arith.select %eq3A_432, %broadcast_in_dim3A_434, %get3A_416 : vector<8x32768xi1>, vector<8x32768xf32>
    %swap3A_436 = arith.constant 0 : index
    %swap3A_437 = arith.constant 0 : index
    %swap3A_438 = vector.load %arg4[%swap3A_436, %swap3A_437] : memref<8x32768xf32, #tpu.memory_space<vmem>>, vector<8x32768xf32>
    tpu.vector_store %arg4[%swap3A_436, %swap3A_437], %select_n3A_435 {strides = array<i32>} : memref<8x32768xf32, #tpu.memory_space<vmem>>, vector<8x32768xf32>,
    %get3A_439 = arith.constant 0 : index
    %get3A_440 = arith.constant 0 : index
    %get3A_441 = vector.load %arg4[%get3A_439, %get3A_440] : memref<8x32768xf32, #tpu.memory_space<vmem>>, vector<8x32768xf32>
    %reduce_max3A_442 = arith.constant dense<0xFF800000> : vector<8xf32>
    %reduce_max3A_443 = vector.multi_reduction <maximumf>, %get3A_441, %reduce_max3A_442 [1] : vector<8x32768xf32> to vector<8xf32>
    %broadcast_in_dim3A_444 = vector.shape_cast %reduce_max3A_443 : vector<8xf32> to vector<8x1xf32>
    %eq3A_445 = vector.broadcast %broadcast_in_dim3A_444 : vector<8x1xf32> to vector<8x32768xf32>
    %eq3A_446 = arith.cmpf oeq, %get3A_441, %eq3A_445 : vector<8x32768xf32>
    %jit3A_447 = arith.constant 32768 : i32
    %broadcast_in_dim3A_448 = vector.broadcast %jit3A_447 : i32 to vector<8x32768xi32>
    %select_n3A_449 = arith.select %eq3A_446, %iota3A, %broadcast_in_dim3A_448 : vector<8x32768xi1>, vector<8x32768xi32>
    %reduce_min3A_450 = arith.constant dense<2147483647> : vector<8xi32>
    %reduce_min3A_451 = vector.multi_reduction <minsi>, %select_n3A_449, %reduce_min3A_450 [1] : vector<8x32768xi32> to vector<8xi32>
    %broadcast_in_dim3A_452 = vector.shape_cast %reduce_min3A_451 : vector<8xi32> to vector<8x1xi32>
    %swap3A_453 = arith.constant 0 : index
    %swap3A_454 = arith.constant 17 : index
    %swap3A_455 = vector.load %arg2[%swap3A_453, %swap3A_454] : memref<8x25xi32, #tpu.memory_space<vmem>>, vector<8x1xi32>
    tpu.vector_store %arg2[%swap3A_453, %swap3A_454], %broadcast_in_dim3A_452 {strides = array<i32>} : memref<8x25xi32, #tpu.memory_space<vmem>>, vector<8x1xi32>,
    %eq3A_456 = vector.broadcast %broadcast_in_dim3A_452 : vector<8x1xi32> to vector<8x32768xi32>
    %eq3A_457 = arith.cmpi eq, %iota3A, %eq3A_456 : vector<8x32768xi32>
    %jit3A_458 = arith.constant -1.000000e+00 : f32
    %broadcast_in_dim3A_459 = vector.broadcast %jit3A_458 : f32 to vector<8x32768xf32>
    %select_n3A_460 = arith.select %eq3A_457, %broadcast_in_dim3A_459, %get3A_441 : vector<8x32768xi1>, vector<8x32768xf32>
    %swap3A_461 = arith.constant 0 : index
    %swap3A_462 = arith.constant 0 : index
    %swap3A_463 = vector.load %arg4[%swap3A_461, %swap3A_462] : memref<8x32768xf32, #tpu.memory_space<vmem>>, vector<8x32768xf32>
    tpu.vector_store %arg4[%swap3A_461, %swap3A_462], %select_n3A_460 {strides = array<i32>} : memref<8x32768xf32, #tpu.memory_space<vmem>>, vector<8x32768xf32>,
    %get3A_464 = arith.constant 0 : index
    %get3A_465 = arith.constant 0 : index
    %get3A_466 = vector.load %arg4[%get3A_464, %get3A_465] : memref<8x32768xf32, #tpu.memory_space<vmem>>, vector<8x32768xf32>
    %reduce_max3A_467 = arith.constant dense<0xFF800000> : vector<8xf32>
    %reduce_max3A_468 = vector.multi_reduction <maximumf>, %get3A_466, %reduce_max3A_467 [1] : vector<8x32768xf32> to vector<8xf32>
    %broadcast_in_dim3A_469 = vector.shape_cast %reduce_max3A_468 : vector<8xf32> to vector<8x1xf32>
    %eq3A_470 = vector.broadcast %broadcast_in_dim3A_469 : vector<8x1xf32> to vector<8x32768xf32>
    %eq3A_471 = arith.cmpf oeq, %get3A_466, %eq3A_470 : vector<8x32768xf32>
    %jit3A_472 = arith.constant 32768 : i32
    %broadcast_in_dim3A_473 = vector.broadcast %jit3A_472 : i32 to vector<8x32768xi32>
    %select_n3A_474 = arith.select %eq3A_471, %iota3A, %broadcast_in_dim3A_473 : vector<8x32768xi1>, vector<8x32768xi32>
    %reduce_min3A_475 = arith.constant dense<2147483647> : vector<8xi32>
    %reduce_min3A_476 = vector.multi_reduction <minsi>, %select_n3A_474, %reduce_min3A_475 [1] : vector<8x32768xi32> to vector<8xi32>
    %broadcast_in_dim3A_477 = vector.shape_cast %reduce_min3A_476 : vector<8xi32> to vector<8x1xi32>
    %swap3A_478 = arith.constant 0 : index
    %swap3A_479 = arith.constant 18 : index
    %swap3A_480 = vector.load %arg2[%swap3A_478, %swap3A_479] : memref<8x25xi32, #tpu.memory_space<vmem>>, vector<8x1xi32>
    tpu.vector_store %arg2[%swap3A_478, %swap3A_479], %broadcast_in_dim3A_477 {strides = array<i32>} : memref<8x25xi32, #tpu.memory_space<vmem>>, vector<8x1xi32>,
    %eq3A_481 = vector.broadcast %broadcast_in_dim3A_477 : vector<8x1xi32> to vector<8x32768xi32>
    %eq3A_482 = arith.cmpi eq, %iota3A, %eq3A_481 : vector<8x32768xi32>
    %jit3A_483 = arith.constant -1.000000e+00 : f32
    %broadcast_in_dim3A_484 = vector.broadcast %jit3A_483 : f32 to vector<8x32768xf32>
    %select_n3A_485 = arith.select %eq3A_482, %broadcast_in_dim3A_484, %get3A_466 : vector<8x32768xi1>, vector<8x32768xf32>
    %swap3A_486 = arith.constant 0 : index
    %swap3A_487 = arith.constant 0 : index
    %swap3A_488 = vector.load %arg4[%swap3A_486, %swap3A_487] : memref<8x32768xf32, #tpu.memory_space<vmem>>, vector<8x32768xf32>
    tpu.vector_store %arg4[%swap3A_486, %swap3A_487], %select_n3A_485 {strides = array<i32>} : memref<8x32768xf32, #tpu.memory_space<vmem>>, vector<8x32768xf32>,
    %get3A_489 = arith.constant 0 : index
    %get3A_490 = arith.constant 0 : index
    %get3A_491 = vector.load %arg4[%get3A_489, %get3A_490] : memref<8x32768xf32, #tpu.memory_space<vmem>>, vector<8x32768xf32>
    %reduce_max3A_492 = arith.constant dense<0xFF800000> : vector<8xf32>
    %reduce_max3A_493 = vector.multi_reduction <maximumf>, %get3A_491, %reduce_max3A_492 [1] : vector<8x32768xf32> to vector<8xf32>
    %broadcast_in_dim3A_494 = vector.shape_cast %reduce_max3A_493 : vector<8xf32> to vector<8x1xf32>
    %eq3A_495 = vector.broadcast %broadcast_in_dim3A_494 : vector<8x1xf32> to vector<8x32768xf32>
    %eq3A_496 = arith.cmpf oeq, %get3A_491, %eq3A_495 : vector<8x32768xf32>
    %jit3A_497 = arith.constant 32768 : i32
    %broadcast_in_dim3A_498 = vector.broadcast %jit3A_497 : i32 to vector<8x32768xi32>
    %select_n3A_499 = arith.select %eq3A_496, %iota3A, %broadcast_in_dim3A_498 : vector<8x32768xi1>, vector<8x32768xi32>
    %reduce_min3A_500 = arith.constant dense<2147483647> : vector<8xi32>
    %reduce_min3A_501 = vector.multi_reduction <minsi>, %select_n3A_499, %reduce_min3A_500 [1] : vector<8x32768xi32> to vector<8xi32>
    %broadcast_in_dim3A_502 = vector.shape_cast %reduce_min3A_501 : vector<8xi32> to vector<8x1xi32>
    %swap3A_503 = arith.constant 0 : index
    %swap3A_504 = arith.constant 19 : index
    %swap3A_505 = vector.load %arg2[%swap3A_503, %swap3A_504] : memref<8x25xi32, #tpu.memory_space<vmem>>, vector<8x1xi32>
    tpu.vector_store %arg2[%swap3A_503, %swap3A_504], %broadcast_in_dim3A_502 {strides = array<i32>} : memref<8x25xi32, #tpu.memory_space<vmem>>, vector<8x1xi32>,
    %eq3A_506 = vector.broadcast %broadcast_in_dim3A_502 : vector<8x1xi32> to vector<8x32768xi32>
    %eq3A_507 = arith.cmpi eq, %iota3A, %eq3A_506 : vector<8x32768xi32>
    %jit3A_508 = arith.constant -1.000000e+00 : f32
    %broadcast_in_dim3A_509 = vector.broadcast %jit3A_508 : f32 to vector<8x32768xf32>
    %select_n3A_510 = arith.select %eq3A_507, %broadcast_in_dim3A_509, %get3A_491 : vector<8x32768xi1>, vector<8x32768xf32>
    %swap3A_511 = arith.constant 0 : index
    %swap3A_512 = arith.constant 0 : index
    %swap3A_513 = vector.load %arg4[%swap3A_511, %swap3A_512] : memref<8x32768xf32, #tpu.memory_space<vmem>>, vector<8x32768xf32>
    tpu.vector_store %arg4[%swap3A_511, %swap3A_512], %select_n3A_510 {strides = array<i32>} : memref<8x32768xf32, #tpu.memory_space<vmem>>, vector<8x32768xf32>,
    %get3A_514 = arith.constant 0 : index
    %get3A_515 = arith.constant 0 : index
    %get3A_516 = vector.load %arg4[%get3A_514, %get3A_515] : memref<8x32768xf32, #tpu.memory_space<vmem>>, vector<8x32768xf32>
    %reduce_max3A_517 = arith.constant dense<0xFF800000> : vector<8xf32>
    %reduce_max3A_518 = vector.multi_reduction <maximumf>, %get3A_516, %reduce_max3A_517 [1] : vector<8x32768xf32> to vector<8xf32>
    %broadcast_in_dim3A_519 = vector.shape_cast %reduce_max3A_518 : vector<8xf32> to vector<8x1xf32>
    %eq3A_520 = vector.broadcast %broadcast_in_dim3A_519 : vector<8x1xf32> to vector<8x32768xf32>
    %eq3A_521 = arith.cmpf oeq, %get3A_516, %eq3A_520 : vector<8x32768xf32>
    %jit3A_522 = arith.constant 32768 : i32
    %broadcast_in_dim3A_523 = vector.broadcast %jit3A_522 : i32 to vector<8x32768xi32>
    %select_n3A_524 = arith.select %eq3A_521, %iota3A, %broadcast_in_dim3A_523 : vector<8x32768xi1>, vector<8x32768xi32>
    %reduce_min3A_525 = arith.constant dense<2147483647> : vector<8xi32>
    %reduce_min3A_526 = vector.multi_reduction <minsi>, %select_n3A_524, %reduce_min3A_525 [1] : vector<8x32768xi32> to vector<8xi32>
    %broadcast_in_dim3A_527 = vector.shape_cast %reduce_min3A_526 : vector<8xi32> to vector<8x1xi32>
    %swap3A_528 = arith.constant 0 : index
    %swap3A_529 = arith.constant 20 : index
    %swap3A_530 = vector.load %arg2[%swap3A_528, %swap3A_529] : memref<8x25xi32, #tpu.memory_space<vmem>>, vector<8x1xi32>
    tpu.vector_store %arg2[%swap3A_528, %swap3A_529], %broadcast_in_dim3A_527 {strides = array<i32>} : memref<8x25xi32, #tpu.memory_space<vmem>>, vector<8x1xi32>,
    %eq3A_531 = vector.broadcast %broadcast_in_dim3A_527 : vector<8x1xi32> to vector<8x32768xi32>
    %eq3A_532 = arith.cmpi eq, %iota3A, %eq3A_531 : vector<8x32768xi32>
    %jit3A_533 = arith.constant -1.000000e+00 : f32
    %broadcast_in_dim3A_534 = vector.broadcast %jit3A_533 : f32 to vector<8x32768xf32>
    %select_n3A_535 = arith.select %eq3A_532, %broadcast_in_dim3A_534, %get3A_516 : vector<8x32768xi1>, vector<8x32768xf32>
    %swap3A_536 = arith.constant 0 : index
    %swap3A_537 = arith.constant 0 : index
    %swap3A_538 = vector.load %arg4[%swap3A_536, %swap3A_537] : memref<8x32768xf32, #tpu.memory_space<vmem>>, vector<8x32768xf32>
    tpu.vector_store %arg4[%swap3A_536, %swap3A_537], %select_n3A_535 {strides = array<i32>} : memref<8x32768xf32, #tpu.memory_space<vmem>>, vector<8x32768xf32>,
    %get3A_539 = arith.constant 0 : index
    %get3A_540 = arith.constant 0 : index
    %get3A_541 = vector.load %arg4[%get3A_539, %get3A_540] : memref<8x32768xf32, #tpu.memory_space<vmem>>, vector<8x32768xf32>
    %reduce_max3A_542 = arith.constant dense<0xFF800000> : vector<8xf32>
    %reduce_max3A_543 = vector.multi_reduction <maximumf>, %get3A_541, %reduce_max3A_542 [1] : vector<8x32768xf32> to vector<8xf32>
    %broadcast_in_dim3A_544 = vector.shape_cast %reduce_max3A_543 : vector<8xf32> to vector<8x1xf32>
    %eq3A_545 = vector.broadcast %broadcast_in_dim3A_544 : vector<8x1xf32> to vector<8x32768xf32>
    %eq3A_546 = arith.cmpf oeq, %get3A_541, %eq3A_545 : vector<8x32768xf32>
    %jit3A_547 = arith.constant 32768 : i32
    %broadcast_in_dim3A_548 = vector.broadcast %jit3A_547 : i32 to vector<8x32768xi32>
    %select_n3A_549 = arith.select %eq3A_546, %iota3A, %broadcast_in_dim3A_548 : vector<8x32768xi1>, vector<8x32768xi32>
    %reduce_min3A_550 = arith.constant dense<2147483647> : vector<8xi32>
    %reduce_min3A_551 = vector.multi_reduction <minsi>, %select_n3A_549, %reduce_min3A_550 [1] : vector<8x32768xi32> to vector<8xi32>
    %broadcast_in_dim3A_552 = vector.shape_cast %reduce_min3A_551 : vector<8xi32> to vector<8x1xi32>
    %swap3A_553 = arith.constant 0 : index
    %swap3A_554 = arith.constant 21 : index
    %swap3A_555 = vector.load %arg2[%swap3A_553, %swap3A_554] : memref<8x25xi32, #tpu.memory_space<vmem>>, vector<8x1xi32>
    tpu.vector_store %arg2[%swap3A_553, %swap3A_554], %broadcast_in_dim3A_552 {strides = array<i32>} : memref<8x25xi32, #tpu.memory_space<vmem>>, vector<8x1xi32>,
    %eq3A_556 = vector.broadcast %broadcast_in_dim3A_552 : vector<8x1xi32> to vector<8x32768xi32>
    %eq3A_557 = arith.cmpi eq, %iota3A, %eq3A_556 : vector<8x32768xi32>
    %jit3A_558 = arith.constant -1.000000e+00 : f32
    %broadcast_in_dim3A_559 = vector.broadcast %jit3A_558 : f32 to vector<8x32768xf32>
    %select_n3A_560 = arith.select %eq3A_557, %broadcast_in_dim3A_559, %get3A_541 : vector<8x32768xi1>, vector<8x32768xf32>
    %swap3A_561 = arith.constant 0 : index
    %swap3A_562 = arith.constant 0 : index
    %swap3A_563 = vector.load %arg4[%swap3A_561, %swap3A_562] : memref<8x32768xf32, #tpu.memory_space<vmem>>, vector<8x32768xf32>
    tpu.vector_store %arg4[%swap3A_561, %swap3A_562], %select_n3A_560 {strides = array<i32>} : memref<8x32768xf32, #tpu.memory_space<vmem>>, vector<8x32768xf32>,
    %get3A_564 = arith.constant 0 : index
    %get3A_565 = arith.constant 0 : index
    %get3A_566 = vector.load %arg4[%get3A_564, %get3A_565] : memref<8x32768xf32, #tpu.memory_space<vmem>>, vector<8x32768xf32>
    %reduce_max3A_567 = arith.constant dense<0xFF800000> : vector<8xf32>
    %reduce_max3A_568 = vector.multi_reduction <maximumf>, %get3A_566, %reduce_max3A_567 [1] : vector<8x32768xf32> to vector<8xf32>
    %broadcast_in_dim3A_569 = vector.shape_cast %reduce_max3A_568 : vector<8xf32> to vector<8x1xf32>
    %eq3A_570 = vector.broadcast %broadcast_in_dim3A_569 : vector<8x1xf32> to vector<8x32768xf32>
    %eq3A_571 = arith.cmpf oeq, %get3A_566, %eq3A_570 : vector<8x32768xf32>
    %jit3A_572 = arith.constant 32768 : i32
    %broadcast_in_dim3A_573 = vector.broadcast %jit3A_572 : i32 to vector<8x32768xi32>
    %select_n3A_574 = arith.select %eq3A_571, %iota3A, %broadcast_in_dim3A_573 : vector<8x32768xi1>, vector<8x32768xi32>
    %reduce_min3A_575 = arith.constant dense<2147483647> : vector<8xi32>
    %reduce_min3A_576 = vector.multi_reduction <minsi>, %select_n3A_574, %reduce_min3A_575 [1] : vector<8x32768xi32> to vector<8xi32>
    %broadcast_in_dim3A_577 = vector.shape_cast %reduce_min3A_576 : vector<8xi32> to vector<8x1xi32>
    %swap3A_578 = arith.constant 0 : index
    %swap3A_579 = arith.constant 22 : index
    %swap3A_580 = vector.load %arg2[%swap3A_578, %swap3A_579] : memref<8x25xi32, #tpu.memory_space<vmem>>, vector<8x1xi32>
    tpu.vector_store %arg2[%swap3A_578, %swap3A_579], %broadcast_in_dim3A_577 {strides = array<i32>} : memref<8x25xi32, #tpu.memory_space<vmem>>, vector<8x1xi32>,
    %eq3A_581 = vector.broadcast %broadcast_in_dim3A_577 : vector<8x1xi32> to vector<8x32768xi32>
    %eq3A_582 = arith.cmpi eq, %iota3A, %eq3A_581 : vector<8x32768xi32>
    %jit3A_583 = arith.constant -1.000000e+00 : f32
    %broadcast_in_dim3A_584 = vector.broadcast %jit3A_583 : f32 to vector<8x32768xf32>
    %select_n3A_585 = arith.select %eq3A_582, %broadcast_in_dim3A_584, %get3A_566 : vector<8x32768xi1>, vector<8x32768xf32>
    %swap3A_586 = arith.constant 0 : index
    %swap3A_587 = arith.constant 0 : index
    %swap3A_588 = vector.load %arg4[%swap3A_586, %swap3A_587] : memref<8x32768xf32, #tpu.memory_space<vmem>>, vector<8x32768xf32>
    tpu.vector_store %arg4[%swap3A_586, %swap3A_587], %select_n3A_585 {strides = array<i32>} : memref<8x32768xf32, #tpu.memory_space<vmem>>, vector<8x32768xf32>,
    %get3A_589 = arith.constant 0 : index
    %get3A_590 = arith.constant 0 : index
    %get3A_591 = vector.load %arg4[%get3A_589, %get3A_590] : memref<8x32768xf32, #tpu.memory_space<vmem>>, vector<8x32768xf32>
    %reduce_max3A_592 = arith.constant dense<0xFF800000> : vector<8xf32>
    %reduce_max3A_593 = vector.multi_reduction <maximumf>, %get3A_591, %reduce_max3A_592 [1] : vector<8x32768xf32> to vector<8xf32>
    %broadcast_in_dim3A_594 = vector.shape_cast %reduce_max3A_593 : vector<8xf32> to vector<8x1xf32>
    %eq3A_595 = vector.broadcast %broadcast_in_dim3A_594 : vector<8x1xf32> to vector<8x32768xf32>
    %eq3A_596 = arith.cmpf oeq, %get3A_591, %eq3A_595 : vector<8x32768xf32>
    %jit3A_597 = arith.constant 32768 : i32
    %broadcast_in_dim3A_598 = vector.broadcast %jit3A_597 : i32 to vector<8x32768xi32>
    %select_n3A_599 = arith.select %eq3A_596, %iota3A, %broadcast_in_dim3A_598 : vector<8x32768xi1>, vector<8x32768xi32>
    %reduce_min3A_600 = arith.constant dense<2147483647> : vector<8xi32>
    %reduce_min3A_601 = vector.multi_reduction <minsi>, %select_n3A_599, %reduce_min3A_600 [1] : vector<8x32768xi32> to vector<8xi32>
    %broadcast_in_dim3A_602 = vector.shape_cast %reduce_min3A_601 : vector<8xi32> to vector<8x1xi32>
    %swap3A_603 = arith.constant 0 : index
    %swap3A_604 = arith.constant 23 : index
    %swap3A_605 = vector.load %arg2[%swap3A_603, %swap3A_604] : memref<8x25xi32, #tpu.memory_space<vmem>>, vector<8x1xi32>
    tpu.vector_store %arg2[%swap3A_603, %swap3A_604], %broadcast_in_dim3A_602 {strides = array<i32>} : memref<8x25xi32, #tpu.memory_space<vmem>>, vector<8x1xi32>,
    %eq3A_606 = vector.broadcast %broadcast_in_dim3A_602 : vector<8x1xi32> to vector<8x32768xi32>
    %eq3A_607 = arith.cmpi eq, %iota3A, %eq3A_606 : vector<8x32768xi32>
    %jit3A_608 = arith.constant -1.000000e+00 : f32
    %broadcast_in_dim3A_609 = vector.broadcast %jit3A_608 : f32 to vector<8x32768xf32>
    %select_n3A_610 = arith.select %eq3A_607, %broadcast_in_dim3A_609, %get3A_591 : vector<8x32768xi1>, vector<8x32768xf32>
    %swap3A_611 = arith.constant 0 : index
    %swap3A_612 = arith.constant 0 : index
    %swap3A_613 = vector.load %arg4[%swap3A_611, %swap3A_612] : memref<8x32768xf32, #tpu.memory_space<vmem>>, vector<8x32768xf32>
    tpu.vector_store %arg4[%swap3A_611, %swap3A_612], %select_n3A_610 {strides = array<i32>} : memref<8x32768xf32, #tpu.memory_space<vmem>>, vector<8x32768xf32>,
    %get3A_614 = arith.constant 0 : index
    %get3A_615 = arith.constant 0 : index
    %get3A_616 = vector.load %arg4[%get3A_614, %get3A_615] : memref<8x32768xf32, #tpu.memory_space<vmem>>, vector<8x32768xf32>
    %reduce_max3A_617 = arith.constant dense<0xFF800000> : vector<8xf32>
    %reduce_max3A_618 = vector.multi_reduction <maximumf>, %get3A_616, %reduce_max3A_617 [1] : vector<8x32768xf32> to vector<8xf32>
    %broadcast_in_dim3A_619 = vector.shape_cast %reduce_max3A_618 : vector<8xf32> to vector<8x1xf32>
    %eq3A_620 = vector.broadcast %broadcast_in_dim3A_619 : vector<8x1xf32> to vector<8x32768xf32>
    %eq3A_621 = arith.cmpf oeq, %get3A_616, %eq3A_620 : vector<8x32768xf32>
    %jit3A_622 = arith.constant 32768 : i32
    %broadcast_in_dim3A_623 = vector.broadcast %jit3A_622 : i32 to vector<8x32768xi32>
    %select_n3A_624 = arith.select %eq3A_621, %iota3A, %broadcast_in_dim3A_623 : vector<8x32768xi1>, vector<8x32768xi32>
    %reduce_min3A_625 = arith.constant dense<2147483647> : vector<8xi32>
    %reduce_min3A_626 = vector.multi_reduction <minsi>, %select_n3A_624, %reduce_min3A_625 [1] : vector<8x32768xi32> to vector<8xi32>
    %broadcast_in_dim3A_627 = vector.shape_cast %reduce_min3A_626 : vector<8xi32> to vector<8x1xi32>
    %swap3A_628 = arith.constant 0 : index
    %swap3A_629 = arith.constant 24 : index
    %swap3A_630 = vector.load %arg2[%swap3A_628, %swap3A_629] : memref<8x25xi32, #tpu.memory_space<vmem>>, vector<8x1xi32>
    tpu.vector_store %arg2[%swap3A_628, %swap3A_629], %broadcast_in_dim3A_627 {strides = array<i32>} : memref<8x25xi32, #tpu.memory_space<vmem>>, vector<8x1xi32>,
    %eq3A_631 = vector.broadcast %broadcast_in_dim3A_627 : vector<8x1xi32> to vector<8x32768xi32>
    %eq3A_632 = arith.cmpi eq, %iota3A, %eq3A_631 : vector<8x32768xi32>
    %jit3A_633 = arith.constant -1.000000e+00 : f32
    %broadcast_in_dim3A_634 = vector.broadcast %jit3A_633 : f32 to vector<8x32768xf32>
    %select_n3A_635 = arith.select %eq3A_632, %broadcast_in_dim3A_634, %get3A_616 : vector<8x32768xi1>, vector<8x32768xf32>
    %swap3A_636 = arith.constant 0 : index
    %swap3A_637 = arith.constant 0 : index
    %swap3A_638 = vector.load %arg4[%swap3A_636, %swap3A_637] : memref<8x32768xf32, #tpu.memory_space<vmem>>, vector<8x32768xf32>
    tpu.vector_store %arg4[%swap3A_636, %swap3A_637], %select_n3A_635 {strides = array<i32>} : memref<8x32768xf32, #tpu.memory_space<vmem>>, vector<8x32768xf32>,
    return
  }
}

module attributes {stable_mosaic.version = 14 : i64} {
  func.func @_final_kernel(%arg0: memref<32x8x384xf32, #tpu.memory_space<vmem>>, %arg1: memref<8x1xf32, #tpu.memory_space<vmem>>, %arg2: memref<8x384xf32, #tpu.memory_space<vmem>>, %arg3: memref<8x384xf32, #tpu.memory_space<vmem>>, %arg4: memref<8x384xf32, #tpu.memory_space<vmem>>, %arg5: memref<8x3xf32, #tpu.memory_space<vmem>>) attributes {dimension_semantics = [], scalar_prefetch = 0 : i64, scratch_operands = 0 : i64, tpu.core_type = #tpu.core_type<tc>} {
    %get3A = arith.constant 0 : index
    %get3A_0 = arith.constant 0 : index
    %get3A_1 = arith.constant 0 : index
    %get3A_2 = vector.load %arg0[%get3A, %get3A_0, %get3A_1] : memref<32x8x384xf32, #tpu.memory_space<vmem>>, vector<32x8x384xf32>
    %reduce_sum3A = arith.constant dense<0.000000e+00> : vector<8x384xf32>
    %reduce_sum3A_3 = vector.multi_reduction <add>, %get3A_2, %reduce_sum3A [0] : vector<32x8x384xf32> to vector<8x384xf32>
    %get3A_4 = arith.constant 0 : index
    %get3A_5 = arith.constant 0 : index
    %get3A_6 = vector.load %arg1[%get3A_4, %get3A_5] : memref<8x1xf32, #tpu.memory_space<vmem>>, vector<8x1xf32>
    %mul3A = vector.broadcast %get3A_6 : vector<8x1xf32> to vector<8x384xf32>
    %mul3A_7 = arith.mulf %reduce_sum3A_3, %mul3A : vector<8x384xf32>
    %get3A_8 = arith.constant 0 : index
    %get3A_9 = arith.constant 0 : index
    %get3A_10 = vector.load %arg2[%get3A_8, %get3A_9] : memref<8x384xf32, #tpu.memory_space<vmem>>, vector<8x384xf32>
    %mul3A_11 = arith.mulf %get3A_10, %mul3A_7 : vector<8x384xf32>
    %reduce_sum3A_12 = arith.constant dense<0.000000e+00> : vector<8xf32>
    %reduce_sum3A_13 = vector.multi_reduction <add>, %mul3A_11, %reduce_sum3A_12 [1] : vector<8x384xf32> to vector<8xf32>
    %broadcast_in_dim3A = vector.shape_cast %reduce_sum3A_13 : vector<8xf32> to vector<8x1xf32>
    %swap3A = arith.constant 0 : index
    %swap3A_14 = arith.constant 0 : index
    %swap3A_15 = vector.load %arg5[%swap3A, %swap3A_14] : memref<8x3xf32, #tpu.memory_space<vmem>>, vector<8x1xf32>
    tpu.vector_store %arg5[%swap3A, %swap3A_14], %broadcast_in_dim3A {strides = array<i32>} : memref<8x3xf32, #tpu.memory_space<vmem>>, vector<8x1xf32>,
    %get3A_16 = arith.constant 0 : index
    %get3A_17 = arith.constant 0 : index
    %get3A_18 = vector.load %arg3[%get3A_16, %get3A_17] : memref<8x384xf32, #tpu.memory_space<vmem>>, vector<8x384xf32>
    %mul3A_19 = arith.mulf %get3A_18, %mul3A_7 : vector<8x384xf32>
    %reduce_sum3A_20 = arith.constant dense<0.000000e+00> : vector<8xf32>
    %reduce_sum3A_21 = vector.multi_reduction <add>, %mul3A_19, %reduce_sum3A_20 [1] : vector<8x384xf32> to vector<8xf32>
    %broadcast_in_dim3A_22 = vector.shape_cast %reduce_sum3A_21 : vector<8xf32> to vector<8x1xf32>
    %swap3A_23 = arith.constant 0 : index
    %swap3A_24 = arith.constant 1 : index
    %swap3A_25 = vector.load %arg5[%swap3A_23, %swap3A_24] : memref<8x3xf32, #tpu.memory_space<vmem>>, vector<8x1xf32>
    tpu.vector_store %arg5[%swap3A_23, %swap3A_24], %broadcast_in_dim3A_22 {strides = array<i32>} : memref<8x3xf32, #tpu.memory_space<vmem>>, vector<8x1xf32>,
    %get3A_26 = arith.constant 0 : index
    %get3A_27 = arith.constant 0 : index
    %get3A_28 = vector.load %arg4[%get3A_26, %get3A_27] : memref<8x384xf32, #tpu.memory_space<vmem>>, vector<8x384xf32>
    %mul3A_29 = arith.mulf %get3A_28, %mul3A_7 : vector<8x384xf32>
    %reduce_sum3A_30 = arith.constant dense<0.000000e+00> : vector<8xf32>
    %reduce_sum3A_31 = vector.multi_reduction <add>, %mul3A_29, %reduce_sum3A_30 [1] : vector<8x384xf32> to vector<8xf32>
    %broadcast_in_dim3A_32 = vector.shape_cast %reduce_sum3A_31 : vector<8xf32> to vector<8x1xf32>
    %swap3A_33 = arith.constant 0 : index
    %swap3A_34 = arith.constant 2 : index
    %swap3A_35 = vector.load %arg5[%swap3A_33, %swap3A_34] : memref<8x3xf32, #tpu.memory_space<vmem>>, vector<8x1xf32>
    tpu.vector_store %arg5[%swap3A_33, %swap3A_34], %broadcast_in_dim3A_32 {strides = array<i32>} : memref<8x3xf32, #tpu.memory_space<vmem>>, vector<8x1xf32>,
    return
  }
}

</mosaic_0001>

<sc_bundles>
// kernel: kernel.7.cloned.1.call-start
scs
__scs_entry_jumppad:
0x0: {  	(pc) =	sbr.rel $0x88, $3  }
0x1: {  	(tag) =	ssettag $0x0;
	lr =	simm.s32 $0x1  }
0x2: {  	[smem:$0x3F9C] =	sst lr;
	_ =	strace $0xD0000000  }
0x3: {  	_ = 	snop  }
0x4: {  	_ = 	snop  }
0x5: {  	_ = 	snop  }
0x6: {  	_ = 	snop  }
0x7: {  	_ = 	snop  }
__scs_overlays_trampoline_lowered:
0x8: {  	[smem:$0x3FAB] =	sst s0  }
0x9: {  	[smem:$0x3FAC] =	sst s1  }
0xa: {  	[smem:$0x3FAD] =	sst s2  }
0xb: {  	[smem:$0x3FAE] =	sst s3  }
0xc: {  	[smem:$0x3FAF] =	sst s4  }
0xd: {  	[smem:$0x3FB0] =	sst s5  }
0xe: {  	[smem:$0x3FB1] =	sst s6  }
0xf: {  	[smem:$0x3FB2] =	sst s7  }
0x10: {  	[smem:$0x3FB3] =	sst s8  }
0x11: {  	[smem:$0x3FB4] =	sst s9;
	s0 =	simm.s32 @!p0 $0x0  }
0x12: {  	s1 =	sld [smem:$0x3F9A];
	s0 =	simm.s32 @p0 $0x1  }
0x13: {  	[smem:$0x3FB5] =	sst s0;
	s0 =	simm.s32 @!p1 $0x0  }
0x14: {  	s2 =	sld [smem:$0x3F99];
	s0 =	simm.s32 @p1 $0x1  }
0x15: {  	[smem:$0x3FB6] =	sst s0;
	s0 =	simm.s32 @!p2 $0x0  }
0x16: {  	s3 =	sld [smem:$0x3FDB];
	s0 =	simm.s32 @p2 $0x1  }
0x17: {  	s4 =	simm.s32 $0x1BF5;
	[smem:$0x3FB8] =	sst s0  }
0x18: {  	s0 =	sld [smem:$0x3F9B];
	_ =	swait.ge [sflag:s4], $0x0  }
0x19: {  	s7 =	sld [smem:$0x3F9C]  }
0x1a: {  	s8 =	sadd.s32 $0xFFFFE003, lr  }
0x1b: {  	s9 =	sadd.s32 $0xFFFFFEF7, lr;
	s5 =	simm.s32 $0xFFFFFFFF;
	p2 =	slt.u32 s8, $0xFFFFF086  }
0x1c: {  	p1 =	slt.u32 s9, $0xF7A;
	s5 =	simm.s32 @!p2 $0x0  }
0x1d: {  	s5 =	simm.s32 @p1 $0x1;
	p0 =	seq.s32 s7, s2  }
0x1e: {  	s7 =	smul.u32 @!p0 $0xF7A, s2;
	p2 =	seq.s32 @!p0 s5, $0x0  }
0x1f: {  	s9 =	smul.u32 $0xF7A, s1;
	s8 =	simm.s32 @!p0 $0x1BF5;
	p2 =	por !p2, p0  }
0x20: {  	[sflag:s8] =	ssyncset.s32 @!p0 $0xFFFFF086;
	s6 =	sadd.s32 @!p0 s3, s7;
	s7 =	simm.s32 @!p0 $0x108  }
0x21: {  	s3 =	sadd.s32 s3, s9;
	s6 =	sadd.s32 @!p0 $0x88, s6;
	s7 =	simm.s32 @p2 $0x1082  }
0x22: {  	[simem:s7], [sflag:s8] =	dma.local @!p0 [hbm:s6], $0xF7A  }
0x23: {  	s9 =	sor.u32 $0xD0000000, s2;
	s6 =	simm.s32 $0x108;
	_ =	swait.ge @!p0 [sflag:s8], $0x0  }
0x24: {  	s3 =	sadd.s32 $0x88, s3;
	s6 =	simm.s32 @!p1 $0x1082;
	[sflag:s4] =	ssyncset.s32 $0xFFFFF086  }
0x25: {  	[simem:s6], [sflag:s4] =	dma.local [hbm:s3], $0xF7A  }
0x26: {  	[smem:$0x3F9C] =	sst s1;
	(tag) =	ssettag s2;
	_ =	strace s9  }
0x27: {  	s1 =	sld [smem:$0x3FAC]  }
0x28: {  	s2 =	sld [smem:$0x3FAD]  }
0x29: {  	s4 =	sld [smem:$0x3FAF]  }
0x2a: {  	p0 =	seq.s32 s5, $0x0;
	s5 =	sld [smem:$0x3FB0]  }
0x2b: {  	s6 =	sld [smem:$0x3FB1]  }
0x2c: {  	s7 =	sld [smem:$0x3FB2]  }
0x2d: {  	s3 =	simm.s32 $0x108;
	s8 =	sld [smem:$0x3FB3]  }
0x2e: {  	s3 =	simm.s32 @!p0 $0x1082;
	s9 =	sld [smem:$0x3FB4]  }
0x2f: {  	lr =	sadd.s32 s0, s3;
	s0 =	sld [smem:$0x3FAB]  }
0x30: {  	s3 =	sld [smem:$0x3FAE]  }
0x31: {  	[smem:$0x3FB7] =	sst s10  }
0x32: {  	s10 =	sld [smem:$0x3FB5];
	_ =	sdelay $0x3  }
0x33: {  	p0 =	seq.s32 s10, $0x1;
	s10 =	sld [smem:$0x3FB7];
	_ =	sdelay $0x3  }
0x34: {  	[smem:$0x3FB7] =	sst s10  }
0x35: {  	s10 =	sld [smem:$0x3FB6];
	_ =	sdelay $0x3  }
0x36: {  	p1 =	seq.s32 s10, $0x1;
	s10 =	sld [smem:$0x3FB7];
	_ =	sdelay $0x3  }
0x37: {  	[smem:$0x3FB7] =	sst s10  }
0x38: {  	s10 =	sld [smem:$0x3FB8]  }
0x39: {  	_ = 	snop;
	(pc) =	sbr.ind lr, $3  }
0x3a: {  	_ = 	snop  }
0x3b: {  	_ = 	snop  }
0x3c: {  	p2 =	seq.s32 s10, $0x1;
	s10 =	sld [smem:$0x3FB7]  }
0x3d: {  	_ =	shalt  }
0x3e: {  	_ =	shalt  }
0x3f: {  	_ =	shalt  }
0x40: {  	_ =	shalt  }
0x41: {  	_ =	shalt  }
0x42: {  	_ =	shalt  }
0x43: {  	_ =	shalt  }
0x44: {  	_ =	shalt  }
0x45: {  	_ =	shalt  }
0x46: {  	_ =	shalt  }
0x47: {  	_ =	shalt  }
0x48: {  	_ =	shalt  }
0x49: {  	_ =	shalt  }
0x4a: {  	_ =	shalt  }
0x4b: {  	_ =	shalt  }
0x4c: {  	_ =	shalt  }
0x4d: {  	_ =	shalt  }
0x4e: {  	_ =	shalt  }
0x4f: {  	_ =	shalt  }
0x50: {  	_ =	shalt  }
0x51: {  	_ =	shalt  }
0x52: {  	_ =	shalt  }
0x53: {  	_ =	shalt  }
0x54: {  	_ =	shalt  }
0x55: {  	_ =	shalt  }
0x56: {  	_ =	shalt  }
0x57: {  	_ =	shalt  }
0x58: {  	_ =	shalt  }
0x59: {  	_ =	shalt  }
0x5a: {  	_ =	shalt  }
0x5b: {  	_ =	shalt  }
0x5c: {  	_ =	shalt  }
0x5d: {  	_ =	shalt  }
0x5e: {  	_ =	shalt  }
0x5f: {  	_ =	shalt  }
0x60: {  	_ =	shalt  }
0x61: {  	_ =	shalt  }
0x62: {  	_ =	shalt  }
0x63: {  	_ =	shalt  }
0x64: {  	_ =	shalt  }
0x65: {  	_ =	shalt  }
0x66: {  	_ =	shalt  }
0x67: {  	_ =	shalt  }
0x68: {  	_ =	shalt  }
0x69: {  	_ =	shalt  }
0x6a: {  	_ =	shalt  }
0x6b: {  	_ =	shalt  }
0x6c: {  	_ =	shalt  }
0x6d: {  	_ =	shalt  }
0x6e: {  	_ =	shalt  }
0x6f: {  	_ =	shalt  }
0x70: {  	_ =	shalt  }
0x71: {  	_ =	shalt  }
0x72: {  	_ =	shalt  }
0x73: {  	_ =	shalt  }
0x74: {  	_ =	shalt  }
0x75: {  	_ =	shalt  }
0x76: {  	_ =	shalt  }
0x77: {  	_ =	shalt  }
0x78: {  	_ =	shalt  }
0x79: {  	_ =	shalt  }
0x7a: {  	_ =	shalt  }
0x7b: {  	_ =	shalt  }
0x7c: {  	_ =	shalt  }
0x7d: {  	_ =	shalt  }
0x7e: {  	_ =	shalt  }
0x7f: {  	_ =	shalt  }
0x80: {  	_ =	shalt  }
0x81: {  	_ =	shalt  }
0x82: {  	_ =	shalt  }
0x83: {  	_ =	shalt  }
0x84: {  	_ =	shalt  }
0x85: {  	_ =	shalt  }
0x86: {  	_ =	shalt  }
0x87: {  	_ =	shalt  }
.Lfunc_end0:
.L_simem_size_0:
called_computation_lowered:
.L_overlay_start_0:
0x88: {  	s2 =	sld [smem:$0x3FD9]  }
0x89: {  	s3 =	sld [smem:$0x3FFE];
	_ =	sdelay $0x1  }
0x8a: {  	s1 =	srdreg.scid  }
0x8b: {  	s0 =	sand.u32 $0x1, s1  }
0x8c: {  	s17 =	sshll.u32 s0, $0xA;
	s2 =	sadd.s32 s3, s2  }
0x8d: {  	s2 =	sadd.s32 s2, s17  }
0x8e: {  	[smem:$0x3FC3] =	sst s2  }
0x8f: {  	_ = 	snop  }
0x90: {  	s2 =	sld [smem:$0x3FC6]  }
0x91: {  	s18 =	sld [smem:$0x3FD0];
	(tm) =	ssettm $0x1  }
0x92: {  	s4 =	sld [smem:$0x3FFB];
	_ =	sdelay $0x3  }
0x93: {  	_ =	strace s4  }
0x94: {  	s4 =	sld [smem:$0x3FFC];
	_ =	sdelay $0x3  }
0x95: {  	_ =	strace s4  }
0x96: {  	s4 =	sld [smem:$0x3FFD];
	_ =	sdelay $0x3  }
0x97: {  	_ =	strace s4  }
0x98: {  	_ =	strace $0x8FFFFFFF  }
0x99: {  	s19 =	sld [smem:$0x3FDB];
	_ =	sdelay $0x1  }
0x9a: {  	s5 =	simm.s32 $_scs_section_size  }
0x9b: {  	s6 =	simm.s32 $_size__tile_overlayer_lowered;
	s7 =	simm.s32 $_tile_overlayer_lowered  }
0x9c: {  	s22 =	simm.s32 $0x1BFF;
	s21 =	sshll.u32 s7, $0x1;
	s4 =	sadd.s32 s5, s19  }
0x9d: {  	s8 =	simm.s32 $0x0;
	s20 =	sshll.u32 s6, $0x1;
	s6 =	sadd.s32 s21, s4  }
0x9e: {  	[timem:s8], [sflag:s22] =	dma.local [hbm:s6], s20  }
0x9f: {  	_ =	swait.ge [sflag:s22], s20  }
0xa0: {  	s5 =	ssub.s32 $0x0, s20;
	[sflag:s22] =	ssyncset.done $0x0  }
0xa1: {  	[sflag:s22] =	ssyncadd.s32 s5;
	_ =	sdelay $0x1  }
0xa2: {  	s23 =	simm.s32 $0x1B8B  }
0xa3: {  	_ =	swait.ge [sflag:s23], $0x1  }
0xa4: {  	[sflag:s23] =	ssyncset.done $0x0  }
0xa5: {  	s25 =	simm.s32 $0x1B8E;
	s24 =	sld [smem:$0x3FFE];
	[sflag:s23] =	ssyncadd.s32 $0xFFFFFFFF  }
0xa6: {  	s26 =	simm.s32 $execute0_lowered;
	[smem:$0x3FD2] =	sst s25  }
0xa7: {  	s6 =	sshll.u32 s26, $0x1;
	_ =	strace $0x80000046;
	[dreg:$0x1] =	wrdreg $0xFFFFFFFF  }
0xa8: {  	s28 =	simm.s32 $_size_execute0_lowered;
	s4 =	sadd.s32 s4, s6;
	[dreg:$0x0] =	wrdreg $0x0  }
0xa9: {  	s6 =	sshll.u32 s28, $0x1;
	[dreg:$0x2] =	wrdreg s4  }
0xaa: {  	[dreg:$0x3] =	wrdreg s6  }
0xab: {  	[dreg:$0x4] =	wrdreg $0xC0  }
0xac: {  	_ =	task [dreg:s8], $0x5FFFF  }
0xad: {  	[dreg:$0x1] =	wrdreg $0xFFFFFFFF  }
0xae: {  	[dreg:$0x0] =	wrdreg $0x60  }
0xaf: {  	[dreg:$0x2] =	wrdreg s18  }
0xb0: {  	[dreg:$0x3] =	wrdreg s24  }
0xb1: {  	[dreg:$0x4] =	wrdreg s2  }
0xb2: {  	[dreg:$0x5] =	wrdreg $0x9  }
0xb3: {  	_ =	task.clear_ibuf [dreg:s8], $0x6FFFF;
	_ =	strace $0x90000046  }
0xb4: {  	s29 =	simm.s32 $0x9;
	_ =	strace $0x80000048  }
0xb5: {  	_ =	swait.ge [sflag:s29], $0x1  }
0xb6: {  	[sflag:s29] =	ssyncadd.s32 $0xFFFFFFFF  }
0xb7: {  	_ =	strace $0x90000048  }
0xb8: {  	_ =	sfence  }
0xb9: {  	s30 =	sld [smem:$0x0];
	_ =	sdelay $0x2  }
0xba: {  	s31 =	sshll.u32 s1, $0xD;
	s1 =	sshrl.u32 s1, $0x2  }
0xbb: {  	s3 =	sand.u32 $0x4000, s31;
	s1 =	sadd.s32 s1, s30  }
0xbc: {  	s0 =	sor.u32 s3, s0;
	s1 =	sshll.u32 s1, $0x11  }
0xbd: {  	s0 =	sor.u32 s1, s0  }
0xbe: {  	s0 =	sadd.s32 $0x8F2B, s0  }
0xbf: {  	[sflag:s0] =	ssyncadd.remote.s32 $0x1  }
0xc0: {  	_ =	sfence.sel $0xFFFF  }
0xc1: {  	[dreg:$0x0] =	wrdreg $0xFFFFFFFF;
	(pc) =	sbr.abs _section_cstart, $3  }
0xc2: {  	[dreg:$0x1] =	wrdreg $0xFFFFFFFF  }
0xc3: {  	_ =	task.clear_ibuf [dreg:s8], $0x2FFFF;
	_ =	strace $0x9FFFFFFF  }
0xc4: {  	(tm) =	ssettm $0x7FFFFFFF  }
0xc5: {  	_ =	shalt  }
tec
execute0_lowered:
.L_overlay_start_1:
0x0: {  	(tag) =	ssettag $0x1  }
0x1: {  	s4 =	rddreg [dreg:$0x0]  }
0x2: {  	s5 =	rddreg [dreg:$0x1]  }
0x3: {  	s1 =	srdreg.scid;
	s0 =	stileid.u32  }
0x4: {  	s2 =	rddreg [dreg:$0x2];
	s3 =	simm.s32 $0x0;
	s11 =	simm.s32 $0x480  }
0x5: {  	s12 =	simm.s32 $0xC80;
	s13 =	simm.s32 $0x1;
	s14 =	simm.s32 $0x1080  }
0x6: {  	s6 =	sand.u32 $0x1, s1;
	s7 =	sshll.u32 s0, $0x1;
	s1 =	rddreg [dreg:$0x3]  }
0x7: {  	s15 =	simm.s32 $0x0;
	[smem:$0x7FF] =	sst s3;
	s7 =	sor.u32 s6, s7  }
0x8: {  	s6 =	ssub.s32 $0x2, s6;
	_ =	strace $0x80000047;
	s8 =	smul.u32 $0x180, s7  }
0x9: {  	s9 =	sshll.u32 s7, $0x7;
	s10 =	sshrl.u32 s6, $0x1;
	s4 =	sadd.s32 s4, s7  }
0xa: {  	v1 =	vlaneseq.u32;
	s9 =	sadd.s32 s9, s5;
	s10 =	ssub.s32 s6, s10;
	s6 =	sadd.s32 $0x100, s2  }
0xb: {  	vm0 =	vmmov $0xff;
	v0 =	vand.u32 $0x7, v1;
	v1 =	vshrl.u32 v1, $0x3;
	s8 =	sadd.s32 s8, s5;
	s5 =	sadd.s32 $0x1800, s9;
	s9 =	simm.s32 $0x2  }
0xc: {  	vm1 =	vmmov $0xffff;
	v2 =	vimm.f32 $0.0e+00;
	v1 =	vmul.u32 $0x8, v1;
	s7 =	sadd.s32 $0x2800, s8;
	s8 =	smax.u32 s10, $0x1;
	s10 =	simm.s32 $0x80  }
.LBB2_1:
0xd: {  	[tilespmem:s3], [sflag:$0x2] =	stream.linear.gather [hbm4b:s4+s3], $0x8, $0x38;
	[tilespmem:$0x1C80] =	vst v63  }
0xe: {  	_ =	swait.ge [sflag:s9], $0x8  }
0xf: {  	[sflag:s9] =	ssyncset.done $0x0  }
0x10: {  	[sflag:s9] =	ssyncadd.s32 $0xFFFFFFF8  }
0x11: {  	[tilespmem:s10], [sflag:$0x2] =	stream.linear.gather [hbm4b:s5+s3], $0x400, $0x38;
	[tilespmem:$0x1C80] =	vst v63  }
0x12: {  	_ =	swait.ge [sflag:s9], $0x400  }
0x13: {  	[sflag:s9] =	ssyncset.done $0x0  }
0x14: {  	[sflag:s9] =	ssyncadd.s32 $0xFFFFFC00  }
0x15: {  	v3 =	vld.msk [tilespmem:$0x0], $0xff;
	_ =	sdelay $0x4  }
0x16: {  	v4 =	vshrl.u32 v3, $0x3  }
0x17: {  	v4 =	vmul.u32 $0x18, v4  }
0x18: {  	v3 =	vand.u32 $0x7, v3  }
0x19: {  	v3 =	vor.u32 v3, v4  }
0x1a: {  	v3 =	vperm.xlane v3, v0;
	_ =	sdelay $0x1  }
0x1b: {  	v3 =	vadd.s32 v1, v3;
	_ =	sdelay $0x4  }
0x1c: {  	[tilespmem:s11], [sflag:$0x1] =	stream.indirect_vreg.gather [hbm4b:s2+s3], $0x80, v3, vm1, $0xb8;
	[tilespmem:$0x1C80] =	vst v63  }
0x1d: {  	_ = 	snop  }
0x1e: {  	[tilespmem:s12], [sflag:$0x1] =	stream.indirect_vreg.gather [hbm4b:s6+s3], $0x80, v3, vm0, $0xb8;
	[tilespmem:$0x1C80] =	vst v63  }
0x1f: {  	[tilespmem:$0x1080] =	vst v2  }
0x20: {  	[tilespmem:$0x1090] =	vst v2  }
0x21: {  	[tilespmem:$0x10A0] =	vst v2  }
0x22: {  	[tilespmem:$0x10B0] =	vst v2  }
0x23: {  	[tilespmem:$0x10C0] =	vst v2  }
0x24: {  	[tilespmem:$0x10D0] =	vst v2  }
0x25: {  	[tilespmem:$0x10E0] =	vst v2  }
0x26: {  	[tilespmem:$0x10F0] =	vst v2  }
0x27: {  	[tilespmem:$0x1480] =	vst v2  }
0x28: {  	[tilespmem:$0x1490] =	vst v2  }
0x29: {  	[tilespmem:$0x14A0] =	vst v2  }
0x2a: {  	[tilespmem:$0x14B0] =	vst v2  }
0x2b: {  	[tilespmem:$0x14C0] =	vst v2  }
0x2c: {  	[tilespmem:$0x14D0] =	vst v2  }
0x2d: {  	[tilespmem:$0x14E0] =	vst v2  }
0x2e: {  	[tilespmem:$0x14F0] =	vst v2  }
0x2f: {  	[tilespmem:$0x1880] =	vst v2  }
0x30: {  	[tilespmem:$0x1890] =	vst v2  }
0x31: {  	[tilespmem:$0x18A0] =	vst v2  }
0x32: {  	[tilespmem:$0x18B0] =	vst v2  }
0x33: {  	[tilespmem:$0x18C0] =	vst v2  }
0x34: {  	[tilespmem:$0x18D0] =	vst v2  }
0x35: {  	[tilespmem:$0x18E0] =	vst v2  }
0x36: {  	[tilespmem:$0x18F0] =	vst v2  }
0x37: {  	[tilespmem:$0x1100] =	vst v2  }
0x38: {  	[tilespmem:$0x1110] =	vst v2  }
0x39: {  	[tilespmem:$0x1120] =	vst v2  }
0x3a: {  	[tilespmem:$0x1130] =	vst v2  }
0x3b: {  	[tilespmem:$0x1140] =	vst v2  }
0x3c: {  	[tilespmem:$0x1150] =	vst v2  }
0x3d: {  	[tilespmem:$0x1160] =	vst v2  }
0x3e: {  	[tilespmem:$0x1170] =	vst v2  }
0x3f: {  	[tilespmem:$0x1500] =	vst v2  }
0x40: {  	[tilespmem:$0x1510] =	vst v2  }
0x41: {  	[tilespmem:$0x1520] =	vst v2  }
0x42: {  	[tilespmem:$0x1530] =	vst v2  }
0x43: {  	[tilespmem:$0x1540] =	vst v2  }
0x44: {  	[tilespmem:$0x1550] =	vst v2  }
0x45: {  	[tilespmem:$0x1560] =	vst v2  }
0x46: {  	[tilespmem:$0x1570] =	vst v2  }
0x47: {  	[tilespmem:$0x1900] =	vst v2  }
0x48: {  	[tilespmem:$0x1910] =	vst v2  }
0x49: {  	[tilespmem:$0x1920] =	vst v2  }
0x4a: {  	[tilespmem:$0x1930] =	vst v2  }
0x4b: {  	[tilespmem:$0x1940] =	vst v2  }
0x4c: {  	[tilespmem:$0x1950] =	vst v2  }
0x4d: {  	[tilespmem:$0x1960] =	vst v2  }
0x4e: {  	[tilespmem:$0x1970] =	vst v2  }
0x4f: {  	[tilespmem:$0x1180] =	vst v2  }
0x50: {  	[tilespmem:$0x1190] =	vst v2  }
0x51: {  	[tilespmem:$0x11A0] =	vst v2  }
0x52: {  	[tilespmem:$0x11B0] =	vst v2  }
0x53: {  	[tilespmem:$0x11C0] =	vst v2  }
0x54: {  	[tilespmem:$0x11D0] =	vst v2  }
0x55: {  	[tilespmem:$0x11E0] =	vst v2  }
0x56: {  	[tilespmem:$0x11F0] =	vst v2  }
0x57: {  	[tilespmem:$0x1580] =	vst v2  }
0x58: {  	[tilespmem:$0x1590] =	vst v2  }
0x59: {  	[tilespmem:$0x15A0] =	vst v2  }
0x5a: {  	[tilespmem:$0x15B0] =	vst v2  }
0x5b: {  	[tilespmem:$0x15C0] =	vst v2  }
0x5c: {  	[tilespmem:$0x15D0] =	vst v2  }
0x5d: {  	[tilespmem:$0x15E0] =	vst v2  }
0x5e: {  	[tilespmem:$0x15F0] =	vst v2  }
0x5f: {  	[tilespmem:$0x1980] =	vst v2  }
0x60: {  	[tilespmem:$0x1990] =	vst v2  }
0x61: {  	[tilespmem:$0x19A0] =	vst v2  }
0x62: {  	[tilespmem:$0x19B0] =	vst v2  }
0x63: {  	[tilespmem:$0x19C0] =	vst v2  }
0x64: {  	[tilespmem:$0x19D0] =	vst v2  }
0x65: {  	[tilespmem:$0x19E0] =	vst v2  }
0x66: {  	[tilespmem:$0x19F0] =	vst v2  }
0x67: {  	[tilespmem:$0x1200] =	vst v2  }
0x68: {  	[tilespmem:$0x1210] =	vst v2  }
0x69: {  	[tilespmem:$0x1220] =	vst v2  }
0x6a: {  	[tilespmem:$0x1230] =	vst v2  }
0x6b: {  	[tilespmem:$0x1240] =	vst v2  }
0x6c: {  	[tilespmem:$0x1250] =	vst v2  }
0x6d: {  	[tilespmem:$0x1260] =	vst v2  }
0x6e: {  	[tilespmem:$0x1270] =	vst v2  }
0x6f: {  	[tilespmem:$0x1600] =	vst v2  }
0x70: {  	[tilespmem:$0x1610] =	vst v2  }
0x71: {  	[tilespmem:$0x1620] =	vst v2  }
0x72: {  	[tilespmem:$0x1630] =	vst v2  }
0x73: {  	[tilespmem:$0x1640] =	vst v2  }
0x74: {  	[tilespmem:$0x1650] =	vst v2  }
0x75: {  	[tilespmem:$0x1660] =	vst v2  }
0x76: {  	[tilespmem:$0x1670] =	vst v2  }
0x77: {  	[tilespmem:$0x1A00] =	vst v2  }
0x78: {  	[tilespmem:$0x1A10] =	vst v2  }
0x79: {  	[tilespmem:$0x1A20] =	vst v2  }
0x7a: {  	[tilespmem:$0x1A30] =	vst v2  }
0x7b: {  	[tilespmem:$0x1A40] =	vst v2  }
0x7c: {  	[tilespmem:$0x1A50] =	vst v2  }
0x7d: {  	[tilespmem:$0x1A60] =	vst v2  }
0x7e: {  	[tilespmem:$0x1A70] =	vst v2  }
0x7f: {  	[tilespmem:$0x1280] =	vst v2  }
0x80: {  	[tilespmem:$0x1290] =	vst v2  }
0x81: {  	[tilespmem:$0x12A0] =	vst v2  }
0x82: {  	[tilespmem:$0x12B0] =	vst v2  }
0x83: {  	[tilespmem:$0x12C0] =	vst v2  }
0x84: {  	[tilespmem:$0x12D0] =	vst v2  }
0x85: {  	[tilespmem:$0x12E0] =	vst v2  }
0x86: {  	[tilespmem:$0x12F0] =	vst v2  }
0x87: {  	[tilespmem:$0x1680] =	vst v2  }
0x88: {  	[tilespmem:$0x1690] =	vst v2  }
0x89: {  	[tilespmem:$0x16A0] =	vst v2  }
0x8a: {  	[tilespmem:$0x16B0] =	vst v2  }
0x8b: {  	[tilespmem:$0x16C0] =	vst v2  }
0x8c: {  	[tilespmem:$0x16D0] =	vst v2  }
0x8d: {  	[tilespmem:$0x16E0] =	vst v2  }
0x8e: {  	[tilespmem:$0x16F0] =	vst v2  }
0x8f: {  	[tilespmem:$0x1A80] =	vst v2  }
0x90: {  	[tilespmem:$0x1A90] =	vst v2  }
0x91: {  	[tilespmem:$0x1AA0] =	vst v2  }
0x92: {  	[tilespmem:$0x1AB0] =	vst v2  }
0x93: {  	[tilespmem:$0x1AC0] =	vst v2  }
0x94: {  	[tilespmem:$0x1AD0] =	vst v2  }
0x95: {  	[tilespmem:$0x1AE0] =	vst v2  }
0x96: {  	[tilespmem:$0x1AF0] =	vst v2  }
0x97: {  	[tilespmem:$0x1300] =	vst v2  }
0x98: {  	[tilespmem:$0x1310] =	vst v2  }
0x99: {  	[tilespmem:$0x1320] =	vst v2  }
0x9a: {  	[tilespmem:$0x1330] =	vst v2  }
0x9b: {  	[tilespmem:$0x1340] =	vst v2  }
0x9c: {  	[tilespmem:$0x1350] =	vst v2  }
0x9d: {  	[tilespmem:$0x1360] =	vst v2  }
0x9e: {  	[tilespmem:$0x1370] =	vst v2  }
0x9f: {  	[tilespmem:$0x1700] =	vst v2  }
0xa0: {  	[tilespmem:$0x1710] =	vst v2  }
0xa1: {  	[tilespmem:$0x1720] =	vst v2  }
0xa2: {  	[tilespmem:$0x1730] =	vst v2  }
0xa3: {  	[tilespmem:$0x1740] =	vst v2  }
0xa4: {  	[tilespmem:$0x1750] =	vst v2  }
0xa5: {  	[tilespmem:$0x1760] =	vst v2  }
0xa6: {  	[tilespmem:$0x1770] =	vst v2  }
0xa7: {  	[tilespmem:$0x1B00] =	vst v2  }
0xa8: {  	[tilespmem:$0x1B10] =	vst v2  }
0xa9: {  	[tilespmem:$0x1B20] =	vst v2  }
0xaa: {  	[tilespmem:$0x1B30] =	vst v2  }
0xab: {  	[tilespmem:$0x1B40] =	vst v2  }
0xac: {  	[tilespmem:$0x1B50] =	vst v2  }
0xad: {  	[tilespmem:$0x1B60] =	vst v2  }
0xae: {  	[tilespmem:$0x1B70] =	vst v2  }
0xaf: {  	[tilespmem:$0x1380] =	vst v2  }
0xb0: {  	[tilespmem:$0x1390] =	vst v2  }
0xb1: {  	[tilespmem:$0x13A0] =	vst v2  }
0xb2: {  	[tilespmem:$0x13B0] =	vst v2  }
0xb3: {  	[tilespmem:$0x13C0] =	vst v2  }
0xb4: {  	[tilespmem:$0x13D0] =	vst v2  }
0xb5: {  	[tilespmem:$0x13E0] =	vst v2  }
0xb6: {  	[tilespmem:$0x13F0] =	vst v2  }
0xb7: {  	[tilespmem:$0x1780] =	vst v2  }
0xb8: {  	[tilespmem:$0x1790] =	vst v2  }
0xb9: {  	[tilespmem:$0x17A0] =	vst v2  }
0xba: {  	[tilespmem:$0x17B0] =	vst v2  }
0xbb: {  	[tilespmem:$0x17C0] =	vst v2  }
0xbc: {  	[tilespmem:$0x17D0] =	vst v2  }
0xbd: {  	[tilespmem:$0x17E0] =	vst v2  }
0xbe: {  	[tilespmem:$0x17F0] =	vst v2  }
0xbf: {  	[tilespmem:$0x1B80] =	vst v2  }
0xc0: {  	[tilespmem:$0x1B90] =	vst v2  }
0xc1: {  	[tilespmem:$0x1BA0] =	vst v2  }
0xc2: {  	[tilespmem:$0x1BB0] =	vst v2  }
0xc3: {  	[tilespmem:$0x1BC0] =	vst v2  }
0xc4: {  	[tilespmem:$0x1BD0] =	vst v2  }
0xc5: {  	[tilespmem:$0x1BE0] =	vst v2  }
0xc6: {  	[tilespmem:$0x1BF0] =	vst v2  }
0xc7: {  	[tilespmem:$0x1400] =	vst v2  }
0xc8: {  	[tilespmem:$0x1410] =	vst v2  }
0xc9: {  	[tilespmem:$0x1420] =	vst v2  }
0xca: {  	[tilespmem:$0x1430] =	vst v2  }
0xcb: {  	[tilespmem:$0x1440] =	vst v2  }
0xcc: {  	[tilespmem:$0x1450] =	vst v2  }
0xcd: {  	[tilespmem:$0x1460] =	vst v2  }
0xce: {  	[tilespmem:$0x1470] =	vst v2  }
0xcf: {  	[tilespmem:$0x1800] =	vst v2  }
0xd0: {  	[tilespmem:$0x1810] =	vst v2  }
0xd1: {  	[tilespmem:$0x1820] =	vst v2  }
0xd2: {  	[tilespmem:$0x1830] =	vst v2  }
0xd3: {  	[tilespmem:$0x1840] =	vst v2  }
0xd4: {  	[tilespmem:$0x1850] =	vst v2  }
0xd5: {  	[tilespmem:$0x1860] =	vst v2  }
0xd6: {  	[tilespmem:$0x1870] =	vst v2  }
0xd7: {  	[tilespmem:$0x1C00] =	vst v2  }
0xd8: {  	[tilespmem:$0x1C10] =	vst v2  }
0xd9: {  	[tilespmem:$0x1C20] =	vst v2  }
0xda: {  	[tilespmem:$0x1C30] =	vst v2  }
0xdb: {  	[tilespmem:$0x1C40] =	vst v2  }
0xdc: {  	[tilespmem:$0x1C50] =	vst v2  }
0xdd: {  	[tilespmem:$0x1C60] =	vst v2  }
0xde: {  	[tilespmem:$0x1C70] =	vst v2  }
0xdf: {  	_ =	swait.ge [sflag:s13], $0xC00  }
0xe0: {  	[sflag:s13] =	ssyncset.done $0x0  }
0xe1: {  	s16 =	simm.s32 $0x0;
	[sflag:s13] =	ssyncadd.s32 $0xFFFFF400  }
.LBB2_2:
0xe2: {  	s17 =	sshll.u32 s16, $0x7  }
0xe3: {  	v3 =	vld [tilespmem:s17+$0x80]  }
0xe4: {  	v4 =	vld [tilespmem:s17+$0x480];
	_ =	sdelay $0x1  }
0xe5: {  	v5 =	vld [tilespmem:$0x1080];
	_ =	sdelay $0x2  }
0xe6: {  	v4 =	vmul.f32 v4, v3;
	_ =	sdelay $0x1  }
0xe7: {  	v4 =	vadd.f32 v4, v5;
	_ =	sdelay $0x1  }
0xe8: {  	[tilespmem:$0x1080] =	vst v4  }
0xe9: {  	v4 =	vld [tilespmem:s17+$0x490];
	_ =	sdelay $0x1  }
0xea: {  	v33 =	vld [tilespmem:$0x1090];
	_ =	sdelay $0x2  }
0xeb: {  	v4 =	vmul.f32 v4, v3;
	_ =	sdelay $0x1  }
0xec: {  	v4 =	vadd.f32 v4, v33;
	_ =	sdelay $0x1  }
0xed: {  	[tilespmem:$0x1090] =	vst v4  }
0xee: {  	v4 =	vld [tilespmem:s17+$0x4A0];
	_ =	sdelay $0x1  }
0xef: {  	v34 =	vld [tilespmem:$0x10A0];
	_ =	sdelay $0x2  }
0xf0: {  	v4 =	vmul.f32 v4, v3;
	_ =	sdelay $0x1  }
0xf1: {  	v4 =	vadd.f32 v4, v34;
	_ =	sdelay $0x1  }
0xf2: {  	[tilespmem:$0x10A0] =	vst v4  }
0xf3: {  	v4 =	vld [tilespmem:s17+$0x4B0];
	_ =	sdelay $0x1  }
0xf4: {  	v35 =	vld [tilespmem:$0x10B0];
	_ =	sdelay $0x2  }
0xf5: {  	v4 =	vmul.f32 v4, v3;
	_ =	sdelay $0x1  }
0xf6: {  	v4 =	vadd.f32 v4, v35;
	_ =	sdelay $0x1  }
0xf7: {  	[tilespmem:$0x10B0] =	vst v4  }
0xf8: {  	v4 =	vld [tilespmem:s17+$0x4C0];
	_ =	sdelay $0x1  }
0xf9: {  	v36 =	vld [tilespmem:$0x10C0];
	_ =	sdelay $0x2  }
0xfa: {  	v4 =	vmul.f32 v4, v3;
	_ =	sdelay $0x1  }
0xfb: {  	v4 =	vadd.f32 v4, v36;
	_ =	sdelay $0x1  }
0xfc: {  	[tilespmem:$0x10C0] =	vst v4  }
0xfd: {  	v4 =	vld [tilespmem:s17+$0x4D0];
	_ =	sdelay $0x1  }
0xfe: {  	v37 =	vld [tilespmem:$0x10D0];
	_ =	sdelay $0x2  }
0xff: {  	v4 =	vmul.f32 v4, v3;
	_ =	sdelay $0x1  }
0x100: {  	v4 =	vadd.f32 v4, v37;
	_ =	sdelay $0x1  }
0x101: {  	[tilespmem:$0x10D0] =	vst v4  }
0x102: {  	v4 =	vld [tilespmem:s17+$0x4E0];
	_ =	sdelay $0x1  }
0x103: {  	v38 =	vld [tilespmem:$0x10E0];
	_ =	sdelay $0x2  }
0x104: {  	v4 =	vmul.f32 v4, v3;
	_ =	sdelay $0x1  }
0x105: {  	v4 =	vadd.f32 v4, v38;
	_ =	sdelay $0x1  }
0x106: {  	[tilespmem:$0x10E0] =	vst v4  }
0x107: {  	v4 =	vld [tilespmem:s17+$0x4F0];
	_ =	sdelay $0x1  }
0x108: {  	v39 =	vld [tilespmem:$0x10F0];
	_ =	sdelay $0x2  }
0x109: {  	v4 =	vmul.f32 v4, v3;
	_ =	sdelay $0x1  }
0x10a: {  	v4 =	vadd.f32 v4, v39;
	_ =	sdelay $0x1  }
0x10b: {  	[tilespmem:$0x10F0] =	vst v4  }
0x10c: {  	v4 =	vld [tilespmem:s17+$0x880];
	_ =	sdelay $0x1  }
0x10d: {  	v40 =	vld [tilespmem:$0x1480];
	_ =	sdelay $0x2  }
0x10e: {  	v4 =	vmul.f32 v4, v3;
	_ =	sdelay $0x1  }
0x10f: {  	v4 =	vadd.f32 v4, v40;
	_ =	sdelay $0x1  }
0x110: {  	[tilespmem:$0x1480] =	vst v4  }
0x111: {  	v4 =	vld [tilespmem:s17+$0x890];
	_ =	sdelay $0x1  }
0x112: {  	v41 =	vld [tilespmem:$0x1490];
	_ =	sdelay $0x2  }
0x113: {  	v4 =	vmul.f32 v4, v3;
	_ =	sdelay $0x1  }
0x114: {  	v4 =	vadd.f32 v4, v41;
	_ =	sdelay $0x1  }
0x115: {  	[tilespmem:$0x1490] =	vst v4  }
0x116: {  	v4 =	vld [tilespmem:s17+$0x8A0];
	_ =	sdelay $0x1  }
0x117: {  	v42 =	vld [tilespmem:$0x14A0];
	_ =	sdelay $0x2  }
0x118: {  	v4 =	vmul.f32 v4, v3;
	_ =	sdelay $0x1  }
0x119: {  	v4 =	vadd.f32 v4, v42;
	_ =	sdelay $0x1  }
0x11a: {  	[tilespmem:$0x14A0] =	vst v4  }
0x11b: {  	v4 =	vld [tilespmem:s17+$0x8B0];
	_ =	sdelay $0x1  }
0x11c: {  	v43 =	vld [tilespmem:$0x14B0];
	_ =	sdelay $0x2  }
0x11d: {  	v4 =	vmul.f32 v4, v3;
	_ =	sdelay $0x1  }
0x11e: {  	v4 =	vadd.f32 v4, v43;
	_ =	sdelay $0x1  }
0x11f: {  	[tilespmem:$0x14B0] =	vst v4  }
0x120: {  	v4 =	vld [tilespmem:s17+$0x8C0];
	_ =	sdelay $0x1  }
0x121: {  	v44 =	vld [tilespmem:$0x14C0];
	_ =	sdelay $0x2  }
0x122: {  	v4 =	vmul.f32 v4, v3;
	_ =	sdelay $0x1  }
0x123: {  	v4 =	vadd.f32 v4, v44;
	_ =	sdelay $0x1  }
0x124: {  	[tilespmem:$0x14C0] =	vst v4  }
0x125: {  	v4 =	vld [tilespmem:s17+$0x8D0];
	_ =	sdelay $0x1  }
0x126: {  	v45 =	vld [tilespmem:$0x14D0];
	_ =	sdelay $0x2  }
0x127: {  	v4 =	vmul.f32 v4, v3;
	_ =	sdelay $0x1  }
0x128: {  	v4 =	vadd.f32 v4, v45;
	_ =	sdelay $0x1  }
0x129: {  	[tilespmem:$0x14D0] =	vst v4  }
0x12a: {  	v4 =	vld [tilespmem:s17+$0x8E0];
	_ =	sdelay $0x1  }
0x12b: {  	v46 =	vld [tilespmem:$0x14E0];
	_ =	sdelay $0x2  }
0x12c: {  	v4 =	vmul.f32 v4, v3;
	_ =	sdelay $0x1  }
0x12d: {  	v4 =	vadd.f32 v4, v46;
	_ =	sdelay $0x1  }
0x12e: {  	[tilespmem:$0x14E0] =	vst v4  }
0x12f: {  	v4 =	vld [tilespmem:s17+$0x8F0];
	_ =	sdelay $0x1  }
0x130: {  	v47 =	vld [tilespmem:$0x14F0];
	_ =	sdelay $0x2  }
0x131: {  	v4 =	vmul.f32 v4, v3;
	_ =	sdelay $0x1  }
0x132: {  	v4 =	vadd.f32 v4, v47;
	_ =	sdelay $0x1  }
0x133: {  	[tilespmem:$0x14F0] =	vst v4  }
0x134: {  	v4 =	vld [tilespmem:s17+$0xC80];
	_ =	sdelay $0x1  }
0x135: {  	v48 =	vld [tilespmem:$0x1880];
	_ =	sdelay $0x2  }
0x136: {  	v4 =	vmul.f32 v4, v3;
	_ =	sdelay $0x1  }
0x137: {  	v4 =	vadd.f32 v4, v48;
	_ =	sdelay $0x1  }
0x138: {  	[tilespmem:$0x1880] =	vst v4  }
0x139: {  	v4 =	vld [tilespmem:s17+$0xC90];
	_ =	sdelay $0x1  }
0x13a: {  	v49 =	vld [tilespmem:$0x1890];
	_ =	sdelay $0x2  }
0x13b: {  	v4 =	vmul.f32 v4, v3;
	_ =	sdelay $0x1  }
0x13c: {  	v4 =	vadd.f32 v4, v49;
	_ =	sdelay $0x1  }
0x13d: {  	[tilespmem:$0x1890] =	vst v4  }
0x13e: {  	v4 =	vld [tilespmem:s17+$0xCA0];
	_ =	sdelay $0x1  }
0x13f: {  	v50 =	vld [tilespmem:$0x18A0];
	_ =	sdelay $0x2  }
0x140: {  	v4 =	vmul.f32 v4, v3;
	_ =	sdelay $0x1  }
0x141: {  	v4 =	vadd.f32 v4, v50;
	_ =	sdelay $0x1  }
0x142: {  	[tilespmem:$0x18A0] =	vst v4  }
0x143: {  	v4 =	vld [tilespmem:s17+$0xCB0];
	_ =	sdelay $0x1  }
0x144: {  	v51 =	vld [tilespmem:$0x18B0];
	_ =	sdelay $0x2  }
0x145: {  	v4 =	vmul.f32 v4, v3;
	_ =	sdelay $0x1  }
0x146: {  	v4 =	vadd.f32 v4, v51;
	_ =	sdelay $0x1  }
0x147: {  	[tilespmem:$0x18B0] =	vst v4  }
0x148: {  	v4 =	vld [tilespmem:s17+$0xCC0];
	_ =	sdelay $0x1  }
0x149: {  	v52 =	vld [tilespmem:$0x18C0];
	_ =	sdelay $0x2  }
0x14a: {  	v4 =	vmul.f32 v4, v3;
	_ =	sdelay $0x1  }
0x14b: {  	v4 =	vadd.f32 v4, v52;
	_ =	sdelay $0x1  }
0x14c: {  	[tilespmem:$0x18C0] =	vst v4  }
0x14d: {  	v4 =	vld [tilespmem:s17+$0xCD0];
	_ =	sdelay $0x1  }
0x14e: {  	v53 =	vld [tilespmem:$0x18D0];
	_ =	sdelay $0x2  }
0x14f: {  	v4 =	vmul.f32 v4, v3;
	_ =	sdelay $0x1  }
0x150: {  	v4 =	vadd.f32 v4, v53;
	_ =	sdelay $0x1  }
0x151: {  	[tilespmem:$0x18D0] =	vst v4  }
0x152: {  	v4 =	vld [tilespmem:s17+$0xCE0];
	_ =	sdelay $0x1  }
0x153: {  	v54 =	vld [tilespmem:$0x18E0];
	_ =	sdelay $0x2  }
0x154: {  	v4 =	vmul.f32 v4, v3;
	_ =	sdelay $0x1  }
0x155: {  	v4 =	vadd.f32 v4, v54;
	_ =	sdelay $0x1  }
0x156: {  	[tilespmem:$0x18E0] =	vst v4  }
0x157: {  	v4 =	vld [tilespmem:s17+$0xCF0];
	_ =	sdelay $0x1  }
0x158: {  	v55 =	vld [tilespmem:$0x18F0];
	_ =	sdelay $0x2  }
0x159: {  	v3 =	vmul.f32 v4, v3;
	_ =	sdelay $0x1  }
0x15a: {  	v3 =	vadd.f32 v3, v55;
	_ =	sdelay $0x1  }
0x15b: {  	[tilespmem:$0x18F0] =	vst v3  }
0x15c: {  	v3 =	vld [tilespmem:s17+$0x90]  }
0x15d: {  	v56 =	vld [tilespmem:s17+$0x480];
	_ =	sdelay $0x1  }
0x15e: {  	v57 =	vld [tilespmem:$0x1100];
	_ =	sdelay $0x2  }
0x15f: {  	v4 =	vmul.f32 v56, v3;
	_ =	sdelay $0x1  }
0x160: {  	v4 =	vadd.f32 v4, v57;
	_ =	sdelay $0x1  }
0x161: {  	[tilespmem:$0x1100] =	vst v4  }
0x162: {  	v4 =	vld [tilespmem:s17+$0x490];
	_ =	sdelay $0x1  }
0x163: {  	v58 =	vld [tilespmem:$0x1110];
	_ =	sdelay $0x2  }
0x164: {  	v4 =	vmul.f32 v4, v3;
	_ =	sdelay $0x1  }
0x165: {  	v4 =	vadd.f32 v4, v58;
	_ =	sdelay $0x1  }
0x166: {  	[tilespmem:$0x1110] =	vst v4  }
0x167: {  	v4 =	vld [tilespmem:s17+$0x4A0];
	_ =	sdelay $0x1  }
0x168: {  	v59 =	vld [tilespmem:$0x1120];
	_ =	sdelay $0x2  }
0x169: {  	v4 =	vmul.f32 v4, v3;
	_ =	sdelay $0x1  }
0x16a: {  	v4 =	vadd.f32 v4, v59;
	_ =	sdelay $0x1  }
0x16b: {  	v60 =	vld [tilespmem:$0x1130];
	[tilespmem:$0x1120] =	vst v4  }
0x16c: {  	v61 =	vld [tilespmem:s17+$0x4B0];
	_ =	sdelay $0x4  }
0x16d: {  	v5 =	vmul.f32 v61, v3;
	_ =	sdelay $0x1  }
0x16e: {  	v4 =	vadd.f32 v5, v60;
	_ =	sdelay $0x1  }
0x16f: {  	[tilespmem:$0x1130] =	vst v4  }
0x170: {  	v4 =	vld [tilespmem:s17+$0x4C0];
	_ =	sdelay $0x1  }
0x171: {  	v62 =	vld [tilespmem:$0x1140];
	_ =	sdelay $0x2  }
0x172: {  	v4 =	vmul.f32 v4, v3;
	_ =	sdelay $0x1  }
0x173: {  	v4 =	vadd.f32 v4, v62;
	_ =	sdelay $0x1  }
0x174: {  	[tilespmem:$0x1140] =	vst v4  }
0x175: {  	v4 =	vld [tilespmem:s17+$0x4D0];
	_ =	sdelay $0x1  }
0x176: {  	v63 =	vld [tilespmem:$0x1150];
	_ =	sdelay $0x2  }
0x177: {  	v4 =	vmul.f32 v4, v3;
	_ =	sdelay $0x1  }
0x178: {  	v4 =	vadd.f32 v4, v63;
	_ =	sdelay $0x1  }
0x179: {  	[tilespmem:$0x1150] =	vst v4  }
0x17a: {  	v4 =	vld [tilespmem:s17+$0x4E0];
	_ =	sdelay $0x1  }
0x17b: {  	v8 =	vld [tilespmem:$0x1160];
	_ =	sdelay $0x2  }
0x17c: {  	v4 =	vmul.f32 v4, v3;
	_ =	sdelay $0x1  }
0x17d: {  	v4 =	vadd.f32 v4, v8;
	_ =	sdelay $0x1  }
0x17e: {  	[tilespmem:$0x1160] =	vst v4  }
0x17f: {  	v4 =	vld [tilespmem:s17+$0x4F0];
	_ =	sdelay $0x1  }
0x180: {  	v9 =	vld [tilespmem:$0x1170];
	_ =	sdelay $0x2  }
0x181: {  	v4 =	vmul.f32 v4, v3;
	_ =	sdelay $0x1  }
0x182: {  	v4 =	vadd.f32 v4, v9;
	_ =	sdelay $0x1  }
0x183: {  	[tilespmem:$0x1170] =	vst v4  }
0x184: {  	v4 =	vld [tilespmem:s17+$0x880];
	_ =	sdelay $0x1  }
0x185: {  	v10 =	vld [tilespmem:$0x1500];
	_ =	sdelay $0x2  }
0x186: {  	v4 =	vmul.f32 v4, v3;
	_ =	sdelay $0x1  }
0x187: {  	v4 =	vadd.f32 v4, v10;
	_ =	sdelay $0x1  }
0x188: {  	[tilespmem:$0x1500] =	vst v4  }
0x189: {  	v4 =	vld [tilespmem:s17+$0x890];
	_ =	sdelay $0x1  }
0x18a: {  	v11 =	vld [tilespmem:$0x1510];
	_ =	sdelay $0x2  }
0x18b: {  	v4 =	vmul.f32 v4, v3;
	_ =	sdelay $0x1  }
0x18c: {  	v4 =	vadd.f32 v4, v11;
	_ =	sdelay $0x1  }
0x18d: {  	[tilespmem:$0x1510] =	vst v4  }
0x18e: {  	v4 =	vld [tilespmem:s17+$0x8A0];
	_ =	sdelay $0x1  }
0x18f: {  	v12 =	vld [tilespmem:$0x1520];
	_ =	sdelay $0x2  }
0x190: {  	v4 =	vmul.f32 v4, v3;
	_ =	sdelay $0x1  }
0x191: {  	v4 =	vadd.f32 v4, v12;
	_ =	sdelay $0x1  }
0x192: {  	[tilespmem:$0x1520] =	vst v4  }
0x193: {  	v4 =	vld [tilespmem:s17+$0x8B0];
	_ =	sdelay $0x1  }
0x194: {  	v13 =	vld [tilespmem:$0x1530];
	_ =	sdelay $0x2  }
0x195: {  	v4 =	vmul.f32 v4, v3;
	_ =	sdelay $0x1  }
0x196: {  	v4 =	vadd.f32 v4, v13;
	_ =	sdelay $0x1  }
0x197: {  	[tilespmem:$0x1530] =	vst v4  }
0x198: {  	v4 =	vld [tilespmem:s17+$0x8C0];
	_ =	sdelay $0x1  }
0x199: {  	v14 =	vld [tilespmem:$0x1540];
	_ =	sdelay $0x2  }
0x19a: {  	v4 =	vmul.f32 v4, v3;
	_ =	sdelay $0x1  }
0x19b: {  	v4 =	vadd.f32 v4, v14;
	_ =	sdelay $0x1  }
0x19c: {  	[tilespmem:$0x1540] =	vst v4  }
0x19d: {  	v4 =	vld [tilespmem:s17+$0x8D0];
	_ =	sdelay $0x1  }
0x19e: {  	v15 =	vld [tilespmem:$0x1550];
	_ =	sdelay $0x2  }
0x19f: {  	v4 =	vmul.f32 v4, v3;
	_ =	sdelay $0x1  }
0x1a0: {  	v4 =	vadd.f32 v4, v15;
	_ =	sdelay $0x1  }
0x1a1: {  	[tilespmem:$0x1550] =	vst v4  }
0x1a2: {  	v4 =	vld [tilespmem:s17+$0x8E0];
	_ =	sdelay $0x1  }
0x1a3: {  	v16 =	vld [tilespmem:$0x1560];
	_ =	sdelay $0x2  }
0x1a4: {  	v4 =	vmul.f32 v4, v3;
	_ =	sdelay $0x1  }
0x1a5: {  	v4 =	vadd.f32 v4, v16;
	_ =	sdelay $0x1  }
0x1a6: {  	[tilespmem:$0x1560] =	vst v4  }
0x1a7: {  	v4 =	vld [tilespmem:s17+$0x8F0];
	_ =	sdelay $0x1  }
0x1a8: {  	v17 =	vld [tilespmem:$0x1570];
	_ =	sdelay $0x2  }
0x1a9: {  	v4 =	vmul.f32 v4, v3;
	_ =	sdelay $0x1  }
0x1aa: {  	v4 =	vadd.f32 v4, v17;
	_ =	sdelay $0x1  }
0x1ab: {  	[tilespmem:$0x1570] =	vst v4  }
0x1ac: {  	v4 =	vld [tilespmem:s17+$0xC80];
	_ =	sdelay $0x1  }
0x1ad: {  	v18 =	vld [tilespmem:$0x1900];
	_ =	sdelay $0x2  }
0x1ae: {  	v4 =	vmul.f32 v4, v3;
	_ =	sdelay $0x1  }
0x1af: {  	v4 =	vadd.f32 v4, v18;
	_ =	sdelay $0x1  }
0x1b0: {  	[tilespmem:$0x1900] =	vst v4  }
0x1b1: {  	v4 =	vld [tilespmem:s17+$0xC90];
	_ =	sdelay $0x1  }
0x1b2: {  	v19 =	vld [tilespmem:$0x1910];
	_ =	sdelay $0x2  }
0x1b3: {  	v4 =	vmul.f32 v4, v3;
	_ =	sdelay $0x1  }
0x1b4: {  	v4 =	vadd.f32 v4, v19;
	_ =	sdelay $0x1  }
0x1b5: {  	[tilespmem:$0x1910] =	vst v4  }
0x1b6: {  	v4 =	vld [tilespmem:s17+$0xCA0];
	_ =	sdelay $0x1  }
0x1b7: {  	v20 =	vld [tilespmem:$0x1920];
	_ =	sdelay $0x2  }
0x1b8: {  	v4 =	vmul.f32 v4, v3;
	_ =	sdelay $0x1  }
0x1b9: {  	v4 =	vadd.f32 v4, v20;
	_ =	sdelay $0x1  }
0x1ba: {  	[tilespmem:$0x1920] =	vst v4  }
0x1bb: {  	v4 =	vld [tilespmem:s17+$0xCB0];
	_ =	sdelay $0x1  }
0x1bc: {  	v21 =	vld [tilespmem:$0x1930];
	_ =	sdelay $0x2  }
0x1bd: {  	v4 =	vmul.f32 v4, v3;
	_ =	sdelay $0x1  }
0x1be: {  	v4 =	vadd.f32 v4, v21;
	_ =	sdelay $0x1  }
0x1bf: {  	[tilespmem:$0x1930] =	vst v4  }
0x1c0: {  	v4 =	vld [tilespmem:s17+$0xCC0];
	_ =	sdelay $0x1  }
0x1c1: {  	v22 =	vld [tilespmem:$0x1940];
	_ =	sdelay $0x2  }
0x1c2: {  	v4 =	vmul.f32 v4, v3;
	_ =	sdelay $0x1  }
0x1c3: {  	v4 =	vadd.f32 v4, v22;
	_ =	sdelay $0x1  }
0x1c4: {  	[tilespmem:$0x1940] =	vst v4  }
0x1c5: {  	v4 =	vld [tilespmem:s17+$0xCD0];
	_ =	sdelay $0x1  }
0x1c6: {  	v23 =	vld [tilespmem:$0x1950];
	_ =	sdelay $0x2  }
0x1c7: {  	v4 =	vmul.f32 v4, v3;
	_ =	sdelay $0x1  }
0x1c8: {  	v4 =	vadd.f32 v4, v23;
	_ =	sdelay $0x1  }
0x1c9: {  	[tilespmem:$0x1950] =	vst v4  }
0x1ca: {  	v4 =	vld [tilespmem:s17+$0xCE0];
	_ =	sdelay $0x1  }
0x1cb: {  	v24 =	vld [tilespmem:$0x1960];
	_ =	sdelay $0x2  }
0x1cc: {  	v4 =	vmul.f32 v4, v3;
	_ =	sdelay $0x1  }
0x1cd: {  	v4 =	vadd.f32 v4, v24;
	_ =	sdelay $0x1  }
0x1ce: {  	[tilespmem:$0x1960] =	vst v4  }
0x1cf: {  	v4 =	vld [tilespmem:s17+$0xCF0];
	_ =	sdelay $0x1  }
0x1d0: {  	v25 =	vld [tilespmem:$0x1970];
	_ =	sdelay $0x2  }
0x1d1: {  	v3 =	vmul.f32 v4, v3;
	_ =	sdelay $0x1  }
0x1d2: {  	v3 =	vadd.f32 v3, v25;
	_ =	sdelay $0x1  }
0x1d3: {  	[tilespmem:$0x1970] =	vst v3  }
0x1d4: {  	v3 =	vld [tilespmem:s17+$0xA0]  }
0x1d5: {  	v26 =	vld [tilespmem:s17+$0x480];
	_ =	sdelay $0x1  }
0x1d6: {  	v27 =	vld [tilespmem:$0x1180];
	_ =	sdelay $0x2  }
0x1d7: {  	v4 =	vmul.f32 v26, v3;
	_ =	sdelay $0x1  }
0x1d8: {  	v4 =	vadd.f32 v4, v27;
	_ =	sdelay $0x1  }
0x1d9: {  	[tilespmem:$0x1180] =	vst v4  }
0x1da: {  	v4 =	vld [tilespmem:s17+$0x490];
	_ =	sdelay $0x1  }
0x1db: {  	v28 =	vld [tilespmem:$0x1190];
	_ =	sdelay $0x2  }
0x1dc: {  	v4 =	vmul.f32 v4, v3;
	_ =	sdelay $0x1  }
0x1dd: {  	v4 =	vadd.f32 v4, v28;
	_ =	sdelay $0x1  }
0x1de: {  	[tilespmem:$0x1190] =	vst v4  }
0x1df: {  	v4 =	vld [tilespmem:s17+$0x4A0];
	_ =	sdelay $0x1  }
0x1e0: {  	v29 =	vld [tilespmem:$0x11A0];
	_ =	sdelay $0x2  }
0x1e1: {  	v4 =	vmul.f32 v4, v3;
	_ =	sdelay $0x1  }
0x1e2: {  	v4 =	vadd.f32 v4, v29;
	_ =	sdelay $0x1  }
0x1e3: {  	[tilespmem:$0x11A0] =	vst v4  }
0x1e4: {  	v4 =	vld [tilespmem:s17+$0x4B0];
	_ =	sdelay $0x1  }
0x1e5: {  	v30 =	vld [tilespmem:$0x11B0];
	_ =	sdelay $0x2  }
0x1e6: {  	v4 =	vmul.f32 v4, v3;
	_ =	sdelay $0x1  }
0x1e7: {  	v4 =	vadd.f32 v4, v30;
	_ =	sdelay $0x1  }
0x1e8: {  	[tilespmem:$0x11B0] =	vst v4  }
0x1e9: {  	v4 =	vld [tilespmem:s17+$0x4C0];
	_ =	sdelay $0x1  }
0x1ea: {  	v31 =	vld [tilespmem:$0x11C0];
	_ =	sdelay $0x2  }
0x1eb: {  	v4 =	vmul.f32 v4, v3;
	_ =	sdelay $0x1  }
0x1ec: {  	v4 =	vadd.f32 v4, v31;
	_ =	sdelay $0x1  }
0x1ed: {  	[tilespmem:$0x11C0] =	vst v4  }
0x1ee: {  	v4 =	vld [tilespmem:s17+$0x4D0];
	_ =	sdelay $0x1  }
0x1ef: {  	v32 =	vld [tilespmem:$0x11D0];
	_ =	sdelay $0x2  }
0x1f0: {  	v4 =	vmul.f32 v4, v3;
	_ =	sdelay $0x1  }
0x1f1: {  	v4 =	vadd.f32 v4, v32;
	_ =	sdelay $0x1  }
0x1f2: {  	[tilespmem:$0x11D0] =	vst v4  }
0x1f3: {  	v4 =	vld [tilespmem:s17+$0x4E0];
	_ =	sdelay $0x1  }
0x1f4: {  	v33 =	vld [tilespmem:$0x11E0];
	_ =	sdelay $0x2  }
0x1f5: {  	v4 =	vmul.f32 v4, v3;
	_ =	sdelay $0x1  }
0x1f6: {  	v4 =	vadd.f32 v4, v33;
	_ =	sdelay $0x1  }
0x1f7: {  	[tilespmem:$0x11E0] =	vst v4  }
0x1f8: {  	v4 =	vld [tilespmem:s17+$0x4F0];
	_ =	sdelay $0x1  }
0x1f9: {  	v34 =	vld [tilespmem:$0x11F0];
	_ =	sdelay $0x2  }
0x1fa: {  	v4 =	vmul.f32 v4, v3;
	_ =	sdelay $0x1  }
0x1fb: {  	v4 =	vadd.f32 v4, v34;
	_ =	sdelay $0x1  }
0x1fc: {  	[tilespmem:$0x11F0] =	vst v4  }
0x1fd: {  	v4 =	vld [tilespmem:s17+$0x880];
	_ =	sdelay $0x1  }
0x1fe: {  	v35 =	vld [tilespmem:$0x1580];
	_ =	sdelay $0x2  }
0x1ff: {  	v4 =	vmul.f32 v4, v3;
	_ =	sdelay $0x1  }
0x200: {  	v4 =	vadd.f32 v4, v35;
	_ =	sdelay $0x1  }
0x201: {  	[tilespmem:$0x1580] =	vst v4  }
0x202: {  	v4 =	vld [tilespmem:s17+$0x890];
	_ =	sdelay $0x1  }
0x203: {  	v36 =	vld [tilespmem:$0x1590];
	_ =	sdelay $0x2  }
0x204: {  	v4 =	vmul.f32 v4, v3;
	_ =	sdelay $0x1  }
0x205: {  	v4 =	vadd.f32 v4, v36;
	_ =	sdelay $0x1  }
0x206: {  	[tilespmem:$0x1590] =	vst v4  }
0x207: {  	v4 =	vld [tilespmem:s17+$0x8A0];
	_ =	sdelay $0x1  }
0x208: {  	v37 =	vld [tilespmem:$0x15A0];
	_ =	sdelay $0x2  }
0x209: {  	v4 =	vmul.f32 v4, v3;
	_ =	sdelay $0x1  }
0x20a: {  	v4 =	vadd.f32 v4, v37;
	_ =	sdelay $0x1  }
0x20b: {  	[tilespmem:$0x15A0] =	vst v4  }
0x20c: {  	v4 =	vld [tilespmem:s17+$0x8B0];
	_ =	sdelay $0x1  }
0x20d: {  	v38 =	vld [tilespmem:$0x15B0];
	_ =	sdelay $0x2  }
0x20e: {  	v4 =	vmul.f32 v4, v3;
	_ =	sdelay $0x1  }
0x20f: {  	v4 =	vadd.f32 v4, v38;
	_ =	sdelay $0x1  }
0x210: {  	[tilespmem:$0x15B0] =	vst v4  }
0x211: {  	v4 =	vld [tilespmem:s17+$0x8C0];
	_ =	sdelay $0x1  }
0x212: {  	v39 =	vld [tilespmem:$0x15C0];
	_ =	sdelay $0x2  }
0x213: {  	v4 =	vmul.f32 v4, v3;
	_ =	sdelay $0x1  }
0x214: {  	v4 =	vadd.f32 v4, v39;
	_ =	sdelay $0x1  }
0x215: {  	[tilespmem:$0x15C0] =	vst v4  }
0x216: {  	v4 =	vld [tilespmem:s17+$0x8D0];
	_ =	sdelay $0x1  }
0x217: {  	v40 =	vld [tilespmem:$0x15D0];
	_ =	sdelay $0x2  }
0x218: {  	v4 =	vmul.f32 v4, v3;
	_ =	sdelay $0x1  }
0x219: {  	v4 =	vadd.f32 v4, v40;
	_ =	sdelay $0x1  }
0x21a: {  	[tilespmem:$0x15D0] =	vst v4  }
0x21b: {  	v4 =	vld [tilespmem:s17+$0x8E0];
	_ =	sdelay $0x1  }
0x21c: {  	v41 =	vld [tilespmem:$0x15E0];
	_ =	sdelay $0x2  }
0x21d: {  	v4 =	vmul.f32 v4, v3;
	_ =	sdelay $0x1  }
0x21e: {  	v4 =	vadd.f32 v4, v41;
	_ =	sdelay $0x1  }
0x21f: {  	[tilespmem:$0x15E0] =	vst v4  }
0x220: {  	v4 =	vld [tilespmem:s17+$0x8F0];
	_ =	sdelay $0x1  }
0x221: {  	v42 =	vld [tilespmem:$0x15F0];
	_ =	sdelay $0x2  }
0x222: {  	v4 =	vmul.f32 v4, v3;
	_ =	sdelay $0x1  }
0x223: {  	v4 =	vadd.f32 v4, v42;
	_ =	sdelay $0x1  }
0x224: {  	[tilespmem:$0x15F0] =	vst v4  }
0x225: {  	v4 =	vld [tilespmem:s17+$0xC80];
	_ =	sdelay $0x1  }
0x226: {  	v43 =	vld [tilespmem:$0x1980];
	_ =	sdelay $0x2  }
0x227: {  	v4 =	vmul.f32 v4, v3;
	_ =	sdelay $0x1  }
0x228: {  	v4 =	vadd.f32 v4, v43;
	_ =	sdelay $0x1  }
0x229: {  	[tilespmem:$0x1980] =	vst v4  }
0x22a: {  	v4 =	vld [tilespmem:s17+$0xC90];
	_ =	sdelay $0x1  }
0x22b: {  	v44 =	vld [tilespmem:$0x1990];
	_ =	sdelay $0x2  }
0x22c: {  	v4 =	vmul.f32 v4, v3;
	_ =	sdelay $0x1  }
0x22d: {  	v4 =	vadd.f32 v4, v44;
	_ =	sdelay $0x1  }
0x22e: {  	[tilespmem:$0x1990] =	vst v4  }
0x22f: {  	v4 =	vld [tilespmem:s17+$0xCA0];
	_ =	sdelay $0x1  }
0x230: {  	v45 =	vld [tilespmem:$0x19A0];
	_ =	sdelay $0x2  }
0x231: {  	v4 =	vmul.f32 v4, v3;
	_ =	sdelay $0x1  }
0x232: {  	v4 =	vadd.f32 v4, v45;
	_ =	sdelay $0x1  }
0x233: {  	[tilespmem:$0x19A0] =	vst v4  }
0x234: {  	v4 =	vld [tilespmem:s17+$0xCB0];
	_ =	sdelay $0x1  }
0x235: {  	v46 =	vld [tilespmem:$0x19B0];
	_ =	sdelay $0x2  }
0x236: {  	v4 =	vmul.f32 v4, v3;
	_ =	sdelay $0x1  }
0x237: {  	v4 =	vadd.f32 v4, v46;
	_ =	sdelay $0x1  }
0x238: {  	[tilespmem:$0x19B0] =	vst v4  }
0x239: {  	v4 =	vld [tilespmem:s17+$0xCC0];
	_ =	sdelay $0x1  }
0x23a: {  	v47 =	vld [tilespmem:$0x19C0];
	_ =	sdelay $0x2  }
0x23b: {  	v4 =	vmul.f32 v4, v3;
	_ =	sdelay $0x1  }
0x23c: {  	v4 =	vadd.f32 v4, v47;
	_ =	sdelay $0x1  }
0x23d: {  	[tilespmem:$0x19C0] =	vst v4  }
0x23e: {  	v4 =	vld [tilespmem:s17+$0xCD0];
	_ =	sdelay $0x1  }
0x23f: {  	v48 =	vld [tilespmem:$0x19D0];
	_ =	sdelay $0x2  }
0x240: {  	v4 =	vmul.f32 v4, v3;
	_ =	sdelay $0x1  }
0x241: {  	v4 =	vadd.f32 v4, v48;
	_ =	sdelay $0x1  }
0x242: {  	[tilespmem:$0x19D0] =	vst v4  }
0x243: {  	v4 =	vld [tilespmem:s17+$0xCE0];
	_ =	sdelay $0x1  }
0x244: {  	v49 =	vld [tilespmem:$0x19E0];
	_ =	sdelay $0x2  }
0x245: {  	v4 =	vmul.f32 v4, v3;
	_ =	sdelay $0x1  }
0x246: {  	v4 =	vadd.f32 v4, v49;
	_ =	sdelay $0x1  }
0x247: {  	[tilespmem:$0x19E0] =	vst v4  }
0x248: {  	v4 =	vld [tilespmem:s17+$0xCF0];
	_ =	sdelay $0x1  }
0x249: {  	v50 =	vld [tilespmem:$0x19F0];
	_ =	sdelay $0x2  }
0x24a: {  	v3 =	vmul.f32 v4, v3;
	_ =	sdelay $0x1  }
0x24b: {  	v3 =	vadd.f32 v3, v50;
	_ =	sdelay $0x1  }
0x24c: {  	[tilespmem:$0x19F0] =	vst v3  }
0x24d: {  	v3 =	vld [tilespmem:s17+$0xB0]  }
0x24e: {  	v51 =	vld [tilespmem:s17+$0x480];
	_ =	sdelay $0x1  }
0x24f: {  	v52 =	vld [tilespmem:$0x1200];
	_ =	sdelay $0x2  }
0x250: {  	v4 =	vmul.f32 v51, v3;
	_ =	sdelay $0x1  }
0x251: {  	v4 =	vadd.f32 v4, v52;
	_ =	sdelay $0x1  }
0x252: {  	[tilespmem:$0x1200] =	vst v4  }
0x253: {  	v4 =	vld [tilespmem:s17+$0x490];
	_ =	sdelay $0x1  }
0x254: {  	v53 =	vld [tilespmem:$0x1210];
	_ =	sdelay $0x2  }
0x255: {  	v4 =	vmul.f32 v4, v3;
	_ =	sdelay $0x1  }
0x256: {  	v4 =	vadd.f32 v4, v53;
	_ =	sdelay $0x1  }
0x257: {  	[tilespmem:$0x1210] =	vst v4  }
0x258: {  	v4 =	vld [tilespmem:s17+$0x4A0];
	_ =	sdelay $0x1  }
0x259: {  	v54 =	vld [tilespmem:$0x1220];
	_ =	sdelay $0x2  }
0x25a: {  	v4 =	vmul.f32 v4, v3;
	_ =	sdelay $0x1  }
0x25b: {  	v4 =	vadd.f32 v4, v54;
	_ =	sdelay $0x1  }
0x25c: {  	[tilespmem:$0x1220] =	vst v4  }
0x25d: {  	v4 =	vld [tilespmem:s17+$0x4B0];
	_ =	sdelay $0x1  }
0x25e: {  	v55 =	vld [tilespmem:$0x1230];
	_ =	sdelay $0x2  }
0x25f: {  	v4 =	vmul.f32 v4, v3;
	_ =	sdelay $0x1  }
0x260: {  	v4 =	vadd.f32 v4, v55;
	_ =	sdelay $0x1  }
0x261: {  	[tilespmem:$0x1230] =	vst v4  }
0x262: {  	v4 =	vld [tilespmem:s17+$0x4C0];
	_ =	sdelay $0x1  }
0x263: {  	v56 =	vld [tilespmem:$0x1240];
	_ =	sdelay $0x2  }
0x264: {  	v4 =	vmul.f32 v4, v3;
	_ =	sdelay $0x1  }
0x265: {  	v4 =	vadd.f32 v4, v56;
	_ =	sdelay $0x1  }
0x266: {  	[tilespmem:$0x1240] =	vst v4  }
0x267: {  	v4 =	vld [tilespmem:s17+$0x4D0];
	_ =	sdelay $0x1  }
0x268: {  	v57 =	vld [tilespmem:$0x1250];
	_ =	sdelay $0x2  }
0x269: {  	v4 =	vmul.f32 v4, v3;
	_ =	sdelay $0x1  }
0x26a: {  	v4 =	vadd.f32 v4, v57;
	_ =	sdelay $0x1  }
0x26b: {  	[tilespmem:$0x1250] =	vst v4  }
0x26c: {  	v4 =	vld [tilespmem:s17+$0x4E0];
	_ =	sdelay $0x1  }
0x26d: {  	v58 =	vld [tilespmem:$0x1260];
	_ =	sdelay $0x2  }
0x26e: {  	v4 =	vmul.f32 v4, v3;
	_ =	sdelay $0x1  }
0x26f: {  	v4 =	vadd.f32 v4, v58;
	_ =	sdelay $0x1  }
0x270: {  	[tilespmem:$0x1260] =	vst v4  }
0x271: {  	v4 =	vld [tilespmem:s17+$0x4F0];
	_ =	sdelay $0x1  }
0x272: {  	v59 =	vld [tilespmem:$0x1270];
	_ =	sdelay $0x2  }
0x273: {  	v4 =	vmul.f32 v4, v3;
	_ =	sdelay $0x1  }
0x274: {  	v4 =	vadd.f32 v4, v59;
	_ =	sdelay $0x1  }
0x275: {  	[tilespmem:$0x1270] =	vst v4  }
0x276: {  	v4 =	vld [tilespmem:s17+$0x880];
	_ =	sdelay $0x1  }
0x277: {  	v60 =	vld [tilespmem:$0x1600];
	_ =	sdelay $0x2  }
0x278: {  	v4 =	vmul.f32 v4, v3;
	_ =	sdelay $0x1  }
0x279: {  	v4 =	vadd.f32 v4, v60;
	_ =	sdelay $0x1  }
0x27a: {  	[tilespmem:$0x1600] =	vst v4  }
0x27b: {  	v4 =	vld [tilespmem:s17+$0x890];
	_ =	sdelay $0x1  }
0x27c: {  	v61 =	vld [tilespmem:$0x1610];
	_ =	sdelay $0x2  }
0x27d: {  	v4 =	vmul.f32 v4, v3;
	_ =	sdelay $0x1  }
0x27e: {  	v4 =	vadd.f32 v4, v61;
	_ =	sdelay $0x1  }
0x27f: {  	[tilespmem:$0x1610] =	vst v4  }
0x280: {  	v4 =	vld [tilespmem:s17+$0x8A0];
	_ =	sdelay $0x1  }
0x281: {  	v62 =	vld [tilespmem:$0x1620];
	_ =	sdelay $0x2  }
0x282: {  	v4 =	vmul.f32 v4, v3;
	_ =	sdelay $0x1  }
0x283: {  	v4 =	vadd.f32 v4, v62;
	_ =	sdelay $0x1  }
0x284: {  	[tilespmem:$0x1620] =	vst v4  }
0x285: {  	v4 =	vld [tilespmem:s17+$0x8B0];
	_ =	sdelay $0x1  }
0x286: {  	v63 =	vld [tilespmem:$0x1630];
	_ =	sdelay $0x2  }
0x287: {  	v4 =	vmul.f32 v4, v3;
	_ =	sdelay $0x1  }
0x288: {  	v4 =	vadd.f32 v4, v63;
	_ =	sdelay $0x1  }
0x289: {  	[tilespmem:$0x1630] =	vst v4  }
0x28a: {  	v4 =	vld [tilespmem:s17+$0x8C0];
	_ =	sdelay $0x1  }
0x28b: {  	v8 =	vld [tilespmem:$0x1640];
	_ =	sdelay $0x2  }
0x28c: {  	v4 =	vmul.f32 v4, v3;
	_ =	sdelay $0x1  }
0x28d: {  	v4 =	vadd.f32 v4, v8;
	_ =	sdelay $0x1  }
0x28e: {  	[tilespmem:$0x1640] =	vst v4  }
0x28f: {  	v4 =	vld [tilespmem:s17+$0x8D0];
	_ =	sdelay $0x1  }
0x290: {  	v9 =	vld [tilespmem:$0x1650];
	_ =	sdelay $0x2  }
0x291: {  	v4 =	vmul.f32 v4, v3;
	_ =	sdelay $0x1  }
0x292: {  	v4 =	vadd.f32 v4, v9;
	_ =	sdelay $0x1  }
0x293: {  	[tilespmem:$0x1650] =	vst v4  }
0x294: {  	v4 =	vld [tilespmem:s17+$0x8E0];
	_ =	sdelay $0x1  }
0x295: {  	v10 =	vld [tilespmem:$0x1660];
	_ =	sdelay $0x2  }
0x296: {  	v4 =	vmul.f32 v4, v3;
	_ =	sdelay $0x1  }
0x297: {  	v4 =	vadd.f32 v4, v10;
	_ =	sdelay $0x1  }
0x298: {  	[tilespmem:$0x1660] =	vst v4  }
0x299: {  	v4 =	vld [tilespmem:s17+$0x8F0];
	_ =	sdelay $0x1  }
0x29a: {  	v11 =	vld [tilespmem:$0x1670];
	_ =	sdelay $0x2  }
0x29b: {  	v4 =	vmul.f32 v4, v3;
	_ =	sdelay $0x1  }
0x29c: {  	v4 =	vadd.f32 v4, v11;
	_ =	sdelay $0x1  }
0x29d: {  	[tilespmem:$0x1670] =	vst v4  }
0x29e: {  	v4 =	vld [tilespmem:s17+$0xC80];
	_ =	sdelay $0x1  }
0x29f: {  	v12 =	vld [tilespmem:$0x1A00];
	_ =	sdelay $0x2  }
0x2a0: {  	v4 =	vmul.f32 v4, v3;
	_ =	sdelay $0x1  }
0x2a1: {  	v4 =	vadd.f32 v4, v12;
	_ =	sdelay $0x1  }
0x2a2: {  	[tilespmem:$0x1A00] =	vst v4  }
0x2a3: {  	v4 =	vld [tilespmem:s17+$0xC90];
	_ =	sdelay $0x1  }
0x2a4: {  	v13 =	vld [tilespmem:$0x1A10];
	_ =	sdelay $0x2  }
0x2a5: {  	v4 =	vmul.f32 v4, v3;
	_ =	sdelay $0x1  }
0x2a6: {  	v4 =	vadd.f32 v4, v13;
	_ =	sdelay $0x1  }
0x2a7: {  	[tilespmem:$0x1A10] =	vst v4  }
0x2a8: {  	v4 =	vld [tilespmem:s17+$0xCA0];
	_ =	sdelay $0x1  }
0x2a9: {  	v14 =	vld [tilespmem:$0x1A20];
	_ =	sdelay $0x2  }
0x2aa: {  	v4 =	vmul.f32 v4, v3;
	_ =	sdelay $0x1  }
0x2ab: {  	v4 =	vadd.f32 v4, v14;
	_ =	sdelay $0x1  }
0x2ac: {  	[tilespmem:$0x1A20] =	vst v4  }
0x2ad: {  	v4 =	vld [tilespmem:s17+$0xCB0];
	_ =	sdelay $0x1  }
0x2ae: {  	v15 =	vld [tilespmem:$0x1A30];
	_ =	sdelay $0x2  }
0x2af: {  	v4 =	vmul.f32 v4, v3;
	_ =	sdelay $0x1  }
0x2b0: {  	v4 =	vadd.f32 v4, v15;
	_ =	sdelay $0x1  }
0x2b1: {  	[tilespmem:$0x1A30] =	vst v4  }
0x2b2: {  	v4 =	vld [tilespmem:s17+$0xCC0];
	_ =	sdelay $0x1  }
0x2b3: {  	v16 =	vld [tilespmem:$0x1A40];
	_ =	sdelay $0x2  }
0x2b4: {  	v4 =	vmul.f32 v4, v3;
	_ =	sdelay $0x1  }
0x2b5: {  	v4 =	vadd.f32 v4, v16;
	_ =	sdelay $0x1  }
0x2b6: {  	[tilespmem:$0x1A40] =	vst v4  }
0x2b7: {  	v4 =	vld [tilespmem:s17+$0xCD0];
	_ =	sdelay $0x1  }
0x2b8: {  	v17 =	vld [tilespmem:$0x1A50];
	_ =	sdelay $0x2  }
0x2b9: {  	v4 =	vmul.f32 v4, v3;
	_ =	sdelay $0x1  }
0x2ba: {  	v4 =	vadd.f32 v4, v17;
	_ =	sdelay $0x1  }
0x2bb: {  	[tilespmem:$0x1A50] =	vst v4  }
0x2bc: {  	v4 =	vld [tilespmem:s17+$0xCE0];
	_ =	sdelay $0x1  }
0x2bd: {  	v18 =	vld [tilespmem:$0x1A60];
	_ =	sdelay $0x2  }
0x2be: {  	v4 =	vmul.f32 v4, v3;
	_ =	sdelay $0x1  }
0x2bf: {  	v4 =	vadd.f32 v4, v18;
	_ =	sdelay $0x1  }
0x2c0: {  	[tilespmem:$0x1A60] =	vst v4  }
0x2c1: {  	v4 =	vld [tilespmem:s17+$0xCF0];
	_ =	sdelay $0x1  }
0x2c2: {  	v19 =	vld [tilespmem:$0x1A70];
	_ =	sdelay $0x2  }
0x2c3: {  	v3 =	vmul.f32 v4, v3;
	_ =	sdelay $0x1  }
0x2c4: {  	v3 =	vadd.f32 v3, v19;
	_ =	sdelay $0x1  }
0x2c5: {  	[tilespmem:$0x1A70] =	vst v3  }
0x2c6: {  	v3 =	vld [tilespmem:s17+$0xC0]  }
0x2c7: {  	v20 =	vld [tilespmem:s17+$0x480];
	_ =	sdelay $0x1  }
0x2c8: {  	v21 =	vld [tilespmem:$0x1280];
	_ =	sdelay $0x2  }
0x2c9: {  	v4 =	vmul.f32 v20, v3;
	_ =	sdelay $0x1  }
0x2ca: {  	v4 =	vadd.f32 v4, v21;
	_ =	sdelay $0x1  }
0x2cb: {  	[tilespmem:$0x1280] =	vst v4  }
0x2cc: {  	v4 =	vld [tilespmem:s17+$0x490];
	_ =	sdelay $0x1  }
0x2cd: {  	v22 =	vld [tilespmem:$0x1290];
	_ =	sdelay $0x2  }
0x2ce: {  	v4 =	vmul.f32 v4, v3;
	_ =	sdelay $0x1  }
0x2cf: {  	v4 =	vadd.f32 v4, v22;
	_ =	sdelay $0x1  }
0x2d0: {  	[tilespmem:$0x1290] =	vst v4  }
0x2d1: {  	v4 =	vld [tilespmem:s17+$0x4A0];
	_ =	sdelay $0x1  }
0x2d2: {  	v23 =	vld [tilespmem:$0x12A0];
	_ =	sdelay $0x2  }
0x2d3: {  	v4 =	vmul.f32 v4, v3;
	_ =	sdelay $0x1  }
0x2d4: {  	v4 =	vadd.f32 v4, v23;
	_ =	sdelay $0x1  }
0x2d5: {  	[tilespmem:$0x12A0] =	vst v4  }
0x2d6: {  	v4 =	vld [tilespmem:s17+$0x4B0];
	_ =	sdelay $0x1  }
0x2d7: {  	v24 =	vld [tilespmem:$0x12B0];
	_ =	sdelay $0x2  }
0x2d8: {  	v4 =	vmul.f32 v4, v3;
	_ =	sdelay $0x1  }
0x2d9: {  	v4 =	vadd.f32 v4, v24;
	_ =	sdelay $0x1  }
0x2da: {  	[tilespmem:$0x12B0] =	vst v4  }
0x2db: {  	v4 =	vld [tilespmem:s17+$0x4C0];
	_ =	sdelay $0x1  }
0x2dc: {  	v25 =	vld [tilespmem:$0x12C0];
	_ =	sdelay $0x2  }
0x2dd: {  	v4 =	vmul.f32 v4, v3;
	_ =	sdelay $0x1  }
0x2de: {  	v4 =	vadd.f32 v4, v25;
	_ =	sdelay $0x1  }
0x2df: {  	[tilespmem:$0x12C0] =	vst v4  }
0x2e0: {  	v4 =	vld [tilespmem:s17+$0x4D0];
	_ =	sdelay $0x1  }
0x2e1: {  	v26 =	vld [tilespmem:$0x12D0];
	_ =	sdelay $0x2  }
0x2e2: {  	v4 =	vmul.f32 v4, v3;
	_ =	sdelay $0x1  }
0x2e3: {  	v4 =	vadd.f32 v4, v26;
	_ =	sdelay $0x1  }
0x2e4: {  	[tilespmem:$0x12D0] =	vst v4  }
0x2e5: {  	v4 =	vld [tilespmem:s17+$0x4E0];
	_ =	sdelay $0x1  }
0x2e6: {  	v27 =	vld [tilespmem:$0x12E0];
	_ =	sdelay $0x2  }
0x2e7: {  	v4 =	vmul.f32 v4, v3;
	_ =	sdelay $0x1  }
0x2e8: {  	v4 =	vadd.f32 v4, v27;
	_ =	sdelay $0x1  }
0x2e9: {  	[tilespmem:$0x12E0] =	vst v4  }
0x2ea: {  	v4 =	vld [tilespmem:s17+$0x4F0];
	_ =	sdelay $0x1  }
0x2eb: {  	v28 =	vld [tilespmem:$0x12F0];
	_ =	sdelay $0x2  }
0x2ec: {  	v4 =	vmul.f32 v4, v3;
	_ =	sdelay $0x1  }
0x2ed: {  	v4 =	vadd.f32 v4, v28;
	_ =	sdelay $0x1  }
0x2ee: {  	[tilespmem:$0x12F0] =	vst v4  }
0x2ef: {  	v4 =	vld [tilespmem:s17+$0x880];
	_ =	sdelay $0x1  }
0x2f0: {  	v29 =	vld [tilespmem:$0x1680];
	_ =	sdelay $0x2  }
0x2f1: {  	v4 =	vmul.f32 v4, v3;
	_ =	sdelay $0x1  }
0x2f2: {  	v4 =	vadd.f32 v4, v29;
	_ =	sdelay $0x1  }
0x2f3: {  	[tilespmem:$0x1680] =	vst v4  }
0x2f4: {  	v4 =	vld [tilespmem:s17+$0x890];
	_ =	sdelay $0x1  }
0x2f5: {  	v30 =	vld [tilespmem:$0x1690];
	_ =	sdelay $0x2  }
0x2f6: {  	v4 =	vmul.f32 v4, v3;
	_ =	sdelay $0x1  }
0x2f7: {  	v4 =	vadd.f32 v4, v30;
	_ =	sdelay $0x1  }
0x2f8: {  	[tilespmem:$0x1690] =	vst v4  }
0x2f9: {  	v4 =	vld [tilespmem:s17+$0x8A0];
	_ =	sdelay $0x1  }
0x2fa: {  	v31 =	vld [tilespmem:$0x16A0];
	_ =	sdelay $0x2  }
0x2fb: {  	v4 =	vmul.f32 v4, v3;
	_ =	sdelay $0x1  }
0x2fc: {  	v4 =	vadd.f32 v4, v31;
	_ =	sdelay $0x1  }
0x2fd: {  	[tilespmem:$0x16A0] =	vst v4  }
0x2fe: {  	v4 =	vld [tilespmem:s17+$0x8B0];
	_ =	sdelay $0x1  }
0x2ff: {  	v32 =	vld [tilespmem:$0x16B0];
	_ =	sdelay $0x2  }
0x300: {  	v4 =	vmul.f32 v4, v3;
	_ =	sdelay $0x1  }
0x301: {  	v4 =	vadd.f32 v4, v32;
	_ =	sdelay $0x1  }
0x302: {  	[tilespmem:$0x16B0] =	vst v4  }
0x303: {  	v4 =	vld [tilespmem:s17+$0x8C0];
	_ =	sdelay $0x1  }
0x304: {  	v33 =	vld [tilespmem:$0x16C0];
	_ =	sdelay $0x2  }
0x305: {  	v4 =	vmul.f32 v4, v3;
	_ =	sdelay $0x1  }
0x306: {  	v4 =	vadd.f32 v4, v33;
	_ =	sdelay $0x1  }
0x307: {  	[tilespmem:$0x16C0] =	vst v4  }
0x308: {  	v4 =	vld [tilespmem:s17+$0x8D0];
	_ =	sdelay $0x1  }
0x309: {  	v34 =	vld [tilespmem:$0x16D0];
	_ =	sdelay $0x2  }
0x30a: {  	v4 =	vmul.f32 v4, v3;
	_ =	sdelay $0x1  }
0x30b: {  	v4 =	vadd.f32 v4, v34;
	_ =	sdelay $0x1  }
0x30c: {  	[tilespmem:$0x16D0] =	vst v4  }
0x30d: {  	v4 =	vld [tilespmem:s17+$0x8E0];
	_ =	sdelay $0x1  }
0x30e: {  	v35 =	vld [tilespmem:$0x16E0];
	_ =	sdelay $0x2  }
0x30f: {  	v4 =	vmul.f32 v4, v3;
	_ =	sdelay $0x1  }
0x310: {  	v4 =	vadd.f32 v4, v35;
	_ =	sdelay $0x1  }
0x311: {  	[tilespmem:$0x16E0] =	vst v4  }
0x312: {  	v4 =	vld [tilespmem:s17+$0x8F0];
	_ =	sdelay $0x1  }
0x313: {  	v36 =	vld [tilespmem:$0x16F0];
	_ =	sdelay $0x2  }
0x314: {  	v4 =	vmul.f32 v4, v3;
	_ =	sdelay $0x1  }
0x315: {  	v4 =	vadd.f32 v4, v36;
	_ =	sdelay $0x1  }
0x316: {  	[tilespmem:$0x16F0] =	vst v4  }
0x317: {  	v4 =	vld [tilespmem:s17+$0xC80];
	_ =	sdelay $0x1  }
0x318: {  	v37 =	vld [tilespmem:$0x1A80];
	_ =	sdelay $0x2  }
0x319: {  	v4 =	vmul.f32 v4, v3;
	_ =	sdelay $0x1  }
0x31a: {  	v4 =	vadd.f32 v4, v37;
	_ =	sdelay $0x1  }
0x31b: {  	[tilespmem:$0x1A80] =	vst v4  }
0x31c: {  	v4 =	vld [tilespmem:s17+$0xC90];
	_ =	sdelay $0x1  }
0x31d: {  	v38 =	vld [tilespmem:$0x1A90];
	_ =	sdelay $0x2  }
0x31e: {  	v4 =	vmul.f32 v4, v3;
	_ =	sdelay $0x1  }
0x31f: {  	v4 =	vadd.f32 v4, v38;
	_ =	sdelay $0x1  }
0x320: {  	[tilespmem:$0x1A90] =	vst v4  }
0x321: {  	v4 =	vld [tilespmem:s17+$0xCA0];
	_ =	sdelay $0x1  }
0x322: {  	v39 =	vld [tilespmem:$0x1AA0];
	_ =	sdelay $0x2  }
0x323: {  	v4 =	vmul.f32 v4, v3;
	_ =	sdelay $0x1  }
0x324: {  	v4 =	vadd.f32 v4, v39;
	_ =	sdelay $0x1  }
0x325: {  	[tilespmem:$0x1AA0] =	vst v4  }
0x326: {  	v4 =	vld [tilespmem:s17+$0xCB0];
	_ =	sdelay $0x1  }
0x327: {  	v40 =	vld [tilespmem:$0x1AB0];
	_ =	sdelay $0x2  }
0x328: {  	v4 =	vmul.f32 v4, v3;
	_ =	sdelay $0x1  }
0x329: {  	v4 =	vadd.f32 v4, v40;
	_ =	sdelay $0x1  }
0x32a: {  	[tilespmem:$0x1AB0] =	vst v4  }
0x32b: {  	v4 =	vld [tilespmem:s17+$0xCC0];
	_ =	sdelay $0x1  }
0x32c: {  	v41 =	vld [tilespmem:$0x1AC0];
	_ =	sdelay $0x2  }
0x32d: {  	v4 =	vmul.f32 v4, v3;
	_ =	sdelay $0x1  }
0x32e: {  	v4 =	vadd.f32 v4, v41;
	_ =	sdelay $0x1  }
0x32f: {  	[tilespmem:$0x1AC0] =	vst v4  }
0x330: {  	v4 =	vld [tilespmem:s17+$0xCD0];
	_ =	sdelay $0x1  }
0x331: {  	v42 =	vld [tilespmem:$0x1AD0];
	_ =	sdelay $0x2  }
0x332: {  	v4 =	vmul.f32 v4, v3;
	_ =	sdelay $0x1  }
0x333: {  	v4 =	vadd.f32 v4, v42;
	_ =	sdelay $0x1  }
0x334: {  	[tilespmem:$0x1AD0] =	vst v4  }
0x335: {  	v4 =	vld [tilespmem:s17+$0xCE0];
	_ =	sdelay $0x1  }
0x336: {  	v43 =	vld [tilespmem:$0x1AE0];
	_ =	sdelay $0x2  }
0x337: {  	v4 =	vmul.f32 v4, v3;
	_ =	sdelay $0x1  }
0x338: {  	v4 =	vadd.f32 v4, v43;
	_ =	sdelay $0x1  }
0x339: {  	[tilespmem:$0x1AE0] =	vst v4  }
0x33a: {  	v4 =	vld [tilespmem:s17+$0xCF0];
	_ =	sdelay $0x1  }
0x33b: {  	v44 =	vld [tilespmem:$0x1AF0];
	_ =	sdelay $0x2  }
0x33c: {  	v3 =	vmul.f32 v4, v3;
	_ =	sdelay $0x1  }
0x33d: {  	v3 =	vadd.f32 v3, v44;
	_ =	sdelay $0x1  }
0x33e: {  	[tilespmem:$0x1AF0] =	vst v3  }
0x33f: {  	v3 =	vld [tilespmem:s17+$0xD0]  }
0x340: {  	v45 =	vld [tilespmem:s17+$0x480];
	_ =	sdelay $0x1  }
0x341: {  	v46 =	vld [tilespmem:$0x1300];
	_ =	sdelay $0x2  }
0x342: {  	v4 =	vmul.f32 v45, v3;
	_ =	sdelay $0x1  }
0x343: {  	v4 =	vadd.f32 v4, v46;
	_ =	sdelay $0x1  }
0x344: {  	[tilespmem:$0x1300] =	vst v4  }
0x345: {  	v4 =	vld [tilespmem:s17+$0x490];
	_ =	sdelay $0x1  }
0x346: {  	v47 =	vld [tilespmem:$0x1310];
	_ =	sdelay $0x2  }
0x347: {  	v4 =	vmul.f32 v4, v3;
	_ =	sdelay $0x1  }
0x348: {  	v4 =	vadd.f32 v4, v47;
	_ =	sdelay $0x1  }
0x349: {  	[tilespmem:$0x1310] =	vst v4  }
0x34a: {  	v4 =	vld [tilespmem:s17+$0x4A0];
	_ =	sdelay $0x1  }
0x34b: {  	v48 =	vld [tilespmem:$0x1320];
	_ =	sdelay $0x2  }
0x34c: {  	v4 =	vmul.f32 v4, v3;
	_ =	sdelay $0x1  }
0x34d: {  	v4 =	vadd.f32 v4, v48;
	_ =	sdelay $0x1  }
0x34e: {  	[tilespmem:$0x1320] =	vst v4  }
0x34f: {  	v4 =	vld [tilespmem:s17+$0x4B0];
	_ =	sdelay $0x1  }
0x350: {  	v49 =	vld [tilespmem:$0x1330];
	_ =	sdelay $0x2  }
0x351: {  	v4 =	vmul.f32 v4, v3;
	_ =	sdelay $0x1  }
0x352: {  	v4 =	vadd.f32 v4, v49;
	_ =	sdelay $0x1  }
0x353: {  	[tilespmem:$0x1330] =	vst v4  }
0x354: {  	v4 =	vld [tilespmem:s17+$0x4C0];
	_ =	sdelay $0x1  }
0x355: {  	v50 =	vld [tilespmem:$0x1340];
	_ =	sdelay $0x2  }
0x356: {  	v4 =	vmul.f32 v4, v3;
	_ =	sdelay $0x1  }
0x357: {  	v4 =	vadd.f32 v4, v50;
	_ =	sdelay $0x1  }
0x358: {  	[tilespmem:$0x1340] =	vst v4  }
0x359: {  	v4 =	vld [tilespmem:s17+$0x4D0];
	_ =	sdelay $0x1  }
0x35a: {  	v51 =	vld [tilespmem:$0x1350];
	_ =	sdelay $0x2  }
0x35b: {  	v4 =	vmul.f32 v4, v3;
	_ =	sdelay $0x1  }
0x35c: {  	v4 =	vadd.f32 v4, v51;
	_ =	sdelay $0x1  }
0x35d: {  	[tilespmem:$0x1350] =	vst v4  }
0x35e: {  	v4 =	vld [tilespmem:s17+$0x4E0];
	_ =	sdelay $0x1  }
0x35f: {  	v52 =	vld [tilespmem:$0x1360];
	_ =	sdelay $0x2  }
0x360: {  	v4 =	vmul.f32 v4, v3;
	_ =	sdelay $0x1  }
0x361: {  	v4 =	vadd.f32 v4, v52;
	_ =	sdelay $0x1  }
0x362: {  	[tilespmem:$0x1360] =	vst v4  }
0x363: {  	v4 =	vld [tilespmem:s17+$0x4F0];
	_ =	sdelay $0x1  }
0x364: {  	v53 =	vld [tilespmem:$0x1370];
	_ =	sdelay $0x2  }
0x365: {  	v4 =	vmul.f32 v4, v3;
	_ =	sdelay $0x1  }
0x366: {  	v4 =	vadd.f32 v4, v53;
	_ =	sdelay $0x1  }
0x367: {  	[tilespmem:$0x1370] =	vst v4  }
0x368: {  	v4 =	vld [tilespmem:s17+$0x880];
	_ =	sdelay $0x1  }
0x369: {  	v54 =	vld [tilespmem:$0x1700];
	_ =	sdelay $0x2  }
0x36a: {  	v4 =	vmul.f32 v4, v3;
	_ =	sdelay $0x1  }
0x36b: {  	v4 =	vadd.f32 v4, v54;
	_ =	sdelay $0x1  }
0x36c: {  	[tilespmem:$0x1700] =	vst v4  }
0x36d: {  	v4 =	vld [tilespmem:s17+$0x890];
	_ =	sdelay $0x1  }
0x36e: {  	v55 =	vld [tilespmem:$0x1710];
	_ =	sdelay $0x2  }
0x36f: {  	v4 =	vmul.f32 v4, v3;
	_ =	sdelay $0x1  }
0x370: {  	v4 =	vadd.f32 v4, v55;
	_ =	sdelay $0x1  }
0x371: {  	[tilespmem:$0x1710] =	vst v4  }
0x372: {  	v4 =	vld [tilespmem:s17+$0x8A0];
	_ =	sdelay $0x1  }
0x373: {  	v56 =	vld [tilespmem:$0x1720];
	_ =	sdelay $0x2  }
0x374: {  	v4 =	vmul.f32 v4, v3;
	_ =	sdelay $0x1  }
0x375: {  	v4 =	vadd.f32 v4, v56;
	_ =	sdelay $0x1  }
0x376: {  	[tilespmem:$0x1720] =	vst v4  }
0x377: {  	v4 =	vld [tilespmem:s17+$0x8B0];
	_ =	sdelay $0x1  }
0x378: {  	v57 =	vld [tilespmem:$0x1730];
	_ =	sdelay $0x2  }
0x379: {  	v4 =	vmul.f32 v4, v3;
	_ =	sdelay $0x1  }
0x37a: {  	v4 =	vadd.f32 v4, v57;
	_ =	sdelay $0x1  }
0x37b: {  	[tilespmem:$0x1730] =	vst v4  }
0x37c: {  	v4 =	vld [tilespmem:s17+$0x8C0];
	_ =	sdelay $0x1  }
0x37d: {  	v58 =	vld [tilespmem:$0x1740];
	_ =	sdelay $0x2  }
0x37e: {  	v4 =	vmul.f32 v4, v3;
	_ =	sdelay $0x1  }
0x37f: {  	v4 =	vadd.f32 v4, v58;
	_ =	sdelay $0x1  }
0x380: {  	[tilespmem:$0x1740] =	vst v4  }
0x381: {  	v4 =	vld [tilespmem:s17+$0x8D0];
	_ =	sdelay $0x1  }
0x382: {  	v59 =	vld [tilespmem:$0x1750];
	_ =	sdelay $0x2  }
0x383: {  	v4 =	vmul.f32 v4, v3;
	_ =	sdelay $0x1  }
0x384: {  	v4 =	vadd.f32 v4, v59;
	_ =	sdelay $0x1  }
0x385: {  	[tilespmem:$0x1750] =	vst v4  }
0x386: {  	v4 =	vld [tilespmem:s17+$0x8E0];
	_ =	sdelay $0x1  }
0x387: {  	v60 =	vld [tilespmem:$0x1760];
	_ =	sdelay $0x2  }
0x388: {  	v4 =	vmul.f32 v4, v3;
	_ =	sdelay $0x1  }
0x389: {  	v4 =	vadd.f32 v4, v60;
	_ =	sdelay $0x1  }
0x38a: {  	[tilespmem:$0x1760] =	vst v4  }
0x38b: {  	v4 =	vld [tilespmem:s17+$0x8F0];
	_ =	sdelay $0x1  }
0x38c: {  	v61 =	vld [tilespmem:$0x1770];
	_ =	sdelay $0x2  }
0x38d: {  	v4 =	vmul.f32 v4, v3;
	_ =	sdelay $0x1  }
0x38e: {  	v4 =	vadd.f32 v4, v61;
	_ =	sdelay $0x1  }
0x38f: {  	[tilespmem:$0x1770] =	vst v4  }
0x390: {  	v4 =	vld [tilespmem:s17+$0xC80];
	_ =	sdelay $0x1  }
0x391: {  	v62 =	vld [tilespmem:$0x1B00];
	_ =	sdelay $0x2  }
0x392: {  	v4 =	vmul.f32 v4, v3;
	_ =	sdelay $0x1  }
0x393: {  	v4 =	vadd.f32 v4, v62;
	_ =	sdelay $0x1  }
0x394: {  	[tilespmem:$0x1B00] =	vst v4  }
0x395: {  	v4 =	vld [tilespmem:s17+$0xC90];
	_ =	sdelay $0x1  }
0x396: {  	v63 =	vld [tilespmem:$0x1B10];
	_ =	sdelay $0x2  }
0x397: {  	v4 =	vmul.f32 v4, v3;
	_ =	sdelay $0x1  }
0x398: {  	v4 =	vadd.f32 v4, v63;
	_ =	sdelay $0x1  }
0x399: {  	[tilespmem:$0x1B10] =	vst v4  }
0x39a: {  	v4 =	vld [tilespmem:s17+$0xCA0];
	_ =	sdelay $0x1  }
0x39b: {  	v8 =	vld [tilespmem:$0x1B20];
	_ =	sdelay $0x2  }
0x39c: {  	v4 =	vmul.f32 v4, v3;
	_ =	sdelay $0x1  }
0x39d: {  	v4 =	vadd.f32 v4, v8;
	_ =	sdelay $0x1  }
0x39e: {  	[tilespmem:$0x1B20] =	vst v4  }
0x39f: {  	v4 =	vld [tilespmem:s17+$0xCB0];
	_ =	sdelay $0x1  }
0x3a0: {  	v9 =	vld [tilespmem:$0x1B30];
	_ =	sdelay $0x2  }
0x3a1: {  	v4 =	vmul.f32 v4, v3;
	_ =	sdelay $0x1  }
0x3a2: {  	v4 =	vadd.f32 v4, v9;
	_ =	sdelay $0x1  }
0x3a3: {  	[tilespmem:$0x1B30] =	vst v4  }
0x3a4: {  	v4 =	vld [tilespmem:s17+$0xCC0];
	_ =	sdelay $0x1  }
0x3a5: {  	v10 =	vld [tilespmem:$0x1B40];
	_ =	sdelay $0x2  }
0x3a6: {  	v4 =	vmul.f32 v4, v3;
	_ =	sdelay $0x1  }
0x3a7: {  	v4 =	vadd.f32 v4, v10;
	_ =	sdelay $0x1  }
0x3a8: {  	[tilespmem:$0x1B40] =	vst v4  }
0x3a9: {  	v4 =	vld [tilespmem:s17+$0xCD0];
	_ =	sdelay $0x1  }
0x3aa: {  	v11 =	vld [tilespmem:$0x1B50];
	_ =	sdelay $0x2  }
0x3ab: {  	v4 =	vmul.f32 v4, v3;
	_ =	sdelay $0x1  }
0x3ac: {  	v4 =	vadd.f32 v4, v11;
	_ =	sdelay $0x1  }
0x3ad: {  	[tilespmem:$0x1B50] =	vst v4  }
0x3ae: {  	v4 =	vld [tilespmem:s17+$0xCE0];
	_ =	sdelay $0x1  }
0x3af: {  	v12 =	vld [tilespmem:$0x1B60];
	_ =	sdelay $0x2  }
0x3b0: {  	v4 =	vmul.f32 v4, v3;
	_ =	sdelay $0x1  }
0x3b1: {  	v4 =	vadd.f32 v4, v12;
	_ =	sdelay $0x1  }
0x3b2: {  	[tilespmem:$0x1B60] =	vst v4  }
0x3b3: {  	v4 =	vld [tilespmem:s17+$0xCF0];
	_ =	sdelay $0x1  }
0x3b4: {  	v13 =	vld [tilespmem:$0x1B70];
	_ =	sdelay $0x2  }
0x3b5: {  	v3 =	vmul.f32 v4, v3;
	_ =	sdelay $0x1  }
0x3b6: {  	v3 =	vadd.f32 v3, v13;
	_ =	sdelay $0x1  }
0x3b7: {  	[tilespmem:$0x1B70] =	vst v3  }
0x3b8: {  	v3 =	vld [tilespmem:s17+$0xE0]  }
0x3b9: {  	v14 =	vld [tilespmem:s17+$0x480];
	_ =	sdelay $0x1  }
0x3ba: {  	v15 =	vld [tilespmem:$0x1380];
	_ =	sdelay $0x2  }
0x3bb: {  	v4 =	vmul.f32 v14, v3;
	_ =	sdelay $0x1  }
0x3bc: {  	v4 =	vadd.f32 v4, v15;
	_ =	sdelay $0x1  }
0x3bd: {  	[tilespmem:$0x1380] =	vst v4  }
0x3be: {  	v4 =	vld [tilespmem:s17+$0x490];
	_ =	sdelay $0x1  }
0x3bf: {  	v16 =	vld [tilespmem:$0x1390];
	_ =	sdelay $0x2  }
0x3c0: {  	v4 =	vmul.f32 v4, v3;
	_ =	sdelay $0x1  }
0x3c1: {  	v4 =	vadd.f32 v4, v16;
	_ =	sdelay $0x1  }
0x3c2: {  	[tilespmem:$0x1390] =	vst v4  }
0x3c3: {  	v4 =	vld [tilespmem:s17+$0x4A0];
	_ =	sdelay $0x1  }
0x3c4: {  	v17 =	vld [tilespmem:$0x13A0];
	_ =	sdelay $0x2  }
0x3c5: {  	v4 =	vmul.f32 v4, v3;
	_ =	sdelay $0x1  }
0x3c6: {  	v4 =	vadd.f32 v4, v17;
	_ =	sdelay $0x1  }
0x3c7: {  	[tilespmem:$0x13A0] =	vst v4  }
0x3c8: {  	v4 =	vld [tilespmem:s17+$0x4B0];
	_ =	sdelay $0x1  }
0x3c9: {  	v18 =	vld [tilespmem:$0x13B0];
	_ =	sdelay $0x2  }
0x3ca: {  	v4 =	vmul.f32 v4, v3;
	_ =	sdelay $0x1  }
0x3cb: {  	v4 =	vadd.f32 v4, v18;
	_ =	sdelay $0x1  }
0x3cc: {  	[tilespmem:$0x13B0] =	vst v4  }
0x3cd: {  	v4 =	vld [tilespmem:s17+$0x4C0];
	_ =	sdelay $0x1  }
0x3ce: {  	v19 =	vld [tilespmem:$0x13C0];
	_ =	sdelay $0x2  }
0x3cf: {  	v4 =	vmul.f32 v4, v3;
	_ =	sdelay $0x1  }
0x3d0: {  	v4 =	vadd.f32 v4, v19;
	_ =	sdelay $0x1  }
0x3d1: {  	[tilespmem:$0x13C0] =	vst v4  }
0x3d2: {  	v4 =	vld [tilespmem:s17+$0x4D0];
	_ =	sdelay $0x1  }
0x3d3: {  	v20 =	vld [tilespmem:$0x13D0];
	_ =	sdelay $0x2  }
0x3d4: {  	v4 =	vmul.f32 v4, v3;
	_ =	sdelay $0x1  }
0x3d5: {  	v4 =	vadd.f32 v4, v20;
	_ =	sdelay $0x1  }
0x3d6: {  	[tilespmem:$0x13D0] =	vst v4  }
0x3d7: {  	v4 =	vld [tilespmem:s17+$0x4E0];
	_ =	sdelay $0x1  }
0x3d8: {  	v21 =	vld [tilespmem:$0x13E0];
	_ =	sdelay $0x2  }
0x3d9: {  	v4 =	vmul.f32 v4, v3;
	_ =	sdelay $0x1  }
0x3da: {  	v4 =	vadd.f32 v4, v21;
	_ =	sdelay $0x1  }
0x3db: {  	[tilespmem:$0x13E0] =	vst v4  }
0x3dc: {  	v4 =	vld [tilespmem:s17+$0x4F0];
	_ =	sdelay $0x1  }
0x3dd: {  	v22 =	vld [tilespmem:$0x13F0];
	_ =	sdelay $0x2  }
0x3de: {  	v4 =	vmul.f32 v4, v3;
	_ =	sdelay $0x1  }
0x3df: {  	v4 =	vadd.f32 v4, v22;
	_ =	sdelay $0x1  }
0x3e0: {  	[tilespmem:$0x13F0] =	vst v4  }
0x3e1: {  	v4 =	vld [tilespmem:s17+$0x880];
	_ =	sdelay $0x1  }
0x3e2: {  	v23 =	vld [tilespmem:$0x1780];
	_ =	sdelay $0x2  }
0x3e3: {  	v4 =	vmul.f32 v4, v3;
	_ =	sdelay $0x1  }
0x3e4: {  	v4 =	vadd.f32 v4, v23;
	_ =	sdelay $0x1  }
0x3e5: {  	[tilespmem:$0x1780] =	vst v4  }
0x3e6: {  	v4 =	vld [tilespmem:s17+$0x890];
	_ =	sdelay $0x1  }
0x3e7: {  	v24 =	vld [tilespmem:$0x1790];
	_ =	sdelay $0x2  }
0x3e8: {  	v4 =	vmul.f32 v4, v3;
	_ =	sdelay $0x1  }
0x3e9: {  	v4 =	vadd.f32 v4, v24;
	_ =	sdelay $0x1  }
0x3ea: {  	[tilespmem:$0x1790] =	vst v4  }
0x3eb: {  	v4 =	vld [tilespmem:s17+$0x8A0];
	_ =	sdelay $0x1  }
0x3ec: {  	v25 =	vld [tilespmem:$0x17A0];
	_ =	sdelay $0x2  }
0x3ed: {  	v4 =	vmul.f32 v4, v3;
	_ =	sdelay $0x1  }
0x3ee: {  	v4 =	vadd.f32 v4, v25;
	_ =	sdelay $0x1  }
0x3ef: {  	[tilespmem:$0x17A0] =	vst v4  }
0x3f0: {  	v4 =	vld [tilespmem:s17+$0x8B0];
	_ =	sdelay $0x1  }
0x3f1: {  	v26 =	vld [tilespmem:$0x17B0];
	_ =	sdelay $0x2  }
0x3f2: {  	v4 =	vmul.f32 v4, v3;
	_ =	sdelay $0x1  }
0x3f3: {  	v4 =	vadd.f32 v4, v26;
	_ =	sdelay $0x1  }
0x3f4: {  	[tilespmem:$0x17B0] =	vst v4  }
0x3f5: {  	v4 =	vld [tilespmem:s17+$0x8C0];
	_ =	sdelay $0x1  }
0x3f6: {  	v27 =	vld [tilespmem:$0x17C0];
	_ =	sdelay $0x2  }
0x3f7: {  	v4 =	vmul.f32 v4, v3;
	_ =	sdelay $0x1  }
0x3f8: {  	v4 =	vadd.f32 v4, v27;
	_ =	sdelay $0x1  }
0x3f9: {  	[tilespmem:$0x17C0] =	vst v4  }
0x3fa: {  	v4 =	vld [tilespmem:s17+$0x8D0];
	_ =	sdelay $0x1  }
0x3fb: {  	v28 =	vld [tilespmem:$0x17D0];
	_ =	sdelay $0x2  }
0x3fc: {  	v4 =	vmul.f32 v4, v3;
	_ =	sdelay $0x1  }
0x3fd: {  	v4 =	vadd.f32 v4, v28;
	_ =	sdelay $0x1  }
0x3fe: {  	[tilespmem:$0x17D0] =	vst v4  }
0x3ff: {  	v4 =	vld [tilespmem:s17+$0x8E0];
	_ =	sdelay $0x1  }
0x400: {  	v29 =	vld [tilespmem:$0x17E0];
	_ =	sdelay $0x2  }
0x401: {  	v4 =	vmul.f32 v4, v3;
	_ =	sdelay $0x1  }
0x402: {  	v4 =	vadd.f32 v4, v29;
	_ =	sdelay $0x1  }
0x403: {  	[tilespmem:$0x17E0] =	vst v4  }
0x404: {  	v4 =	vld [tilespmem:s17+$0x8F0];
	_ =	sdelay $0x1  }
0x405: {  	v30 =	vld [tilespmem:$0x17F0];
	_ =	sdelay $0x2  }
0x406: {  	v4 =	vmul.f32 v4, v3;
	_ =	sdelay $0x1  }
0x407: {  	v4 =	vadd.f32 v4, v30;
	_ =	sdelay $0x1  }
0x408: {  	[tilespmem:$0x17F0] =	vst v4  }
0x409: {  	v4 =	vld [tilespmem:s17+$0xC80];
	_ =	sdelay $0x1  }
0x40a: {  	v31 =	vld [tilespmem:$0x1B80];
	_ =	sdelay $0x2  }
0x40b: {  	v4 =	vmul.f32 v4, v3;
	_ =	sdelay $0x1  }
0x40c: {  	v4 =	vadd.f32 v4, v31;
	_ =	sdelay $0x1  }
0x40d: {  	[tilespmem:$0x1B80] =	vst v4  }
0x40e: {  	v4 =	vld [tilespmem:s17+$0xC90];
	_ =	sdelay $0x1  }
0x40f: {  	v32 =	vld [tilespmem:$0x1B90];
	_ =	sdelay $0x2  }
0x410: {  	v4 =	vmul.f32 v4, v3;
	_ =	sdelay $0x1  }
0x411: {  	v4 =	vadd.f32 v4, v32;
	_ =	sdelay $0x1  }
0x412: {  	[tilespmem:$0x1B90] =	vst v4  }
0x413: {  	v4 =	vld [tilespmem:s17+$0xCA0];
	_ =	sdelay $0x1  }
0x414: {  	v33 =	vld [tilespmem:$0x1BA0];
	_ =	sdelay $0x2  }
0x415: {  	v4 =	vmul.f32 v4, v3;
	_ =	sdelay $0x1  }
0x416: {  	v4 =	vadd.f32 v4, v33;
	_ =	sdelay $0x1  }
0x417: {  	[tilespmem:$0x1BA0] =	vst v4  }
0x418: {  	v4 =	vld [tilespmem:s17+$0xCB0];
	_ =	sdelay $0x1  }
0x419: {  	v34 =	vld [tilespmem:$0x1BB0];
	_ =	sdelay $0x2  }
0x41a: {  	v4 =	vmul.f32 v4, v3;
	_ =	sdelay $0x1  }
0x41b: {  	v4 =	vadd.f32 v4, v34;
	_ =	sdelay $0x1  }
0x41c: {  	[tilespmem:$0x1BB0] =	vst v4  }
0x41d: {  	v4 =	vld [tilespmem:s17+$0xCC0];
	_ =	sdelay $0x1  }
0x41e: {  	v35 =	vld [tilespmem:$0x1BC0];
	_ =	sdelay $0x2  }
0x41f: {  	v4 =	vmul.f32 v4, v3;
	_ =	sdelay $0x1  }
0x420: {  	v4 =	vadd.f32 v4, v35;
	_ =	sdelay $0x1  }
0x421: {  	[tilespmem:$0x1BC0] =	vst v4  }
0x422: {  	v4 =	vld [tilespmem:s17+$0xCD0];
	_ =	sdelay $0x1  }
0x423: {  	v36 =	vld [tilespmem:$0x1BD0];
	_ =	sdelay $0x2  }
0x424: {  	v4 =	vmul.f32 v4, v3;
	_ =	sdelay $0x1  }
0x425: {  	v4 =	vadd.f32 v4, v36;
	_ =	sdelay $0x1  }
0x426: {  	[tilespmem:$0x1BD0] =	vst v4  }
0x427: {  	v4 =	vld [tilespmem:s17+$0xCE0];
	_ =	sdelay $0x1  }
0x428: {  	v37 =	vld [tilespmem:$0x1BE0];
	_ =	sdelay $0x2  }
0x429: {  	v4 =	vmul.f32 v4, v3;
	_ =	sdelay $0x1  }
0x42a: {  	v4 =	vadd.f32 v4, v37;
	_ =	sdelay $0x1  }
0x42b: {  	[tilespmem:$0x1BE0] =	vst v4  }
0x42c: {  	v4 =	vld [tilespmem:s17+$0xCF0];
	_ =	sdelay $0x1  }
0x42d: {  	v38 =	vld [tilespmem:$0x1BF0];
	_ =	sdelay $0x2  }
0x42e: {  	v3 =	vmul.f32 v4, v3;
	_ =	sdelay $0x1  }
0x42f: {  	v3 =	vadd.f32 v3, v38;
	_ =	sdelay $0x1  }
0x430: {  	[tilespmem:$0x1BF0] =	vst v3  }
0x431: {  	v3 =	vld [tilespmem:s17+$0xF0]  }
0x432: {  	v39 =	vld [tilespmem:s17+$0x480];
	_ =	sdelay $0x1  }
0x433: {  	v40 =	vld [tilespmem:$0x1400];
	_ =	sdelay $0x2  }
0x434: {  	v4 =	vmul.f32 v39, v3;
	_ =	sdelay $0x1  }
0x435: {  	v4 =	vadd.f32 v4, v40;
	_ =	sdelay $0x1  }
0x436: {  	[tilespmem:$0x1400] =	vst v4  }
0x437: {  	v4 =	vld [tilespmem:s17+$0x490];
	_ =	sdelay $0x1  }
0x438: {  	v41 =	vld [tilespmem:$0x1410];
	_ =	sdelay $0x2  }
0x439: {  	v4 =	vmul.f32 v4, v3;
	_ =	sdelay $0x1  }
0x43a: {  	v4 =	vadd.f32 v4, v41;
	_ =	sdelay $0x1  }
0x43b: {  	[tilespmem:$0x1410] =	vst v4  }
0x43c: {  	v4 =	vld [tilespmem:s17+$0x4A0];
	_ =	sdelay $0x1  }
0x43d: {  	v42 =	vld [tilespmem:$0x1420];
	_ =	sdelay $0x2  }
0x43e: {  	v4 =	vmul.f32 v4, v3;
	_ =	sdelay $0x1  }
0x43f: {  	v4 =	vadd.f32 v4, v42;
	_ =	sdelay $0x1  }
0x440: {  	[tilespmem:$0x1420] =	vst v4  }
0x441: {  	v4 =	vld [tilespmem:s17+$0x4B0];
	_ =	sdelay $0x1  }
0x442: {  	v43 =	vld [tilespmem:$0x1430];
	_ =	sdelay $0x2  }
0x443: {  	v4 =	vmul.f32 v4, v3;
	_ =	sdelay $0x1  }
0x444: {  	v4 =	vadd.f32 v4, v43;
	_ =	sdelay $0x1  }
0x445: {  	[tilespmem:$0x1430] =	vst v4  }
0x446: {  	v4 =	vld [tilespmem:s17+$0x4C0];
	_ =	sdelay $0x1  }
0x447: {  	v44 =	vld [tilespmem:$0x1440];
	_ =	sdelay $0x2  }
0x448: {  	v4 =	vmul.f32 v4, v3;
	_ =	sdelay $0x1  }
0x449: {  	v4 =	vadd.f32 v4, v44;
	_ =	sdelay $0x1  }
0x44a: {  	[tilespmem:$0x1440] =	vst v4  }
0x44b: {  	v4 =	vld [tilespmem:s17+$0x4D0];
	_ =	sdelay $0x1  }
0x44c: {  	v45 =	vld [tilespmem:$0x1450];
	_ =	sdelay $0x2  }
0x44d: {  	v4 =	vmul.f32 v4, v3;
	_ =	sdelay $0x1  }
0x44e: {  	v4 =	vadd.f32 v4, v45;
	_ =	sdelay $0x1  }
0x44f: {  	[tilespmem:$0x1450] =	vst v4  }
0x450: {  	v4 =	vld [tilespmem:s17+$0x4E0];
	_ =	sdelay $0x1  }
0x451: {  	v46 =	vld [tilespmem:$0x1460];
	_ =	sdelay $0x2  }
0x452: {  	v4 =	vmul.f32 v4, v3;
	_ =	sdelay $0x1  }
0x453: {  	v4 =	vadd.f32 v4, v46;
	_ =	sdelay $0x1  }
0x454: {  	[tilespmem:$0x1460] =	vst v4  }
0x455: {  	v4 =	vld [tilespmem:s17+$0x4F0];
	_ =	sdelay $0x1  }
0x456: {  	v47 =	vld [tilespmem:$0x1470];
	_ =	sdelay $0x2  }
0x457: {  	v4 =	vmul.f32 v4, v3;
	_ =	sdelay $0x1  }
0x458: {  	v4 =	vadd.f32 v4, v47;
	_ =	sdelay $0x1  }
0x459: {  	[tilespmem:$0x1470] =	vst v4  }
0x45a: {  	v4 =	vld [tilespmem:s17+$0x880];
	_ =	sdelay $0x1  }
0x45b: {  	v48 =	vld [tilespmem:$0x1800];
	_ =	sdelay $0x2  }
0x45c: {  	v4 =	vmul.f32 v4, v3;
	_ =	sdelay $0x1  }
0x45d: {  	v4 =	vadd.f32 v4, v48;
	_ =	sdelay $0x1  }
0x45e: {  	[tilespmem:$0x1800] =	vst v4  }
0x45f: {  	v4 =	vld [tilespmem:s17+$0x890];
	_ =	sdelay $0x1  }
0x460: {  	v49 =	vld [tilespmem:$0x1810];
	_ =	sdelay $0x2  }
0x461: {  	v4 =	vmul.f32 v4, v3;
	_ =	sdelay $0x1  }
0x462: {  	v4 =	vadd.f32 v4, v49;
	_ =	sdelay $0x1  }
0x463: {  	[tilespmem:$0x1810] =	vst v4  }
0x464: {  	v4 =	vld [tilespmem:s17+$0x8A0];
	_ =	sdelay $0x1  }
0x465: {  	v50 =	vld [tilespmem:$0x1820];
	_ =	sdelay $0x2  }
0x466: {  	v4 =	vmul.f32 v4, v3;
	_ =	sdelay $0x1  }
0x467: {  	v4 =	vadd.f32 v4, v50;
	_ =	sdelay $0x1  }
0x468: {  	[tilespmem:$0x1820] =	vst v4  }
0x469: {  	v4 =	vld [tilespmem:s17+$0x8B0];
	_ =	sdelay $0x1  }
0x46a: {  	v51 =	vld [tilespmem:$0x1830];
	_ =	sdelay $0x2  }
0x46b: {  	v4 =	vmul.f32 v4, v3;
	_ =	sdelay $0x1  }
0x46c: {  	v4 =	vadd.f32 v4, v51;
	_ =	sdelay $0x1  }
0x46d: {  	[tilespmem:$0x1830] =	vst v4  }
0x46e: {  	v4 =	vld [tilespmem:s17+$0x8C0];
	_ =	sdelay $0x1  }
0x46f: {  	v52 =	vld [tilespmem:$0x1840];
	_ =	sdelay $0x2  }
0x470: {  	v4 =	vmul.f32 v4, v3;
	_ =	sdelay $0x1  }
0x471: {  	v4 =	vadd.f32 v4, v52;
	_ =	sdelay $0x1  }
0x472: {  	[tilespmem:$0x1840] =	vst v4  }
0x473: {  	v4 =	vld [tilespmem:s17+$0x8D0];
	_ =	sdelay $0x1  }
0x474: {  	v53 =	vld [tilespmem:$0x1850];
	_ =	sdelay $0x2  }
0x475: {  	v4 =	vmul.f32 v4, v3;
	_ =	sdelay $0x1  }
0x476: {  	v4 =	vadd.f32 v4, v53;
	_ =	sdelay $0x1  }
0x477: {  	[tilespmem:$0x1850] =	vst v4  }
0x478: {  	v4 =	vld [tilespmem:s17+$0x8E0];
	_ =	sdelay $0x1  }
0x479: {  	v54 =	vld [tilespmem:$0x1860];
	_ =	sdelay $0x2  }
0x47a: {  	v4 =	vmul.f32 v4, v3;
	_ =	sdelay $0x1  }
0x47b: {  	v4 =	vadd.f32 v4, v54;
	_ =	sdelay $0x1  }
0x47c: {  	[tilespmem:$0x1860] =	vst v4  }
0x47d: {  	v4 =	vld [tilespmem:s17+$0x8F0];
	_ =	sdelay $0x1  }
0x47e: {  	v55 =	vld [tilespmem:$0x1870];
	_ =	sdelay $0x2  }
0x47f: {  	v4 =	vmul.f32 v4, v3;
	_ =	sdelay $0x1  }
0x480: {  	v4 =	vadd.f32 v4, v55;
	_ =	sdelay $0x1  }
0x481: {  	[tilespmem:$0x1870] =	vst v4  }
0x482: {  	v4 =	vld [tilespmem:s17+$0xC80];
	_ =	sdelay $0x1  }
0x483: {  	v56 =	vld [tilespmem:$0x1C00];
	_ =	sdelay $0x2  }
0x484: {  	v4 =	vmul.f32 v4, v3;
	_ =	sdelay $0x1  }
0x485: {  	v4 =	vadd.f32 v4, v56;
	_ =	sdelay $0x1  }
0x486: {  	[tilespmem:$0x1C00] =	vst v4  }
0x487: {  	v4 =	vld [tilespmem:s17+$0xC90];
	_ =	sdelay $0x1  }
0x488: {  	v57 =	vld [tilespmem:$0x1C10];
	_ =	sdelay $0x2  }
0x489: {  	v4 =	vmul.f32 v4, v3;
	_ =	sdelay $0x1  }
0x48a: {  	v4 =	vadd.f32 v4, v57;
	_ =	sdelay $0x1  }
0x48b: {  	[tilespmem:$0x1C10] =	vst v4  }
0x48c: {  	v4 =	vld [tilespmem:s17+$0xCA0];
	_ =	sdelay $0x1  }
0x48d: {  	v58 =	vld [tilespmem:$0x1C20];
	_ =	sdelay $0x2  }
0x48e: {  	v4 =	vmul.f32 v4, v3;
	_ =	sdelay $0x1  }
0x48f: {  	v4 =	vadd.f32 v4, v58;
	_ =	sdelay $0x1  }
0x490: {  	[tilespmem:$0x1C20] =	vst v4  }
0x491: {  	v4 =	vld [tilespmem:s17+$0xCB0];
	_ =	sdelay $0x1  }
0x492: {  	v59 =	vld [tilespmem:$0x1C30];
	_ =	sdelay $0x2  }
0x493: {  	v4 =	vmul.f32 v4, v3;
	_ =	sdelay $0x1  }
0x494: {  	v4 =	vadd.f32 v4, v59;
	_ =	sdelay $0x1  }
0x495: {  	[tilespmem:$0x1C30] =	vst v4  }
0x496: {  	v4 =	vld [tilespmem:s17+$0xCC0];
	_ =	sdelay $0x1  }
0x497: {  	v60 =	vld [tilespmem:$0x1C40];
	_ =	sdelay $0x2  }
0x498: {  	v4 =	vmul.f32 v4, v3;
	_ =	sdelay $0x1  }
0x499: {  	v4 =	vadd.f32 v4, v60;
	_ =	sdelay $0x1  }
0x49a: {  	[tilespmem:$0x1C40] =	vst v4  }
0x49b: {  	v4 =	vld [tilespmem:s17+$0xCD0];
	_ =	sdelay $0x1  }
0x49c: {  	v61 =	vld [tilespmem:$0x1C50];
	_ =	sdelay $0x2  }
0x49d: {  	v4 =	vmul.f32 v4, v3;
	_ =	sdelay $0x1  }
0x49e: {  	v4 =	vadd.f32 v4, v61;
	_ =	sdelay $0x1  }
0x49f: {  	[tilespmem:$0x1C50] =	vst v4  }
0x4a0: {  	v4 =	vld [tilespmem:s17+$0xCE0];
	_ =	sdelay $0x1  }
0x4a1: {  	v62 =	vld [tilespmem:$0x1C60];
	_ =	sdelay $0x2  }
0x4a2: {  	v4 =	vmul.f32 v4, v3;
	_ =	sdelay $0x1  }
0x4a3: {  	v4 =	vadd.f32 v4, v62;
	_ =	sdelay $0x1  }
0x4a4: {  	[tilespmem:$0x1C60] =	vst v4  }
0x4a5: {  	v4 =	vld [tilespmem:s17+$0xCF0];
	_ =	sdelay $0x1  }
0x4a6: {  	v63 =	vld [tilespmem:$0x1C70];
	_ =	sdelay $0x1  }
0x4a7: {  	p0 =	sne.s32 s16, $0x7  }
.Ltmp0:
0x4a8: {  	v3 =	vmul.f32 v4, v3;
	(pc) =	sbr.rel @p0 .LBB2_2-.Ltmp0, $3  }
0x4a9: {  	_ = 	snop  }
0x4aa: {  	v3 =	vadd.f32 v3, v63;
	_ =	sdelay $0x1  }
0x4ab: {  	s16 =	sadd.s32 $0x1, s16;
	[tilespmem:$0x1C70] =	vst v3  }
0x4ac: {  	s15 =	sadd.s32 $0x1, s15  }
0x4ad: {  	p0 =	sne.s32 s15, s8  }
.Ltmp1:
0x4ae: {  	_ = 	snop;
	(pc) =	sbr.rel @p0 .LBB2_1-.Ltmp1, $4  }
0x4af: {  	[hbm4b:s7+s3] =	stream.linear.scatter [tilespmem:s14], [sflag:$0x2], $0xC00, $0x38;
	[tilespmem:$0x1C80] =	vst v63  }
0x4b0: {  	_ =	swait.ge [sflag:s9], $0xC00  }
0x4b1: {  	[sflag:s9] =	ssyncset.done $0x0  }
0x4b2: {  	[sflag:s9] =	ssyncadd.s32 $0xFFFFF400  }
0x4b3: {  	_ =	sfence.sel $0x180000  }
0x4b4: {  	[bflag:$0x0] =	sbarrier.arrive $0xFFFF  }
0x4b5: {  	p0 =	sne.s32 s0, $0x0;
	_ =	strace $0x90000047  }
0x4b6: {  	s0 =	sadd.s32 @!p0 $0x100000, s1;
	[bflag:$0x2] =	sbarrier.arrive $0xFFFF  }
0x4b7: {  	[sflag:s0] =	ssyncadd.tile.s32 @!p0 $0x1;
	_ =	shalt  }
.Lfunc_end2:
_tile_overlayer_lowered:
.L_overlay_start_2:
0x4b8: {  	(tag) =	ssettag $0x2  }
0x4b9: {  	s0 =	rddreg [dreg:$0x0];
	s2 =	stileid.u32  }
0x4ba: {  	s1 =	rddreg [dreg:$0x1];
	p0 =	sne.s32 s2, $0x0  }
0x4bb: {  	s3 =	rddreg [dreg:$0x2];
	[bflag:$0x3] =	sbarrier.arrive $0xFFFF;
	s2 =	simm.s32 @!p0 $0x1C02  }
0x4bc: {  	[timem:s3], [sflag:s2] =	dma.local @!p0 [hbm:s0], s1  }
0x4bd: {  	s0 =	simm.s32 @!p0 $0x2  }
0x4be: {  	_ =	swait.ge @!p0 [sflag:s0], s1  }
0x4bf: {  	s1 =	ssub.s32 @!p0 $0x0, s1;
	[sflag:s0] =	ssyncset.done @!p0 $0x0  }
0x4c0: {  	[sflag:s0] =	ssyncadd.s32 @!p0 s1  }
0x4c1: {  	[bflag:$0x3] =	sbarrier.arrive $0xFFFF  }
0x4c2: {  	_ =	shalt  }

</sc_bundles>
